<compile_context>
chip_gen: v7x
topology: tpu7x:2x2x1
jax: 0.10.2.dev20260603
libtpu: 0.0.44.dev20260713+nightly
codegen_flags: <defaults>
</compile_context>

<pallas_src>
import functools

import jax
import jax.numpy as jnp
from jax import lax
from jax.experimental import pallas as pl
from jax.experimental.pallas import tpu as pltpu
from jax.experimental.pallas import tpu_sc as plsc

N = 10000
NP = 10240
E = 160000
CHUNK = 128
TILES = 16
AGG_CH = 80
DEG_CH = 40
ROWS = TILES * AGG_CH
ECAP = ROWS * CHUNK
NB = 2

_f32 = jnp.float32
_SDS = jax.ShapeDtypeStruct


def _mesh():
    return plsc.VectorSubcoreMesh(core_axis_name="c", subcore_axis_name="s")


def _deg_call(dst_rows, ones_sm, zeros_sm):
    @functools.partial(
        pl.kernel,
        out_type=(_SDS((NP, 128), _f32), _SDS((NP, 128), _f32)),
        scratch_types=[
            pltpu.VMEM((DEG_CH, CHUNK), jnp.int32),
            pltpu.VMEM((CHUNK, 128), _f32),
            pltpu.VMEM_SHARED((NP, 128), _f32),
        ],
        mesh=_mesh(),
    )
    def deg_k(dst_hbm, ones_hbm, z_hbm, cnt0, cnt1, idx_v, ones_v, acc):
        cid = lax.axis_index("c")
        sid = lax.axis_index("s")
        rows_per_tile = NP // TILES
        rbase = sid * rows_per_tile
        pltpu.sync_copy(z_hbm.at[pl.ds(rbase, rows_per_tile)],
                        acc.at[pl.ds(rbase, rows_per_tile)])
        pltpu.sync_copy(ones_hbm, ones_v)
        ebase = cid * (TILES * DEG_CH) + sid * DEG_CH
        pltpu.sync_copy(dst_hbm.at[pl.ds(ebase, DEG_CH)], idx_v)
        plsc.subcore_barrier()

        @pl.loop(0, DEG_CH)
        def _(j):
            pltpu.sync_copy(ones_v, acc.at[idx_v.at[j]], add=True)

        plsc.subcore_barrier()

        @pl.when(cid == 0)
        def _():
            pltpu.sync_copy(acc.at[pl.ds(rbase, rows_per_tile)],
                            cnt0.at[pl.ds(rbase, rows_per_tile)])

        @pl.when(cid == 1)
        def _():
            pltpu.sync_copy(acc.at[pl.ds(rbase, rows_per_tile)],
                            cnt1.at[pl.ds(rbase, rows_per_tile)])

    return deg_k(dst_rows, ones_sm, zeros_sm)


def _agg_call(s0, s1, src_rows, dst_rows, zeros_big):
    @functools.partial(
        pl.kernel,
        out_type=(_SDS((NP, 128), _f32), _SDS((NP, 128), _f32)),
        scratch_types=[
            pltpu.VMEM((AGG_CH // 2, CHUNK), jnp.int32),
            pltpu.VMEM((AGG_CH // 2, CHUNK), jnp.int32),
            pltpu.VMEM((NB, CHUNK, 128), _f32),
            pltpu.SemaphoreType.DMA((NB,)),
            pltpu.SemaphoreType.DMA((NB,)),
            pltpu.VMEM_SHARED((NP, 128), _f32),
        ],
        mesh=_mesh(),
    )
    def agg_k(s0_hbm, s1_hbm, sp_hbm, dp_hbm, z_hbm,
              out0, out1, sidx, didx, bufs, sem_g, sem_s, acc):
        cid = lax.axis_index("c")
        sid = lax.axis_index("s")
        rows_per_tile = NP // TILES
        rbase = sid * rows_per_tile
        ebase = sid * AGG_CH

        def pipeline(s_hbm, out_hbm):
            HC = AGG_CH // 2
            pltpu.sync_copy(sp_hbm.at[pl.ds(ebase, HC)], sidx)
            pltpu.sync_copy(dp_hbm.at[pl.ds(ebase, HC)], didx)
            for h in range(2):
                if h:
                    for b in range(NB):
                        pltpu.make_async_copy(
                            bufs.at[b], acc.at[didx.at[b]],
                            sem_s.at[b]).wait()
                    pltpu.sync_copy(sp_hbm.at[pl.ds(ebase + HC, HC)], sidx)
                    pltpu.sync_copy(dp_hbm.at[pl.ds(ebase + HC, HC)], didx)
                for b in range(NB):
                    pltpu.async_copy(s_hbm.at[sidx.at[b]], bufs.at[b],
                                     sem_g.at[b])
                if h == 0:
                    plsc.subcore_barrier()

                @pl.loop(0, HC // NB)
                def _(g):
                    for b in range(NB):
                        j = g * NB + b
                        pltpu.make_async_copy(
                            s_hbm.at[sidx.at[b]], bufs.at[b],
                            sem_g.at[b]).wait()
                        pltpu.async_copy(bufs.at[b], acc.at[didx.at[j]],
                                        sem_s.at[b], add=True)
                        nxt = j + NB

                        @pl.when(nxt < HC)
                        def _():
                            pltpu.make_async_copy(
                                bufs.at[b], acc.at[didx.at[j]],
                                sem_s.at[b]).wait()
                            pltpu.async_copy(s_hbm.at[sidx.at[nxt]],
                                             bufs.at[b], sem_g.at[b])

            for b in range(NB):
                pltpu.make_async_copy(
                    bufs.at[b], acc.at[didx.at[b]], sem_s.at[b]).wait()
            plsc.subcore_barrier()
            pltpu.sync_copy(acc.at[pl.ds(rbase, rows_per_tile)],
                            out_hbm.at[pl.ds(rbase, rows_per_tile)])

        pltpu.sync_copy(z_hbm.at[pl.ds(rbase, rows_per_tile)],
                        acc.at[pl.ds(rbase, rows_per_tile)])

        @pl.when(cid == 0)
        def _():
            pipeline(s0_hbm, out0)

        @pl.when(cid == 1)
        def _():
            pipeline(s1_hbm, out1)

    return agg_k(s0, s1, src_rows, dst_rows, zeros_big)


def _k1_body(x_ref, c0_ref, c1_ref, s0_ref, s1_ref, dinv_ref):
    cnt = c0_ref[...][:, :16] + c1_ref[...][:, :16]
    dinv16 = lax.rsqrt(cnt + 1.0)
    dinv = dinv16[:, :1]
    s = x_ref[...] * dinv
    s0_ref[...] = s[:, :128]
    s1_ref[...] = s[:, 128:]
    dinv_ref[...] = dinv16


def _k1(x_pad, cnt0, cnt1):
    R = 256
    return pl.pallas_call(
        _k1_body,
        grid=(NP // R,),
        in_specs=[pl.BlockSpec((R, 256), lambda i: (i, 0)),
                  pl.BlockSpec((R, 128), lambda i: (i, 0)),
                  pl.BlockSpec((R, 128), lambda i: (i, 0))],
        out_specs=[pl.BlockSpec((R, 128), lambda i: (i, 0)),
                   pl.BlockSpec((R, 128), lambda i: (i, 0)),
                   pl.BlockSpec((R, 16), lambda i: (i, 0))],
        out_shape=[_SDS((NP, 128), _f32), _SDS((NP, 128), _f32),
                   _SDS((NP, 16), _f32)],
    )(x_pad, cnt0, cnt1)


def _k2_body(a0_ref, a1_ref, x_ref, dinv_ref, w1_ref, b1_ref, w2_ref,
             g_ref, t0_ref, t1_ref):
    dinv = dinv_ref[...][:, :1]
    a = jnp.concatenate([a0_ref[...], a1_ref[...]], axis=1)
    t = dinv * a + (dinv * dinv) * x_ref[...]
    h1 = jnp.maximum(
        jnp.dot(t, w1_ref[...], preferred_element_type=_f32) + b1_ref[...],
        0.0)
    g = jnp.dot(h1, w2_ref[...], preferred_element_type=_f32)
    g_ref[...] = g
    s2 = g * dinv
    t0_ref[...] = s2[:, :128]
    t1_ref[...] = s2[:, 128:]


def _k2(a0, a1, x_pad, dinv16, W1, b1r, W2):
    R = 256
    return pl.pallas_call(
        _k2_body,
        grid=(NP // R,),
        in_specs=[pl.BlockSpec((R, 128), lambda i: (i, 0)),
                  pl.BlockSpec((R, 128), lambda i: (i, 0)),
                  pl.BlockSpec((R, 256), lambda i: (i, 0)),
                  pl.BlockSpec((R, 16), lambda i: (i, 0)),
                  pl.BlockSpec((256, 512), lambda i: (0, 0)),
                  pl.BlockSpec((1, 512), lambda i: (0, 0)),
                  pl.BlockSpec((512, 256), lambda i: (0, 0))],
        out_specs=[pl.BlockSpec((R, 256), lambda i: (i, 0)),
                   pl.BlockSpec((R, 128), lambda i: (i, 0)),
                   pl.BlockSpec((R, 128), lambda i: (i, 0))],
        out_shape=[_SDS((NP, 256), _f32), _SDS((NP, 128), _f32),
                   _SDS((NP, 128), _f32)],
    )(a0, a1, x_pad, dinv16, W1, b1r, W2)


def _k3_body(a0_ref, a1_ref, g_ref, dinv_ref, b2_ref, out_ref):
    dinv = dinv_ref[...][:, :1]
    a = jnp.concatenate([a0_ref[...], a1_ref[...]], axis=1)
    out_ref[...] = dinv * a + (dinv * dinv) * g_ref[...] + b2_ref[...]


def _k3(a0, a1, g, dinv16, b2r):
    R = 400
    return pl.pallas_call(
        _k3_body,
        grid=(N // R,),
        in_specs=[pl.BlockSpec((R, 128), lambda i: (i, 0)),
                  pl.BlockSpec((R, 128), lambda i: (i, 0)),
                  pl.BlockSpec((R, 256), lambda i: (i, 0)),
                  pl.BlockSpec((R, 16), lambda i: (i, 0)),
                  pl.BlockSpec((1, 256), lambda i: (0, 0))],
        out_specs=pl.BlockSpec((R, 256), lambda i: (i, 0)),
        out_shape=_SDS((N, 256), _f32),
    )(a0, a1, g, dinv16, b2r)


def kernel(x, edge_index, W1, b1, W2, b2):
    src = edge_index[0].astype(jnp.int32)
    dst = edge_index[1].astype(jnp.int32)
    src_rows = jnp.full((ECAP,), N, jnp.int32).at[:E].set(src).reshape(ROWS, CHUNK)
    dst_rows = jnp.full((ECAP,), N, jnp.int32).at[:E].set(dst).reshape(ROWS, CHUNK)
    x_pad = jnp.zeros((NP, 256), _f32).at[:N, :].set(x)
    ones_sm = jnp.ones((CHUNK, 128), _f32)
    zeros_big = jnp.zeros((NP, 128), _f32)
    b1r = b1.reshape(1, 512)
    b2r = b2.reshape(1, 256)

    cnt0, cnt1 = _deg_call(dst_rows, ones_sm, zeros_big)
    s0, s1, dinv16 = _k1(x_pad, cnt0, cnt1)
    a0, a1 = _agg_call(s0, s1, src_rows, dst_rows, zeros_big)
    g, t0, t1 = _k2(a0, a1, x_pad, dinv16, W1, b1r, W2)
    u0, u1 = _agg_call(t0, t1, src_rows, dst_rows, zeros_big)
    return _k3(u0, u1, g, dinv16, b2r)

# --- scband reference (transcript-rebuilt; emitter-appended) ---
"""Pipeline reference for scband-gnn-55396488184442 (READ-ONLY COPY).

The authoritative reference and input builder live on the scoring server;
editing this copy changes nothing except your own understanding.
"""

import jax, jax.numpy as jnp
import numpy as np

N_NODES = 10000


def gcn_conv(x, W, b, src, dst, num_nodes):
    # linear transform
    h = x @ W
    # add self loops
    loop = jnp.arange(num_nodes, dtype=src.dtype)
    src_sl = jnp.concatenate([src, loop])
    dst_sl = jnp.concatenate([dst, loop])
    # symmetric normalization (GCN): deg from destination index with unit edge weights
    deg = jnp.zeros((num_nodes,), dtype=h.dtype).at[dst_sl].add(1.0)
    deg_inv_sqrt = jnp.where(deg > 0, deg ** -0.5, 0.0)
    norm = deg_inv_sqrt[src_sl] * deg_inv_sqrt[dst_sl]
    # gather messages, scale, scatter-add to destinations
    msg = h[src_sl] * norm[:, None]
    out = jnp.zeros((num_nodes, h.shape[1]), dtype=h.dtype).at[dst_sl].add(msg)
    return out + b


def setup_inputs(seed: int = 0) -> dict:
    key = jax.random.key(seed)
    k_x, k_e, k_w1, k_b1, k_w2, k_b2 = jax.random.split(key, 6)
    in_c, hid_c, out_c = 256, 512, 256
    x = jax.random.normal(k_x, (N_NODES, in_c), dtype=jnp.float32)
    edge_index = jax.random.randint(k_e, (2, 160000), 0, N_NODES, dtype=jnp.int64)
    s1 = (1.0 / np.sqrt(in_c)).astype(np.float32) if isinstance(np.sqrt(in_c), np.ndarray) else np.float32(1.0 / np.sqrt(in_c))
    s2 = np.float32(1.0 / np.sqrt(hid_c))
    W1 = jax.random.normal(k_w1, (in_c, hid_c), dtype=jnp.float32) * s1
    b1 = jnp.zeros((hid_c,), dtype=jnp.float32)
    W2 = jax.random.normal(k_w2, (hid_c, out_c), dtype=jnp.float32) * s2
    b2 = jnp.zeros((out_c,), dtype=jnp.float32)
    return {"x": x, "edge_index": edge_index, "W1": W1, "b1": b1, "W2": W2, "b2": b2}


def reference(x, edge_index, W1, b1, W2, b2):
    src = edge_index[0]
    dst = edge_index[1]
    h = gcn_conv(x, W1, b1, src, dst, N_NODES)
    h = jax.nn.relu(h)
    out = gcn_conv(h, W2, b2, src, dst, N_NODES)
    return out

if __name__ == "__main__":
    import jax
    _d = setup_inputs()
    print(jax.jit(kernel)(*tuple(_d.values())))

</pallas_src>

<mosaic_0001>
#map = affine_map<(d0, d1) -> (0, 0)>
module attributes {stable_mosaic.version = 14 : i64} {
  func.func @deg_k(%arg0: i32, %arg1: i32, %arg2: memref<1280x128xi32, #tpu.memory_space<hbm>>, %arg3: memref<128x128xf32, #tpu.memory_space<hbm>>, %arg4: memref<10240x128xf32, #tpu.memory_space<hbm>>, %arg5: memref<10240x128xf32, #tpu.memory_space<hbm>>, %arg6: memref<10240x128xf32, #tpu.memory_space<hbm>>, %arg7: memref<40x128xi32, #tpu.memory_space<vmem>>, %arg8: memref<128x128xf32, #tpu.memory_space<vmem>>, %arg9: memref<10240x128xf32, #tpu.memory_space<vmem_shared>>) attributes {dimension_semantics = [#tpu.dimension_semantics<core_parallel>, #tpu.dimension_semantics<subcore_parallel>], iteration_bounds = array<i64: 2, 16>, scalar_prefetch = 0 : i64, scratch_operands = 3 : i64, tpu.core_type = #tpu.core_type<sc_vector_subcore>, window_params = [{transform_indices = #map}, {transform_indices = #map}, {transform_indices = #map}, {transform_indices = #map}, {transform_indices = #map}]} {
    %mul3A = arith.constant 640 : i32
    %mul3A_0 = arith.muli %arg1, %mul3A : i32
    "tpu.region"() ({
      %run_scoped3A = tpu.sem_alloc : memref<!tpu.dma_semaphore, #tpu.memory_space<semaphore_mem>>
      %dma_start3A = arith.constant 0 : i32
      %dma_start3A_17 = tpu.memref_slice %arg9[%mul3A_0, %dma_start3A] : memref<10240x128xf32, #tpu.memory_space<vmem_shared>> -> memref<640x128xf32, #tpu.memory_space<vmem_shared>>
      %dma_start3A_18 = arith.constant 0 : i32
      %dma_start3A_19 = tpu.memref_slice %arg4[%mul3A_0, %dma_start3A_18] : memref<10240x128xf32, #tpu.memory_space<hbm>> -> memref<640x128xf32, #tpu.memory_space<hbm>>
      tpu.enqueue_dma source(%dma_start3A_19 : memref<640x128xf32, #tpu.memory_space<hbm>>) target(%dma_start3A_17 : memref<640x128xf32, #tpu.memory_space<vmem_shared>>) target_semaphore(%run_scoped3A : memref<!tpu.dma_semaphore, #tpu.memory_space<semaphore_mem>>)
      %dma_wait3A = arith.constant 0 : i32
      %dma_wait3A_20 = tpu.memref_slice %arg9[%mul3A_0, %dma_wait3A] : memref<10240x128xf32, #tpu.memory_space<vmem_shared>> -> memref<640x128xf32, #tpu.memory_space<vmem_shared>>
      %dma_wait3A_21 = arith.constant 0 : i32
      %dma_wait3A_22 = tpu.memref_slice %arg4[%mul3A_0, %dma_wait3A_21] : memref<10240x128xf32, #tpu.memory_space<hbm>> -> memref<640x128xf32, #tpu.memory_space<hbm>>
      tpu.wait_dma2 semaphore(%run_scoped3A : memref<!tpu.dma_semaphore, #tpu.memory_space<semaphore_mem>>) src(%dma_wait3A_22 : memref<640x128xf32, #tpu.memory_space<hbm>>) dst(%dma_wait3A_20 : memref<640x128xf32, #tpu.memory_space<vmem_shared>>)
      tpu.yield
    }) : () -> ()
    "tpu.region"() ({
      %run_scoped3A = tpu.sem_alloc : memref<!tpu.dma_semaphore, #tpu.memory_space<semaphore_mem>>
      tpu.enqueue_dma source(%arg3 : memref<128x128xf32, #tpu.memory_space<hbm>>) target(%arg8 : memref<128x128xf32, #tpu.memory_space<vmem>>) target_semaphore(%run_scoped3A : memref<!tpu.dma_semaphore, #tpu.memory_space<semaphore_mem>>)
      tpu.wait_dma2 semaphore(%run_scoped3A : memref<!tpu.dma_semaphore, #tpu.memory_space<semaphore_mem>>) src(%arg3 : memref<128x128xf32, #tpu.memory_space<hbm>>) dst(%arg8 : memref<128x128xf32, #tpu.memory_space<vmem>>)
      tpu.yield
    }) : () -> ()
    %mul3A_1 = arith.constant 640 : i32
    %mul3A_2 = arith.muli %arg0, %mul3A_1 : i32
    %mul3A_3 = arith.constant 40 : i32
    %mul3A_4 = arith.muli %arg1, %mul3A_3 : i32
    %add3A = arith.addi %mul3A_2, %mul3A_4 : i32
    "tpu.region"() ({
      %run_scoped3A = tpu.sem_alloc : memref<!tpu.dma_semaphore, #tpu.memory_space<semaphore_mem>>
      %dma_start3A = arith.constant 0 : i32
      %dma_start3A_17 = tpu.memref_slice %arg2[%add3A, %dma_start3A] : memref<1280x128xi32, #tpu.memory_space<hbm>> -> memref<40x128xi32, #tpu.memory_space<hbm>>
      %dma_start3A_18 = arith.constant 0 : i32
      %dma_start3A_19 = tpu.memref_slice %arg2[%add3A, %dma_start3A_18] : memref<1280x128xi32, #tpu.memory_space<hbm>> -> memref<40x128xi32, #tpu.memory_space<hbm>>
      tpu.enqueue_dma source(%dma_start3A_19 : memref<40x128xi32, #tpu.memory_space<hbm>>) target(%arg7 : memref<40x128xi32, #tpu.memory_space<vmem>>) target_semaphore(%run_scoped3A : memref<!tpu.dma_semaphore, #tpu.memory_space<semaphore_mem>>)
      %dma_wait3A = arith.constant 0 : i32
      %dma_wait3A_20 = tpu.memref_slice %arg2[%add3A, %dma_wait3A] : memref<1280x128xi32, #tpu.memory_space<hbm>> -> memref<40x128xi32, #tpu.memory_space<hbm>>
      %dma_wait3A_21 = arith.constant 0 : i32
      %dma_wait3A_22 = tpu.memref_slice %arg2[%add3A, %dma_wait3A_21] : memref<1280x128xi32, #tpu.memory_space<hbm>> -> memref<40x128xi32, #tpu.memory_space<hbm>>
      tpu.wait_dma2 semaphore(%run_scoped3A : memref<!tpu.dma_semaphore, #tpu.memory_space<semaphore_mem>>) src(%dma_wait3A_22 : memref<40x128xi32, #tpu.memory_space<hbm>>) dst(%arg7 : memref<40x128xi32, #tpu.memory_space<vmem>>)
      tpu.yield
    }) : () -> ()
    %barrier3A = arith.constant 0 : index
    tpu.barrier barrier_id(%barrier3A)
    %scan3A = arith.constant 0 : i32
    %scan3A_5 = arith.constant 40 : i32
    %scan3A_6 = arith.addi %scan3A, %scan3A_5 : i32
    %scan3A_7 = arith.constant 1 : i32
    scf.for %scan3A_17 = %scan3A to %scan3A_6 step %scan3A_7  : i32 {
      %mul3A_18 = arith.constant 1 : i32
      %mul3A_19 = arith.muli %scan3A_17, %mul3A_18 : i32
      %add3A_20 = arith.constant 0 : i32
      %add3A_21 = arith.addi %add3A_20, %mul3A_19 : i32
      "tpu.region"() ({
        %run_scoped3A = tpu.sem_alloc : memref<!tpu.dma_semaphore, #tpu.memory_space<semaphore_mem>>
        %dma_start3A = arith.constant 0 : i32
        %dma_start3A_22 = tpu.memref_slice %arg7[%add3A_21, %dma_start3A] : memref<40x128xi32, #tpu.memory_space<vmem>> -> memref<1x128xi32, #tpu.memory_space<vmem>>
        %dma_start3A_23 = tpu.memref_squeeze %dma_start3A_22 : memref<1x128xi32, #tpu.memory_space<vmem>> -> memref<128xi32, #tpu.memory_space<vmem>>
        %dma_start3A_24 = arith.constant 0 : i32
        %dma_start3A_25 = arith.constant 0 : i32
        %dma_start3A_26 = tpu.memref_slice %arg9[%dma_start3A_24, %dma_start3A_25] : memref<10240x128xf32, #tpu.memory_space<vmem_shared>> -> memref<10240x128xf32, #tpu.memory_space<vmem_shared>>
        tpu.enqueue_indirect_dma source(%arg8 : memref<128x128xf32, #tpu.memory_space<vmem>>) target(%dma_start3A_26 : memref<10240x128xf32, #tpu.memory_space<vmem_shared>>) offsets(%dma_start3A_23 : memref<128xi32, #tpu.memory_space<vmem>>) semaphore(%run_scoped3A : memref<!tpu.dma_semaphore, #tpu.memory_space<semaphore_mem>>) {add = true}
        %dma_wait3A = arith.constant 0 : i32
        %dma_wait3A_27 = tpu.memref_slice %arg7[%add3A_21, %dma_wait3A] : memref<40x128xi32, #tpu.memory_space<vmem>> -> memref<1x128xi32, #tpu.memory_space<vmem>>
        %dma_wait3A_28 = tpu.memref_squeeze %dma_wait3A_27 : memref<1x128xi32, #tpu.memory_space<vmem>> -> memref<128xi32, #tpu.memory_space<vmem>>
        %dma_wait3A_29 = arith.constant 0 : i32
        %dma_wait3A_30 = arith.constant 0 : i32
        %dma_wait3A_31 = tpu.memref_slice %arg9[%dma_wait3A_29, %dma_wait3A_30] : memref<10240x128xf32, #tpu.memory_space<vmem_shared>> -> memref<10240x128xf32, #tpu.memory_space<vmem_shared>>
        tpu.wait_indirect_dma semaphore(%run_scoped3A : memref<!tpu.dma_semaphore, #tpu.memory_space<semaphore_mem>>) src(%arg8 : memref<128x128xf32, #tpu.memory_space<vmem>>) dst(%dma_wait3A_31 : memref<10240x128xf32, #tpu.memory_space<vmem_shared>>)
        tpu.yield
      }) : () -> ()
    }
    %scan3A_8 = arith.constant 40 : i32
    %barrier3A_9 = arith.constant 0 : index
    tpu.barrier barrier_id(%barrier3A_9)
    %eq3A = arith.constant 0 : i32
    %eq3A_10 = arith.cmpi eq, %arg0, %eq3A : i32
    %convert_element_type3A = arith.extui %eq3A_10 : i1 to i32
    %cond3A = arith.constant 0 : i32
    %cond3A_11 = arith.cmpi ne, %convert_element_type3A, %cond3A : i32
    scf.if %cond3A_11 {
      "tpu.region"() ({
        %run_scoped3A = tpu.sem_alloc : memref<!tpu.dma_semaphore, #tpu.memory_space<semaphore_mem>>
        %dma_start3A = arith.constant 0 : i32
        %dma_start3A_17 = tpu.memref_slice %arg5[%mul3A_0, %dma_start3A] : memref<10240x128xf32, #tpu.memory_space<hbm>> -> memref<640x128xf32, #tpu.memory_space<hbm>>
        %dma_start3A_18 = arith.constant 0 : i32
        %dma_start3A_19 = tpu.memref_slice %arg9[%mul3A_0, %dma_start3A_18] : memref<10240x128xf32, #tpu.memory_space<vmem_shared>> -> memref<640x128xf32, #tpu.memory_space<vmem_shared>>
        tpu.enqueue_dma source(%dma_start3A_19 : memref<640x128xf32, #tpu.memory_space<vmem_shared>>) target(%dma_start3A_17 : memref<640x128xf32, #tpu.memory_space<hbm>>) target_semaphore(%run_scoped3A : memref<!tpu.dma_semaphore, #tpu.memory_space<semaphore_mem>>)
        %dma_wait3A = arith.constant 0 : i32
        %dma_wait3A_20 = tpu.memref_slice %arg5[%mul3A_0, %dma_wait3A] : memref<10240x128xf32, #tpu.memory_space<hbm>> -> memref<640x128xf32, #tpu.memory_space<hbm>>
        %dma_wait3A_21 = arith.constant 0 : i32
        %dma_wait3A_22 = tpu.memref_slice %arg9[%mul3A_0, %dma_wait3A_21] : memref<10240x128xf32, #tpu.memory_space<vmem_shared>> -> memref<640x128xf32, #tpu.memory_space<vmem_shared>>
        tpu.wait_dma2 semaphore(%run_scoped3A : memref<!tpu.dma_semaphore, #tpu.memory_space<semaphore_mem>>) src(%dma_wait3A_22 : memref<640x128xf32, #tpu.memory_space<vmem_shared>>) dst(%dma_wait3A_20 : memref<640x128xf32, #tpu.memory_space<hbm>>)
        tpu.yield
      }) : () -> ()
    } else {
    }
    %eq3A_12 = arith.constant 1 : i32
    %eq3A_13 = arith.cmpi eq, %arg0, %eq3A_12 : i32
    %convert_element_type3A_14 = arith.extui %eq3A_13 : i1 to i32
    %cond3A_15 = arith.constant 0 : i32
    %cond3A_16 = arith.cmpi ne, %convert_element_type3A_14, %cond3A_15 : i32
    scf.if %cond3A_16 {
      "tpu.region"() ({
        %run_scoped3A = tpu.sem_alloc : memref<!tpu.dma_semaphore, #tpu.memory_space<semaphore_mem>>
        %dma_start3A = arith.constant 0 : i32
        %dma_start3A_17 = tpu.memref_slice %arg6[%mul3A_0, %dma_start3A] : memref<10240x128xf32, #tpu.memory_space<hbm>> -> memref<640x128xf32, #tpu.memory_space<hbm>>
        %dma_start3A_18 = arith.constant 0 : i32
        %dma_start3A_19 = tpu.memref_slice %arg9[%mul3A_0, %dma_start3A_18] : memref<10240x128xf32, #tpu.memory_space<vmem_shared>> -> memref<640x128xf32, #tpu.memory_space<vmem_shared>>
        tpu.enqueue_dma source(%dma_start3A_19 : memref<640x128xf32, #tpu.memory_space<vmem_shared>>) target(%dma_start3A_17 : memref<640x128xf32, #tpu.memory_space<hbm>>) target_semaphore(%run_scoped3A : memref<!tpu.dma_semaphore, #tpu.memory_space<semaphore_mem>>)
        %dma_wait3A = arith.constant 0 : i32
        %dma_wait3A_20 = tpu.memref_slice %arg6[%mul3A_0, %dma_wait3A] : memref<10240x128xf32, #tpu.memory_space<hbm>> -> memref<640x128xf32, #tpu.memory_space<hbm>>
        %dma_wait3A_21 = arith.constant 0 : i32
        %dma_wait3A_22 = tpu.memref_slice %arg9[%mul3A_0, %dma_wait3A_21] : memref<10240x128xf32, #tpu.memory_space<vmem_shared>> -> memref<640x128xf32, #tpu.memory_space<vmem_shared>>
        tpu.wait_dma2 semaphore(%run_scoped3A : memref<!tpu.dma_semaphore, #tpu.memory_space<semaphore_mem>>) src(%dma_wait3A_22 : memref<640x128xf32, #tpu.memory_space<vmem_shared>>) dst(%dma_wait3A_20 : memref<640x128xf32, #tpu.memory_space<hbm>>)
        tpu.yield
      }) : () -> ()
    } else {
    }
    return
  }
}

#map = affine_map<(d0, d1) -> (0, 0)>
module attributes {stable_mosaic.version = 14 : i64} {
  func.func @agg_k(%arg0: i32, %arg1: i32, %arg2: memref<10240x128xf32, #tpu.memory_space<hbm>>, %arg3: memref<10240x128xf32, #tpu.memory_space<hbm>>, %arg4: memref<1280x128xi32, #tpu.memory_space<hbm>>, %arg5: memref<1280x128xi32, #tpu.memory_space<hbm>>, %arg6: memref<10240x128xf32, #tpu.memory_space<hbm>>, %arg7: memref<10240x128xf32, #tpu.memory_space<hbm>>, %arg8: memref<10240x128xf32, #tpu.memory_space<hbm>>, %arg9: memref<40x128xi32, #tpu.memory_space<vmem>>, %arg10: memref<40x128xi32, #tpu.memory_space<vmem>>, %arg11: memref<2x128x128xf32, #tpu.memory_space<vmem>>, %arg12: memref<2x!tpu.dma_semaphore, #tpu.memory_space<semaphore_mem>>, %arg13: memref<2x!tpu.dma_semaphore, #tpu.memory_space<semaphore_mem>>, %arg14: memref<10240x128xf32, #tpu.memory_space<vmem_shared>>) attributes {dimension_semantics = [#tpu.dimension_semantics<core_parallel>, #tpu.dimension_semantics<subcore_parallel>], iteration_bounds = array<i64: 2, 16>, scalar_prefetch = 0 : i64, scratch_operands = 6 : i64, tpu.core_type = #tpu.core_type<sc_vector_subcore>, window_params = [{transform_indices = #map}, {transform_indices = #map}, {transform_indices = #map}, {transform_indices = #map}, {transform_indices = #map}, {transform_indices = #map}, {transform_indices = #map}]} {
    %mul3A = arith.constant 640 : i32
    %mul3A_0 = arith.muli %arg1, %mul3A : i32
    %mul3A_1 = arith.constant 80 : i32
    %mul3A_2 = arith.muli %arg1, %mul3A_1 : i32
    "tpu.region"() ({
      %run_scoped3A = tpu.sem_alloc : memref<!tpu.dma_semaphore, #tpu.memory_space<semaphore_mem>>
      %dma_start3A = arith.constant 0 : i32
      %dma_start3A_10 = tpu.memref_slice %arg14[%mul3A_0, %dma_start3A] : memref<10240x128xf32, #tpu.memory_space<vmem_shared>> -> memref<640x128xf32, #tpu.memory_space<vmem_shared>>
      %dma_start3A_11 = arith.constant 0 : i32
      %dma_start3A_12 = tpu.memref_slice %arg6[%mul3A_0, %dma_start3A_11] : memref<10240x128xf32, #tpu.memory_space<hbm>> -> memref<640x128xf32, #tpu.memory_space<hbm>>
      tpu.enqueue_dma source(%dma_start3A_12 : memref<640x128xf32, #tpu.memory_space<hbm>>) target(%dma_start3A_10 : memref<640x128xf32, #tpu.memory_space<vmem_shared>>) target_semaphore(%run_scoped3A : memref<!tpu.dma_semaphore, #tpu.memory_space<semaphore_mem>>)
      %dma_wait3A = arith.constant 0 : i32
      %dma_wait3A_13 = tpu.memref_slice %arg14[%mul3A_0, %dma_wait3A] : memref<10240x128xf32, #tpu.memory_space<vmem_shared>> -> memref<640x128xf32, #tpu.memory_space<vmem_shared>>
      %dma_wait3A_14 = arith.constant 0 : i32
      %dma_wait3A_15 = tpu.memref_slice %arg6[%mul3A_0, %dma_wait3A_14] : memref<10240x128xf32, #tpu.memory_space<hbm>> -> memref<640x128xf32, #tpu.memory_space<hbm>>
      tpu.wait_dma2 semaphore(%run_scoped3A : memref<!tpu.dma_semaphore, #tpu.memory_space<semaphore_mem>>) src(%dma_wait3A_15 : memref<640x128xf32, #tpu.memory_space<hbm>>) dst(%dma_wait3A_13 : memref<640x128xf32, #tpu.memory_space<vmem_shared>>)
      tpu.yield
    }) : () -> ()
    %eq3A = arith.constant 0 : i32
    %eq3A_3 = arith.cmpi eq, %arg0, %eq3A : i32
    %convert_element_type3A = arith.extui %eq3A_3 : i1 to i32
    %cond3A = arith.constant 0 : i32
    %cond3A_4 = arith.cmpi ne, %convert_element_type3A, %cond3A : i32
    scf.if %cond3A_4 {
      "tpu.region"() ({
        %run_scoped3A = tpu.sem_alloc : memref<!tpu.dma_semaphore, #tpu.memory_space<semaphore_mem>>
        %dma_start3A_141 = arith.constant 0 : i32
        %dma_start3A_142 = tpu.memref_slice %arg4[%mul3A_2, %dma_start3A_141] : memref<1280x128xi32, #tpu.memory_space<hbm>> -> memref<40x128xi32, #tpu.memory_space<hbm>>
        %dma_start3A_143 = arith.constant 0 : i32
        %dma_start3A_144 = tpu.memref_slice %arg4[%mul3A_2, %dma_start3A_143] : memref<1280x128xi32, #tpu.memory_space<hbm>> -> memref<40x128xi32, #tpu.memory_space<hbm>>
        tpu.enqueue_dma source(%dma_start3A_144 : memref<40x128xi32, #tpu.memory_space<hbm>>) target(%arg9 : memref<40x128xi32, #tpu.memory_space<vmem>>) target_semaphore(%run_scoped3A : memref<!tpu.dma_semaphore, #tpu.memory_space<semaphore_mem>>)
        %dma_wait3A_145 = arith.constant 0 : i32
        %dma_wait3A_146 = tpu.memref_slice %arg4[%mul3A_2, %dma_wait3A_145] : memref<1280x128xi32, #tpu.memory_space<hbm>> -> memref<40x128xi32, #tpu.memory_space<hbm>>
        %dma_wait3A_147 = arith.constant 0 : i32
        %dma_wait3A_148 = tpu.memref_slice %arg4[%mul3A_2, %dma_wait3A_147] : memref<1280x128xi32, #tpu.memory_space<hbm>> -> memref<40x128xi32, #tpu.memory_space<hbm>>
        tpu.wait_dma2 semaphore(%run_scoped3A : memref<!tpu.dma_semaphore, #tpu.memory_space<semaphore_mem>>) src(%dma_wait3A_148 : memref<40x128xi32, #tpu.memory_space<hbm>>) dst(%arg9 : memref<40x128xi32, #tpu.memory_space<vmem>>)
        tpu.yield
      }) : () -> ()
      "tpu.region"() ({
        %run_scoped3A = tpu.sem_alloc : memref<!tpu.dma_semaphore, #tpu.memory_space<semaphore_mem>>
        %dma_start3A_141 = arith.constant 0 : i32
        %dma_start3A_142 = tpu.memref_slice %arg5[%mul3A_2, %dma_start3A_141] : memref<1280x128xi32, #tpu.memory_space<hbm>> -> memref<40x128xi32, #tpu.memory_space<hbm>>
        %dma_start3A_143 = arith.constant 0 : i32
        %dma_start3A_144 = tpu.memref_slice %arg5[%mul3A_2, %dma_start3A_143] : memref<1280x128xi32, #tpu.memory_space<hbm>> -> memref<40x128xi32, #tpu.memory_space<hbm>>
        tpu.enqueue_dma source(%dma_start3A_144 : memref<40x128xi32, #tpu.memory_space<hbm>>) target(%arg10 : memref<40x128xi32, #tpu.memory_space<vmem>>) target_semaphore(%run_scoped3A : memref<!tpu.dma_semaphore, #tpu.memory_space<semaphore_mem>>)
        %dma_wait3A_145 = arith.constant 0 : i32
        %dma_wait3A_146 = tpu.memref_slice %arg5[%mul3A_2, %dma_wait3A_145] : memref<1280x128xi32, #tpu.memory_space<hbm>> -> memref<40x128xi32, #tpu.memory_space<hbm>>
        %dma_wait3A_147 = arith.constant 0 : i32
        %dma_wait3A_148 = tpu.memref_slice %arg5[%mul3A_2, %dma_wait3A_147] : memref<1280x128xi32, #tpu.memory_space<hbm>> -> memref<40x128xi32, #tpu.memory_space<hbm>>
        tpu.wait_dma2 semaphore(%run_scoped3A : memref<!tpu.dma_semaphore, #tpu.memory_space<semaphore_mem>>) src(%dma_wait3A_148 : memref<40x128xi32, #tpu.memory_space<hbm>>) dst(%arg10 : memref<40x128xi32, #tpu.memory_space<vmem>>)
        tpu.yield
      }) : () -> ()
      %dma_start3A = arith.constant 0 : i32
      %dma_start3A_10 = arith.constant 0 : i32
      %dma_start3A_11 = arith.constant 0 : i32
      %dma_start3A_12 = arith.constant 0 : i32
      %dma_start3A_13 = arith.constant 0 : i32
      %dma_start3A_14 = tpu.memref_slice %arg11[%dma_start3A_10, %dma_start3A_12, %dma_start3A_13] : memref<2x128x128xf32, #tpu.memory_space<vmem>> -> memref<1x128x128xf32, #tpu.memory_space<vmem>>
      %dma_start3A_15 = tpu.memref_squeeze %dma_start3A_14 : memref<1x128x128xf32, #tpu.memory_space<vmem>> -> memref<128x128xf32, #tpu.memory_space<vmem>>
      %dma_start3A_16 = arith.constant 0 : i32
      %dma_start3A_17 = tpu.memref_slice %arg9[%dma_start3A, %dma_start3A_16] : memref<40x128xi32, #tpu.memory_space<vmem>> -> memref<1x128xi32, #tpu.memory_space<vmem>>
      %dma_start3A_18 = tpu.memref_squeeze %dma_start3A_17 : memref<1x128xi32, #tpu.memory_space<vmem>> -> memref<128xi32, #tpu.memory_space<vmem>>
      %dma_start3A_19 = arith.constant 0 : i32
      %dma_start3A_20 = arith.constant 0 : i32
      %dma_start3A_21 = tpu.memref_slice %arg2[%dma_start3A_19, %dma_start3A_20] : memref<10240x128xf32, #tpu.memory_space<hbm>> -> memref<10240x128xf32, #tpu.memory_space<hbm>>
      %dma_start3A_22 = tpu.memref_slice %arg12[%dma_start3A_11] : memref<2x!tpu.dma_semaphore, #tpu.memory_space<semaphore_mem>> -> memref<1x!tpu.dma_semaphore, #tpu.memory_space<semaphore_mem>>
      %dma_start3A_23 = tpu.memref_squeeze %dma_start3A_22 : memref<1x!tpu.dma_semaphore, #tpu.memory_space<semaphore_mem>> -> memref<!tpu.dma_semaphore, #tpu.memory_space<semaphore_mem>>
      tpu.enqueue_indirect_dma source(%dma_start3A_21 : memref<10240x128xf32, #tpu.memory_space<hbm>>) target(%dma_start3A_15 : memref<128x128xf32, #tpu.memory_space<vmem>>) offsets(%dma_start3A_18 : memref<128xi32, #tpu.memory_space<vmem>>) semaphore(%dma_start3A_23 : memref<!tpu.dma_semaphore, #tpu.memory_space<semaphore_mem>>)
      %dma_start3A_24 = arith.constant 1 : i32
      %dma_start3A_25 = arith.constant 1 : i32
      %dma_start3A_26 = arith.constant 1 : i32
      %dma_start3A_27 = arith.constant 0 : i32
      %dma_start3A_28 = arith.constant 0 : i32
      %dma_start3A_29 = tpu.memref_slice %arg11[%dma_start3A_25, %dma_start3A_27, %dma_start3A_28] : memref<2x128x128xf32, #tpu.memory_space<vmem>> -> memref<1x128x128xf32, #tpu.memory_space<vmem>>
      %dma_start3A_30 = tpu.memref_squeeze %dma_start3A_29 : memref<1x128x128xf32, #tpu.memory_space<vmem>> -> memref<128x128xf32, #tpu.memory_space<vmem>>
      %dma_start3A_31 = arith.constant 0 : i32
      %dma_start3A_32 = tpu.memref_slice %arg9[%dma_start3A_24, %dma_start3A_31] : memref<40x128xi32, #tpu.memory_space<vmem>> -> memref<1x128xi32, #tpu.memory_space<vmem>>
      %dma_start3A_33 = tpu.memref_squeeze %dma_start3A_32 : memref<1x128xi32, #tpu.memory_space<vmem>> -> memref<128xi32, #tpu.memory_space<vmem>>
      %dma_start3A_34 = arith.constant 0 : i32
      %dma_start3A_35 = arith.constant 0 : i32
      %dma_start3A_36 = tpu.memref_slice %arg2[%dma_start3A_34, %dma_start3A_35] : memref<10240x128xf32, #tpu.memory_space<hbm>> -> memref<10240x128xf32, #tpu.memory_space<hbm>>
      %dma_start3A_37 = tpu.memref_slice %arg12[%dma_start3A_26] : memref<2x!tpu.dma_semaphore, #tpu.memory_space<semaphore_mem>> -> memref<1x!tpu.dma_semaphore, #tpu.memory_space<semaphore_mem>>
      %dma_start3A_38 = tpu.memref_squeeze %dma_start3A_37 : memref<1x!tpu.dma_semaphore, #tpu.memory_space<semaphore_mem>> -> memref<!tpu.dma_semaphore, #tpu.memory_space<semaphore_mem>>
      tpu.enqueue_indirect_dma source(%dma_start3A_36 : memref<10240x128xf32, #tpu.memory_space<hbm>>) target(%dma_start3A_30 : memref<128x128xf32, #tpu.memory_space<vmem>>) offsets(%dma_start3A_33 : memref<128xi32, #tpu.memory_space<vmem>>) semaphore(%dma_start3A_38 : memref<!tpu.dma_semaphore, #tpu.memory_space<semaphore_mem>>)
      %barrier3A = arith.constant 0 : index
      tpu.barrier barrier_id(%barrier3A)
      %scan3A = arith.constant 0 : i32
      %scan3A_39 = arith.constant 20 : i32
      %scan3A_40 = arith.addi %scan3A, %scan3A_39 : i32
      %scan3A_41 = arith.constant 1 : i32
      scf.for %scan3A_141 = %scan3A to %scan3A_40 step %scan3A_41  : i32 {
        %mul3A_142 = arith.constant 1 : i32
        %mul3A_143 = arith.muli %scan3A_141, %mul3A_142 : i32
        %add3A_144 = arith.constant 0 : i32
        %add3A_145 = arith.addi %add3A_144, %mul3A_143 : i32
        %mul3A_146 = arith.constant 2 : i32
        %mul3A_147 = arith.muli %add3A_145, %mul3A_146 : i32
        %add3A_148 = arith.constant 0 : i32
        %add3A_149 = arith.addi %mul3A_147, %add3A_148 : i32
        %dma_wait3A_150 = arith.constant 0 : i32
        %dma_wait3A_151 = arith.constant 0 : i32
        %dma_wait3A_152 = arith.constant 0 : i32
        %dma_wait3A_153 = arith.constant 0 : i32
        %dma_wait3A_154 = arith.constant 0 : i32
        %dma_wait3A_155 = tpu.memref_slice %arg11[%dma_wait3A_151, %dma_wait3A_153, %dma_wait3A_154] : memref<2x128x128xf32, #tpu.memory_space<vmem>> -> memref<1x128x128xf32, #tpu.memory_space<vmem>>
        %dma_wait3A_156 = tpu.memref_squeeze %dma_wait3A_155 : memref<1x128x128xf32, #tpu.memory_space<vmem>> -> memref<128x128xf32, #tpu.memory_space<vmem>>
        %dma_wait3A_157 = arith.constant 0 : i32
        %dma_wait3A_158 = tpu.memref_slice %arg9[%dma_wait3A_150, %dma_wait3A_157] : memref<40x128xi32, #tpu.memory_space<vmem>> -> memref<1x128xi32, #tpu.memory_space<vmem>>
        %dma_wait3A_159 = tpu.memref_squeeze %dma_wait3A_158 : memref<1x128xi32, #tpu.memory_space<vmem>> -> memref<128xi32, #tpu.memory_space<vmem>>
        %dma_wait3A_160 = arith.constant 0 : i32
        %dma_wait3A_161 = arith.constant 0 : i32
        %dma_wait3A_162 = tpu.memref_slice %arg2[%dma_wait3A_160, %dma_wait3A_161] : memref<10240x128xf32, #tpu.memory_space<hbm>> -> memref<10240x128xf32, #tpu.memory_space<hbm>>
        %dma_wait3A_163 = tpu.memref_slice %arg12[%dma_wait3A_152] : memref<2x!tpu.dma_semaphore, #tpu.memory_space<semaphore_mem>> -> memref<1x!tpu.dma_semaphore, #tpu.memory_space<semaphore_mem>>
        %dma_wait3A_164 = tpu.memref_squeeze %dma_wait3A_163 : memref<1x!tpu.dma_semaphore, #tpu.memory_space<semaphore_mem>> -> memref<!tpu.dma_semaphore, #tpu.memory_space<semaphore_mem>>
        tpu.wait_indirect_dma semaphore(%dma_wait3A_164 : memref<!tpu.dma_semaphore, #tpu.memory_space<semaphore_mem>>) src(%dma_wait3A_162 : memref<10240x128xf32, #tpu.memory_space<hbm>>) dst(%dma_wait3A_156 : memref<128x128xf32, #tpu.memory_space<vmem>>)
        %dma_start3A_165 = arith.constant 0 : i32
        %dma_start3A_166 = arith.constant 0 : i32
        %dma_start3A_167 = arith.constant 0 : i32
        %dma_start3A_168 = arith.constant 0 : i32
        %dma_start3A_169 = tpu.memref_slice %arg11[%dma_start3A_165, %dma_start3A_167, %dma_start3A_168] : memref<2x128x128xf32, #tpu.memory_space<vmem>> -> memref<1x128x128xf32, #tpu.memory_space<vmem>>
        %dma_start3A_170 = tpu.memref_squeeze %dma_start3A_169 : memref<1x128x128xf32, #tpu.memory_space<vmem>> -> memref<128x128xf32, #tpu.memory_space<vmem>>
        %dma_start3A_171 = arith.constant 0 : i32
        %dma_start3A_172 = tpu.memref_slice %arg10[%add3A_149, %dma_start3A_171] : memref<40x128xi32, #tpu.memory_space<vmem>> -> memref<1x128xi32, #tpu.memory_space<vmem>>
        %dma_start3A_173 = tpu.memref_squeeze %dma_start3A_172 : memref<1x128xi32, #tpu.memory_space<vmem>> -> memref<128xi32, #tpu.memory_space<vmem>>
        %dma_start3A_174 = arith.constant 0 : i32
        %dma_start3A_175 = arith.constant 0 : i32
        %dma_start3A_176 = tpu.memref_slice %arg14[%dma_start3A_174, %dma_start3A_175] : memref<10240x128xf32, #tpu.memory_space<vmem_shared>> -> memref<10240x128xf32, #tpu.memory_space<vmem_shared>>
        %dma_start3A_177 = tpu.memref_slice %arg13[%dma_start3A_166] : memref<2x!tpu.dma_semaphore, #tpu.memory_space<semaphore_mem>> -> memref<1x!tpu.dma_semaphore, #tpu.memory_space<semaphore_mem>>
        %dma_start3A_178 = tpu.memref_squeeze %dma_start3A_177 : memref<1x!tpu.dma_semaphore, #tpu.memory_space<semaphore_mem>> -> memref<!tpu.dma_semaphore, #tpu.memory_space<semaphore_mem>>
        tpu.enqueue_indirect_dma source(%dma_start3A_170 : memref<128x128xf32, #tpu.memory_space<vmem>>) target(%dma_start3A_176 : memref<10240x128xf32, #tpu.memory_space<vmem_shared>>) offsets(%dma_start3A_173 : memref<128xi32, #tpu.memory_space<vmem>>) semaphore(%dma_start3A_178 : memref<!tpu.dma_semaphore, #tpu.memory_space<semaphore_mem>>) {add = true}
        %add3A_179 = arith.constant 2 : i32
        %add3A_180 = arith.addi %add3A_149, %add3A_179 : i32
        %lt3A = arith.constant 40 : i32
        %lt3A_181 = arith.cmpi slt, %add3A_180, %lt3A : i32
        %convert_element_type3A_182 = arith.extui %lt3A_181 : i1 to i32
        %cond3A_183 = arith.constant 0 : i32
        %cond3A_184 = arith.cmpi ne, %convert_element_type3A_182, %cond3A_183 : i32
        scf.if %cond3A_184 {
          %dma_wait3A_225 = arith.constant 0 : i32
          %dma_wait3A_226 = arith.constant 0 : i32
          %dma_wait3A_227 = arith.constant 0 : i32
          %dma_wait3A_228 = arith.constant 0 : i32
          %dma_wait3A_229 = tpu.memref_slice %arg11[%dma_wait3A_225, %dma_wait3A_227, %dma_wait3A_228] : memref<2x128x128xf32, #tpu.memory_space<vmem>> -> memref<1x128x128xf32, #tpu.memory_space<vmem>>
          %dma_wait3A_230 = tpu.memref_squeeze %dma_wait3A_229 : memref<1x128x128xf32, #tpu.memory_space<vmem>> -> memref<128x128xf32, #tpu.memory_space<vmem>>
          %dma_wait3A_231 = arith.constant 0 : i32
          %dma_wait3A_232 = tpu.memref_slice %arg10[%add3A_149, %dma_wait3A_231] : memref<40x128xi32, #tpu.memory_space<vmem>> -> memref<1x128xi32, #tpu.memory_space<vmem>>
          %dma_wait3A_233 = tpu.memref_squeeze %dma_wait3A_232 : memref<1x128xi32, #tpu.memory_space<vmem>> -> memref<128xi32, #tpu.memory_space<vmem>>
          %dma_wait3A_234 = arith.constant 0 : i32
          %dma_wait3A_235 = arith.constant 0 : i32
          %dma_wait3A_236 = tpu.memref_slice %arg14[%dma_wait3A_234, %dma_wait3A_235] : memref<10240x128xf32, #tpu.memory_space<vmem_shared>> -> memref<10240x128xf32, #tpu.memory_space<vmem_shared>>
          %dma_wait3A_237 = tpu.memref_slice %arg13[%dma_wait3A_226] : memref<2x!tpu.dma_semaphore, #tpu.memory_space<semaphore_mem>> -> memref<1x!tpu.dma_semaphore, #tpu.memory_space<semaphore_mem>>
          %dma_wait3A_238 = tpu.memref_squeeze %dma_wait3A_237 : memref<1x!tpu.dma_semaphore, #tpu.memory_space<semaphore_mem>> -> memref<!tpu.dma_semaphore, #tpu.memory_space<semaphore_mem>>
          tpu.wait_indirect_dma semaphore(%dma_wait3A_238 : memref<!tpu.dma_semaphore, #tpu.memory_space<semaphore_mem>>) src(%dma_wait3A_230 : memref<128x128xf32, #tpu.memory_space<vmem>>) dst(%dma_wait3A_236 : memref<10240x128xf32, #tpu.memory_space<vmem_shared>>)
          %dma_start3A_239 = arith.constant 0 : i32
          %dma_start3A_240 = arith.constant 0 : i32
          %dma_start3A_241 = arith.constant 0 : i32
          %dma_start3A_242 = arith.constant 0 : i32
          %dma_start3A_243 = tpu.memref_slice %arg11[%dma_start3A_239, %dma_start3A_241, %dma_start3A_242] : memref<2x128x128xf32, #tpu.memory_space<vmem>> -> memref<1x128x128xf32, #tpu.memory_space<vmem>>
          %dma_start3A_244 = tpu.memref_squeeze %dma_start3A_243 : memref<1x128x128xf32, #tpu.memory_space<vmem>> -> memref<128x128xf32, #tpu.memory_space<vmem>>
          %dma_start3A_245 = arith.constant 0 : i32
          %dma_start3A_246 = tpu.memref_slice %arg9[%add3A_180, %dma_start3A_245] : memref<40x128xi32, #tpu.memory_space<vmem>> -> memref<1x128xi32, #tpu.memory_space<vmem>>
          %dma_start3A_247 = tpu.memref_squeeze %dma_start3A_246 : memref<1x128xi32, #tpu.memory_space<vmem>> -> memref<128xi32, #tpu.memory_space<vmem>>
          %dma_start3A_248 = arith.constant 0 : i32
          %dma_start3A_249 = arith.constant 0 : i32
          %dma_start3A_250 = tpu.memref_slice %arg2[%dma_start3A_248, %dma_start3A_249] : memref<10240x128xf32, #tpu.memory_space<hbm>> -> memref<10240x128xf32, #tpu.memory_space<hbm>>
          %dma_start3A_251 = tpu.memref_slice %arg12[%dma_start3A_240] : memref<2x!tpu.dma_semaphore, #tpu.memory_space<semaphore_mem>> -> memref<1x!tpu.dma_semaphore, #tpu.memory_space<semaphore_mem>>
          %dma_start3A_252 = tpu.memref_squeeze %dma_start3A_251 : memref<1x!tpu.dma_semaphore, #tpu.memory_space<semaphore_mem>> -> memref<!tpu.dma_semaphore, #tpu.memory_space<semaphore_mem>>
          tpu.enqueue_indirect_dma source(%dma_start3A_250 : memref<10240x128xf32, #tpu.memory_space<hbm>>) target(%dma_start3A_244 : memref<128x128xf32, #tpu.memory_space<vmem>>) offsets(%dma_start3A_247 : memref<128xi32, #tpu.memory_space<vmem>>) semaphore(%dma_start3A_252 : memref<!tpu.dma_semaphore, #tpu.memory_space<semaphore_mem>>)
        } else {
        }
        %mul3A_185 = arith.constant 2 : i32
        %mul3A_186 = arith.muli %add3A_145, %mul3A_185 : i32
        %add3A_187 = arith.constant 1 : i32
        %add3A_188 = arith.addi %mul3A_186, %add3A_187 : i32
        %dma_wait3A_189 = arith.constant 1 : i32
        %dma_wait3A_190 = arith.constant 1 : i32
        %dma_wait3A_191 = arith.constant 1 : i32
        %dma_wait3A_192 = arith.constant 0 : i32
        %dma_wait3A_193 = arith.constant 0 : i32
        %dma_wait3A_194 = tpu.memref_slice %arg11[%dma_wait3A_190, %dma_wait3A_192, %dma_wait3A_193] : memref<2x128x128xf32, #tpu.memory_space<vmem>> -> memref<1x128x128xf32, #tpu.memory_space<vmem>>
        %dma_wait3A_195 = tpu.memref_squeeze %dma_wait3A_194 : memref<1x128x128xf32, #tpu.memory_space<vmem>> -> memref<128x128xf32, #tpu.memory_space<vmem>>
        %dma_wait3A_196 = arith.constant 0 : i32
        %dma_wait3A_197 = tpu.memref_slice %arg9[%dma_wait3A_189, %dma_wait3A_196] : memref<40x128xi32, #tpu.memory_space<vmem>> -> memref<1x128xi32, #tpu.memory_space<vmem>>
        %dma_wait3A_198 = tpu.memref_squeeze %dma_wait3A_197 : memref<1x128xi32, #tpu.memory_space<vmem>> -> memref<128xi32, #tpu.memory_space<vmem>>
        %dma_wait3A_199 = arith.constant 0 : i32
        %dma_wait3A_200 = arith.constant 0 : i32
        %dma_wait3A_201 = tpu.memref_slice %arg2[%dma_wait3A_199, %dma_wait3A_200] : memref<10240x128xf32, #tpu.memory_space<hbm>> -> memref<10240x128xf32, #tpu.memory_space<hbm>>
        %dma_wait3A_202 = tpu.memref_slice %arg12[%dma_wait3A_191] : memref<2x!tpu.dma_semaphore, #tpu.memory_space<semaphore_mem>> -> memref<1x!tpu.dma_semaphore, #tpu.memory_space<semaphore_mem>>
        %dma_wait3A_203 = tpu.memref_squeeze %dma_wait3A_202 : memref<1x!tpu.dma_semaphore, #tpu.memory_space<semaphore_mem>> -> memref<!tpu.dma_semaphore, #tpu.memory_space<semaphore_mem>>
        tpu.wait_indirect_dma semaphore(%dma_wait3A_203 : memref<!tpu.dma_semaphore, #tpu.memory_space<semaphore_mem>>) src(%dma_wait3A_201 : memref<10240x128xf32, #tpu.memory_space<hbm>>) dst(%dma_wait3A_195 : memref<128x128xf32, #tpu.memory_space<vmem>>)
        %dma_start3A_204 = arith.constant 1 : i32
        %dma_start3A_205 = arith.constant 1 : i32
        %dma_start3A_206 = arith.constant 0 : i32
        %dma_start3A_207 = arith.constant 0 : i32
        %dma_start3A_208 = tpu.memref_slice %arg11[%dma_start3A_204, %dma_start3A_206, %dma_start3A_207] : memref<2x128x128xf32, #tpu.memory_space<vmem>> -> memref<1x128x128xf32, #tpu.memory_space<vmem>>
        %dma_start3A_209 = tpu.memref_squeeze %dma_start3A_208 : memref<1x128x128xf32, #tpu.memory_space<vmem>> -> memref<128x128xf32, #tpu.memory_space<vmem>>
        %dma_start3A_210 = arith.constant 0 : i32
        %dma_start3A_211 = tpu.memref_slice %arg10[%add3A_188, %dma_start3A_210] : memref<40x128xi32, #tpu.memory_space<vmem>> -> memref<1x128xi32, #tpu.memory_space<vmem>>
        %dma_start3A_212 = tpu.memref_squeeze %dma_start3A_211 : memref<1x128xi32, #tpu.memory_space<vmem>> -> memref<128xi32, #tpu.memory_space<vmem>>
        %dma_start3A_213 = arith.constant 0 : i32
        %dma_start3A_214 = arith.constant 0 : i32
        %dma_start3A_215 = tpu.memref_slice %arg14[%dma_start3A_213, %dma_start3A_214] : memref<10240x128xf32, #tpu.memory_space<vmem_shared>> -> memref<10240x128xf32, #tpu.memory_space<vmem_shared>>
        %dma_start3A_216 = tpu.memref_slice %arg13[%dma_start3A_205] : memref<2x!tpu.dma_semaphore, #tpu.memory_space<semaphore_mem>> -> memref<1x!tpu.dma_semaphore, #tpu.memory_space<semaphore_mem>>
        %dma_start3A_217 = tpu.memref_squeeze %dma_start3A_216 : memref<1x!tpu.dma_semaphore, #tpu.memory_space<semaphore_mem>> -> memref<!tpu.dma_semaphore, #tpu.memory_space<semaphore_mem>>
        tpu.enqueue_indirect_dma source(%dma_start3A_209 : memref<128x128xf32, #tpu.memory_space<vmem>>) target(%dma_start3A_215 : memref<10240x128xf32, #tpu.memory_space<vmem_shared>>) offsets(%dma_start3A_212 : memref<128xi32, #tpu.memory_space<vmem>>) semaphore(%dma_start3A_217 : memref<!tpu.dma_semaphore, #tpu.memory_space<semaphore_mem>>) {add = true}
        %add3A_218 = arith.constant 2 : i32
        %add3A_219 = arith.addi %add3A_188, %add3A_218 : i32
        %lt3A_220 = arith.constant 40 : i32
        %lt3A_221 = arith.cmpi slt, %add3A_219, %lt3A_220 : i32
        %convert_element_type3A_222 = arith.extui %lt3A_221 : i1 to i32
        %cond3A_223 = arith.constant 0 : i32
        %cond3A_224 = arith.cmpi ne, %convert_element_type3A_222, %cond3A_223 : i32
        scf.if %cond3A_224 {
          %dma_wait3A_225 = arith.constant 1 : i32
          %dma_wait3A_226 = arith.constant 1 : i32
          %dma_wait3A_227 = arith.constant 0 : i32
          %dma_wait3A_228 = arith.constant 0 : i32
          %dma_wait3A_229 = tpu.memref_slice %arg11[%dma_wait3A_225, %dma_wait3A_227, %dma_wait3A_228] : memref<2x128x128xf32, #tpu.memory_space<vmem>> -> memref<1x128x128xf32, #tpu.memory_space<vmem>>
          %dma_wait3A_230 = tpu.memref_squeeze %dma_wait3A_229 : memref<1x128x128xf32, #tpu.memory_space<vmem>> -> memref<128x128xf32, #tpu.memory_space<vmem>>
          %dma_wait3A_231 = arith.constant 0 : i32
          %dma_wait3A_232 = tpu.memref_slice %arg10[%add3A_188, %dma_wait3A_231] : memref<40x128xi32, #tpu.memory_space<vmem>> -> memref<1x128xi32, #tpu.memory_space<vmem>>
          %dma_wait3A_233 = tpu.memref_squeeze %dma_wait3A_232 : memref<1x128xi32, #tpu.memory_space<vmem>> -> memref<128xi32, #tpu.memory_space<vmem>>
          %dma_wait3A_234 = arith.constant 0 : i32
          %dma_wait3A_235 = arith.constant 0 : i32
          %dma_wait3A_236 = tpu.memref_slice %arg14[%dma_wait3A_234, %dma_wait3A_235] : memref<10240x128xf32, #tpu.memory_space<vmem_shared>> -> memref<10240x128xf32, #tpu.memory_space<vmem_shared>>
          %dma_wait3A_237 = tpu.memref_slice %arg13[%dma_wait3A_226] : memref<2x!tpu.dma_semaphore, #tpu.memory_space<semaphore_mem>> -> memref<1x!tpu.dma_semaphore, #tpu.memory_space<semaphore_mem>>
          %dma_wait3A_238 = tpu.memref_squeeze %dma_wait3A_237 : memref<1x!tpu.dma_semaphore, #tpu.memory_space<semaphore_mem>> -> memref<!tpu.dma_semaphore, #tpu.memory_space<semaphore_mem>>
          tpu.wait_indirect_dma semaphore(%dma_wait3A_238 : memref<!tpu.dma_semaphore, #tpu.memory_space<semaphore_mem>>) src(%dma_wait3A_230 : memref<128x128xf32, #tpu.memory_space<vmem>>) dst(%dma_wait3A_236 : memref<10240x128xf32, #tpu.memory_space<vmem_shared>>)
          %dma_start3A_239 = arith.constant 1 : i32
          %dma_start3A_240 = arith.constant 1 : i32
          %dma_start3A_241 = arith.constant 0 : i32
          %dma_start3A_242 = arith.constant 0 : i32
          %dma_start3A_243 = tpu.memref_slice %arg11[%dma_start3A_239, %dma_start3A_241, %dma_start3A_242] : memref<2x128x128xf32, #tpu.memory_space<vmem>> -> memref<1x128x128xf32, #tpu.memory_space<vmem>>
          %dma_start3A_244 = tpu.memref_squeeze %dma_start3A_243 : memref<1x128x128xf32, #tpu.memory_space<vmem>> -> memref<128x128xf32, #tpu.memory_space<vmem>>
          %dma_start3A_245 = arith.constant 0 : i32
          %dma_start3A_246 = tpu.memref_slice %arg9[%add3A_219, %dma_start3A_245] : memref<40x128xi32, #tpu.memory_space<vmem>> -> memref<1x128xi32, #tpu.memory_space<vmem>>
          %dma_start3A_247 = tpu.memref_squeeze %dma_start3A_246 : memref<1x128xi32, #tpu.memory_space<vmem>> -> memref<128xi32, #tpu.memory_space<vmem>>
          %dma_start3A_248 = arith.constant 0 : i32
          %dma_start3A_249 = arith.constant 0 : i32
          %dma_start3A_250 = tpu.memref_slice %arg2[%dma_start3A_248, %dma_start3A_249] : memref<10240x128xf32, #tpu.memory_space<hbm>> -> memref<10240x128xf32, #tpu.memory_space<hbm>>
          %dma_start3A_251 = tpu.memref_slice %arg12[%dma_start3A_240] : memref<2x!tpu.dma_semaphore, #tpu.memory_space<semaphore_mem>> -> memref<1x!tpu.dma_semaphore, #tpu.memory_space<semaphore_mem>>
          %dma_start3A_252 = tpu.memref_squeeze %dma_start3A_251 : memref<1x!tpu.dma_semaphore, #tpu.memory_space<semaphore_mem>> -> memref<!tpu.dma_semaphore, #tpu.memory_space<semaphore_mem>>
          tpu.enqueue_indirect_dma source(%dma_start3A_250 : memref<10240x128xf32, #tpu.memory_space<hbm>>) target(%dma_start3A_244 : memref<128x128xf32, #tpu.memory_space<vmem>>) offsets(%dma_start3A_247 : memref<128xi32, #tpu.memory_space<vmem>>) semaphore(%dma_start3A_252 : memref<!tpu.dma_semaphore, #tpu.memory_space<semaphore_mem>>)
        } else {
        }
      }
      %scan3A_42 = arith.constant 20 : i32
      %dma_wait3A = arith.constant 0 : i32
      %dma_wait3A_43 = arith.constant 0 : i32
      %dma_wait3A_44 = arith.constant 0 : i32
      %dma_wait3A_45 = arith.constant 0 : i32
      %dma_wait3A_46 = arith.constant 0 : i32
      %dma_wait3A_47 = tpu.memref_slice %arg11[%dma_wait3A, %dma_wait3A_45, %dma_wait3A_46] : memref<2x128x128xf32, #tpu.memory_space<vmem>> -> memref<1x128x128xf32, #tpu.memory_space<vmem>>
      %dma_wait3A_48 = tpu.memref_squeeze %dma_wait3A_47 : memref<1x128x128xf32, #tpu.memory_space<vmem>> -> memref<128x128xf32, #tpu.memory_space<vmem>>
      %dma_wait3A_49 = arith.constant 0 : i32
      %dma_wait3A_50 = tpu.memref_slice %arg10[%dma_wait3A_43, %dma_wait3A_49] : memref<40x128xi32, #tpu.memory_space<vmem>> -> memref<1x128xi32, #tpu.memory_space<vmem>>
      %dma_wait3A_51 = tpu.memref_squeeze %dma_wait3A_50 : memref<1x128xi32, #tpu.memory_space<vmem>> -> memref<128xi32, #tpu.memory_space<vmem>>
      %dma_wait3A_52 = arith.constant 0 : i32
      %dma_wait3A_53 = arith.constant 0 : i32
      %dma_wait3A_54 = tpu.memref_slice %arg14[%dma_wait3A_52, %dma_wait3A_53] : memref<10240x128xf32, #tpu.memory_space<vmem_shared>> -> memref<10240x128xf32, #tpu.memory_space<vmem_shared>>
      %dma_wait3A_55 = tpu.memref_slice %arg13[%dma_wait3A_44] : memref<2x!tpu.dma_semaphore, #tpu.memory_space<semaphore_mem>> -> memref<1x!tpu.dma_semaphore, #tpu.memory_space<semaphore_mem>>
      %dma_wait3A_56 = tpu.memref_squeeze %dma_wait3A_55 : memref<1x!tpu.dma_semaphore, #tpu.memory_space<semaphore_mem>> -> memref<!tpu.dma_semaphore, #tpu.memory_space<semaphore_mem>>
      tpu.wait_indirect_dma semaphore(%dma_wait3A_56 : memref<!tpu.dma_semaphore, #tpu.memory_space<semaphore_mem>>) src(%dma_wait3A_48 : memref<128x128xf32, #tpu.memory_space<vmem>>) dst(%dma_wait3A_54 : memref<10240x128xf32, #tpu.memory_space<vmem_shared>>)
      %dma_wait3A_57 = arith.constant 1 : i32
      %dma_wait3A_58 = arith.constant 1 : i32
      %dma_wait3A_59 = arith.constant 1 : i32
      %dma_wait3A_60 = arith.constant 0 : i32
      %dma_wait3A_61 = arith.constant 0 : i32
      %dma_wait3A_62 = tpu.memref_slice %arg11[%dma_wait3A_57, %dma_wait3A_60, %dma_wait3A_61] : memref<2x128x128xf32, #tpu.memory_space<vmem>> -> memref<1x128x128xf32, #tpu.memory_space<vmem>>
      %dma_wait3A_63 = tpu.memref_squeeze %dma_wait3A_62 : memref<1x128x128xf32, #tpu.memory_space<vmem>> -> memref<128x128xf32, #tpu.memory_space<vmem>>
      %dma_wait3A_64 = arith.constant 0 : i32
      %dma_wait3A_65 = tpu.memref_slice %arg10[%dma_wait3A_58, %dma_wait3A_64] : memref<40x128xi32, #tpu.memory_space<vmem>> -> memref<1x128xi32, #tpu.memory_space<vmem>>
      %dma_wait3A_66 = tpu.memref_squeeze %dma_wait3A_65 : memref<1x128xi32, #tpu.memory_space<vmem>> -> memref<128xi32, #tpu.memory_space<vmem>>
      %dma_wait3A_67 = arith.constant 0 : i32
      %dma_wait3A_68 = arith.constant 0 : i32
      %dma_wait3A_69 = tpu.memref_slice %arg14[%dma_wait3A_67, %dma_wait3A_68] : memref<10240x128xf32, #tpu.memory_space<vmem_shared>> -> memref<10240x128xf32, #tpu.memory_space<vmem_shared>>
      %dma_wait3A_70 = tpu.memref_slice %arg13[%dma_wait3A_59] : memref<2x!tpu.dma_semaphore, #tpu.memory_space<semaphore_mem>> -> memref<1x!tpu.dma_semaphore, #tpu.memory_space<semaphore_mem>>
      %dma_wait3A_71 = tpu.memref_squeeze %dma_wait3A_70 : memref<1x!tpu.dma_semaphore, #tpu.memory_space<semaphore_mem>> -> memref<!tpu.dma_semaphore, #tpu.memory_space<semaphore_mem>>
      tpu.wait_indirect_dma semaphore(%dma_wait3A_71 : memref<!tpu.dma_semaphore, #tpu.memory_space<semaphore_mem>>) src(%dma_wait3A_63 : memref<128x128xf32, #tpu.memory_space<vmem>>) dst(%dma_wait3A_69 : memref<10240x128xf32, #tpu.memory_space<vmem_shared>>)
      %add3A = arith.constant 40 : i32
      %add3A_72 = arith.addi %mul3A_2, %add3A : i32
      "tpu.region"() ({
        %run_scoped3A = tpu.sem_alloc : memref<!tpu.dma_semaphore, #tpu.memory_space<semaphore_mem>>
        %dma_start3A_141 = arith.constant 0 : i32
        %dma_start3A_142 = tpu.memref_slice %arg4[%add3A_72, %dma_start3A_141] : memref<1280x128xi32, #tpu.memory_space<hbm>> -> memref<40x128xi32, #tpu.memory_space<hbm>>
        %dma_start3A_143 = arith.constant 0 : i32
        %dma_start3A_144 = tpu.memref_slice %arg4[%add3A_72, %dma_start3A_143] : memref<1280x128xi32, #tpu.memory_space<hbm>> -> memref<40x128xi32, #tpu.memory_space<hbm>>
        tpu.enqueue_dma source(%dma_start3A_144 : memref<40x128xi32, #tpu.memory_space<hbm>>) target(%arg9 : memref<40x128xi32, #tpu.memory_space<vmem>>) target_semaphore(%run_scoped3A : memref<!tpu.dma_semaphore, #tpu.memory_space<semaphore_mem>>)
        %dma_wait3A_145 = arith.constant 0 : i32
        %dma_wait3A_146 = tpu.memref_slice %arg4[%add3A_72, %dma_wait3A_145] : memref<1280x128xi32, #tpu.memory_space<hbm>> -> memref<40x128xi32, #tpu.memory_space<hbm>>
        %dma_wait3A_147 = arith.constant 0 : i32
        %dma_wait3A_148 = tpu.memref_slice %arg4[%add3A_72, %dma_wait3A_147] : memref<1280x128xi32, #tpu.memory_space<hbm>> -> memref<40x128xi32, #tpu.memory_space<hbm>>
        tpu.wait_dma2 semaphore(%run_scoped3A : memref<!tpu.dma_semaphore, #tpu.memory_space<semaphore_mem>>) src(%dma_wait3A_148 : memref<40x128xi32, #tpu.memory_space<hbm>>) dst(%arg9 : memref<40x128xi32, #tpu.memory_space<vmem>>)
        tpu.yield
      }) : () -> ()
      %add3A_73 = arith.constant 40 : i32
      %add3A_74 = arith.addi %mul3A_2, %add3A_73 : i32
      "tpu.region"() ({
        %run_scoped3A = tpu.sem_alloc : memref<!tpu.dma_semaphore, #tpu.memory_space<semaphore_mem>>
        %dma_start3A_141 = arith.constant 0 : i32
        %dma_start3A_142 = tpu.memref_slice %arg5[%add3A_74, %dma_start3A_141] : memref<1280x128xi32, #tpu.memory_space<hbm>> -> memref<40x128xi32, #tpu.memory_space<hbm>>
        %dma_start3A_143 = arith.constant 0 : i32
        %dma_start3A_144 = tpu.memref_slice %arg5[%add3A_74, %dma_start3A_143] : memref<1280x128xi32, #tpu.memory_space<hbm>> -> memref<40x128xi32, #tpu.memory_space<hbm>>
        tpu.enqueue_dma source(%dma_start3A_144 : memref<40x128xi32, #tpu.memory_space<hbm>>) target(%arg10 : memref<40x128xi32, #tpu.memory_space<vmem>>) target_semaphore(%run_scoped3A : memref<!tpu.dma_semaphore, #tpu.memory_space<semaphore_mem>>)
        %dma_wait3A_145 = arith.constant 0 : i32
        %dma_wait3A_146 = tpu.memref_slice %arg5[%add3A_74, %dma_wait3A_145] : memref<1280x128xi32, #tpu.memory_space<hbm>> -> memref<40x128xi32, #tpu.memory_space<hbm>>
        %dma_wait3A_147 = arith.constant 0 : i32
        %dma_wait3A_148 = tpu.memref_slice %arg5[%add3A_74, %dma_wait3A_147] : memref<1280x128xi32, #tpu.memory_space<hbm>> -> memref<40x128xi32, #tpu.memory_space<hbm>>
        tpu.wait_dma2 semaphore(%run_scoped3A : memref<!tpu.dma_semaphore, #tpu.memory_space<semaphore_mem>>) src(%dma_wait3A_148 : memref<40x128xi32, #tpu.memory_space<hbm>>) dst(%arg10 : memref<40x128xi32, #tpu.memory_space<vmem>>)
        tpu.yield
      }) : () -> ()
      %dma_start3A_75 = arith.constant 0 : i32
      %dma_start3A_76 = arith.constant 0 : i32
      %dma_start3A_77 = arith.constant 0 : i32
      %dma_start3A_78 = arith.constant 0 : i32
      %dma_start3A_79 = arith.constant 0 : i32
      %dma_start3A_80 = tpu.memref_slice %arg11[%dma_start3A_76, %dma_start3A_78, %dma_start3A_79] : memref<2x128x128xf32, #tpu.memory_space<vmem>> -> memref<1x128x128xf32, #tpu.memory_space<vmem>>
      %dma_start3A_81 = tpu.memref_squeeze %dma_start3A_80 : memref<1x128x128xf32, #tpu.memory_space<vmem>> -> memref<128x128xf32, #tpu.memory_space<vmem>>
      %dma_start3A_82 = arith.constant 0 : i32
      %dma_start3A_83 = tpu.memref_slice %arg9[%dma_start3A_75, %dma_start3A_82] : memref<40x128xi32, #tpu.memory_space<vmem>> -> memref<1x128xi32, #tpu.memory_space<vmem>>
      %dma_start3A_84 = tpu.memref_squeeze %dma_start3A_83 : memref<1x128xi32, #tpu.memory_space<vmem>> -> memref<128xi32, #tpu.memory_space<vmem>>
      %dma_start3A_85 = arith.constant 0 : i32
      %dma_start3A_86 = arith.constant 0 : i32
      %dma_start3A_87 = tpu.memref_slice %arg2[%dma_start3A_85, %dma_start3A_86] : memref<10240x128xf32, #tpu.memory_space<hbm>> -> memref<10240x128xf32, #tpu.memory_space<hbm>>
      %dma_start3A_88 = tpu.memref_slice %arg12[%dma_start3A_77] : memref<2x!tpu.dma_semaphore, #tpu.memory_space<semaphore_mem>> -> memref<1x!tpu.dma_semaphore, #tpu.memory_space<semaphore_mem>>
      %dma_start3A_89 = tpu.memref_squeeze %dma_start3A_88 : memref<1x!tpu.dma_semaphore, #tpu.memory_space<semaphore_mem>> -> memref<!tpu.dma_semaphore, #tpu.memory_space<semaphore_mem>>
      tpu.enqueue_indirect_dma source(%dma_start3A_87 : memref<10240x128xf32, #tpu.memory_space<hbm>>) target(%dma_start3A_81 : memref<128x128xf32, #tpu.memory_space<vmem>>) offsets(%dma_start3A_84 : memref<128xi32, #tpu.memory_space<vmem>>) semaphore(%dma_start3A_89 : memref<!tpu.dma_semaphore, #tpu.memory_space<semaphore_mem>>)
      %dma_start3A_90 = arith.constant 1 : i32
      %dma_start3A_91 = arith.constant 1 : i32
      %dma_start3A_92 = arith.constant 1 : i32
      %dma_start3A_93 = arith.constant 0 : i32
      %dma_start3A_94 = arith.constant 0 : i32
      %dma_start3A_95 = tpu.memref_slice %arg11[%dma_start3A_91, %dma_start3A_93, %dma_start3A_94] : memref<2x128x128xf32, #tpu.memory_space<vmem>> -> memref<1x128x128xf32, #tpu.memory_space<vmem>>
      %dma_start3A_96 = tpu.memref_squeeze %dma_start3A_95 : memref<1x128x128xf32, #tpu.memory_space<vmem>> -> memref<128x128xf32, #tpu.memory_space<vmem>>
      %dma_start3A_97 = arith.constant 0 : i32
      %dma_start3A_98 = tpu.memref_slice %arg9[%dma_start3A_90, %dma_start3A_97] : memref<40x128xi32, #tpu.memory_space<vmem>> -> memref<1x128xi32, #tpu.memory_space<vmem>>
      %dma_start3A_99 = tpu.memref_squeeze %dma_start3A_98 : memref<1x128xi32, #tpu.memory_space<vmem>> -> memref<128xi32, #tpu.memory_space<vmem>>
      %dma_start3A_100 = arith.constant 0 : i32
      %dma_start3A_101 = arith.constant 0 : i32
      %dma_start3A_102 = tpu.memref_slice %arg2[%dma_start3A_100, %dma_start3A_101] : memref<10240x128xf32, #tpu.memory_space<hbm>> -> memref<10240x128xf32, #tpu.memory_space<hbm>>
      %dma_start3A_103 = tpu.memref_slice %arg12[%dma_start3A_92] : memref<2x!tpu.dma_semaphore, #tpu.memory_space<semaphore_mem>> -> memref<1x!tpu.dma_semaphore, #tpu.memory_space<semaphore_mem>>
      %dma_start3A_104 = tpu.memref_squeeze %dma_start3A_103 : memref<1x!tpu.dma_semaphore, #tpu.memory_space<semaphore_mem>> -> memref<!tpu.dma_semaphore, #tpu.memory_space<semaphore_mem>>
      tpu.enqueue_indirect_dma source(%dma_start3A_102 : memref<10240x128xf32, #tpu.memory_space<hbm>>) target(%dma_start3A_96 : memref<128x128xf32, #tpu.memory_space<vmem>>) offsets(%dma_start3A_99 : memref<128xi32, #tpu.memory_space<vmem>>) semaphore(%dma_start3A_104 : memref<!tpu.dma_semaphore, #tpu.memory_space<semaphore_mem>>)
      %scan3A_105 = arith.constant 0 : i32
      %scan3A_106 = arith.constant 20 : i32
      %scan3A_107 = arith.addi %scan3A_105, %scan3A_106 : i32
      %scan3A_108 = arith.constant 1 : i32
      scf.for %scan3A_141 = %scan3A_105 to %scan3A_107 step %scan3A_108  : i32 {
        %mul3A_142 = arith.constant 1 : i32
        %mul3A_143 = arith.muli %scan3A_141, %mul3A_142 : i32
        %add3A_144 = arith.constant 0 : i32
        %add3A_145 = arith.addi %add3A_144, %mul3A_143 : i32
        %mul3A_146 = arith.constant 2 : i32
        %mul3A_147 = arith.muli %add3A_145, %mul3A_146 : i32
        %add3A_148 = arith.constant 0 : i32
        %add3A_149 = arith.addi %mul3A_147, %add3A_148 : i32
        %dma_wait3A_150 = arith.constant 0 : i32
        %dma_wait3A_151 = arith.constant 0 : i32
        %dma_wait3A_152 = arith.constant 0 : i32
        %dma_wait3A_153 = arith.constant 0 : i32
        %dma_wait3A_154 = arith.constant 0 : i32
        %dma_wait3A_155 = tpu.memref_slice %arg11[%dma_wait3A_151, %dma_wait3A_153, %dma_wait3A_154] : memref<2x128x128xf32, #tpu.memory_space<vmem>> -> memref<1x128x128xf32, #tpu.memory_space<vmem>>
        %dma_wait3A_156 = tpu.memref_squeeze %dma_wait3A_155 : memref<1x128x128xf32, #tpu.memory_space<vmem>> -> memref<128x128xf32, #tpu.memory_space<vmem>>
        %dma_wait3A_157 = arith.constant 0 : i32
        %dma_wait3A_158 = tpu.memref_slice %arg9[%dma_wait3A_150, %dma_wait3A_157] : memref<40x128xi32, #tpu.memory_space<vmem>> -> memref<1x128xi32, #tpu.memory_space<vmem>>
        %dma_wait3A_159 = tpu.memref_squeeze %dma_wait3A_158 : memref<1x128xi32, #tpu.memory_space<vmem>> -> memref<128xi32, #tpu.memory_space<vmem>>
        %dma_wait3A_160 = arith.constant 0 : i32
        %dma_wait3A_161 = arith.constant 0 : i32
        %dma_wait3A_162 = tpu.memref_slice %arg2[%dma_wait3A_160, %dma_wait3A_161] : memref<10240x128xf32, #tpu.memory_space<hbm>> -> memref<10240x128xf32, #tpu.memory_space<hbm>>
        %dma_wait3A_163 = tpu.memref_slice %arg12[%dma_wait3A_152] : memref<2x!tpu.dma_semaphore, #tpu.memory_space<semaphore_mem>> -> memref<1x!tpu.dma_semaphore, #tpu.memory_space<semaphore_mem>>
        %dma_wait3A_164 = tpu.memref_squeeze %dma_wait3A_163 : memref<1x!tpu.dma_semaphore, #tpu.memory_space<semaphore_mem>> -> memref<!tpu.dma_semaphore, #tpu.memory_space<semaphore_mem>>
        tpu.wait_indirect_dma semaphore(%dma_wait3A_164 : memref<!tpu.dma_semaphore, #tpu.memory_space<semaphore_mem>>) src(%dma_wait3A_162 : memref<10240x128xf32, #tpu.memory_space<hbm>>) dst(%dma_wait3A_156 : memref<128x128xf32, #tpu.memory_space<vmem>>)
        %dma_start3A_165 = arith.constant 0 : i32
        %dma_start3A_166 = arith.constant 0 : i32
        %dma_start3A_167 = arith.constant 0 : i32
        %dma_start3A_168 = arith.constant 0 : i32
        %dma_start3A_169 = tpu.memref_slice %arg11[%dma_start3A_165, %dma_start3A_167, %dma_start3A_168] : memref<2x128x128xf32, #tpu.memory_space<vmem>> -> memref<1x128x128xf32, #tpu.memory_space<vmem>>
        %dma_start3A_170 = tpu.memref_squeeze %dma_start3A_169 : memref<1x128x128xf32, #tpu.memory_space<vmem>> -> memref<128x128xf32, #tpu.memory_space<vmem>>
        %dma_start3A_171 = arith.constant 0 : i32
        %dma_start3A_172 = tpu.memref_slice %arg10[%add3A_149, %dma_start3A_171] : memref<40x128xi32, #tpu.memory_space<vmem>> -> memref<1x128xi32, #tpu.memory_space<vmem>>
        %dma_start3A_173 = tpu.memref_squeeze %dma_start3A_172 : memref<1x128xi32, #tpu.memory_space<vmem>> -> memref<128xi32, #tpu.memory_space<vmem>>
        %dma_start3A_174 = arith.constant 0 : i32
        %dma_start3A_175 = arith.constant 0 : i32
        %dma_start3A_176 = tpu.memref_slice %arg14[%dma_start3A_174, %dma_start3A_175] : memref<10240x128xf32, #tpu.memory_space<vmem_shared>> -> memref<10240x128xf32, #tpu.memory_space<vmem_shared>>
        %dma_start3A_177 = tpu.memref_slice %arg13[%dma_start3A_166] : memref<2x!tpu.dma_semaphore, #tpu.memory_space<semaphore_mem>> -> memref<1x!tpu.dma_semaphore, #tpu.memory_space<semaphore_mem>>
        %dma_start3A_178 = tpu.memref_squeeze %dma_start3A_177 : memref<1x!tpu.dma_semaphore, #tpu.memory_space<semaphore_mem>> -> memref<!tpu.dma_semaphore, #tpu.memory_space<semaphore_mem>>
        tpu.enqueue_indirect_dma source(%dma_start3A_170 : memref<128x128xf32, #tpu.memory_space<vmem>>) target(%dma_start3A_176 : memref<10240x128xf32, #tpu.memory_space<vmem_shared>>) offsets(%dma_start3A_173 : memref<128xi32, #tpu.memory_space<vmem>>) semaphore(%dma_start3A_178 : memref<!tpu.dma_semaphore, #tpu.memory_space<semaphore_mem>>) {add = true}
        %add3A_179 = arith.constant 2 : i32
        %add3A_180 = arith.addi %add3A_149, %add3A_179 : i32
        %lt3A = arith.constant 40 : i32
        %lt3A_181 = arith.cmpi slt, %add3A_180, %lt3A : i32
        %convert_element_type3A_182 = arith.extui %lt3A_181 : i1 to i32
        %cond3A_183 = arith.constant 0 : i32
        %cond3A_184 = arith.cmpi ne, %convert_element_type3A_182, %cond3A_183 : i32
        scf.if %cond3A_184 {
          %dma_wait3A_225 = arith.constant 0 : i32
          %dma_wait3A_226 = arith.constant 0 : i32
          %dma_wait3A_227 = arith.constant 0 : i32
          %dma_wait3A_228 = arith.constant 0 : i32
          %dma_wait3A_229 = tpu.memref_slice %arg11[%dma_wait3A_225, %dma_wait3A_227, %dma_wait3A_228] : memref<2x128x128xf32, #tpu.memory_space<vmem>> -> memref<1x128x128xf32, #tpu.memory_space<vmem>>
          %dma_wait3A_230 = tpu.memref_squeeze %dma_wait3A_229 : memref<1x128x128xf32, #tpu.memory_space<vmem>> -> memref<128x128xf32, #tpu.memory_space<vmem>>
          %dma_wait3A_231 = arith.constant 0 : i32
          %dma_wait3A_232 = tpu.memref_slice %arg10[%add3A_149, %dma_wait3A_231] : memref<40x128xi32, #tpu.memory_space<vmem>> -> memref<1x128xi32, #tpu.memory_space<vmem>>
          %dma_wait3A_233 = tpu.memref_squeeze %dma_wait3A_232 : memref<1x128xi32, #tpu.memory_space<vmem>> -> memref<128xi32, #tpu.memory_space<vmem>>
          %dma_wait3A_234 = arith.constant 0 : i32
          %dma_wait3A_235 = arith.constant 0 : i32
          %dma_wait3A_236 = tpu.memref_slice %arg14[%dma_wait3A_234, %dma_wait3A_235] : memref<10240x128xf32, #tpu.memory_space<vmem_shared>> -> memref<10240x128xf32, #tpu.memory_space<vmem_shared>>
          %dma_wait3A_237 = tpu.memref_slice %arg13[%dma_wait3A_226] : memref<2x!tpu.dma_semaphore, #tpu.memory_space<semaphore_mem>> -> memref<1x!tpu.dma_semaphore, #tpu.memory_space<semaphore_mem>>
          %dma_wait3A_238 = tpu.memref_squeeze %dma_wait3A_237 : memref<1x!tpu.dma_semaphore, #tpu.memory_space<semaphore_mem>> -> memref<!tpu.dma_semaphore, #tpu.memory_space<semaphore_mem>>
          tpu.wait_indirect_dma semaphore(%dma_wait3A_238 : memref<!tpu.dma_semaphore, #tpu.memory_space<semaphore_mem>>) src(%dma_wait3A_230 : memref<128x128xf32, #tpu.memory_space<vmem>>) dst(%dma_wait3A_236 : memref<10240x128xf32, #tpu.memory_space<vmem_shared>>)
          %dma_start3A_239 = arith.constant 0 : i32
          %dma_start3A_240 = arith.constant 0 : i32
          %dma_start3A_241 = arith.constant 0 : i32
          %dma_start3A_242 = arith.constant 0 : i32
          %dma_start3A_243 = tpu.memref_slice %arg11[%dma_start3A_239, %dma_start3A_241, %dma_start3A_242] : memref<2x128x128xf32, #tpu.memory_space<vmem>> -> memref<1x128x128xf32, #tpu.memory_space<vmem>>
          %dma_start3A_244 = tpu.memref_squeeze %dma_start3A_243 : memref<1x128x128xf32, #tpu.memory_space<vmem>> -> memref<128x128xf32, #tpu.memory_space<vmem>>
          %dma_start3A_245 = arith.constant 0 : i32
          %dma_start3A_246 = tpu.memref_slice %arg9[%add3A_180, %dma_start3A_245] : memref<40x128xi32, #tpu.memory_space<vmem>> -> memref<1x128xi32, #tpu.memory_space<vmem>>
          %dma_start3A_247 = tpu.memref_squeeze %dma_start3A_246 : memref<1x128xi32, #tpu.memory_space<vmem>> -> memref<128xi32, #tpu.memory_space<vmem>>
          %dma_start3A_248 = arith.constant 0 : i32
          %dma_start3A_249 = arith.constant 0 : i32
          %dma_start3A_250 = tpu.memref_slice %arg2[%dma_start3A_248, %dma_start3A_249] : memref<10240x128xf32, #tpu.memory_space<hbm>> -> memref<10240x128xf32, #tpu.memory_space<hbm>>
          %dma_start3A_251 = tpu.memref_slice %arg12[%dma_start3A_240] : memref<2x!tpu.dma_semaphore, #tpu.memory_space<semaphore_mem>> -> memref<1x!tpu.dma_semaphore, #tpu.memory_space<semaphore_mem>>
          %dma_start3A_252 = tpu.memref_squeeze %dma_start3A_251 : memref<1x!tpu.dma_semaphore, #tpu.memory_space<semaphore_mem>> -> memref<!tpu.dma_semaphore, #tpu.memory_space<semaphore_mem>>
          tpu.enqueue_indirect_dma source(%dma_start3A_250 : memref<10240x128xf32, #tpu.memory_space<hbm>>) target(%dma_start3A_244 : memref<128x128xf32, #tpu.memory_space<vmem>>) offsets(%dma_start3A_247 : memref<128xi32, #tpu.memory_space<vmem>>) semaphore(%dma_start3A_252 : memref<!tpu.dma_semaphore, #tpu.memory_space<semaphore_mem>>)
        } else {
        }
        %mul3A_185 = arith.constant 2 : i32
        %mul3A_186 = arith.muli %add3A_145, %mul3A_185 : i32
        %add3A_187 = arith.constant 1 : i32
        %add3A_188 = arith.addi %mul3A_186, %add3A_187 : i32
        %dma_wait3A_189 = arith.constant 1 : i32
        %dma_wait3A_190 = arith.constant 1 : i32
        %dma_wait3A_191 = arith.constant 1 : i32
        %dma_wait3A_192 = arith.constant 0 : i32
        %dma_wait3A_193 = arith.constant 0 : i32
        %dma_wait3A_194 = tpu.memref_slice %arg11[%dma_wait3A_190, %dma_wait3A_192, %dma_wait3A_193] : memref<2x128x128xf32, #tpu.memory_space<vmem>> -> memref<1x128x128xf32, #tpu.memory_space<vmem>>
        %dma_wait3A_195 = tpu.memref_squeeze %dma_wait3A_194 : memref<1x128x128xf32, #tpu.memory_space<vmem>> -> memref<128x128xf32, #tpu.memory_space<vmem>>
        %dma_wait3A_196 = arith.constant 0 : i32
        %dma_wait3A_197 = tpu.memref_slice %arg9[%dma_wait3A_189, %dma_wait3A_196] : memref<40x128xi32, #tpu.memory_space<vmem>> -> memref<1x128xi32, #tpu.memory_space<vmem>>
        %dma_wait3A_198 = tpu.memref_squeeze %dma_wait3A_197 : memref<1x128xi32, #tpu.memory_space<vmem>> -> memref<128xi32, #tpu.memory_space<vmem>>
        %dma_wait3A_199 = arith.constant 0 : i32
        %dma_wait3A_200 = arith.constant 0 : i32
        %dma_wait3A_201 = tpu.memref_slice %arg2[%dma_wait3A_199, %dma_wait3A_200] : memref<10240x128xf32, #tpu.memory_space<hbm>> -> memref<10240x128xf32, #tpu.memory_space<hbm>>
        %dma_wait3A_202 = tpu.memref_slice %arg12[%dma_wait3A_191] : memref<2x!tpu.dma_semaphore, #tpu.memory_space<semaphore_mem>> -> memref<1x!tpu.dma_semaphore, #tpu.memory_space<semaphore_mem>>
        %dma_wait3A_203 = tpu.memref_squeeze %dma_wait3A_202 : memref<1x!tpu.dma_semaphore, #tpu.memory_space<semaphore_mem>> -> memref<!tpu.dma_semaphore, #tpu.memory_space<semaphore_mem>>
        tpu.wait_indirect_dma semaphore(%dma_wait3A_203 : memref<!tpu.dma_semaphore, #tpu.memory_space<semaphore_mem>>) src(%dma_wait3A_201 : memref<10240x128xf32, #tpu.memory_space<hbm>>) dst(%dma_wait3A_195 : memref<128x128xf32, #tpu.memory_space<vmem>>)
        %dma_start3A_204 = arith.constant 1 : i32
        %dma_start3A_205 = arith.constant 1 : i32
        %dma_start3A_206 = arith.constant 0 : i32
        %dma_start3A_207 = arith.constant 0 : i32
        %dma_start3A_208 = tpu.memref_slice %arg11[%dma_start3A_204, %dma_start3A_206, %dma_start3A_207] : memref<2x128x128xf32, #tpu.memory_space<vmem>> -> memref<1x128x128xf32, #tpu.memory_space<vmem>>
        %dma_start3A_209 = tpu.memref_squeeze %dma_start3A_208 : memref<1x128x128xf32, #tpu.memory_space<vmem>> -> memref<128x128xf32, #tpu.memory_space<vmem>>
        %dma_start3A_210 = arith.constant 0 : i32
        %dma_start3A_211 = tpu.memref_slice %arg10[%add3A_188, %dma_start3A_210] : memref<40x128xi32, #tpu.memory_space<vmem>> -> memref<1x128xi32, #tpu.memory_space<vmem>>
        %dma_start3A_212 = tpu.memref_squeeze %dma_start3A_211 : memref<1x128xi32, #tpu.memory_space<vmem>> -> memref<128xi32, #tpu.memory_space<vmem>>
        %dma_start3A_213 = arith.constant 0 : i32
        %dma_start3A_214 = arith.constant 0 : i32
        %dma_start3A_215 = tpu.memref_slice %arg14[%dma_start3A_213, %dma_start3A_214] : memref<10240x128xf32, #tpu.memory_space<vmem_shared>> -> memref<10240x128xf32, #tpu.memory_space<vmem_shared>>
        %dma_start3A_216 = tpu.memref_slice %arg13[%dma_start3A_205] : memref<2x!tpu.dma_semaphore, #tpu.memory_space<semaphore_mem>> -> memref<1x!tpu.dma_semaphore, #tpu.memory_space<semaphore_mem>>
        %dma_start3A_217 = tpu.memref_squeeze %dma_start3A_216 : memref<1x!tpu.dma_semaphore, #tpu.memory_space<semaphore_mem>> -> memref<!tpu.dma_semaphore, #tpu.memory_space<semaphore_mem>>
        tpu.enqueue_indirect_dma source(%dma_start3A_209 : memref<128x128xf32, #tpu.memory_space<vmem>>) target(%dma_start3A_215 : memref<10240x128xf32, #tpu.memory_space<vmem_shared>>) offsets(%dma_start3A_212 : memref<128xi32, #tpu.memory_space<vmem>>) semaphore(%dma_start3A_217 : memref<!tpu.dma_semaphore, #tpu.memory_space<semaphore_mem>>) {add = true}
        %add3A_218 = arith.constant 2 : i32
        %add3A_219 = arith.addi %add3A_188, %add3A_218 : i32
        %lt3A_220 = arith.constant 40 : i32
        %lt3A_221 = arith.cmpi slt, %add3A_219, %lt3A_220 : i32
        %convert_element_type3A_222 = arith.extui %lt3A_221 : i1 to i32
        %cond3A_223 = arith.constant 0 : i32
        %cond3A_224 = arith.cmpi ne, %convert_element_type3A_222, %cond3A_223 : i32
        scf.if %cond3A_224 {
          %dma_wait3A_225 = arith.constant 1 : i32
          %dma_wait3A_226 = arith.constant 1 : i32
          %dma_wait3A_227 = arith.constant 0 : i32
          %dma_wait3A_228 = arith.constant 0 : i32
          %dma_wait3A_229 = tpu.memref_slice %arg11[%dma_wait3A_225, %dma_wait3A_227, %dma_wait3A_228] : memref<2x128x128xf32, #tpu.memory_space<vmem>> -> memref<1x128x128xf32, #tpu.memory_space<vmem>>
          %dma_wait3A_230 = tpu.memref_squeeze %dma_wait3A_229 : memref<1x128x128xf32, #tpu.memory_space<vmem>> -> memref<128x128xf32, #tpu.memory_space<vmem>>
          %dma_wait3A_231 = arith.constant 0 : i32
          %dma_wait3A_232 = tpu.memref_slice %arg10[%add3A_188, %dma_wait3A_231] : memref<40x128xi32, #tpu.memory_space<vmem>> -> memref<1x128xi32, #tpu.memory_space<vmem>>
          %dma_wait3A_233 = tpu.memref_squeeze %dma_wait3A_232 : memref<1x128xi32, #tpu.memory_space<vmem>> -> memref<128xi32, #tpu.memory_space<vmem>>
          %dma_wait3A_234 = arith.constant 0 : i32
          %dma_wait3A_235 = arith.constant 0 : i32
          %dma_wait3A_236 = tpu.memref_slice %arg14[%dma_wait3A_234, %dma_wait3A_235] : memref<10240x128xf32, #tpu.memory_space<vmem_shared>> -> memref<10240x128xf32, #tpu.memory_space<vmem_shared>>
          %dma_wait3A_237 = tpu.memref_slice %arg13[%dma_wait3A_226] : memref<2x!tpu.dma_semaphore, #tpu.memory_space<semaphore_mem>> -> memref<1x!tpu.dma_semaphore, #tpu.memory_space<semaphore_mem>>
          %dma_wait3A_238 = tpu.memref_squeeze %dma_wait3A_237 : memref<1x!tpu.dma_semaphore, #tpu.memory_space<semaphore_mem>> -> memref<!tpu.dma_semaphore, #tpu.memory_space<semaphore_mem>>
          tpu.wait_indirect_dma semaphore(%dma_wait3A_238 : memref<!tpu.dma_semaphore, #tpu.memory_space<semaphore_mem>>) src(%dma_wait3A_230 : memref<128x128xf32, #tpu.memory_space<vmem>>) dst(%dma_wait3A_236 : memref<10240x128xf32, #tpu.memory_space<vmem_shared>>)
          %dma_start3A_239 = arith.constant 1 : i32
          %dma_start3A_240 = arith.constant 1 : i32
          %dma_start3A_241 = arith.constant 0 : i32
          %dma_start3A_242 = arith.constant 0 : i32
          %dma_start3A_243 = tpu.memref_slice %arg11[%dma_start3A_239, %dma_start3A_241, %dma_start3A_242] : memref<2x128x128xf32, #tpu.memory_space<vmem>> -> memref<1x128x128xf32, #tpu.memory_space<vmem>>
          %dma_start3A_244 = tpu.memref_squeeze %dma_start3A_243 : memref<1x128x128xf32, #tpu.memory_space<vmem>> -> memref<128x128xf32, #tpu.memory_space<vmem>>
          %dma_start3A_245 = arith.constant 0 : i32
          %dma_start3A_246 = tpu.memref_slice %arg9[%add3A_219, %dma_start3A_245] : memref<40x128xi32, #tpu.memory_space<vmem>> -> memref<1x128xi32, #tpu.memory_space<vmem>>
          %dma_start3A_247 = tpu.memref_squeeze %dma_start3A_246 : memref<1x128xi32, #tpu.memory_space<vmem>> -> memref<128xi32, #tpu.memory_space<vmem>>
          %dma_start3A_248 = arith.constant 0 : i32
          %dma_start3A_249 = arith.constant 0 : i32
          %dma_start3A_250 = tpu.memref_slice %arg2[%dma_start3A_248, %dma_start3A_249] : memref<10240x128xf32, #tpu.memory_space<hbm>> -> memref<10240x128xf32, #tpu.memory_space<hbm>>
          %dma_start3A_251 = tpu.memref_slice %arg12[%dma_start3A_240] : memref<2x!tpu.dma_semaphore, #tpu.memory_space<semaphore_mem>> -> memref<1x!tpu.dma_semaphore, #tpu.memory_space<semaphore_mem>>
          %dma_start3A_252 = tpu.memref_squeeze %dma_start3A_251 : memref<1x!tpu.dma_semaphore, #tpu.memory_space<semaphore_mem>> -> memref<!tpu.dma_semaphore, #tpu.memory_space<semaphore_mem>>
          tpu.enqueue_indirect_dma source(%dma_start3A_250 : memref<10240x128xf32, #tpu.memory_space<hbm>>) target(%dma_start3A_244 : memref<128x128xf32, #tpu.memory_space<vmem>>) offsets(%dma_start3A_247 : memref<128xi32, #tpu.memory_space<vmem>>) semaphore(%dma_start3A_252 : memref<!tpu.dma_semaphore, #tpu.memory_space<semaphore_mem>>)
        } else {
        }
      }
      %scan3A_109 = arith.constant 20 : i32
      %dma_wait3A_110 = arith.constant 0 : i32
      %dma_wait3A_111 = arith.constant 0 : i32
      %dma_wait3A_112 = arith.constant 0 : i32
      %dma_wait3A_113 = arith.constant 0 : i32
      %dma_wait3A_114 = arith.constant 0 : i32
      %dma_wait3A_115 = tpu.memref_slice %arg11[%dma_wait3A_110, %dma_wait3A_113, %dma_wait3A_114] : memref<2x128x128xf32, #tpu.memory_space<vmem>> -> memref<1x128x128xf32, #tpu.memory_space<vmem>>
      %dma_wait3A_116 = tpu.memref_squeeze %dma_wait3A_115 : memref<1x128x128xf32, #tpu.memory_space<vmem>> -> memref<128x128xf32, #tpu.memory_space<vmem>>
      %dma_wait3A_117 = arith.constant 0 : i32
      %dma_wait3A_118 = tpu.memref_slice %arg10[%dma_wait3A_111, %dma_wait3A_117] : memref<40x128xi32, #tpu.memory_space<vmem>> -> memref<1x128xi32, #tpu.memory_space<vmem>>
      %dma_wait3A_119 = tpu.memref_squeeze %dma_wait3A_118 : memref<1x128xi32, #tpu.memory_space<vmem>> -> memref<128xi32, #tpu.memory_space<vmem>>
      %dma_wait3A_120 = arith.constant 0 : i32
      %dma_wait3A_121 = arith.constant 0 : i32
      %dma_wait3A_122 = tpu.memref_slice %arg14[%dma_wait3A_120, %dma_wait3A_121] : memref<10240x128xf32, #tpu.memory_space<vmem_shared>> -> memref<10240x128xf32, #tpu.memory_space<vmem_shared>>
      %dma_wait3A_123 = tpu.memref_slice %arg13[%dma_wait3A_112] : memref<2x!tpu.dma_semaphore, #tpu.memory_space<semaphore_mem>> -> memref<1x!tpu.dma_semaphore, #tpu.memory_space<semaphore_mem>>
      %dma_wait3A_124 = tpu.memref_squeeze %dma_wait3A_123 : memref<1x!tpu.dma_semaphore, #tpu.memory_space<semaphore_mem>> -> memref<!tpu.dma_semaphore, #tpu.memory_space<semaphore_mem>>
      tpu.wait_indirect_dma semaphore(%dma_wait3A_124 : memref<!tpu.dma_semaphore, #tpu.memory_space<semaphore_mem>>) src(%dma_wait3A_116 : memref<128x128xf32, #tpu.memory_space<vmem>>) dst(%dma_wait3A_122 : memref<10240x128xf32, #tpu.memory_space<vmem_shared>>)
      %dma_wait3A_125 = arith.constant 1 : i32
      %dma_wait3A_126 = arith.constant 1 : i32
      %dma_wait3A_127 = arith.constant 1 : i32
      %dma_wait3A_128 = arith.constant 0 : i32
      %dma_wait3A_129 = arith.constant 0 : i32
      %dma_wait3A_130 = tpu.memref_slice %arg11[%dma_wait3A_125, %dma_wait3A_128, %dma_wait3A_129] : memref<2x128x128xf32, #tpu.memory_space<vmem>> -> memref<1x128x128xf32, #tpu.memory_space<vmem>>
      %dma_wait3A_131 = tpu.memref_squeeze %dma_wait3A_130 : memref<1x128x128xf32, #tpu.memory_space<vmem>> -> memref<128x128xf32, #tpu.memory_space<vmem>>
      %dma_wait3A_132 = arith.constant 0 : i32
      %dma_wait3A_133 = tpu.memref_slice %arg10[%dma_wait3A_126, %dma_wait3A_132] : memref<40x128xi32, #tpu.memory_space<vmem>> -> memref<1x128xi32, #tpu.memory_space<vmem>>
      %dma_wait3A_134 = tpu.memref_squeeze %dma_wait3A_133 : memref<1x128xi32, #tpu.memory_space<vmem>> -> memref<128xi32, #tpu.memory_space<vmem>>
      %dma_wait3A_135 = arith.constant 0 : i32
      %dma_wait3A_136 = arith.constant 0 : i32
      %dma_wait3A_137 = tpu.memref_slice %arg14[%dma_wait3A_135, %dma_wait3A_136] : memref<10240x128xf32, #tpu.memory_space<vmem_shared>> -> memref<10240x128xf32, #tpu.memory_space<vmem_shared>>
      %dma_wait3A_138 = tpu.memref_slice %arg13[%dma_wait3A_127] : memref<2x!tpu.dma_semaphore, #tpu.memory_space<semaphore_mem>> -> memref<1x!tpu.dma_semaphore, #tpu.memory_space<semaphore_mem>>
      %dma_wait3A_139 = tpu.memref_squeeze %dma_wait3A_138 : memref<1x!tpu.dma_semaphore, #tpu.memory_space<semaphore_mem>> -> memref<!tpu.dma_semaphore, #tpu.memory_space<semaphore_mem>>
      tpu.wait_indirect_dma semaphore(%dma_wait3A_139 : memref<!tpu.dma_semaphore, #tpu.memory_space<semaphore_mem>>) src(%dma_wait3A_131 : memref<128x128xf32, #tpu.memory_space<vmem>>) dst(%dma_wait3A_137 : memref<10240x128xf32, #tpu.memory_space<vmem_shared>>)
      %barrier3A_140 = arith.constant 0 : index
      tpu.barrier barrier_id(%barrier3A_140)
      "tpu.region"() ({
        %run_scoped3A = tpu.sem_alloc : memref<!tpu.dma_semaphore, #tpu.memory_space<semaphore_mem>>
        %dma_start3A_141 = arith.constant 0 : i32
        %dma_start3A_142 = tpu.memref_slice %arg7[%mul3A_0, %dma_start3A_141] : memref<10240x128xf32, #tpu.memory_space<hbm>> -> memref<640x128xf32, #tpu.memory_space<hbm>>
        %dma_start3A_143 = arith.constant 0 : i32
        %dma_start3A_144 = tpu.memref_slice %arg14[%mul3A_0, %dma_start3A_143] : memref<10240x128xf32, #tpu.memory_space<vmem_shared>> -> memref<640x128xf32, #tpu.memory_space<vmem_shared>>
        tpu.enqueue_dma source(%dma_start3A_144 : memref<640x128xf32, #tpu.memory_space<vmem_shared>>) target(%dma_start3A_142 : memref<640x128xf32, #tpu.memory_space<hbm>>) target_semaphore(%run_scoped3A : memref<!tpu.dma_semaphore, #tpu.memory_space<semaphore_mem>>)
        %dma_wait3A_145 = arith.constant 0 : i32
        %dma_wait3A_146 = tpu.memref_slice %arg7[%mul3A_0, %dma_wait3A_145] : memref<10240x128xf32, #tpu.memory_space<hbm>> -> memref<640x128xf32, #tpu.memory_space<hbm>>
        %dma_wait3A_147 = arith.constant 0 : i32
        %dma_wait3A_148 = tpu.memref_slice %arg14[%mul3A_0, %dma_wait3A_147] : memref<10240x128xf32, #tpu.memory_space<vmem_shared>> -> memref<640x128xf32, #tpu.memory_space<vmem_shared>>
        tpu.wait_dma2 semaphore(%run_scoped3A : memref<!tpu.dma_semaphore, #tpu.memory_space<semaphore_mem>>) src(%dma_wait3A_148 : memref<640x128xf32, #tpu.memory_space<vmem_shared>>) dst(%dma_wait3A_146 : memref<640x128xf32, #tpu.memory_space<hbm>>)
        tpu.yield
      }) : () -> ()
    } else {
    }
    %eq3A_5 = arith.constant 1 : i32
    %eq3A_6 = arith.cmpi eq, %arg0, %eq3A_5 : i32
    %convert_element_type3A_7 = arith.extui %eq3A_6 : i1 to i32
    %cond3A_8 = arith.constant 0 : i32
    %cond3A_9 = arith.cmpi ne, %convert_element_type3A_7, %cond3A_8 : i32
    scf.if %cond3A_9 {
      "tpu.region"() ({
        %run_scoped3A = tpu.sem_alloc : memref<!tpu.dma_semaphore, #tpu.memory_space<semaphore_mem>>
        %dma_start3A_141 = arith.constant 0 : i32
        %dma_start3A_142 = tpu.memref_slice %arg4[%mul3A_2, %dma_start3A_141] : memref<1280x128xi32, #tpu.memory_space<hbm>> -> memref<40x128xi32, #tpu.memory_space<hbm>>
        %dma_start3A_143 = arith.constant 0 : i32
        %dma_start3A_144 = tpu.memref_slice %arg4[%mul3A_2, %dma_start3A_143] : memref<1280x128xi32, #tpu.memory_space<hbm>> -> memref<40x128xi32, #tpu.memory_space<hbm>>
        tpu.enqueue_dma source(%dma_start3A_144 : memref<40x128xi32, #tpu.memory_space<hbm>>) target(%arg9 : memref<40x128xi32, #tpu.memory_space<vmem>>) target_semaphore(%run_scoped3A : memref<!tpu.dma_semaphore, #tpu.memory_space<semaphore_mem>>)
        %dma_wait3A_145 = arith.constant 0 : i32
        %dma_wait3A_146 = tpu.memref_slice %arg4[%mul3A_2, %dma_wait3A_145] : memref<1280x128xi32, #tpu.memory_space<hbm>> -> memref<40x128xi32, #tpu.memory_space<hbm>>
        %dma_wait3A_147 = arith.constant 0 : i32
        %dma_wait3A_148 = tpu.memref_slice %arg4[%mul3A_2, %dma_wait3A_147] : memref<1280x128xi32, #tpu.memory_space<hbm>> -> memref<40x128xi32, #tpu.memory_space<hbm>>
        tpu.wait_dma2 semaphore(%run_scoped3A : memref<!tpu.dma_semaphore, #tpu.memory_space<semaphore_mem>>) src(%dma_wait3A_148 : memref<40x128xi32, #tpu.memory_space<hbm>>) dst(%arg9 : memref<40x128xi32, #tpu.memory_space<vmem>>)
        tpu.yield
      }) : () -> ()
      "tpu.region"() ({
        %run_scoped3A = tpu.sem_alloc : memref<!tpu.dma_semaphore, #tpu.memory_space<semaphore_mem>>
        %dma_start3A_141 = arith.constant 0 : i32
        %dma_start3A_142 = tpu.memref_slice %arg5[%mul3A_2, %dma_start3A_141] : memref<1280x128xi32, #tpu.memory_space<hbm>> -> memref<40x128xi32, #tpu.memory_space<hbm>>
        %dma_start3A_143 = arith.constant 0 : i32
        %dma_start3A_144 = tpu.memref_slice %arg5[%mul3A_2, %dma_start3A_143] : memref<1280x128xi32, #tpu.memory_space<hbm>> -> memref<40x128xi32, #tpu.memory_space<hbm>>
        tpu.enqueue_dma source(%dma_start3A_144 : memref<40x128xi32, #tpu.memory_space<hbm>>) target(%arg10 : memref<40x128xi32, #tpu.memory_space<vmem>>) target_semaphore(%run_scoped3A : memref<!tpu.dma_semaphore, #tpu.memory_space<semaphore_mem>>)
        %dma_wait3A_145 = arith.constant 0 : i32
        %dma_wait3A_146 = tpu.memref_slice %arg5[%mul3A_2, %dma_wait3A_145] : memref<1280x128xi32, #tpu.memory_space<hbm>> -> memref<40x128xi32, #tpu.memory_space<hbm>>
        %dma_wait3A_147 = arith.constant 0 : i32
        %dma_wait3A_148 = tpu.memref_slice %arg5[%mul3A_2, %dma_wait3A_147] : memref<1280x128xi32, #tpu.memory_space<hbm>> -> memref<40x128xi32, #tpu.memory_space<hbm>>
        tpu.wait_dma2 semaphore(%run_scoped3A : memref<!tpu.dma_semaphore, #tpu.memory_space<semaphore_mem>>) src(%dma_wait3A_148 : memref<40x128xi32, #tpu.memory_space<hbm>>) dst(%arg10 : memref<40x128xi32, #tpu.memory_space<vmem>>)
        tpu.yield
      }) : () -> ()
      %dma_start3A = arith.constant 0 : i32
      %dma_start3A_10 = arith.constant 0 : i32
      %dma_start3A_11 = arith.constant 0 : i32
      %dma_start3A_12 = arith.constant 0 : i32
      %dma_start3A_13 = arith.constant 0 : i32
      %dma_start3A_14 = tpu.memref_slice %arg11[%dma_start3A_10, %dma_start3A_12, %dma_start3A_13] : memref<2x128x128xf32, #tpu.memory_space<vmem>> -> memref<1x128x128xf32, #tpu.memory_space<vmem>>
      %dma_start3A_15 = tpu.memref_squeeze %dma_start3A_14 : memref<1x128x128xf32, #tpu.memory_space<vmem>> -> memref<128x128xf32, #tpu.memory_space<vmem>>
      %dma_start3A_16 = arith.constant 0 : i32
      %dma_start3A_17 = tpu.memref_slice %arg9[%dma_start3A, %dma_start3A_16] : memref<40x128xi32, #tpu.memory_space<vmem>> -> memref<1x128xi32, #tpu.memory_space<vmem>>
      %dma_start3A_18 = tpu.memref_squeeze %dma_start3A_17 : memref<1x128xi32, #tpu.memory_space<vmem>> -> memref<128xi32, #tpu.memory_space<vmem>>
      %dma_start3A_19 = arith.constant 0 : i32
      %dma_start3A_20 = arith.constant 0 : i32
      %dma_start3A_21 = tpu.memref_slice %arg3[%dma_start3A_19, %dma_start3A_20] : memref<10240x128xf32, #tpu.memory_space<hbm>> -> memref<10240x128xf32, #tpu.memory_space<hbm>>
      %dma_start3A_22 = tpu.memref_slice %arg12[%dma_start3A_11] : memref<2x!tpu.dma_semaphore, #tpu.memory_space<semaphore_mem>> -> memref<1x!tpu.dma_semaphore, #tpu.memory_space<semaphore_mem>>
      %dma_start3A_23 = tpu.memref_squeeze %dma_start3A_22 : memref<1x!tpu.dma_semaphore, #tpu.memory_space<semaphore_mem>> -> memref<!tpu.dma_semaphore, #tpu.memory_space<semaphore_mem>>
      tpu.enqueue_indirect_dma source(%dma_start3A_21 : memref<10240x128xf32, #tpu.memory_space<hbm>>) target(%dma_start3A_15 : memref<128x128xf32, #tpu.memory_space<vmem>>) offsets(%dma_start3A_18 : memref<128xi32, #tpu.memory_space<vmem>>) semaphore(%dma_start3A_23 : memref<!tpu.dma_semaphore, #tpu.memory_space<semaphore_mem>>)
      %dma_start3A_24 = arith.constant 1 : i32
      %dma_start3A_25 = arith.constant 1 : i32
      %dma_start3A_26 = arith.constant 1 : i32
      %dma_start3A_27 = arith.constant 0 : i32
      %dma_start3A_28 = arith.constant 0 : i32
      %dma_start3A_29 = tpu.memref_slice %arg11[%dma_start3A_25, %dma_start3A_27, %dma_start3A_28] : memref<2x128x128xf32, #tpu.memory_space<vmem>> -> memref<1x128x128xf32, #tpu.memory_space<vmem>>
      %dma_start3A_30 = tpu.memref_squeeze %dma_start3A_29 : memref<1x128x128xf32, #tpu.memory_space<vmem>> -> memref<128x128xf32, #tpu.memory_space<vmem>>
      %dma_start3A_31 = arith.constant 0 : i32
      %dma_start3A_32 = tpu.memref_slice %arg9[%dma_start3A_24, %dma_start3A_31] : memref<40x128xi32, #tpu.memory_space<vmem>> -> memref<1x128xi32, #tpu.memory_space<vmem>>
      %dma_start3A_33 = tpu.memref_squeeze %dma_start3A_32 : memref<1x128xi32, #tpu.memory_space<vmem>> -> memref<128xi32, #tpu.memory_space<vmem>>
      %dma_start3A_34 = arith.constant 0 : i32
      %dma_start3A_35 = arith.constant 0 : i32
      %dma_start3A_36 = tpu.memref_slice %arg3[%dma_start3A_34, %dma_start3A_35] : memref<10240x128xf32, #tpu.memory_space<hbm>> -> memref<10240x128xf32, #tpu.memory_space<hbm>>
      %dma_start3A_37 = tpu.memref_slice %arg12[%dma_start3A_26] : memref<2x!tpu.dma_semaphore, #tpu.memory_space<semaphore_mem>> -> memref<1x!tpu.dma_semaphore, #tpu.memory_space<semaphore_mem>>
      %dma_start3A_38 = tpu.memref_squeeze %dma_start3A_37 : memref<1x!tpu.dma_semaphore, #tpu.memory_space<semaphore_mem>> -> memref<!tpu.dma_semaphore, #tpu.memory_space<semaphore_mem>>
      tpu.enqueue_indirect_dma source(%dma_start3A_36 : memref<10240x128xf32, #tpu.memory_space<hbm>>) target(%dma_start3A_30 : memref<128x128xf32, #tpu.memory_space<vmem>>) offsets(%dma_start3A_33 : memref<128xi32, #tpu.memory_space<vmem>>) semaphore(%dma_start3A_38 : memref<!tpu.dma_semaphore, #tpu.memory_space<semaphore_mem>>)
      %barrier3A = arith.constant 0 : index
      tpu.barrier barrier_id(%barrier3A)
      %scan3A = arith.constant 0 : i32
      %scan3A_39 = arith.constant 20 : i32
      %scan3A_40 = arith.addi %scan3A, %scan3A_39 : i32
      %scan3A_41 = arith.constant 1 : i32
      scf.for %scan3A_141 = %scan3A to %scan3A_40 step %scan3A_41  : i32 {
        %mul3A_142 = arith.constant 1 : i32
        %mul3A_143 = arith.muli %scan3A_141, %mul3A_142 : i32
        %add3A_144 = arith.constant 0 : i32
        %add3A_145 = arith.addi %add3A_144, %mul3A_143 : i32
        %mul3A_146 = arith.constant 2 : i32
        %mul3A_147 = arith.muli %add3A_145, %mul3A_146 : i32
        %add3A_148 = arith.constant 0 : i32
        %add3A_149 = arith.addi %mul3A_147, %add3A_148 : i32
        %dma_wait3A_150 = arith.constant 0 : i32
        %dma_wait3A_151 = arith.constant 0 : i32
        %dma_wait3A_152 = arith.constant 0 : i32
        %dma_wait3A_153 = arith.constant 0 : i32
        %dma_wait3A_154 = arith.constant 0 : i32
        %dma_wait3A_155 = tpu.memref_slice %arg11[%dma_wait3A_151, %dma_wait3A_153, %dma_wait3A_154] : memref<2x128x128xf32, #tpu.memory_space<vmem>> -> memref<1x128x128xf32, #tpu.memory_space<vmem>>
        %dma_wait3A_156 = tpu.memref_squeeze %dma_wait3A_155 : memref<1x128x128xf32, #tpu.memory_space<vmem>> -> memref<128x128xf32, #tpu.memory_space<vmem>>
        %dma_wait3A_157 = arith.constant 0 : i32
        %dma_wait3A_158 = tpu.memref_slice %arg9[%dma_wait3A_150, %dma_wait3A_157] : memref<40x128xi32, #tpu.memory_space<vmem>> -> memref<1x128xi32, #tpu.memory_space<vmem>>
        %dma_wait3A_159 = tpu.memref_squeeze %dma_wait3A_158 : memref<1x128xi32, #tpu.memory_space<vmem>> -> memref<128xi32, #tpu.memory_space<vmem>>
        %dma_wait3A_160 = arith.constant 0 : i32
        %dma_wait3A_161 = arith.constant 0 : i32
        %dma_wait3A_162 = tpu.memref_slice %arg3[%dma_wait3A_160, %dma_wait3A_161] : memref<10240x128xf32, #tpu.memory_space<hbm>> -> memref<10240x128xf32, #tpu.memory_space<hbm>>
        %dma_wait3A_163 = tpu.memref_slice %arg12[%dma_wait3A_152] : memref<2x!tpu.dma_semaphore, #tpu.memory_space<semaphore_mem>> -> memref<1x!tpu.dma_semaphore, #tpu.memory_space<semaphore_mem>>
        %dma_wait3A_164 = tpu.memref_squeeze %dma_wait3A_163 : memref<1x!tpu.dma_semaphore, #tpu.memory_space<semaphore_mem>> -> memref<!tpu.dma_semaphore, #tpu.memory_space<semaphore_mem>>
        tpu.wait_indirect_dma semaphore(%dma_wait3A_164 : memref<!tpu.dma_semaphore, #tpu.memory_space<semaphore_mem>>) src(%dma_wait3A_162 : memref<10240x128xf32, #tpu.memory_space<hbm>>) dst(%dma_wait3A_156 : memref<128x128xf32, #tpu.memory_space<vmem>>)
        %dma_start3A_165 = arith.constant 0 : i32
        %dma_start3A_166 = arith.constant 0 : i32
        %dma_start3A_167 = arith.constant 0 : i32
        %dma_start3A_168 = arith.constant 0 : i32
        %dma_start3A_169 = tpu.memref_slice %arg11[%dma_start3A_165, %dma_start3A_167, %dma_start3A_168] : memref<2x128x128xf32, #tpu.memory_space<vmem>> -> memref<1x128x128xf32, #tpu.memory_space<vmem>>
        %dma_start3A_170 = tpu.memref_squeeze %dma_start3A_169 : memref<1x128x128xf32, #tpu.memory_space<vmem>> -> memref<128x128xf32, #tpu.memory_space<vmem>>
        %dma_start3A_171 = arith.constant 0 : i32
        %dma_start3A_172 = tpu.memref_slice %arg10[%add3A_149, %dma_start3A_171] : memref<40x128xi32, #tpu.memory_space<vmem>> -> memref<1x128xi32, #tpu.memory_space<vmem>>
        %dma_start3A_173 = tpu.memref_squeeze %dma_start3A_172 : memref<1x128xi32, #tpu.memory_space<vmem>> -> memref<128xi32, #tpu.memory_space<vmem>>
        %dma_start3A_174 = arith.constant 0 : i32
        %dma_start3A_175 = arith.constant 0 : i32
        %dma_start3A_176 = tpu.memref_slice %arg14[%dma_start3A_174, %dma_start3A_175] : memref<10240x128xf32, #tpu.memory_space<vmem_shared>> -> memref<10240x128xf32, #tpu.memory_space<vmem_shared>>
        %dma_start3A_177 = tpu.memref_slice %arg13[%dma_start3A_166] : memref<2x!tpu.dma_semaphore, #tpu.memory_space<semaphore_mem>> -> memref<1x!tpu.dma_semaphore, #tpu.memory_space<semaphore_mem>>
        %dma_start3A_178 = tpu.memref_squeeze %dma_start3A_177 : memref<1x!tpu.dma_semaphore, #tpu.memory_space<semaphore_mem>> -> memref<!tpu.dma_semaphore, #tpu.memory_space<semaphore_mem>>
        tpu.enqueue_indirect_dma source(%dma_start3A_170 : memref<128x128xf32, #tpu.memory_space<vmem>>) target(%dma_start3A_176 : memref<10240x128xf32, #tpu.memory_space<vmem_shared>>) offsets(%dma_start3A_173 : memref<128xi32, #tpu.memory_space<vmem>>) semaphore(%dma_start3A_178 : memref<!tpu.dma_semaphore, #tpu.memory_space<semaphore_mem>>) {add = true}
        %add3A_179 = arith.constant 2 : i32
        %add3A_180 = arith.addi %add3A_149, %add3A_179 : i32
        %lt3A = arith.constant 40 : i32
        %lt3A_181 = arith.cmpi slt, %add3A_180, %lt3A : i32
        %convert_element_type3A_182 = arith.extui %lt3A_181 : i1 to i32
        %cond3A_183 = arith.constant 0 : i32
        %cond3A_184 = arith.cmpi ne, %convert_element_type3A_182, %cond3A_183 : i32
        scf.if %cond3A_184 {
          %dma_wait3A_225 = arith.constant 0 : i32
          %dma_wait3A_226 = arith.constant 0 : i32
          %dma_wait3A_227 = arith.constant 0 : i32
          %dma_wait3A_228 = arith.constant 0 : i32
          %dma_wait3A_229 = tpu.memref_slice %arg11[%dma_wait3A_225, %dma_wait3A_227, %dma_wait3A_228] : memref<2x128x128xf32, #tpu.memory_space<vmem>> -> memref<1x128x128xf32, #tpu.memory_space<vmem>>
          %dma_wait3A_230 = tpu.memref_squeeze %dma_wait3A_229 : memref<1x128x128xf32, #tpu.memory_space<vmem>> -> memref<128x128xf32, #tpu.memory_space<vmem>>
          %dma_wait3A_231 = arith.constant 0 : i32
          %dma_wait3A_232 = tpu.memref_slice %arg10[%add3A_149, %dma_wait3A_231] : memref<40x128xi32, #tpu.memory_space<vmem>> -> memref<1x128xi32, #tpu.memory_space<vmem>>
          %dma_wait3A_233 = tpu.memref_squeeze %dma_wait3A_232 : memref<1x128xi32, #tpu.memory_space<vmem>> -> memref<128xi32, #tpu.memory_space<vmem>>
          %dma_wait3A_234 = arith.constant 0 : i32
          %dma_wait3A_235 = arith.constant 0 : i32
          %dma_wait3A_236 = tpu.memref_slice %arg14[%dma_wait3A_234, %dma_wait3A_235] : memref<10240x128xf32, #tpu.memory_space<vmem_shared>> -> memref<10240x128xf32, #tpu.memory_space<vmem_shared>>
          %dma_wait3A_237 = tpu.memref_slice %arg13[%dma_wait3A_226] : memref<2x!tpu.dma_semaphore, #tpu.memory_space<semaphore_mem>> -> memref<1x!tpu.dma_semaphore, #tpu.memory_space<semaphore_mem>>
          %dma_wait3A_238 = tpu.memref_squeeze %dma_wait3A_237 : memref<1x!tpu.dma_semaphore, #tpu.memory_space<semaphore_mem>> -> memref<!tpu.dma_semaphore, #tpu.memory_space<semaphore_mem>>
          tpu.wait_indirect_dma semaphore(%dma_wait3A_238 : memref<!tpu.dma_semaphore, #tpu.memory_space<semaphore_mem>>) src(%dma_wait3A_230 : memref<128x128xf32, #tpu.memory_space<vmem>>) dst(%dma_wait3A_236 : memref<10240x128xf32, #tpu.memory_space<vmem_shared>>)
          %dma_start3A_239 = arith.constant 0 : i32
          %dma_start3A_240 = arith.constant 0 : i32
          %dma_start3A_241 = arith.constant 0 : i32
          %dma_start3A_242 = arith.constant 0 : i32
          %dma_start3A_243 = tpu.memref_slice %arg11[%dma_start3A_239, %dma_start3A_241, %dma_start3A_242] : memref<2x128x128xf32, #tpu.memory_space<vmem>> -> memref<1x128x128xf32, #tpu.memory_space<vmem>>
          %dma_start3A_244 = tpu.memref_squeeze %dma_start3A_243 : memref<1x128x128xf32, #tpu.memory_space<vmem>> -> memref<128x128xf32, #tpu.memory_space<vmem>>
          %dma_start3A_245 = arith.constant 0 : i32
          %dma_start3A_246 = tpu.memref_slice %arg9[%add3A_180, %dma_start3A_245] : memref<40x128xi32, #tpu.memory_space<vmem>> -> memref<1x128xi32, #tpu.memory_space<vmem>>
          %dma_start3A_247 = tpu.memref_squeeze %dma_start3A_246 : memref<1x128xi32, #tpu.memory_space<vmem>> -> memref<128xi32, #tpu.memory_space<vmem>>
          %dma_start3A_248 = arith.constant 0 : i32
          %dma_start3A_249 = arith.constant 0 : i32
          %dma_start3A_250 = tpu.memref_slice %arg3[%dma_start3A_248, %dma_start3A_249] : memref<10240x128xf32, #tpu.memory_space<hbm>> -> memref<10240x128xf32, #tpu.memory_space<hbm>>
          %dma_start3A_251 = tpu.memref_slice %arg12[%dma_start3A_240] : memref<2x!tpu.dma_semaphore, #tpu.memory_space<semaphore_mem>> -> memref<1x!tpu.dma_semaphore, #tpu.memory_space<semaphore_mem>>
          %dma_start3A_252 = tpu.memref_squeeze %dma_start3A_251 : memref<1x!tpu.dma_semaphore, #tpu.memory_space<semaphore_mem>> -> memref<!tpu.dma_semaphore, #tpu.memory_space<semaphore_mem>>
          tpu.enqueue_indirect_dma source(%dma_start3A_250 : memref<10240x128xf32, #tpu.memory_space<hbm>>) target(%dma_start3A_244 : memref<128x128xf32, #tpu.memory_space<vmem>>) offsets(%dma_start3A_247 : memref<128xi32, #tpu.memory_space<vmem>>) semaphore(%dma_start3A_252 : memref<!tpu.dma_semaphore, #tpu.memory_space<semaphore_mem>>)
        } else {
        }
        %mul3A_185 = arith.constant 2 : i32
        %mul3A_186 = arith.muli %add3A_145, %mul3A_185 : i32
        %add3A_187 = arith.constant 1 : i32
        %add3A_188 = arith.addi %mul3A_186, %add3A_187 : i32
        %dma_wait3A_189 = arith.constant 1 : i32
        %dma_wait3A_190 = arith.constant 1 : i32
        %dma_wait3A_191 = arith.constant 1 : i32
        %dma_wait3A_192 = arith.constant 0 : i32
        %dma_wait3A_193 = arith.constant 0 : i32
        %dma_wait3A_194 = tpu.memref_slice %arg11[%dma_wait3A_190, %dma_wait3A_192, %dma_wait3A_193] : memref<2x128x128xf32, #tpu.memory_space<vmem>> -> memref<1x128x128xf32, #tpu.memory_space<vmem>>
        %dma_wait3A_195 = tpu.memref_squeeze %dma_wait3A_194 : memref<1x128x128xf32, #tpu.memory_space<vmem>> -> memref<128x128xf32, #tpu.memory_space<vmem>>
        %dma_wait3A_196 = arith.constant 0 : i32
        %dma_wait3A_197 = tpu.memref_slice %arg9[%dma_wait3A_189, %dma_wait3A_196] : memref<40x128xi32, #tpu.memory_space<vmem>> -> memref<1x128xi32, #tpu.memory_space<vmem>>
        %dma_wait3A_198 = tpu.memref_squeeze %dma_wait3A_197 : memref<1x128xi32, #tpu.memory_space<vmem>> -> memref<128xi32, #tpu.memory_space<vmem>>
        %dma_wait3A_199 = arith.constant 0 : i32
        %dma_wait3A_200 = arith.constant 0 : i32
        %dma_wait3A_201 = tpu.memref_slice %arg3[%dma_wait3A_199, %dma_wait3A_200] : memref<10240x128xf32, #tpu.memory_space<hbm>> -> memref<10240x128xf32, #tpu.memory_space<hbm>>
        %dma_wait3A_202 = tpu.memref_slice %arg12[%dma_wait3A_191] : memref<2x!tpu.dma_semaphore, #tpu.memory_space<semaphore_mem>> -> memref<1x!tpu.dma_semaphore, #tpu.memory_space<semaphore_mem>>
        %dma_wait3A_203 = tpu.memref_squeeze %dma_wait3A_202 : memref<1x!tpu.dma_semaphore, #tpu.memory_space<semaphore_mem>> -> memref<!tpu.dma_semaphore, #tpu.memory_space<semaphore_mem>>
        tpu.wait_indirect_dma semaphore(%dma_wait3A_203 : memref<!tpu.dma_semaphore, #tpu.memory_space<semaphore_mem>>) src(%dma_wait3A_201 : memref<10240x128xf32, #tpu.memory_space<hbm>>) dst(%dma_wait3A_195 : memref<128x128xf32, #tpu.memory_space<vmem>>)
        %dma_start3A_204 = arith.constant 1 : i32
        %dma_start3A_205 = arith.constant 1 : i32
        %dma_start3A_206 = arith.constant 0 : i32
        %dma_start3A_207 = arith.constant 0 : i32
        %dma_start3A_208 = tpu.memref_slice %arg11[%dma_start3A_204, %dma_start3A_206, %dma_start3A_207] : memref<2x128x128xf32, #tpu.memory_space<vmem>> -> memref<1x128x128xf32, #tpu.memory_space<vmem>>
        %dma_start3A_209 = tpu.memref_squeeze %dma_start3A_208 : memref<1x128x128xf32, #tpu.memory_space<vmem>> -> memref<128x128xf32, #tpu.memory_space<vmem>>
        %dma_start3A_210 = arith.constant 0 : i32
        %dma_start3A_211 = tpu.memref_slice %arg10[%add3A_188, %dma_start3A_210] : memref<40x128xi32, #tpu.memory_space<vmem>> -> memref<1x128xi32, #tpu.memory_space<vmem>>
        %dma_start3A_212 = tpu.memref_squeeze %dma_start3A_211 : memref<1x128xi32, #tpu.memory_space<vmem>> -> memref<128xi32, #tpu.memory_space<vmem>>
        %dma_start3A_213 = arith.constant 0 : i32
        %dma_start3A_214 = arith.constant 0 : i32
        %dma_start3A_215 = tpu.memref_slice %arg14[%dma_start3A_213, %dma_start3A_214] : memref<10240x128xf32, #tpu.memory_space<vmem_shared>> -> memref<10240x128xf32, #tpu.memory_space<vmem_shared>>
        %dma_start3A_216 = tpu.memref_slice %arg13[%dma_start3A_205] : memref<2x!tpu.dma_semaphore, #tpu.memory_space<semaphore_mem>> -> memref<1x!tpu.dma_semaphore, #tpu.memory_space<semaphore_mem>>
        %dma_start3A_217 = tpu.memref_squeeze %dma_start3A_216 : memref<1x!tpu.dma_semaphore, #tpu.memory_space<semaphore_mem>> -> memref<!tpu.dma_semaphore, #tpu.memory_space<semaphore_mem>>
        tpu.enqueue_indirect_dma source(%dma_start3A_209 : memref<128x128xf32, #tpu.memory_space<vmem>>) target(%dma_start3A_215 : memref<10240x128xf32, #tpu.memory_space<vmem_shared>>) offsets(%dma_start3A_212 : memref<128xi32, #tpu.memory_space<vmem>>) semaphore(%dma_start3A_217 : memref<!tpu.dma_semaphore, #tpu.memory_space<semaphore_mem>>) {add = true}
        %add3A_218 = arith.constant 2 : i32
        %add3A_219 = arith.addi %add3A_188, %add3A_218 : i32
        %lt3A_220 = arith.constant 40 : i32
        %lt3A_221 = arith.cmpi slt, %add3A_219, %lt3A_220 : i32
        %convert_element_type3A_222 = arith.extui %lt3A_221 : i1 to i32
        %cond3A_223 = arith.constant 0 : i32
        %cond3A_224 = arith.cmpi ne, %convert_element_type3A_222, %cond3A_223 : i32
        scf.if %cond3A_224 {
          %dma_wait3A_225 = arith.constant 1 : i32
          %dma_wait3A_226 = arith.constant 1 : i32
          %dma_wait3A_227 = arith.constant 0 : i32
          %dma_wait3A_228 = arith.constant 0 : i32
          %dma_wait3A_229 = tpu.memref_slice %arg11[%dma_wait3A_225, %dma_wait3A_227, %dma_wait3A_228] : memref<2x128x128xf32, #tpu.memory_space<vmem>> -> memref<1x128x128xf32, #tpu.memory_space<vmem>>
          %dma_wait3A_230 = tpu.memref_squeeze %dma_wait3A_229 : memref<1x128x128xf32, #tpu.memory_space<vmem>> -> memref<128x128xf32, #tpu.memory_space<vmem>>
          %dma_wait3A_231 = arith.constant 0 : i32
          %dma_wait3A_232 = tpu.memref_slice %arg10[%add3A_188, %dma_wait3A_231] : memref<40x128xi32, #tpu.memory_space<vmem>> -> memref<1x128xi32, #tpu.memory_space<vmem>>
          %dma_wait3A_233 = tpu.memref_squeeze %dma_wait3A_232 : memref<1x128xi32, #tpu.memory_space<vmem>> -> memref<128xi32, #tpu.memory_space<vmem>>
          %dma_wait3A_234 = arith.constant 0 : i32
          %dma_wait3A_235 = arith.constant 0 : i32
          %dma_wait3A_236 = tpu.memref_slice %arg14[%dma_wait3A_234, %dma_wait3A_235] : memref<10240x128xf32, #tpu.memory_space<vmem_shared>> -> memref<10240x128xf32, #tpu.memory_space<vmem_shared>>
          %dma_wait3A_237 = tpu.memref_slice %arg13[%dma_wait3A_226] : memref<2x!tpu.dma_semaphore, #tpu.memory_space<semaphore_mem>> -> memref<1x!tpu.dma_semaphore, #tpu.memory_space<semaphore_mem>>
          %dma_wait3A_238 = tpu.memref_squeeze %dma_wait3A_237 : memref<1x!tpu.dma_semaphore, #tpu.memory_space<semaphore_mem>> -> memref<!tpu.dma_semaphore, #tpu.memory_space<semaphore_mem>>
          tpu.wait_indirect_dma semaphore(%dma_wait3A_238 : memref<!tpu.dma_semaphore, #tpu.memory_space<semaphore_mem>>) src(%dma_wait3A_230 : memref<128x128xf32, #tpu.memory_space<vmem>>) dst(%dma_wait3A_236 : memref<10240x128xf32, #tpu.memory_space<vmem_shared>>)
          %dma_start3A_239 = arith.constant 1 : i32
          %dma_start3A_240 = arith.constant 1 : i32
          %dma_start3A_241 = arith.constant 0 : i32
          %dma_start3A_242 = arith.constant 0 : i32
          %dma_start3A_243 = tpu.memref_slice %arg11[%dma_start3A_239, %dma_start3A_241, %dma_start3A_242] : memref<2x128x128xf32, #tpu.memory_space<vmem>> -> memref<1x128x128xf32, #tpu.memory_space<vmem>>
          %dma_start3A_244 = tpu.memref_squeeze %dma_start3A_243 : memref<1x128x128xf32, #tpu.memory_space<vmem>> -> memref<128x128xf32, #tpu.memory_space<vmem>>
          %dma_start3A_245 = arith.constant 0 : i32
          %dma_start3A_246 = tpu.memref_slice %arg9[%add3A_219, %dma_start3A_245] : memref<40x128xi32, #tpu.memory_space<vmem>> -> memref<1x128xi32, #tpu.memory_space<vmem>>
          %dma_start3A_247 = tpu.memref_squeeze %dma_start3A_246 : memref<1x128xi32, #tpu.memory_space<vmem>> -> memref<128xi32, #tpu.memory_space<vmem>>
          %dma_start3A_248 = arith.constant 0 : i32
          %dma_start3A_249 = arith.constant 0 : i32
          %dma_start3A_250 = tpu.memref_slice %arg3[%dma_start3A_248, %dma_start3A_249] : memref<10240x128xf32, #tpu.memory_space<hbm>> -> memref<10240x128xf32, #tpu.memory_space<hbm>>
          %dma_start3A_251 = tpu.memref_slice %arg12[%dma_start3A_240] : memref<2x!tpu.dma_semaphore, #tpu.memory_space<semaphore_mem>> -> memref<1x!tpu.dma_semaphore, #tpu.memory_space<semaphore_mem>>
          %dma_start3A_252 = tpu.memref_squeeze %dma_start3A_251 : memref<1x!tpu.dma_semaphore, #tpu.memory_space<semaphore_mem>> -> memref<!tpu.dma_semaphore, #tpu.memory_space<semaphore_mem>>
          tpu.enqueue_indirect_dma source(%dma_start3A_250 : memref<10240x128xf32, #tpu.memory_space<hbm>>) target(%dma_start3A_244 : memref<128x128xf32, #tpu.memory_space<vmem>>) offsets(%dma_start3A_247 : memref<128xi32, #tpu.memory_space<vmem>>) semaphore(%dma_start3A_252 : memref<!tpu.dma_semaphore, #tpu.memory_space<semaphore_mem>>)
        } else {
        }
      }
      %scan3A_42 = arith.constant 20 : i32
      %dma_wait3A = arith.constant 0 : i32
      %dma_wait3A_43 = arith.constant 0 : i32
      %dma_wait3A_44 = arith.constant 0 : i32
      %dma_wait3A_45 = arith.constant 0 : i32
      %dma_wait3A_46 = arith.constant 0 : i32
      %dma_wait3A_47 = tpu.memref_slice %arg11[%dma_wait3A, %dma_wait3A_45, %dma_wait3A_46] : memref<2x128x128xf32, #tpu.memory_space<vmem>> -> memref<1x128x128xf32, #tpu.memory_space<vmem>>
      %dma_wait3A_48 = tpu.memref_squeeze %dma_wait3A_47 : memref<1x128x128xf32, #tpu.memory_space<vmem>> -> memref<128x128xf32, #tpu.memory_space<vmem>>
      %dma_wait3A_49 = arith.constant 0 : i32
      %dma_wait3A_50 = tpu.memref_slice %arg10[%dma_wait3A_43, %dma_wait3A_49] : memref<40x128xi32, #tpu.memory_space<vmem>> -> memref<1x128xi32, #tpu.memory_space<vmem>>
      %dma_wait3A_51 = tpu.memref_squeeze %dma_wait3A_50 : memref<1x128xi32, #tpu.memory_space<vmem>> -> memref<128xi32, #tpu.memory_space<vmem>>
      %dma_wait3A_52 = arith.constant 0 : i32
      %dma_wait3A_53 = arith.constant 0 : i32
      %dma_wait3A_54 = tpu.memref_slice %arg14[%dma_wait3A_52, %dma_wait3A_53] : memref<10240x128xf32, #tpu.memory_space<vmem_shared>> -> memref<10240x128xf32, #tpu.memory_space<vmem_shared>>
      %dma_wait3A_55 = tpu.memref_slice %arg13[%dma_wait3A_44] : memref<2x!tpu.dma_semaphore, #tpu.memory_space<semaphore_mem>> -> memref<1x!tpu.dma_semaphore, #tpu.memory_space<semaphore_mem>>
      %dma_wait3A_56 = tpu.memref_squeeze %dma_wait3A_55 : memref<1x!tpu.dma_semaphore, #tpu.memory_space<semaphore_mem>> -> memref<!tpu.dma_semaphore, #tpu.memory_space<semaphore_mem>>
      tpu.wait_indirect_dma semaphore(%dma_wait3A_56 : memref<!tpu.dma_semaphore, #tpu.memory_space<semaphore_mem>>) src(%dma_wait3A_48 : memref<128x128xf32, #tpu.memory_space<vmem>>) dst(%dma_wait3A_54 : memref<10240x128xf32, #tpu.memory_space<vmem_shared>>)
      %dma_wait3A_57 = arith.constant 1 : i32
      %dma_wait3A_58 = arith.constant 1 : i32
      %dma_wait3A_59 = arith.constant 1 : i32
      %dma_wait3A_60 = arith.constant 0 : i32
      %dma_wait3A_61 = arith.constant 0 : i32
      %dma_wait3A_62 = tpu.memref_slice %arg11[%dma_wait3A_57, %dma_wait3A_60, %dma_wait3A_61] : memref<2x128x128xf32, #tpu.memory_space<vmem>> -> memref<1x128x128xf32, #tpu.memory_space<vmem>>
      %dma_wait3A_63 = tpu.memref_squeeze %dma_wait3A_62 : memref<1x128x128xf32, #tpu.memory_space<vmem>> -> memref<128x128xf32, #tpu.memory_space<vmem>>
      %dma_wait3A_64 = arith.constant 0 : i32
      %dma_wait3A_65 = tpu.memref_slice %arg10[%dma_wait3A_58, %dma_wait3A_64] : memref<40x128xi32, #tpu.memory_space<vmem>> -> memref<1x128xi32, #tpu.memory_space<vmem>>
      %dma_wait3A_66 = tpu.memref_squeeze %dma_wait3A_65 : memref<1x128xi32, #tpu.memory_space<vmem>> -> memref<128xi32, #tpu.memory_space<vmem>>
      %dma_wait3A_67 = arith.constant 0 : i32
      %dma_wait3A_68 = arith.constant 0 : i32
      %dma_wait3A_69 = tpu.memref_slice %arg14[%dma_wait3A_67, %dma_wait3A_68] : memref<10240x128xf32, #tpu.memory_space<vmem_shared>> -> memref<10240x128xf32, #tpu.memory_space<vmem_shared>>
      %dma_wait3A_70 = tpu.memref_slice %arg13[%dma_wait3A_59] : memref<2x!tpu.dma_semaphore, #tpu.memory_space<semaphore_mem>> -> memref<1x!tpu.dma_semaphore, #tpu.memory_space<semaphore_mem>>
      %dma_wait3A_71 = tpu.memref_squeeze %dma_wait3A_70 : memref<1x!tpu.dma_semaphore, #tpu.memory_space<semaphore_mem>> -> memref<!tpu.dma_semaphore, #tpu.memory_space<semaphore_mem>>
      tpu.wait_indirect_dma semaphore(%dma_wait3A_71 : memref<!tpu.dma_semaphore, #tpu.memory_space<semaphore_mem>>) src(%dma_wait3A_63 : memref<128x128xf32, #tpu.memory_space<vmem>>) dst(%dma_wait3A_69 : memref<10240x128xf32, #tpu.memory_space<vmem_shared>>)
      %add3A = arith.constant 40 : i32
      %add3A_72 = arith.addi %mul3A_2, %add3A : i32
      "tpu.region"() ({
        %run_scoped3A = tpu.sem_alloc : memref<!tpu.dma_semaphore, #tpu.memory_space<semaphore_mem>>
        %dma_start3A_141 = arith.constant 0 : i32
        %dma_start3A_142 = tpu.memref_slice %arg4[%add3A_72, %dma_start3A_141] : memref<1280x128xi32, #tpu.memory_space<hbm>> -> memref<40x128xi32, #tpu.memory_space<hbm>>
        %dma_start3A_143 = arith.constant 0 : i32
        %dma_start3A_144 = tpu.memref_slice %arg4[%add3A_72, %dma_start3A_143] : memref<1280x128xi32, #tpu.memory_space<hbm>> -> memref<40x128xi32, #tpu.memory_space<hbm>>
        tpu.enqueue_dma source(%dma_start3A_144 : memref<40x128xi32, #tpu.memory_space<hbm>>) target(%arg9 : memref<40x128xi32, #tpu.memory_space<vmem>>) target_semaphore(%run_scoped3A : memref<!tpu.dma_semaphore, #tpu.memory_space<semaphore_mem>>)
        %dma_wait3A_145 = arith.constant 0 : i32
        %dma_wait3A_146 = tpu.memref_slice %arg4[%add3A_72, %dma_wait3A_145] : memref<1280x128xi32, #tpu.memory_space<hbm>> -> memref<40x128xi32, #tpu.memory_space<hbm>>
        %dma_wait3A_147 = arith.constant 0 : i32
        %dma_wait3A_148 = tpu.memref_slice %arg4[%add3A_72, %dma_wait3A_147] : memref<1280x128xi32, #tpu.memory_space<hbm>> -> memref<40x128xi32, #tpu.memory_space<hbm>>
        tpu.wait_dma2 semaphore(%run_scoped3A : memref<!tpu.dma_semaphore, #tpu.memory_space<semaphore_mem>>) src(%dma_wait3A_148 : memref<40x128xi32, #tpu.memory_space<hbm>>) dst(%arg9 : memref<40x128xi32, #tpu.memory_space<vmem>>)
        tpu.yield
      }) : () -> ()
      %add3A_73 = arith.constant 40 : i32
      %add3A_74 = arith.addi %mul3A_2, %add3A_73 : i32
      "tpu.region"() ({
        %run_scoped3A = tpu.sem_alloc : memref<!tpu.dma_semaphore, #tpu.memory_space<semaphore_mem>>
        %dma_start3A_141 = arith.constant 0 : i32
        %dma_start3A_142 = tpu.memref_slice %arg5[%add3A_74, %dma_start3A_141] : memref<1280x128xi32, #tpu.memory_space<hbm>> -> memref<40x128xi32, #tpu.memory_space<hbm>>
        %dma_start3A_143 = arith.constant 0 : i32
        %dma_start3A_144 = tpu.memref_slice %arg5[%add3A_74, %dma_start3A_143] : memref<1280x128xi32, #tpu.memory_space<hbm>> -> memref<40x128xi32, #tpu.memory_space<hbm>>
        tpu.enqueue_dma source(%dma_start3A_144 : memref<40x128xi32, #tpu.memory_space<hbm>>) target(%arg10 : memref<40x128xi32, #tpu.memory_space<vmem>>) target_semaphore(%run_scoped3A : memref<!tpu.dma_semaphore, #tpu.memory_space<semaphore_mem>>)
        %dma_wait3A_145 = arith.constant 0 : i32
        %dma_wait3A_146 = tpu.memref_slice %arg5[%add3A_74, %dma_wait3A_145] : memref<1280x128xi32, #tpu.memory_space<hbm>> -> memref<40x128xi32, #tpu.memory_space<hbm>>
        %dma_wait3A_147 = arith.constant 0 : i32
        %dma_wait3A_148 = tpu.memref_slice %arg5[%add3A_74, %dma_wait3A_147] : memref<1280x128xi32, #tpu.memory_space<hbm>> -> memref<40x128xi32, #tpu.memory_space<hbm>>
        tpu.wait_dma2 semaphore(%run_scoped3A : memref<!tpu.dma_semaphore, #tpu.memory_space<semaphore_mem>>) src(%dma_wait3A_148 : memref<40x128xi32, #tpu.memory_space<hbm>>) dst(%arg10 : memref<40x128xi32, #tpu.memory_space<vmem>>)
        tpu.yield
      }) : () -> ()
      %dma_start3A_75 = arith.constant 0 : i32
      %dma_start3A_76 = arith.constant 0 : i32
      %dma_start3A_77 = arith.constant 0 : i32
      %dma_start3A_78 = arith.constant 0 : i32
      %dma_start3A_79 = arith.constant 0 : i32
      %dma_start3A_80 = tpu.memref_slice %arg11[%dma_start3A_76, %dma_start3A_78, %dma_start3A_79] : memref<2x128x128xf32, #tpu.memory_space<vmem>> -> memref<1x128x128xf32, #tpu.memory_space<vmem>>
      %dma_start3A_81 = tpu.memref_squeeze %dma_start3A_80 : memref<1x128x128xf32, #tpu.memory_space<vmem>> -> memref<128x128xf32, #tpu.memory_space<vmem>>
      %dma_start3A_82 = arith.constant 0 : i32
      %dma_start3A_83 = tpu.memref_slice %arg9[%dma_start3A_75, %dma_start3A_82] : memref<40x128xi32, #tpu.memory_space<vmem>> -> memref<1x128xi32, #tpu.memory_space<vmem>>
      %dma_start3A_84 = tpu.memref_squeeze %dma_start3A_83 : memref<1x128xi32, #tpu.memory_space<vmem>> -> memref<128xi32, #tpu.memory_space<vmem>>
      %dma_start3A_85 = arith.constant 0 : i32
      %dma_start3A_86 = arith.constant 0 : i32
      %dma_start3A_87 = tpu.memref_slice %arg3[%dma_start3A_85, %dma_start3A_86] : memref<10240x128xf32, #tpu.memory_space<hbm>> -> memref<10240x128xf32, #tpu.memory_space<hbm>>
      %dma_start3A_88 = tpu.memref_slice %arg12[%dma_start3A_77] : memref<2x!tpu.dma_semaphore, #tpu.memory_space<semaphore_mem>> -> memref<1x!tpu.dma_semaphore, #tpu.memory_space<semaphore_mem>>
      %dma_start3A_89 = tpu.memref_squeeze %dma_start3A_88 : memref<1x!tpu.dma_semaphore, #tpu.memory_space<semaphore_mem>> -> memref<!tpu.dma_semaphore, #tpu.memory_space<semaphore_mem>>
      tpu.enqueue_indirect_dma source(%dma_start3A_87 : memref<10240x128xf32, #tpu.memory_space<hbm>>) target(%dma_start3A_81 : memref<128x128xf32, #tpu.memory_space<vmem>>) offsets(%dma_start3A_84 : memref<128xi32, #tpu.memory_space<vmem>>) semaphore(%dma_start3A_89 : memref<!tpu.dma_semaphore, #tpu.memory_space<semaphore_mem>>)
      %dma_start3A_90 = arith.constant 1 : i32
      %dma_start3A_91 = arith.constant 1 : i32
      %dma_start3A_92 = arith.constant 1 : i32
      %dma_start3A_93 = arith.constant 0 : i32
      %dma_start3A_94 = arith.constant 0 : i32
      %dma_start3A_95 = tpu.memref_slice %arg11[%dma_start3A_91, %dma_start3A_93, %dma_start3A_94] : memref<2x128x128xf32, #tpu.memory_space<vmem>> -> memref<1x128x128xf32, #tpu.memory_space<vmem>>
      %dma_start3A_96 = tpu.memref_squeeze %dma_start3A_95 : memref<1x128x128xf32, #tpu.memory_space<vmem>> -> memref<128x128xf32, #tpu.memory_space<vmem>>
      %dma_start3A_97 = arith.constant 0 : i32
      %dma_start3A_98 = tpu.memref_slice %arg9[%dma_start3A_90, %dma_start3A_97] : memref<40x128xi32, #tpu.memory_space<vmem>> -> memref<1x128xi32, #tpu.memory_space<vmem>>
      %dma_start3A_99 = tpu.memref_squeeze %dma_start3A_98 : memref<1x128xi32, #tpu.memory_space<vmem>> -> memref<128xi32, #tpu.memory_space<vmem>>
      %dma_start3A_100 = arith.constant 0 : i32
      %dma_start3A_101 = arith.constant 0 : i32
      %dma_start3A_102 = tpu.memref_slice %arg3[%dma_start3A_100, %dma_start3A_101] : memref<10240x128xf32, #tpu.memory_space<hbm>> -> memref<10240x128xf32, #tpu.memory_space<hbm>>
      %dma_start3A_103 = tpu.memref_slice %arg12[%dma_start3A_92] : memref<2x!tpu.dma_semaphore, #tpu.memory_space<semaphore_mem>> -> memref<1x!tpu.dma_semaphore, #tpu.memory_space<semaphore_mem>>
      %dma_start3A_104 = tpu.memref_squeeze %dma_start3A_103 : memref<1x!tpu.dma_semaphore, #tpu.memory_space<semaphore_mem>> -> memref<!tpu.dma_semaphore, #tpu.memory_space<semaphore_mem>>
      tpu.enqueue_indirect_dma source(%dma_start3A_102 : memref<10240x128xf32, #tpu.memory_space<hbm>>) target(%dma_start3A_96 : memref<128x128xf32, #tpu.memory_space<vmem>>) offsets(%dma_start3A_99 : memref<128xi32, #tpu.memory_space<vmem>>) semaphore(%dma_start3A_104 : memref<!tpu.dma_semaphore, #tpu.memory_space<semaphore_mem>>)
      %scan3A_105 = arith.constant 0 : i32
      %scan3A_106 = arith.constant 20 : i32
      %scan3A_107 = arith.addi %scan3A_105, %scan3A_106 : i32
      %scan3A_108 = arith.constant 1 : i32
      scf.for %scan3A_141 = %scan3A_105 to %scan3A_107 step %scan3A_108  : i32 {
        %mul3A_142 = arith.constant 1 : i32
        %mul3A_143 = arith.muli %scan3A_141, %mul3A_142 : i32
        %add3A_144 = arith.constant 0 : i32
        %add3A_145 = arith.addi %add3A_144, %mul3A_143 : i32
        %mul3A_146 = arith.constant 2 : i32
        %mul3A_147 = arith.muli %add3A_145, %mul3A_146 : i32
        %add3A_148 = arith.constant 0 : i32
        %add3A_149 = arith.addi %mul3A_147, %add3A_148 : i32
        %dma_wait3A_150 = arith.constant 0 : i32
        %dma_wait3A_151 = arith.constant 0 : i32
        %dma_wait3A_152 = arith.constant 0 : i32
        %dma_wait3A_153 = arith.constant 0 : i32
        %dma_wait3A_154 = arith.constant 0 : i32
        %dma_wait3A_155 = tpu.memref_slice %arg11[%dma_wait3A_151, %dma_wait3A_153, %dma_wait3A_154] : memref<2x128x128xf32, #tpu.memory_space<vmem>> -> memref<1x128x128xf32, #tpu.memory_space<vmem>>
        %dma_wait3A_156 = tpu.memref_squeeze %dma_wait3A_155 : memref<1x128x128xf32, #tpu.memory_space<vmem>> -> memref<128x128xf32, #tpu.memory_space<vmem>>
        %dma_wait3A_157 = arith.constant 0 : i32
        %dma_wait3A_158 = tpu.memref_slice %arg9[%dma_wait3A_150, %dma_wait3A_157] : memref<40x128xi32, #tpu.memory_space<vmem>> -> memref<1x128xi32, #tpu.memory_space<vmem>>
        %dma_wait3A_159 = tpu.memref_squeeze %dma_wait3A_158 : memref<1x128xi32, #tpu.memory_space<vmem>> -> memref<128xi32, #tpu.memory_space<vmem>>
        %dma_wait3A_160 = arith.constant 0 : i32
        %dma_wait3A_161 = arith.constant 0 : i32
        %dma_wait3A_162 = tpu.memref_slice %arg3[%dma_wait3A_160, %dma_wait3A_161] : memref<10240x128xf32, #tpu.memory_space<hbm>> -> memref<10240x128xf32, #tpu.memory_space<hbm>>
        %dma_wait3A_163 = tpu.memref_slice %arg12[%dma_wait3A_152] : memref<2x!tpu.dma_semaphore, #tpu.memory_space<semaphore_mem>> -> memref<1x!tpu.dma_semaphore, #tpu.memory_space<semaphore_mem>>
        %dma_wait3A_164 = tpu.memref_squeeze %dma_wait3A_163 : memref<1x!tpu.dma_semaphore, #tpu.memory_space<semaphore_mem>> -> memref<!tpu.dma_semaphore, #tpu.memory_space<semaphore_mem>>
        tpu.wait_indirect_dma semaphore(%dma_wait3A_164 : memref<!tpu.dma_semaphore, #tpu.memory_space<semaphore_mem>>) src(%dma_wait3A_162 : memref<10240x128xf32, #tpu.memory_space<hbm>>) dst(%dma_wait3A_156 : memref<128x128xf32, #tpu.memory_space<vmem>>)
        %dma_start3A_165 = arith.constant 0 : i32
        %dma_start3A_166 = arith.constant 0 : i32
        %dma_start3A_167 = arith.constant 0 : i32
        %dma_start3A_168 = arith.constant 0 : i32
        %dma_start3A_169 = tpu.memref_slice %arg11[%dma_start3A_165, %dma_start3A_167, %dma_start3A_168] : memref<2x128x128xf32, #tpu.memory_space<vmem>> -> memref<1x128x128xf32, #tpu.memory_space<vmem>>
        %dma_start3A_170 = tpu.memref_squeeze %dma_start3A_169 : memref<1x128x128xf32, #tpu.memory_space<vmem>> -> memref<128x128xf32, #tpu.memory_space<vmem>>
        %dma_start3A_171 = arith.constant 0 : i32
        %dma_start3A_172 = tpu.memref_slice %arg10[%add3A_149, %dma_start3A_171] : memref<40x128xi32, #tpu.memory_space<vmem>> -> memref<1x128xi32, #tpu.memory_space<vmem>>
        %dma_start3A_173 = tpu.memref_squeeze %dma_start3A_172 : memref<1x128xi32, #tpu.memory_space<vmem>> -> memref<128xi32, #tpu.memory_space<vmem>>
        %dma_start3A_174 = arith.constant 0 : i32
        %dma_start3A_175 = arith.constant 0 : i32
        %dma_start3A_176 = tpu.memref_slice %arg14[%dma_start3A_174, %dma_start3A_175] : memref<10240x128xf32, #tpu.memory_space<vmem_shared>> -> memref<10240x128xf32, #tpu.memory_space<vmem_shared>>
        %dma_start3A_177 = tpu.memref_slice %arg13[%dma_start3A_166] : memref<2x!tpu.dma_semaphore, #tpu.memory_space<semaphore_mem>> -> memref<1x!tpu.dma_semaphore, #tpu.memory_space<semaphore_mem>>
        %dma_start3A_178 = tpu.memref_squeeze %dma_start3A_177 : memref<1x!tpu.dma_semaphore, #tpu.memory_space<semaphore_mem>> -> memref<!tpu.dma_semaphore, #tpu.memory_space<semaphore_mem>>
        tpu.enqueue_indirect_dma source(%dma_start3A_170 : memref<128x128xf32, #tpu.memory_space<vmem>>) target(%dma_start3A_176 : memref<10240x128xf32, #tpu.memory_space<vmem_shared>>) offsets(%dma_start3A_173 : memref<128xi32, #tpu.memory_space<vmem>>) semaphore(%dma_start3A_178 : memref<!tpu.dma_semaphore, #tpu.memory_space<semaphore_mem>>) {add = true}
        %add3A_179 = arith.constant 2 : i32
        %add3A_180 = arith.addi %add3A_149, %add3A_179 : i32
        %lt3A = arith.constant 40 : i32
        %lt3A_181 = arith.cmpi slt, %add3A_180, %lt3A : i32
        %convert_element_type3A_182 = arith.extui %lt3A_181 : i1 to i32
        %cond3A_183 = arith.constant 0 : i32
        %cond3A_184 = arith.cmpi ne, %convert_element_type3A_182, %cond3A_183 : i32
        scf.if %cond3A_184 {
          %dma_wait3A_225 = arith.constant 0 : i32
          %dma_wait3A_226 = arith.constant 0 : i32
          %dma_wait3A_227 = arith.constant 0 : i32
          %dma_wait3A_228 = arith.constant 0 : i32
          %dma_wait3A_229 = tpu.memref_slice %arg11[%dma_wait3A_225, %dma_wait3A_227, %dma_wait3A_228] : memref<2x128x128xf32, #tpu.memory_space<vmem>> -> memref<1x128x128xf32, #tpu.memory_space<vmem>>
          %dma_wait3A_230 = tpu.memref_squeeze %dma_wait3A_229 : memref<1x128x128xf32, #tpu.memory_space<vmem>> -> memref<128x128xf32, #tpu.memory_space<vmem>>
          %dma_wait3A_231 = arith.constant 0 : i32
          %dma_wait3A_232 = tpu.memref_slice %arg10[%add3A_149, %dma_wait3A_231] : memref<40x128xi32, #tpu.memory_space<vmem>> -> memref<1x128xi32, #tpu.memory_space<vmem>>
          %dma_wait3A_233 = tpu.memref_squeeze %dma_wait3A_232 : memref<1x128xi32, #tpu.memory_space<vmem>> -> memref<128xi32, #tpu.memory_space<vmem>>
          %dma_wait3A_234 = arith.constant 0 : i32
          %dma_wait3A_235 = arith.constant 0 : i32
          %dma_wait3A_236 = tpu.memref_slice %arg14[%dma_wait3A_234, %dma_wait3A_235] : memref<10240x128xf32, #tpu.memory_space<vmem_shared>> -> memref<10240x128xf32, #tpu.memory_space<vmem_shared>>
          %dma_wait3A_237 = tpu.memref_slice %arg13[%dma_wait3A_226] : memref<2x!tpu.dma_semaphore, #tpu.memory_space<semaphore_mem>> -> memref<1x!tpu.dma_semaphore, #tpu.memory_space<semaphore_mem>>
          %dma_wait3A_238 = tpu.memref_squeeze %dma_wait3A_237 : memref<1x!tpu.dma_semaphore, #tpu.memory_space<semaphore_mem>> -> memref<!tpu.dma_semaphore, #tpu.memory_space<semaphore_mem>>
          tpu.wait_indirect_dma semaphore(%dma_wait3A_238 : memref<!tpu.dma_semaphore, #tpu.memory_space<semaphore_mem>>) src(%dma_wait3A_230 : memref<128x128xf32, #tpu.memory_space<vmem>>) dst(%dma_wait3A_236 : memref<10240x128xf32, #tpu.memory_space<vmem_shared>>)
          %dma_start3A_239 = arith.constant 0 : i32
          %dma_start3A_240 = arith.constant 0 : i32
          %dma_start3A_241 = arith.constant 0 : i32
          %dma_start3A_242 = arith.constant 0 : i32
          %dma_start3A_243 = tpu.memref_slice %arg11[%dma_start3A_239, %dma_start3A_241, %dma_start3A_242] : memref<2x128x128xf32, #tpu.memory_space<vmem>> -> memref<1x128x128xf32, #tpu.memory_space<vmem>>
          %dma_start3A_244 = tpu.memref_squeeze %dma_start3A_243 : memref<1x128x128xf32, #tpu.memory_space<vmem>> -> memref<128x128xf32, #tpu.memory_space<vmem>>
          %dma_start3A_245 = arith.constant 0 : i32
          %dma_start3A_246 = tpu.memref_slice %arg9[%add3A_180, %dma_start3A_245] : memref<40x128xi32, #tpu.memory_space<vmem>> -> memref<1x128xi32, #tpu.memory_space<vmem>>
          %dma_start3A_247 = tpu.memref_squeeze %dma_start3A_246 : memref<1x128xi32, #tpu.memory_space<vmem>> -> memref<128xi32, #tpu.memory_space<vmem>>
          %dma_start3A_248 = arith.constant 0 : i32
          %dma_start3A_249 = arith.constant 0 : i32
          %dma_start3A_250 = tpu.memref_slice %arg3[%dma_start3A_248, %dma_start3A_249] : memref<10240x128xf32, #tpu.memory_space<hbm>> -> memref<10240x128xf32, #tpu.memory_space<hbm>>
          %dma_start3A_251 = tpu.memref_slice %arg12[%dma_start3A_240] : memref<2x!tpu.dma_semaphore, #tpu.memory_space<semaphore_mem>> -> memref<1x!tpu.dma_semaphore, #tpu.memory_space<semaphore_mem>>
          %dma_start3A_252 = tpu.memref_squeeze %dma_start3A_251 : memref<1x!tpu.dma_semaphore, #tpu.memory_space<semaphore_mem>> -> memref<!tpu.dma_semaphore, #tpu.memory_space<semaphore_mem>>
          tpu.enqueue_indirect_dma source(%dma_start3A_250 : memref<10240x128xf32, #tpu.memory_space<hbm>>) target(%dma_start3A_244 : memref<128x128xf32, #tpu.memory_space<vmem>>) offsets(%dma_start3A_247 : memref<128xi32, #tpu.memory_space<vmem>>) semaphore(%dma_start3A_252 : memref<!tpu.dma_semaphore, #tpu.memory_space<semaphore_mem>>)
        } else {
        }
        %mul3A_185 = arith.constant 2 : i32
        %mul3A_186 = arith.muli %add3A_145, %mul3A_185 : i32
        %add3A_187 = arith.constant 1 : i32
        %add3A_188 = arith.addi %mul3A_186, %add3A_187 : i32
        %dma_wait3A_189 = arith.constant 1 : i32
        %dma_wait3A_190 = arith.constant 1 : i32
        %dma_wait3A_191 = arith.constant 1 : i32
        %dma_wait3A_192 = arith.constant 0 : i32
        %dma_wait3A_193 = arith.constant 0 : i32
        %dma_wait3A_194 = tpu.memref_slice %arg11[%dma_wait3A_190, %dma_wait3A_192, %dma_wait3A_193] : memref<2x128x128xf32, #tpu.memory_space<vmem>> -> memref<1x128x128xf32, #tpu.memory_space<vmem>>
        %dma_wait3A_195 = tpu.memref_squeeze %dma_wait3A_194 : memref<1x128x128xf32, #tpu.memory_space<vmem>> -> memref<128x128xf32, #tpu.memory_space<vmem>>
        %dma_wait3A_196 = arith.constant 0 : i32
        %dma_wait3A_197 = tpu.memref_slice %arg9[%dma_wait3A_189, %dma_wait3A_196] : memref<40x128xi32, #tpu.memory_space<vmem>> -> memref<1x128xi32, #tpu.memory_space<vmem>>
        %dma_wait3A_198 = tpu.memref_squeeze %dma_wait3A_197 : memref<1x128xi32, #tpu.memory_space<vmem>> -> memref<128xi32, #tpu.memory_space<vmem>>
        %dma_wait3A_199 = arith.constant 0 : i32
        %dma_wait3A_200 = arith.constant 0 : i32
        %dma_wait3A_201 = tpu.memref_slice %arg3[%dma_wait3A_199, %dma_wait3A_200] : memref<10240x128xf32, #tpu.memory_space<hbm>> -> memref<10240x128xf32, #tpu.memory_space<hbm>>
        %dma_wait3A_202 = tpu.memref_slice %arg12[%dma_wait3A_191] : memref<2x!tpu.dma_semaphore, #tpu.memory_space<semaphore_mem>> -> memref<1x!tpu.dma_semaphore, #tpu.memory_space<semaphore_mem>>
        %dma_wait3A_203 = tpu.memref_squeeze %dma_wait3A_202 : memref<1x!tpu.dma_semaphore, #tpu.memory_space<semaphore_mem>> -> memref<!tpu.dma_semaphore, #tpu.memory_space<semaphore_mem>>
        tpu.wait_indirect_dma semaphore(%dma_wait3A_203 : memref<!tpu.dma_semaphore, #tpu.memory_space<semaphore_mem>>) src(%dma_wait3A_201 : memref<10240x128xf32, #tpu.memory_space<hbm>>) dst(%dma_wait3A_195 : memref<128x128xf32, #tpu.memory_space<vmem>>)
        %dma_start3A_204 = arith.constant 1 : i32
        %dma_start3A_205 = arith.constant 1 : i32
        %dma_start3A_206 = arith.constant 0 : i32
        %dma_start3A_207 = arith.constant 0 : i32
        %dma_start3A_208 = tpu.memref_slice %arg11[%dma_start3A_204, %dma_start3A_206, %dma_start3A_207] : memref<2x128x128xf32, #tpu.memory_space<vmem>> -> memref<1x128x128xf32, #tpu.memory_space<vmem>>
        %dma_start3A_209 = tpu.memref_squeeze %dma_start3A_208 : memref<1x128x128xf32, #tpu.memory_space<vmem>> -> memref<128x128xf32, #tpu.memory_space<vmem>>
        %dma_start3A_210 = arith.constant 0 : i32
        %dma_start3A_211 = tpu.memref_slice %arg10[%add3A_188, %dma_start3A_210] : memref<40x128xi32, #tpu.memory_space<vmem>> -> memref<1x128xi32, #tpu.memory_space<vmem>>
        %dma_start3A_212 = tpu.memref_squeeze %dma_start3A_211 : memref<1x128xi32, #tpu.memory_space<vmem>> -> memref<128xi32, #tpu.memory_space<vmem>>
        %dma_start3A_213 = arith.constant 0 : i32
        %dma_start3A_214 = arith.constant 0 : i32
        %dma_start3A_215 = tpu.memref_slice %arg14[%dma_start3A_213, %dma_start3A_214] : memref<10240x128xf32, #tpu.memory_space<vmem_shared>> -> memref<10240x128xf32, #tpu.memory_space<vmem_shared>>
        %dma_start3A_216 = tpu.memref_slice %arg13[%dma_start3A_205] : memref<2x!tpu.dma_semaphore, #tpu.memory_space<semaphore_mem>> -> memref<1x!tpu.dma_semaphore, #tpu.memory_space<semaphore_mem>>
        %dma_start3A_217 = tpu.memref_squeeze %dma_start3A_216 : memref<1x!tpu.dma_semaphore, #tpu.memory_space<semaphore_mem>> -> memref<!tpu.dma_semaphore, #tpu.memory_space<semaphore_mem>>
        tpu.enqueue_indirect_dma source(%dma_start3A_209 : memref<128x128xf32, #tpu.memory_space<vmem>>) target(%dma_start3A_215 : memref<10240x128xf32, #tpu.memory_space<vmem_shared>>) offsets(%dma_start3A_212 : memref<128xi32, #tpu.memory_space<vmem>>) semaphore(%dma_start3A_217 : memref<!tpu.dma_semaphore, #tpu.memory_space<semaphore_mem>>) {add = true}
        %add3A_218 = arith.constant 2 : i32
        %add3A_219 = arith.addi %add3A_188, %add3A_218 : i32
        %lt3A_220 = arith.constant 40 : i32
        %lt3A_221 = arith.cmpi slt, %add3A_219, %lt3A_220 : i32
        %convert_element_type3A_222 = arith.extui %lt3A_221 : i1 to i32
        %cond3A_223 = arith.constant 0 : i32
        %cond3A_224 = arith.cmpi ne, %convert_element_type3A_222, %cond3A_223 : i32
        scf.if %cond3A_224 {
          %dma_wait3A_225 = arith.constant 1 : i32
          %dma_wait3A_226 = arith.constant 1 : i32
          %dma_wait3A_227 = arith.constant 0 : i32
          %dma_wait3A_228 = arith.constant 0 : i32
          %dma_wait3A_229 = tpu.memref_slice %arg11[%dma_wait3A_225, %dma_wait3A_227, %dma_wait3A_228] : memref<2x128x128xf32, #tpu.memory_space<vmem>> -> memref<1x128x128xf32, #tpu.memory_space<vmem>>
          %dma_wait3A_230 = tpu.memref_squeeze %dma_wait3A_229 : memref<1x128x128xf32, #tpu.memory_space<vmem>> -> memref<128x128xf32, #tpu.memory_space<vmem>>
          %dma_wait3A_231 = arith.constant 0 : i32
          %dma_wait3A_232 = tpu.memref_slice %arg10[%add3A_188, %dma_wait3A_231] : memref<40x128xi32, #tpu.memory_space<vmem>> -> memref<1x128xi32, #tpu.memory_space<vmem>>
          %dma_wait3A_233 = tpu.memref_squeeze %dma_wait3A_232 : memref<1x128xi32, #tpu.memory_space<vmem>> -> memref<128xi32, #tpu.memory_space<vmem>>
          %dma_wait3A_234 = arith.constant 0 : i32
          %dma_wait3A_235 = arith.constant 0 : i32
          %dma_wait3A_236 = tpu.memref_slice %arg14[%dma_wait3A_234, %dma_wait3A_235] : memref<10240x128xf32, #tpu.memory_space<vmem_shared>> -> memref<10240x128xf32, #tpu.memory_space<vmem_shared>>
          %dma_wait3A_237 = tpu.memref_slice %arg13[%dma_wait3A_226] : memref<2x!tpu.dma_semaphore, #tpu.memory_space<semaphore_mem>> -> memref<1x!tpu.dma_semaphore, #tpu.memory_space<semaphore_mem>>
          %dma_wait3A_238 = tpu.memref_squeeze %dma_wait3A_237 : memref<1x!tpu.dma_semaphore, #tpu.memory_space<semaphore_mem>> -> memref<!tpu.dma_semaphore, #tpu.memory_space<semaphore_mem>>
          tpu.wait_indirect_dma semaphore(%dma_wait3A_238 : memref<!tpu.dma_semaphore, #tpu.memory_space<semaphore_mem>>) src(%dma_wait3A_230 : memref<128x128xf32, #tpu.memory_space<vmem>>) dst(%dma_wait3A_236 : memref<10240x128xf32, #tpu.memory_space<vmem_shared>>)
          %dma_start3A_239 = arith.constant 1 : i32
          %dma_start3A_240 = arith.constant 1 : i32
          %dma_start3A_241 = arith.constant 0 : i32
          %dma_start3A_242 = arith.constant 0 : i32
          %dma_start3A_243 = tpu.memref_slice %arg11[%dma_start3A_239, %dma_start3A_241, %dma_start3A_242] : memref<2x128x128xf32, #tpu.memory_space<vmem>> -> memref<1x128x128xf32, #tpu.memory_space<vmem>>
          %dma_start3A_244 = tpu.memref_squeeze %dma_start3A_243 : memref<1x128x128xf32, #tpu.memory_space<vmem>> -> memref<128x128xf32, #tpu.memory_space<vmem>>
          %dma_start3A_245 = arith.constant 0 : i32
          %dma_start3A_246 = tpu.memref_slice %arg9[%add3A_219, %dma_start3A_245] : memref<40x128xi32, #tpu.memory_space<vmem>> -> memref<1x128xi32, #tpu.memory_space<vmem>>
          %dma_start3A_247 = tpu.memref_squeeze %dma_start3A_246 : memref<1x128xi32, #tpu.memory_space<vmem>> -> memref<128xi32, #tpu.memory_space<vmem>>
          %dma_start3A_248 = arith.constant 0 : i32
          %dma_start3A_249 = arith.constant 0 : i32
          %dma_start3A_250 = tpu.memref_slice %arg3[%dma_start3A_248, %dma_start3A_249] : memref<10240x128xf32, #tpu.memory_space<hbm>> -> memref<10240x128xf32, #tpu.memory_space<hbm>>
          %dma_start3A_251 = tpu.memref_slice %arg12[%dma_start3A_240] : memref<2x!tpu.dma_semaphore, #tpu.memory_space<semaphore_mem>> -> memref<1x!tpu.dma_semaphore, #tpu.memory_space<semaphore_mem>>
          %dma_start3A_252 = tpu.memref_squeeze %dma_start3A_251 : memref<1x!tpu.dma_semaphore, #tpu.memory_space<semaphore_mem>> -> memref<!tpu.dma_semaphore, #tpu.memory_space<semaphore_mem>>
          tpu.enqueue_indirect_dma source(%dma_start3A_250 : memref<10240x128xf32, #tpu.memory_space<hbm>>) target(%dma_start3A_244 : memref<128x128xf32, #tpu.memory_space<vmem>>) offsets(%dma_start3A_247 : memref<128xi32, #tpu.memory_space<vmem>>) semaphore(%dma_start3A_252 : memref<!tpu.dma_semaphore, #tpu.memory_space<semaphore_mem>>)
        } else {
        }
      }
      %scan3A_109 = arith.constant 20 : i32
      %dma_wait3A_110 = arith.constant 0 : i32
      %dma_wait3A_111 = arith.constant 0 : i32
      %dma_wait3A_112 = arith.constant 0 : i32
      %dma_wait3A_113 = arith.constant 0 : i32
      %dma_wait3A_114 = arith.constant 0 : i32
      %dma_wait3A_115 = tpu.memref_slice %arg11[%dma_wait3A_110, %dma_wait3A_113, %dma_wait3A_114] : memref<2x128x128xf32, #tpu.memory_space<vmem>> -> memref<1x128x128xf32, #tpu.memory_space<vmem>>
      %dma_wait3A_116 = tpu.memref_squeeze %dma_wait3A_115 : memref<1x128x128xf32, #tpu.memory_space<vmem>> -> memref<128x128xf32, #tpu.memory_space<vmem>>
      %dma_wait3A_117 = arith.constant 0 : i32
      %dma_wait3A_118 = tpu.memref_slice %arg10[%dma_wait3A_111, %dma_wait3A_117] : memref<40x128xi32, #tpu.memory_space<vmem>> -> memref<1x128xi32, #tpu.memory_space<vmem>>
      %dma_wait3A_119 = tpu.memref_squeeze %dma_wait3A_118 : memref<1x128xi32, #tpu.memory_space<vmem>> -> memref<128xi32, #tpu.memory_space<vmem>>
      %dma_wait3A_120 = arith.constant 0 : i32
      %dma_wait3A_121 = arith.constant 0 : i32
      %dma_wait3A_122 = tpu.memref_slice %arg14[%dma_wait3A_120, %dma_wait3A_121] : memref<10240x128xf32, #tpu.memory_space<vmem_shared>> -> memref<10240x128xf32, #tpu.memory_space<vmem_shared>>
      %dma_wait3A_123 = tpu.memref_slice %arg13[%dma_wait3A_112] : memref<2x!tpu.dma_semaphore, #tpu.memory_space<semaphore_mem>> -> memref<1x!tpu.dma_semaphore, #tpu.memory_space<semaphore_mem>>
      %dma_wait3A_124 = tpu.memref_squeeze %dma_wait3A_123 : memref<1x!tpu.dma_semaphore, #tpu.memory_space<semaphore_mem>> -> memref<!tpu.dma_semaphore, #tpu.memory_space<semaphore_mem>>
      tpu.wait_indirect_dma semaphore(%dma_wait3A_124 : memref<!tpu.dma_semaphore, #tpu.memory_space<semaphore_mem>>) src(%dma_wait3A_116 : memref<128x128xf32, #tpu.memory_space<vmem>>) dst(%dma_wait3A_122 : memref<10240x128xf32, #tpu.memory_space<vmem_shared>>)
      %dma_wait3A_125 = arith.constant 1 : i32
      %dma_wait3A_126 = arith.constant 1 : i32
      %dma_wait3A_127 = arith.constant 1 : i32
      %dma_wait3A_128 = arith.constant 0 : i32
      %dma_wait3A_129 = arith.constant 0 : i32
      %dma_wait3A_130 = tpu.memref_slice %arg11[%dma_wait3A_125, %dma_wait3A_128, %dma_wait3A_129] : memref<2x128x128xf32, #tpu.memory_space<vmem>> -> memref<1x128x128xf32, #tpu.memory_space<vmem>>
      %dma_wait3A_131 = tpu.memref_squeeze %dma_wait3A_130 : memref<1x128x128xf32, #tpu.memory_space<vmem>> -> memref<128x128xf32, #tpu.memory_space<vmem>>
      %dma_wait3A_132 = arith.constant 0 : i32
      %dma_wait3A_133 = tpu.memref_slice %arg10[%dma_wait3A_126, %dma_wait3A_132] : memref<40x128xi32, #tpu.memory_space<vmem>> -> memref<1x128xi32, #tpu.memory_space<vmem>>
      %dma_wait3A_134 = tpu.memref_squeeze %dma_wait3A_133 : memref<1x128xi32, #tpu.memory_space<vmem>> -> memref<128xi32, #tpu.memory_space<vmem>>
      %dma_wait3A_135 = arith.constant 0 : i32
      %dma_wait3A_136 = arith.constant 0 : i32
      %dma_wait3A_137 = tpu.memref_slice %arg14[%dma_wait3A_135, %dma_wait3A_136] : memref<10240x128xf32, #tpu.memory_space<vmem_shared>> -> memref<10240x128xf32, #tpu.memory_space<vmem_shared>>
      %dma_wait3A_138 = tpu.memref_slice %arg13[%dma_wait3A_127] : memref<2x!tpu.dma_semaphore, #tpu.memory_space<semaphore_mem>> -> memref<1x!tpu.dma_semaphore, #tpu.memory_space<semaphore_mem>>
      %dma_wait3A_139 = tpu.memref_squeeze %dma_wait3A_138 : memref<1x!tpu.dma_semaphore, #tpu.memory_space<semaphore_mem>> -> memref<!tpu.dma_semaphore, #tpu.memory_space<semaphore_mem>>
      tpu.wait_indirect_dma semaphore(%dma_wait3A_139 : memref<!tpu.dma_semaphore, #tpu.memory_space<semaphore_mem>>) src(%dma_wait3A_131 : memref<128x128xf32, #tpu.memory_space<vmem>>) dst(%dma_wait3A_137 : memref<10240x128xf32, #tpu.memory_space<vmem_shared>>)
      %barrier3A_140 = arith.constant 0 : index
      tpu.barrier barrier_id(%barrier3A_140)
      "tpu.region"() ({
        %run_scoped3A = tpu.sem_alloc : memref<!tpu.dma_semaphore, #tpu.memory_space<semaphore_mem>>
        %dma_start3A_141 = arith.constant 0 : i32
        %dma_start3A_142 = tpu.memref_slice %arg8[%mul3A_0, %dma_start3A_141] : memref<10240x128xf32, #tpu.memory_space<hbm>> -> memref<640x128xf32, #tpu.memory_space<hbm>>
        %dma_start3A_143 = arith.constant 0 : i32
        %dma_start3A_144 = tpu.memref_slice %arg14[%mul3A_0, %dma_start3A_143] : memref<10240x128xf32, #tpu.memory_space<vmem_shared>> -> memref<640x128xf32, #tpu.memory_space<vmem_shared>>
        tpu.enqueue_dma source(%dma_start3A_144 : memref<640x128xf32, #tpu.memory_space<vmem_shared>>) target(%dma_start3A_142 : memref<640x128xf32, #tpu.memory_space<hbm>>) target_semaphore(%run_scoped3A : memref<!tpu.dma_semaphore, #tpu.memory_space<semaphore_mem>>)
        %dma_wait3A_145 = arith.constant 0 : i32
        %dma_wait3A_146 = tpu.memref_slice %arg8[%mul3A_0, %dma_wait3A_145] : memref<10240x128xf32, #tpu.memory_space<hbm>> -> memref<640x128xf32, #tpu.memory_space<hbm>>
        %dma_wait3A_147 = arith.constant 0 : i32
        %dma_wait3A_148 = tpu.memref_slice %arg14[%mul3A_0, %dma_wait3A_147] : memref<10240x128xf32, #tpu.memory_space<vmem_shared>> -> memref<640x128xf32, #tpu.memory_space<vmem_shared>>
        tpu.wait_dma2 semaphore(%run_scoped3A : memref<!tpu.dma_semaphore, #tpu.memory_space<semaphore_mem>>) src(%dma_wait3A_148 : memref<640x128xf32, #tpu.memory_space<vmem_shared>>) dst(%dma_wait3A_146 : memref<640x128xf32, #tpu.memory_space<hbm>>)
        tpu.yield
      }) : () -> ()
    } else {
    }
    return
  }
}

#map = affine_map<(d0, d1) -> (0, 0)>
module attributes {stable_mosaic.version = 14 : i64} {
  func.func @agg_k(%arg0: i32, %arg1: i32, %arg2: memref<10240x128xf32, #tpu.memory_space<hbm>>, %arg3: memref<10240x128xf32, #tpu.memory_space<hbm>>, %arg4: memref<1280x128xi32, #tpu.memory_space<hbm>>, %arg5: memref<1280x128xi32, #tpu.memory_space<hbm>>, %arg6: memref<10240x128xf32, #tpu.memory_space<hbm>>, %arg7: memref<10240x128xf32, #tpu.memory_space<hbm>>, %arg8: memref<10240x128xf32, #tpu.memory_space<hbm>>, %arg9: memref<40x128xi32, #tpu.memory_space<vmem>>, %arg10: memref<40x128xi32, #tpu.memory_space<vmem>>, %arg11: memref<2x128x128xf32, #tpu.memory_space<vmem>>, %arg12: memref<2x!tpu.dma_semaphore, #tpu.memory_space<semaphore_mem>>, %arg13: memref<2x!tpu.dma_semaphore, #tpu.memory_space<semaphore_mem>>, %arg14: memref<10240x128xf32, #tpu.memory_space<vmem_shared>>) attributes {dimension_semantics = [#tpu.dimension_semantics<core_parallel>, #tpu.dimension_semantics<subcore_parallel>], iteration_bounds = array<i64: 2, 16>, scalar_prefetch = 0 : i64, scratch_operands = 6 : i64, tpu.core_type = #tpu.core_type<sc_vector_subcore>, window_params = [{transform_indices = #map}, {transform_indices = #map}, {transform_indices = #map}, {transform_indices = #map}, {transform_indices = #map}, {transform_indices = #map}, {transform_indices = #map}]} {
    %mul3A = arith.constant 640 : i32
    %mul3A_0 = arith.muli %arg1, %mul3A : i32
    %mul3A_1 = arith.constant 80 : i32
    %mul3A_2 = arith.muli %arg1, %mul3A_1 : i32
    "tpu.region"() ({
      %run_scoped3A = tpu.sem_alloc : memref<!tpu.dma_semaphore, #tpu.memory_space<semaphore_mem>>
      %dma_start3A = arith.constant 0 : i32
      %dma_start3A_10 = tpu.memref_slice %arg14[%mul3A_0, %dma_start3A] : memref<10240x128xf32, #tpu.memory_space<vmem_shared>> -> memref<640x128xf32, #tpu.memory_space<vmem_shared>>
      %dma_start3A_11 = arith.constant 0 : i32
      %dma_start3A_12 = tpu.memref_slice %arg6[%mul3A_0, %dma_start3A_11] : memref<10240x128xf32, #tpu.memory_space<hbm>> -> memref<640x128xf32, #tpu.memory_space<hbm>>
      tpu.enqueue_dma source(%dma_start3A_12 : memref<640x128xf32, #tpu.memory_space<hbm>>) target(%dma_start3A_10 : memref<640x128xf32, #tpu.memory_space<vmem_shared>>) target_semaphore(%run_scoped3A : memref<!tpu.dma_semaphore, #tpu.memory_space<semaphore_mem>>)
      %dma_wait3A = arith.constant 0 : i32
      %dma_wait3A_13 = tpu.memref_slice %arg14[%mul3A_0, %dma_wait3A] : memref<10240x128xf32, #tpu.memory_space<vmem_shared>> -> memref<640x128xf32, #tpu.memory_space<vmem_shared>>
      %dma_wait3A_14 = arith.constant 0 : i32
      %dma_wait3A_15 = tpu.memref_slice %arg6[%mul3A_0, %dma_wait3A_14] : memref<10240x128xf32, #tpu.memory_space<hbm>> -> memref<640x128xf32, #tpu.memory_space<hbm>>
      tpu.wait_dma2 semaphore(%run_scoped3A : memref<!tpu.dma_semaphore, #tpu.memory_space<semaphore_mem>>) src(%dma_wait3A_15 : memref<640x128xf32, #tpu.memory_space<hbm>>) dst(%dma_wait3A_13 : memref<640x128xf32, #tpu.memory_space<vmem_shared>>)
      tpu.yield
    }) : () -> ()
    %eq3A = arith.constant 0 : i32
    %eq3A_3 = arith.cmpi eq, %arg0, %eq3A : i32
    %convert_element_type3A = arith.extui %eq3A_3 : i1 to i32
    %cond3A = arith.constant 0 : i32
    %cond3A_4 = arith.cmpi ne, %convert_element_type3A, %cond3A : i32
    scf.if %cond3A_4 {
      "tpu.region"() ({
        %run_scoped3A = tpu.sem_alloc : memref<!tpu.dma_semaphore, #tpu.memory_space<semaphore_mem>>
        %dma_start3A_141 = arith.constant 0 : i32
        %dma_start3A_142 = tpu.memref_slice %arg4[%mul3A_2, %dma_start3A_141] : memref<1280x128xi32, #tpu.memory_space<hbm>> -> memref<40x128xi32, #tpu.memory_space<hbm>>
        %dma_start3A_143 = arith.constant 0 : i32
        %dma_start3A_144 = tpu.memref_slice %arg4[%mul3A_2, %dma_start3A_143] : memref<1280x128xi32, #tpu.memory_space<hbm>> -> memref<40x128xi32, #tpu.memory_space<hbm>>
        tpu.enqueue_dma source(%dma_start3A_144 : memref<40x128xi32, #tpu.memory_space<hbm>>) target(%arg9 : memref<40x128xi32, #tpu.memory_space<vmem>>) target_semaphore(%run_scoped3A : memref<!tpu.dma_semaphore, #tpu.memory_space<semaphore_mem>>)
        %dma_wait3A_145 = arith.constant 0 : i32
        %dma_wait3A_146 = tpu.memref_slice %arg4[%mul3A_2, %dma_wait3A_145] : memref<1280x128xi32, #tpu.memory_space<hbm>> -> memref<40x128xi32, #tpu.memory_space<hbm>>
        %dma_wait3A_147 = arith.constant 0 : i32
        %dma_wait3A_148 = tpu.memref_slice %arg4[%mul3A_2, %dma_wait3A_147] : memref<1280x128xi32, #tpu.memory_space<hbm>> -> memref<40x128xi32, #tpu.memory_space<hbm>>
        tpu.wait_dma2 semaphore(%run_scoped3A : memref<!tpu.dma_semaphore, #tpu.memory_space<semaphore_mem>>) src(%dma_wait3A_148 : memref<40x128xi32, #tpu.memory_space<hbm>>) dst(%arg9 : memref<40x128xi32, #tpu.memory_space<vmem>>)
        tpu.yield
      }) : () -> ()
      "tpu.region"() ({
        %run_scoped3A = tpu.sem_alloc : memref<!tpu.dma_semaphore, #tpu.memory_space<semaphore_mem>>
        %dma_start3A_141 = arith.constant 0 : i32
        %dma_start3A_142 = tpu.memref_slice %arg5[%mul3A_2, %dma_start3A_141] : memref<1280x128xi32, #tpu.memory_space<hbm>> -> memref<40x128xi32, #tpu.memory_space<hbm>>
        %dma_start3A_143 = arith.constant 0 : i32
        %dma_start3A_144 = tpu.memref_slice %arg5[%mul3A_2, %dma_start3A_143] : memref<1280x128xi32, #tpu.memory_space<hbm>> -> memref<40x128xi32, #tpu.memory_space<hbm>>
        tpu.enqueue_dma source(%dma_start3A_144 : memref<40x128xi32, #tpu.memory_space<hbm>>) target(%arg10 : memref<40x128xi32, #tpu.memory_space<vmem>>) target_semaphore(%run_scoped3A : memref<!tpu.dma_semaphore, #tpu.memory_space<semaphore_mem>>)
        %dma_wait3A_145 = arith.constant 0 : i32
        %dma_wait3A_146 = tpu.memref_slice %arg5[%mul3A_2, %dma_wait3A_145] : memref<1280x128xi32, #tpu.memory_space<hbm>> -> memref<40x128xi32, #tpu.memory_space<hbm>>
        %dma_wait3A_147 = arith.constant 0 : i32
        %dma_wait3A_148 = tpu.memref_slice %arg5[%mul3A_2, %dma_wait3A_147] : memref<1280x128xi32, #tpu.memory_space<hbm>> -> memref<40x128xi32, #tpu.memory_space<hbm>>
        tpu.wait_dma2 semaphore(%run_scoped3A : memref<!tpu.dma_semaphore, #tpu.memory_space<semaphore_mem>>) src(%dma_wait3A_148 : memref<40x128xi32, #tpu.memory_space<hbm>>) dst(%arg10 : memref<40x128xi32, #tpu.memory_space<vmem>>)
        tpu.yield
      }) : () -> ()
      %dma_start3A = arith.constant 0 : i32
      %dma_start3A_10 = arith.constant 0 : i32
      %dma_start3A_11 = arith.constant 0 : i32
      %dma_start3A_12 = arith.constant 0 : i32
      %dma_start3A_13 = arith.constant 0 : i32
      %dma_start3A_14 = tpu.memref_slice %arg11[%dma_start3A_10, %dma_start3A_12, %dma_start3A_13] : memref<2x128x128xf32, #tpu.memory_space<vmem>> -> memref<1x128x128xf32, #tpu.memory_space<vmem>>
      %dma_start3A_15 = tpu.memref_squeeze %dma_start3A_14 : memref<1x128x128xf32, #tpu.memory_space<vmem>> -> memref<128x128xf32, #tpu.memory_space<vmem>>
      %dma_start3A_16 = arith.constant 0 : i32
      %dma_start3A_17 = tpu.memref_slice %arg9[%dma_start3A, %dma_start3A_16] : memref<40x128xi32, #tpu.memory_space<vmem>> -> memref<1x128xi32, #tpu.memory_space<vmem>>
      %dma_start3A_18 = tpu.memref_squeeze %dma_start3A_17 : memref<1x128xi32, #tpu.memory_space<vmem>> -> memref<128xi32, #tpu.memory_space<vmem>>
      %dma_start3A_19 = arith.constant 0 : i32
      %dma_start3A_20 = arith.constant 0 : i32
      %dma_start3A_21 = tpu.memref_slice %arg2[%dma_start3A_19, %dma_start3A_20] : memref<10240x128xf32, #tpu.memory_space<hbm>> -> memref<10240x128xf32, #tpu.memory_space<hbm>>
      %dma_start3A_22 = tpu.memref_slice %arg12[%dma_start3A_11] : memref<2x!tpu.dma_semaphore, #tpu.memory_space<semaphore_mem>> -> memref<1x!tpu.dma_semaphore, #tpu.memory_space<semaphore_mem>>
      %dma_start3A_23 = tpu.memref_squeeze %dma_start3A_22 : memref<1x!tpu.dma_semaphore, #tpu.memory_space<semaphore_mem>> -> memref<!tpu.dma_semaphore, #tpu.memory_space<semaphore_mem>>
      tpu.enqueue_indirect_dma source(%dma_start3A_21 : memref<10240x128xf32, #tpu.memory_space<hbm>>) target(%dma_start3A_15 : memref<128x128xf32, #tpu.memory_space<vmem>>) offsets(%dma_start3A_18 : memref<128xi32, #tpu.memory_space<vmem>>) semaphore(%dma_start3A_23 : memref<!tpu.dma_semaphore, #tpu.memory_space<semaphore_mem>>)
      %dma_start3A_24 = arith.constant 1 : i32
      %dma_start3A_25 = arith.constant 1 : i32
      %dma_start3A_26 = arith.constant 1 : i32
      %dma_start3A_27 = arith.constant 0 : i32
      %dma_start3A_28 = arith.constant 0 : i32
      %dma_start3A_29 = tpu.memref_slice %arg11[%dma_start3A_25, %dma_start3A_27, %dma_start3A_28] : memref<2x128x128xf32, #tpu.memory_space<vmem>> -> memref<1x128x128xf32, #tpu.memory_space<vmem>>
      %dma_start3A_30 = tpu.memref_squeeze %dma_start3A_29 : memref<1x128x128xf32, #tpu.memory_space<vmem>> -> memref<128x128xf32, #tpu.memory_space<vmem>>
      %dma_start3A_31 = arith.constant 0 : i32
      %dma_start3A_32 = tpu.memref_slice %arg9[%dma_start3A_24, %dma_start3A_31] : memref<40x128xi32, #tpu.memory_space<vmem>> -> memref<1x128xi32, #tpu.memory_space<vmem>>
      %dma_start3A_33 = tpu.memref_squeeze %dma_start3A_32 : memref<1x128xi32, #tpu.memory_space<vmem>> -> memref<128xi32, #tpu.memory_space<vmem>>
      %dma_start3A_34 = arith.constant 0 : i32
      %dma_start3A_35 = arith.constant 0 : i32
      %dma_start3A_36 = tpu.memref_slice %arg2[%dma_start3A_34, %dma_start3A_35] : memref<10240x128xf32, #tpu.memory_space<hbm>> -> memref<10240x128xf32, #tpu.memory_space<hbm>>
      %dma_start3A_37 = tpu.memref_slice %arg12[%dma_start3A_26] : memref<2x!tpu.dma_semaphore, #tpu.memory_space<semaphore_mem>> -> memref<1x!tpu.dma_semaphore, #tpu.memory_space<semaphore_mem>>
      %dma_start3A_38 = tpu.memref_squeeze %dma_start3A_37 : memref<1x!tpu.dma_semaphore, #tpu.memory_space<semaphore_mem>> -> memref<!tpu.dma_semaphore, #tpu.memory_space<semaphore_mem>>
      tpu.enqueue_indirect_dma source(%dma_start3A_36 : memref<10240x128xf32, #tpu.memory_space<hbm>>) target(%dma_start3A_30 : memref<128x128xf32, #tpu.memory_space<vmem>>) offsets(%dma_start3A_33 : memref<128xi32, #tpu.memory_space<vmem>>) semaphore(%dma_start3A_38 : memref<!tpu.dma_semaphore, #tpu.memory_space<semaphore_mem>>)
      %barrier3A = arith.constant 0 : index
      tpu.barrier barrier_id(%barrier3A)
      %scan3A = arith.constant 0 : i32
      %scan3A_39 = arith.constant 20 : i32
      %scan3A_40 = arith.addi %scan3A, %scan3A_39 : i32
      %scan3A_41 = arith.constant 1 : i32
      scf.for %scan3A_141 = %scan3A to %scan3A_40 step %scan3A_41  : i32 {
        %mul3A_142 = arith.constant 1 : i32
        %mul3A_143 = arith.muli %scan3A_141, %mul3A_142 : i32
        %add3A_144 = arith.constant 0 : i32
        %add3A_145 = arith.addi %add3A_144, %mul3A_143 : i32
        %mul3A_146 = arith.constant 2 : i32
        %mul3A_147 = arith.muli %add3A_145, %mul3A_146 : i32
        %add3A_148 = arith.constant 0 : i32
        %add3A_149 = arith.addi %mul3A_147, %add3A_148 : i32
        %dma_wait3A_150 = arith.constant 0 : i32
        %dma_wait3A_151 = arith.constant 0 : i32
        %dma_wait3A_152 = arith.constant 0 : i32
        %dma_wait3A_153 = arith.constant 0 : i32
        %dma_wait3A_154 = arith.constant 0 : i32
        %dma_wait3A_155 = tpu.memref_slice %arg11[%dma_wait3A_151, %dma_wait3A_153, %dma_wait3A_154] : memref<2x128x128xf32, #tpu.memory_space<vmem>> -> memref<1x128x128xf32, #tpu.memory_space<vmem>>
        %dma_wait3A_156 = tpu.memref_squeeze %dma_wait3A_155 : memref<1x128x128xf32, #tpu.memory_space<vmem>> -> memref<128x128xf32, #tpu.memory_space<vmem>>
        %dma_wait3A_157 = arith.constant 0 : i32
        %dma_wait3A_158 = tpu.memref_slice %arg9[%dma_wait3A_150, %dma_wait3A_157] : memref<40x128xi32, #tpu.memory_space<vmem>> -> memref<1x128xi32, #tpu.memory_space<vmem>>
        %dma_wait3A_159 = tpu.memref_squeeze %dma_wait3A_158 : memref<1x128xi32, #tpu.memory_space<vmem>> -> memref<128xi32, #tpu.memory_space<vmem>>
        %dma_wait3A_160 = arith.constant 0 : i32
        %dma_wait3A_161 = arith.constant 0 : i32
        %dma_wait3A_162 = tpu.memref_slice %arg2[%dma_wait3A_160, %dma_wait3A_161] : memref<10240x128xf32, #tpu.memory_space<hbm>> -> memref<10240x128xf32, #tpu.memory_space<hbm>>
        %dma_wait3A_163 = tpu.memref_slice %arg12[%dma_wait3A_152] : memref<2x!tpu.dma_semaphore, #tpu.memory_space<semaphore_mem>> -> memref<1x!tpu.dma_semaphore, #tpu.memory_space<semaphore_mem>>
        %dma_wait3A_164 = tpu.memref_squeeze %dma_wait3A_163 : memref<1x!tpu.dma_semaphore, #tpu.memory_space<semaphore_mem>> -> memref<!tpu.dma_semaphore, #tpu.memory_space<semaphore_mem>>
        tpu.wait_indirect_dma semaphore(%dma_wait3A_164 : memref<!tpu.dma_semaphore, #tpu.memory_space<semaphore_mem>>) src(%dma_wait3A_162 : memref<10240x128xf32, #tpu.memory_space<hbm>>) dst(%dma_wait3A_156 : memref<128x128xf32, #tpu.memory_space<vmem>>)
        %dma_start3A_165 = arith.constant 0 : i32
        %dma_start3A_166 = arith.constant 0 : i32
        %dma_start3A_167 = arith.constant 0 : i32
        %dma_start3A_168 = arith.constant 0 : i32
        %dma_start3A_169 = tpu.memref_slice %arg11[%dma_start3A_165, %dma_start3A_167, %dma_start3A_168] : memref<2x128x128xf32, #tpu.memory_space<vmem>> -> memref<1x128x128xf32, #tpu.memory_space<vmem>>
        %dma_start3A_170 = tpu.memref_squeeze %dma_start3A_169 : memref<1x128x128xf32, #tpu.memory_space<vmem>> -> memref<128x128xf32, #tpu.memory_space<vmem>>
        %dma_start3A_171 = arith.constant 0 : i32
        %dma_start3A_172 = tpu.memref_slice %arg10[%add3A_149, %dma_start3A_171] : memref<40x128xi32, #tpu.memory_space<vmem>> -> memref<1x128xi32, #tpu.memory_space<vmem>>
        %dma_start3A_173 = tpu.memref_squeeze %dma_start3A_172 : memref<1x128xi32, #tpu.memory_space<vmem>> -> memref<128xi32, #tpu.memory_space<vmem>>
        %dma_start3A_174 = arith.constant 0 : i32
        %dma_start3A_175 = arith.constant 0 : i32
        %dma_start3A_176 = tpu.memref_slice %arg14[%dma_start3A_174, %dma_start3A_175] : memref<10240x128xf32, #tpu.memory_space<vmem_shared>> -> memref<10240x128xf32, #tpu.memory_space<vmem_shared>>
        %dma_start3A_177 = tpu.memref_slice %arg13[%dma_start3A_166] : memref<2x!tpu.dma_semaphore, #tpu.memory_space<semaphore_mem>> -> memref<1x!tpu.dma_semaphore, #tpu.memory_space<semaphore_mem>>
        %dma_start3A_178 = tpu.memref_squeeze %dma_start3A_177 : memref<1x!tpu.dma_semaphore, #tpu.memory_space<semaphore_mem>> -> memref<!tpu.dma_semaphore, #tpu.memory_space<semaphore_mem>>
        tpu.enqueue_indirect_dma source(%dma_start3A_170 : memref<128x128xf32, #tpu.memory_space<vmem>>) target(%dma_start3A_176 : memref<10240x128xf32, #tpu.memory_space<vmem_shared>>) offsets(%dma_start3A_173 : memref<128xi32, #tpu.memory_space<vmem>>) semaphore(%dma_start3A_178 : memref<!tpu.dma_semaphore, #tpu.memory_space<semaphore_mem>>) {add = true}
        %add3A_179 = arith.constant 2 : i32
        %add3A_180 = arith.addi %add3A_149, %add3A_179 : i32
        %lt3A = arith.constant 40 : i32
        %lt3A_181 = arith.cmpi slt, %add3A_180, %lt3A : i32
        %convert_element_type3A_182 = arith.extui %lt3A_181 : i1 to i32
        %cond3A_183 = arith.constant 0 : i32
        %cond3A_184 = arith.cmpi ne, %convert_element_type3A_182, %cond3A_183 : i32
        scf.if %cond3A_184 {
          %dma_wait3A_225 = arith.constant 0 : i32
          %dma_wait3A_226 = arith.constant 0 : i32
          %dma_wait3A_227 = arith.constant 0 : i32
          %dma_wait3A_228 = arith.constant 0 : i32
          %dma_wait3A_229 = tpu.memref_slice %arg11[%dma_wait3A_225, %dma_wait3A_227, %dma_wait3A_228] : memref<2x128x128xf32, #tpu.memory_space<vmem>> -> memref<1x128x128xf32, #tpu.memory_space<vmem>>
          %dma_wait3A_230 = tpu.memref_squeeze %dma_wait3A_229 : memref<1x128x128xf32, #tpu.memory_space<vmem>> -> memref<128x128xf32, #tpu.memory_space<vmem>>
          %dma_wait3A_231 = arith.constant 0 : i32
          %dma_wait3A_232 = tpu.memref_slice %arg10[%add3A_149, %dma_wait3A_231] : memref<40x128xi32, #tpu.memory_space<vmem>> -> memref<1x128xi32, #tpu.memory_space<vmem>>
          %dma_wait3A_233 = tpu.memref_squeeze %dma_wait3A_232 : memref<1x128xi32, #tpu.memory_space<vmem>> -> memref<128xi32, #tpu.memory_space<vmem>>
          %dma_wait3A_234 = arith.constant 0 : i32
          %dma_wait3A_235 = arith.constant 0 : i32
          %dma_wait3A_236 = tpu.memref_slice %arg14[%dma_wait3A_234, %dma_wait3A_235] : memref<10240x128xf32, #tpu.memory_space<vmem_shared>> -> memref<10240x128xf32, #tpu.memory_space<vmem_shared>>
          %dma_wait3A_237 = tpu.memref_slice %arg13[%dma_wait3A_226] : memref<2x!tpu.dma_semaphore, #tpu.memory_space<semaphore_mem>> -> memref<1x!tpu.dma_semaphore, #tpu.memory_space<semaphore_mem>>
          %dma_wait3A_238 = tpu.memref_squeeze %dma_wait3A_237 : memref<1x!tpu.dma_semaphore, #tpu.memory_space<semaphore_mem>> -> memref<!tpu.dma_semaphore, #tpu.memory_space<semaphore_mem>>
          tpu.wait_indirect_dma semaphore(%dma_wait3A_238 : memref<!tpu.dma_semaphore, #tpu.memory_space<semaphore_mem>>) src(%dma_wait3A_230 : memref<128x128xf32, #tpu.memory_space<vmem>>) dst(%dma_wait3A_236 : memref<10240x128xf32, #tpu.memory_space<vmem_shared>>)
          %dma_start3A_239 = arith.constant 0 : i32
          %dma_start3A_240 = arith.constant 0 : i32
          %dma_start3A_241 = arith.constant 0 : i32
          %dma_start3A_242 = arith.constant 0 : i32
          %dma_start3A_243 = tpu.memref_slice %arg11[%dma_start3A_239, %dma_start3A_241, %dma_start3A_242] : memref<2x128x128xf32, #tpu.memory_space<vmem>> -> memref<1x128x128xf32, #tpu.memory_space<vmem>>
          %dma_start3A_244 = tpu.memref_squeeze %dma_start3A_243 : memref<1x128x128xf32, #tpu.memory_space<vmem>> -> memref<128x128xf32, #tpu.memory_space<vmem>>
          %dma_start3A_245 = arith.constant 0 : i32
          %dma_start3A_246 = tpu.memref_slice %arg9[%add3A_180, %dma_start3A_245] : memref<40x128xi32, #tpu.memory_space<vmem>> -> memref<1x128xi32, #tpu.memory_space<vmem>>
          %dma_start3A_247 = tpu.memref_squeeze %dma_start3A_246 : memref<1x128xi32, #tpu.memory_space<vmem>> -> memref<128xi32, #tpu.memory_space<vmem>>
          %dma_start3A_248 = arith.constant 0 : i32
          %dma_start3A_249 = arith.constant 0 : i32
          %dma_start3A_250 = tpu.memref_slice %arg2[%dma_start3A_248, %dma_start3A_249] : memref<10240x128xf32, #tpu.memory_space<hbm>> -> memref<10240x128xf32, #tpu.memory_space<hbm>>
          %dma_start3A_251 = tpu.memref_slice %arg12[%dma_start3A_240] : memref<2x!tpu.dma_semaphore, #tpu.memory_space<semaphore_mem>> -> memref<1x!tpu.dma_semaphore, #tpu.memory_space<semaphore_mem>>
          %dma_start3A_252 = tpu.memref_squeeze %dma_start3A_251 : memref<1x!tpu.dma_semaphore, #tpu.memory_space<semaphore_mem>> -> memref<!tpu.dma_semaphore, #tpu.memory_space<semaphore_mem>>
          tpu.enqueue_indirect_dma source(%dma_start3A_250 : memref<10240x128xf32, #tpu.memory_space<hbm>>) target(%dma_start3A_244 : memref<128x128xf32, #tpu.memory_space<vmem>>) offsets(%dma_start3A_247 : memref<128xi32, #tpu.memory_space<vmem>>) semaphore(%dma_start3A_252 : memref<!tpu.dma_semaphore, #tpu.memory_space<semaphore_mem>>)
        } else {
        }
        %mul3A_185 = arith.constant 2 : i32
        %mul3A_186 = arith.muli %add3A_145, %mul3A_185 : i32
        %add3A_187 = arith.constant 1 : i32
        %add3A_188 = arith.addi %mul3A_186, %add3A_187 : i32
        %dma_wait3A_189 = arith.constant 1 : i32
        %dma_wait3A_190 = arith.constant 1 : i32
        %dma_wait3A_191 = arith.constant 1 : i32
        %dma_wait3A_192 = arith.constant 0 : i32
        %dma_wait3A_193 = arith.constant 0 : i32
        %dma_wait3A_194 = tpu.memref_slice %arg11[%dma_wait3A_190, %dma_wait3A_192, %dma_wait3A_193] : memref<2x128x128xf32, #tpu.memory_space<vmem>> -> memref<1x128x128xf32, #tpu.memory_space<vmem>>
        %dma_wait3A_195 = tpu.memref_squeeze %dma_wait3A_194 : memref<1x128x128xf32, #tpu.memory_space<vmem>> -> memref<128x128xf32, #tpu.memory_space<vmem>>
        %dma_wait3A_196 = arith.constant 0 : i32
        %dma_wait3A_197 = tpu.memref_slice %arg9[%dma_wait3A_189, %dma_wait3A_196] : memref<40x128xi32, #tpu.memory_space<vmem>> -> memref<1x128xi32, #tpu.memory_space<vmem>>
        %dma_wait3A_198 = tpu.memref_squeeze %dma_wait3A_197 : memref<1x128xi32, #tpu.memory_space<vmem>> -> memref<128xi32, #tpu.memory_space<vmem>>
        %dma_wait3A_199 = arith.constant 0 : i32
        %dma_wait3A_200 = arith.constant 0 : i32
        %dma_wait3A_201 = tpu.memref_slice %arg2[%dma_wait3A_199, %dma_wait3A_200] : memref<10240x128xf32, #tpu.memory_space<hbm>> -> memref<10240x128xf32, #tpu.memory_space<hbm>>
        %dma_wait3A_202 = tpu.memref_slice %arg12[%dma_wait3A_191] : memref<2x!tpu.dma_semaphore, #tpu.memory_space<semaphore_mem>> -> memref<1x!tpu.dma_semaphore, #tpu.memory_space<semaphore_mem>>
        %dma_wait3A_203 = tpu.memref_squeeze %dma_wait3A_202 : memref<1x!tpu.dma_semaphore, #tpu.memory_space<semaphore_mem>> -> memref<!tpu.dma_semaphore, #tpu.memory_space<semaphore_mem>>
        tpu.wait_indirect_dma semaphore(%dma_wait3A_203 : memref<!tpu.dma_semaphore, #tpu.memory_space<semaphore_mem>>) src(%dma_wait3A_201 : memref<10240x128xf32, #tpu.memory_space<hbm>>) dst(%dma_wait3A_195 : memref<128x128xf32, #tpu.memory_space<vmem>>)
        %dma_start3A_204 = arith.constant 1 : i32
        %dma_start3A_205 = arith.constant 1 : i32
        %dma_start3A_206 = arith.constant 0 : i32
        %dma_start3A_207 = arith.constant 0 : i32
        %dma_start3A_208 = tpu.memref_slice %arg11[%dma_start3A_204, %dma_start3A_206, %dma_start3A_207] : memref<2x128x128xf32, #tpu.memory_space<vmem>> -> memref<1x128x128xf32, #tpu.memory_space<vmem>>
        %dma_start3A_209 = tpu.memref_squeeze %dma_start3A_208 : memref<1x128x128xf32, #tpu.memory_space<vmem>> -> memref<128x128xf32, #tpu.memory_space<vmem>>
        %dma_start3A_210 = arith.constant 0 : i32
        %dma_start3A_211 = tpu.memref_slice %arg10[%add3A_188, %dma_start3A_210] : memref<40x128xi32, #tpu.memory_space<vmem>> -> memref<1x128xi32, #tpu.memory_space<vmem>>
        %dma_start3A_212 = tpu.memref_squeeze %dma_start3A_211 : memref<1x128xi32, #tpu.memory_space<vmem>> -> memref<128xi32, #tpu.memory_space<vmem>>
        %dma_start3A_213 = arith.constant 0 : i32
        %dma_start3A_214 = arith.constant 0 : i32
        %dma_start3A_215 = tpu.memref_slice %arg14[%dma_start3A_213, %dma_start3A_214] : memref<10240x128xf32, #tpu.memory_space<vmem_shared>> -> memref<10240x128xf32, #tpu.memory_space<vmem_shared>>
        %dma_start3A_216 = tpu.memref_slice %arg13[%dma_start3A_205] : memref<2x!tpu.dma_semaphore, #tpu.memory_space<semaphore_mem>> -> memref<1x!tpu.dma_semaphore, #tpu.memory_space<semaphore_mem>>
        %dma_start3A_217 = tpu.memref_squeeze %dma_start3A_216 : memref<1x!tpu.dma_semaphore, #tpu.memory_space<semaphore_mem>> -> memref<!tpu.dma_semaphore, #tpu.memory_space<semaphore_mem>>
        tpu.enqueue_indirect_dma source(%dma_start3A_209 : memref<128x128xf32, #tpu.memory_space<vmem>>) target(%dma_start3A_215 : memref<10240x128xf32, #tpu.memory_space<vmem_shared>>) offsets(%dma_start3A_212 : memref<128xi32, #tpu.memory_space<vmem>>) semaphore(%dma_start3A_217 : memref<!tpu.dma_semaphore, #tpu.memory_space<semaphore_mem>>) {add = true}
        %add3A_218 = arith.constant 2 : i32
        %add3A_219 = arith.addi %add3A_188, %add3A_218 : i32
        %lt3A_220 = arith.constant 40 : i32
        %lt3A_221 = arith.cmpi slt, %add3A_219, %lt3A_220 : i32
        %convert_element_type3A_222 = arith.extui %lt3A_221 : i1 to i32
        %cond3A_223 = arith.constant 0 : i32
        %cond3A_224 = arith.cmpi ne, %convert_element_type3A_222, %cond3A_223 : i32
        scf.if %cond3A_224 {
          %dma_wait3A_225 = arith.constant 1 : i32
          %dma_wait3A_226 = arith.constant 1 : i32
          %dma_wait3A_227 = arith.constant 0 : i32
          %dma_wait3A_228 = arith.constant 0 : i32
          %dma_wait3A_229 = tpu.memref_slice %arg11[%dma_wait3A_225, %dma_wait3A_227, %dma_wait3A_228] : memref<2x128x128xf32, #tpu.memory_space<vmem>> -> memref<1x128x128xf32, #tpu.memory_space<vmem>>
          %dma_wait3A_230 = tpu.memref_squeeze %dma_wait3A_229 : memref<1x128x128xf32, #tpu.memory_space<vmem>> -> memref<128x128xf32, #tpu.memory_space<vmem>>
          %dma_wait3A_231 = arith.constant 0 : i32
          %dma_wait3A_232 = tpu.memref_slice %arg10[%add3A_188, %dma_wait3A_231] : memref<40x128xi32, #tpu.memory_space<vmem>> -> memref<1x128xi32, #tpu.memory_space<vmem>>
          %dma_wait3A_233 = tpu.memref_squeeze %dma_wait3A_232 : memref<1x128xi32, #tpu.memory_space<vmem>> -> memref<128xi32, #tpu.memory_space<vmem>>
          %dma_wait3A_234 = arith.constant 0 : i32
          %dma_wait3A_235 = arith.constant 0 : i32
          %dma_wait3A_236 = tpu.memref_slice %arg14[%dma_wait3A_234, %dma_wait3A_235] : memref<10240x128xf32, #tpu.memory_space<vmem_shared>> -> memref<10240x128xf32, #tpu.memory_space<vmem_shared>>
          %dma_wait3A_237 = tpu.memref_slice %arg13[%dma_wait3A_226] : memref<2x!tpu.dma_semaphore, #tpu.memory_space<semaphore_mem>> -> memref<1x!tpu.dma_semaphore, #tpu.memory_space<semaphore_mem>>
          %dma_wait3A_238 = tpu.memref_squeeze %dma_wait3A_237 : memref<1x!tpu.dma_semaphore, #tpu.memory_space<semaphore_mem>> -> memref<!tpu.dma_semaphore, #tpu.memory_space<semaphore_mem>>
          tpu.wait_indirect_dma semaphore(%dma_wait3A_238 : memref<!tpu.dma_semaphore, #tpu.memory_space<semaphore_mem>>) src(%dma_wait3A_230 : memref<128x128xf32, #tpu.memory_space<vmem>>) dst(%dma_wait3A_236 : memref<10240x128xf32, #tpu.memory_space<vmem_shared>>)
          %dma_start3A_239 = arith.constant 1 : i32
          %dma_start3A_240 = arith.constant 1 : i32
          %dma_start3A_241 = arith.constant 0 : i32
          %dma_start3A_242 = arith.constant 0 : i32
          %dma_start3A_243 = tpu.memref_slice %arg11[%dma_start3A_239, %dma_start3A_241, %dma_start3A_242] : memref<2x128x128xf32, #tpu.memory_space<vmem>> -> memref<1x128x128xf32, #tpu.memory_space<vmem>>
          %dma_start3A_244 = tpu.memref_squeeze %dma_start3A_243 : memref<1x128x128xf32, #tpu.memory_space<vmem>> -> memref<128x128xf32, #tpu.memory_space<vmem>>
          %dma_start3A_245 = arith.constant 0 : i32
          %dma_start3A_246 = tpu.memref_slice %arg9[%add3A_219, %dma_start3A_245] : memref<40x128xi32, #tpu.memory_space<vmem>> -> memref<1x128xi32, #tpu.memory_space<vmem>>
          %dma_start3A_247 = tpu.memref_squeeze %dma_start3A_246 : memref<1x128xi32, #tpu.memory_space<vmem>> -> memref<128xi32, #tpu.memory_space<vmem>>
          %dma_start3A_248 = arith.constant 0 : i32
          %dma_start3A_249 = arith.constant 0 : i32
          %dma_start3A_250 = tpu.memref_slice %arg2[%dma_start3A_248, %dma_start3A_249] : memref<10240x128xf32, #tpu.memory_space<hbm>> -> memref<10240x128xf32, #tpu.memory_space<hbm>>
          %dma_start3A_251 = tpu.memref_slice %arg12[%dma_start3A_240] : memref<2x!tpu.dma_semaphore, #tpu.memory_space<semaphore_mem>> -> memref<1x!tpu.dma_semaphore, #tpu.memory_space<semaphore_mem>>
          %dma_start3A_252 = tpu.memref_squeeze %dma_start3A_251 : memref<1x!tpu.dma_semaphore, #tpu.memory_space<semaphore_mem>> -> memref<!tpu.dma_semaphore, #tpu.memory_space<semaphore_mem>>
          tpu.enqueue_indirect_dma source(%dma_start3A_250 : memref<10240x128xf32, #tpu.memory_space<hbm>>) target(%dma_start3A_244 : memref<128x128xf32, #tpu.memory_space<vmem>>) offsets(%dma_start3A_247 : memref<128xi32, #tpu.memory_space<vmem>>) semaphore(%dma_start3A_252 : memref<!tpu.dma_semaphore, #tpu.memory_space<semaphore_mem>>)
        } else {
        }
      }
      %scan3A_42 = arith.constant 20 : i32
      %dma_wait3A = arith.constant 0 : i32
      %dma_wait3A_43 = arith.constant 0 : i32
      %dma_wait3A_44 = arith.constant 0 : i32
      %dma_wait3A_45 = arith.constant 0 : i32
      %dma_wait3A_46 = arith.constant 0 : i32
      %dma_wait3A_47 = tpu.memref_slice %arg11[%dma_wait3A, %dma_wait3A_45, %dma_wait3A_46] : memref<2x128x128xf32, #tpu.memory_space<vmem>> -> memref<1x128x128xf32, #tpu.memory_space<vmem>>
      %dma_wait3A_48 = tpu.memref_squeeze %dma_wait3A_47 : memref<1x128x128xf32, #tpu.memory_space<vmem>> -> memref<128x128xf32, #tpu.memory_space<vmem>>
      %dma_wait3A_49 = arith.constant 0 : i32
      %dma_wait3A_50 = tpu.memref_slice %arg10[%dma_wait3A_43, %dma_wait3A_49] : memref<40x128xi32, #tpu.memory_space<vmem>> -> memref<1x128xi32, #tpu.memory_space<vmem>>
      %dma_wait3A_51 = tpu.memref_squeeze %dma_wait3A_50 : memref<1x128xi32, #tpu.memory_space<vmem>> -> memref<128xi32, #tpu.memory_space<vmem>>
      %dma_wait3A_52 = arith.constant 0 : i32
      %dma_wait3A_53 = arith.constant 0 : i32
      %dma_wait3A_54 = tpu.memref_slice %arg14[%dma_wait3A_52, %dma_wait3A_53] : memref<10240x128xf32, #tpu.memory_space<vmem_shared>> -> memref<10240x128xf32, #tpu.memory_space<vmem_shared>>
      %dma_wait3A_55 = tpu.memref_slice %arg13[%dma_wait3A_44] : memref<2x!tpu.dma_semaphore, #tpu.memory_space<semaphore_mem>> -> memref<1x!tpu.dma_semaphore, #tpu.memory_space<semaphore_mem>>
      %dma_wait3A_56 = tpu.memref_squeeze %dma_wait3A_55 : memref<1x!tpu.dma_semaphore, #tpu.memory_space<semaphore_mem>> -> memref<!tpu.dma_semaphore, #tpu.memory_space<semaphore_mem>>
      tpu.wait_indirect_dma semaphore(%dma_wait3A_56 : memref<!tpu.dma_semaphore, #tpu.memory_space<semaphore_mem>>) src(%dma_wait3A_48 : memref<128x128xf32, #tpu.memory_space<vmem>>) dst(%dma_wait3A_54 : memref<10240x128xf32, #tpu.memory_space<vmem_shared>>)
      %dma_wait3A_57 = arith.constant 1 : i32
      %dma_wait3A_58 = arith.constant 1 : i32
      %dma_wait3A_59 = arith.constant 1 : i32
      %dma_wait3A_60 = arith.constant 0 : i32
      %dma_wait3A_61 = arith.constant 0 : i32
      %dma_wait3A_62 = tpu.memref_slice %arg11[%dma_wait3A_57, %dma_wait3A_60, %dma_wait3A_61] : memref<2x128x128xf32, #tpu.memory_space<vmem>> -> memref<1x128x128xf32, #tpu.memory_space<vmem>>
      %dma_wait3A_63 = tpu.memref_squeeze %dma_wait3A_62 : memref<1x128x128xf32, #tpu.memory_space<vmem>> -> memref<128x128xf32, #tpu.memory_space<vmem>>
      %dma_wait3A_64 = arith.constant 0 : i32
      %dma_wait3A_65 = tpu.memref_slice %arg10[%dma_wait3A_58, %dma_wait3A_64] : memref<40x128xi32, #tpu.memory_space<vmem>> -> memref<1x128xi32, #tpu.memory_space<vmem>>
      %dma_wait3A_66 = tpu.memref_squeeze %dma_wait3A_65 : memref<1x128xi32, #tpu.memory_space<vmem>> -> memref<128xi32, #tpu.memory_space<vmem>>
      %dma_wait3A_67 = arith.constant 0 : i32
      %dma_wait3A_68 = arith.constant 0 : i32
      %dma_wait3A_69 = tpu.memref_slice %arg14[%dma_wait3A_67, %dma_wait3A_68] : memref<10240x128xf32, #tpu.memory_space<vmem_shared>> -> memref<10240x128xf32, #tpu.memory_space<vmem_shared>>
      %dma_wait3A_70 = tpu.memref_slice %arg13[%dma_wait3A_59] : memref<2x!tpu.dma_semaphore, #tpu.memory_space<semaphore_mem>> -> memref<1x!tpu.dma_semaphore, #tpu.memory_space<semaphore_mem>>
      %dma_wait3A_71 = tpu.memref_squeeze %dma_wait3A_70 : memref<1x!tpu.dma_semaphore, #tpu.memory_space<semaphore_mem>> -> memref<!tpu.dma_semaphore, #tpu.memory_space<semaphore_mem>>
      tpu.wait_indirect_dma semaphore(%dma_wait3A_71 : memref<!tpu.dma_semaphore, #tpu.memory_space<semaphore_mem>>) src(%dma_wait3A_63 : memref<128x128xf32, #tpu.memory_space<vmem>>) dst(%dma_wait3A_69 : memref<10240x128xf32, #tpu.memory_space<vmem_shared>>)
      %add3A = arith.constant 40 : i32
      %add3A_72 = arith.addi %mul3A_2, %add3A : i32
      "tpu.region"() ({
        %run_scoped3A = tpu.sem_alloc : memref<!tpu.dma_semaphore, #tpu.memory_space<semaphore_mem>>
        %dma_start3A_141 = arith.constant 0 : i32
        %dma_start3A_142 = tpu.memref_slice %arg4[%add3A_72, %dma_start3A_141] : memref<1280x128xi32, #tpu.memory_space<hbm>> -> memref<40x128xi32, #tpu.memory_space<hbm>>
        %dma_start3A_143 = arith.constant 0 : i32
        %dma_start3A_144 = tpu.memref_slice %arg4[%add3A_72, %dma_start3A_143] : memref<1280x128xi32, #tpu.memory_space<hbm>> -> memref<40x128xi32, #tpu.memory_space<hbm>>
        tpu.enqueue_dma source(%dma_start3A_144 : memref<40x128xi32, #tpu.memory_space<hbm>>) target(%arg9 : memref<40x128xi32, #tpu.memory_space<vmem>>) target_semaphore(%run_scoped3A : memref<!tpu.dma_semaphore, #tpu.memory_space<semaphore_mem>>)
        %dma_wait3A_145 = arith.constant 0 : i32
        %dma_wait3A_146 = tpu.memref_slice %arg4[%add3A_72, %dma_wait3A_145] : memref<1280x128xi32, #tpu.memory_space<hbm>> -> memref<40x128xi32, #tpu.memory_space<hbm>>
        %dma_wait3A_147 = arith.constant 0 : i32
        %dma_wait3A_148 = tpu.memref_slice %arg4[%add3A_72, %dma_wait3A_147] : memref<1280x128xi32, #tpu.memory_space<hbm>> -> memref<40x128xi32, #tpu.memory_space<hbm>>
        tpu.wait_dma2 semaphore(%run_scoped3A : memref<!tpu.dma_semaphore, #tpu.memory_space<semaphore_mem>>) src(%dma_wait3A_148 : memref<40x128xi32, #tpu.memory_space<hbm>>) dst(%arg9 : memref<40x128xi32, #tpu.memory_space<vmem>>)
        tpu.yield
      }) : () -> ()
      %add3A_73 = arith.constant 40 : i32
      %add3A_74 = arith.addi %mul3A_2, %add3A_73 : i32
      "tpu.region"() ({
        %run_scoped3A = tpu.sem_alloc : memref<!tpu.dma_semaphore, #tpu.memory_space<semaphore_mem>>
        %dma_start3A_141 = arith.constant 0 : i32
        %dma_start3A_142 = tpu.memref_slice %arg5[%add3A_74, %dma_start3A_141] : memref<1280x128xi32, #tpu.memory_space<hbm>> -> memref<40x128xi32, #tpu.memory_space<hbm>>
        %dma_start3A_143 = arith.constant 0 : i32
        %dma_start3A_144 = tpu.memref_slice %arg5[%add3A_74, %dma_start3A_143] : memref<1280x128xi32, #tpu.memory_space<hbm>> -> memref<40x128xi32, #tpu.memory_space<hbm>>
        tpu.enqueue_dma source(%dma_start3A_144 : memref<40x128xi32, #tpu.memory_space<hbm>>) target(%arg10 : memref<40x128xi32, #tpu.memory_space<vmem>>) target_semaphore(%run_scoped3A : memref<!tpu.dma_semaphore, #tpu.memory_space<semaphore_mem>>)
        %dma_wait3A_145 = arith.constant 0 : i32
        %dma_wait3A_146 = tpu.memref_slice %arg5[%add3A_74, %dma_wait3A_145] : memref<1280x128xi32, #tpu.memory_space<hbm>> -> memref<40x128xi32, #tpu.memory_space<hbm>>
        %dma_wait3A_147 = arith.constant 0 : i32
        %dma_wait3A_148 = tpu.memref_slice %arg5[%add3A_74, %dma_wait3A_147] : memref<1280x128xi32, #tpu.memory_space<hbm>> -> memref<40x128xi32, #tpu.memory_space<hbm>>
        tpu.wait_dma2 semaphore(%run_scoped3A : memref<!tpu.dma_semaphore, #tpu.memory_space<semaphore_mem>>) src(%dma_wait3A_148 : memref<40x128xi32, #tpu.memory_space<hbm>>) dst(%arg10 : memref<40x128xi32, #tpu.memory_space<vmem>>)
        tpu.yield
      }) : () -> ()
      %dma_start3A_75 = arith.constant 0 : i32
      %dma_start3A_76 = arith.constant 0 : i32
      %dma_start3A_77 = arith.constant 0 : i32
      %dma_start3A_78 = arith.constant 0 : i32
      %dma_start3A_79 = arith.constant 0 : i32
      %dma_start3A_80 = tpu.memref_slice %arg11[%dma_start3A_76, %dma_start3A_78, %dma_start3A_79] : memref<2x128x128xf32, #tpu.memory_space<vmem>> -> memref<1x128x128xf32, #tpu.memory_space<vmem>>
      %dma_start3A_81 = tpu.memref_squeeze %dma_start3A_80 : memref<1x128x128xf32, #tpu.memory_space<vmem>> -> memref<128x128xf32, #tpu.memory_space<vmem>>
      %dma_start3A_82 = arith.constant 0 : i32
      %dma_start3A_83 = tpu.memref_slice %arg9[%dma_start3A_75, %dma_start3A_82] : memref<40x128xi32, #tpu.memory_space<vmem>> -> memref<1x128xi32, #tpu.memory_space<vmem>>
      %dma_start3A_84 = tpu.memref_squeeze %dma_start3A_83 : memref<1x128xi32, #tpu.memory_space<vmem>> -> memref<128xi32, #tpu.memory_space<vmem>>
      %dma_start3A_85 = arith.constant 0 : i32
      %dma_start3A_86 = arith.constant 0 : i32
      %dma_start3A_87 = tpu.memref_slice %arg2[%dma_start3A_85, %dma_start3A_86] : memref<10240x128xf32, #tpu.memory_space<hbm>> -> memref<10240x128xf32, #tpu.memory_space<hbm>>
      %dma_start3A_88 = tpu.memref_slice %arg12[%dma_start3A_77] : memref<2x!tpu.dma_semaphore, #tpu.memory_space<semaphore_mem>> -> memref<1x!tpu.dma_semaphore, #tpu.memory_space<semaphore_mem>>
      %dma_start3A_89 = tpu.memref_squeeze %dma_start3A_88 : memref<1x!tpu.dma_semaphore, #tpu.memory_space<semaphore_mem>> -> memref<!tpu.dma_semaphore, #tpu.memory_space<semaphore_mem>>
      tpu.enqueue_indirect_dma source(%dma_start3A_87 : memref<10240x128xf32, #tpu.memory_space<hbm>>) target(%dma_start3A_81 : memref<128x128xf32, #tpu.memory_space<vmem>>) offsets(%dma_start3A_84 : memref<128xi32, #tpu.memory_space<vmem>>) semaphore(%dma_start3A_89 : memref<!tpu.dma_semaphore, #tpu.memory_space<semaphore_mem>>)
      %dma_start3A_90 = arith.constant 1 : i32
      %dma_start3A_91 = arith.constant 1 : i32
      %dma_start3A_92 = arith.constant 1 : i32
      %dma_start3A_93 = arith.constant 0 : i32
      %dma_start3A_94 = arith.constant 0 : i32
      %dma_start3A_95 = tpu.memref_slice %arg11[%dma_start3A_91, %dma_start3A_93, %dma_start3A_94] : memref<2x128x128xf32, #tpu.memory_space<vmem>> -> memref<1x128x128xf32, #tpu.memory_space<vmem>>
      %dma_start3A_96 = tpu.memref_squeeze %dma_start3A_95 : memref<1x128x128xf32, #tpu.memory_space<vmem>> -> memref<128x128xf32, #tpu.memory_space<vmem>>
      %dma_start3A_97 = arith.constant 0 : i32
      %dma_start3A_98 = tpu.memref_slice %arg9[%dma_start3A_90, %dma_start3A_97] : memref<40x128xi32, #tpu.memory_space<vmem>> -> memref<1x128xi32, #tpu.memory_space<vmem>>
      %dma_start3A_99 = tpu.memref_squeeze %dma_start3A_98 : memref<1x128xi32, #tpu.memory_space<vmem>> -> memref<128xi32, #tpu.memory_space<vmem>>
      %dma_start3A_100 = arith.constant 0 : i32
      %dma_start3A_101 = arith.constant 0 : i32
      %dma_start3A_102 = tpu.memref_slice %arg2[%dma_start3A_100, %dma_start3A_101] : memref<10240x128xf32, #tpu.memory_space<hbm>> -> memref<10240x128xf32, #tpu.memory_space<hbm>>
      %dma_start3A_103 = tpu.memref_slice %arg12[%dma_start3A_92] : memref<2x!tpu.dma_semaphore, #tpu.memory_space<semaphore_mem>> -> memref<1x!tpu.dma_semaphore, #tpu.memory_space<semaphore_mem>>
      %dma_start3A_104 = tpu.memref_squeeze %dma_start3A_103 : memref<1x!tpu.dma_semaphore, #tpu.memory_space<semaphore_mem>> -> memref<!tpu.dma_semaphore, #tpu.memory_space<semaphore_mem>>
      tpu.enqueue_indirect_dma source(%dma_start3A_102 : memref<10240x128xf32, #tpu.memory_space<hbm>>) target(%dma_start3A_96 : memref<128x128xf32, #tpu.memory_space<vmem>>) offsets(%dma_start3A_99 : memref<128xi32, #tpu.memory_space<vmem>>) semaphore(%dma_start3A_104 : memref<!tpu.dma_semaphore, #tpu.memory_space<semaphore_mem>>)
      %scan3A_105 = arith.constant 0 : i32
      %scan3A_106 = arith.constant 20 : i32
      %scan3A_107 = arith.addi %scan3A_105, %scan3A_106 : i32
      %scan3A_108 = arith.constant 1 : i32
      scf.for %scan3A_141 = %scan3A_105 to %scan3A_107 step %scan3A_108  : i32 {
        %mul3A_142 = arith.constant 1 : i32
        %mul3A_143 = arith.muli %scan3A_141, %mul3A_142 : i32
        %add3A_144 = arith.constant 0 : i32
        %add3A_145 = arith.addi %add3A_144, %mul3A_143 : i32
        %mul3A_146 = arith.constant 2 : i32
        %mul3A_147 = arith.muli %add3A_145, %mul3A_146 : i32
        %add3A_148 = arith.constant 0 : i32
        %add3A_149 = arith.addi %mul3A_147, %add3A_148 : i32
        %dma_wait3A_150 = arith.constant 0 : i32
        %dma_wait3A_151 = arith.constant 0 : i32
        %dma_wait3A_152 = arith.constant 0 : i32
        %dma_wait3A_153 = arith.constant 0 : i32
        %dma_wait3A_154 = arith.constant 0 : i32
        %dma_wait3A_155 = tpu.memref_slice %arg11[%dma_wait3A_151, %dma_wait3A_153, %dma_wait3A_154] : memref<2x128x128xf32, #tpu.memory_space<vmem>> -> memref<1x128x128xf32, #tpu.memory_space<vmem>>
        %dma_wait3A_156 = tpu.memref_squeeze %dma_wait3A_155 : memref<1x128x128xf32, #tpu.memory_space<vmem>> -> memref<128x128xf32, #tpu.memory_space<vmem>>
        %dma_wait3A_157 = arith.constant 0 : i32
        %dma_wait3A_158 = tpu.memref_slice %arg9[%dma_wait3A_150, %dma_wait3A_157] : memref<40x128xi32, #tpu.memory_space<vmem>> -> memref<1x128xi32, #tpu.memory_space<vmem>>
        %dma_wait3A_159 = tpu.memref_squeeze %dma_wait3A_158 : memref<1x128xi32, #tpu.memory_space<vmem>> -> memref<128xi32, #tpu.memory_space<vmem>>
        %dma_wait3A_160 = arith.constant 0 : i32
        %dma_wait3A_161 = arith.constant 0 : i32
        %dma_wait3A_162 = tpu.memref_slice %arg2[%dma_wait3A_160, %dma_wait3A_161] : memref<10240x128xf32, #tpu.memory_space<hbm>> -> memref<10240x128xf32, #tpu.memory_space<hbm>>
        %dma_wait3A_163 = tpu.memref_slice %arg12[%dma_wait3A_152] : memref<2x!tpu.dma_semaphore, #tpu.memory_space<semaphore_mem>> -> memref<1x!tpu.dma_semaphore, #tpu.memory_space<semaphore_mem>>
        %dma_wait3A_164 = tpu.memref_squeeze %dma_wait3A_163 : memref<1x!tpu.dma_semaphore, #tpu.memory_space<semaphore_mem>> -> memref<!tpu.dma_semaphore, #tpu.memory_space<semaphore_mem>>
        tpu.wait_indirect_dma semaphore(%dma_wait3A_164 : memref<!tpu.dma_semaphore, #tpu.memory_space<semaphore_mem>>) src(%dma_wait3A_162 : memref<10240x128xf32, #tpu.memory_space<hbm>>) dst(%dma_wait3A_156 : memref<128x128xf32, #tpu.memory_space<vmem>>)
        %dma_start3A_165 = arith.constant 0 : i32
        %dma_start3A_166 = arith.constant 0 : i32
        %dma_start3A_167 = arith.constant 0 : i32
        %dma_start3A_168 = arith.constant 0 : i32
        %dma_start3A_169 = tpu.memref_slice %arg11[%dma_start3A_165, %dma_start3A_167, %dma_start3A_168] : memref<2x128x128xf32, #tpu.memory_space<vmem>> -> memref<1x128x128xf32, #tpu.memory_space<vmem>>
        %dma_start3A_170 = tpu.memref_squeeze %dma_start3A_169 : memref<1x128x128xf32, #tpu.memory_space<vmem>> -> memref<128x128xf32, #tpu.memory_space<vmem>>
        %dma_start3A_171 = arith.constant 0 : i32
        %dma_start3A_172 = tpu.memref_slice %arg10[%add3A_149, %dma_start3A_171] : memref<40x128xi32, #tpu.memory_space<vmem>> -> memref<1x128xi32, #tpu.memory_space<vmem>>
        %dma_start3A_173 = tpu.memref_squeeze %dma_start3A_172 : memref<1x128xi32, #tpu.memory_space<vmem>> -> memref<128xi32, #tpu.memory_space<vmem>>
        %dma_start3A_174 = arith.constant 0 : i32
        %dma_start3A_175 = arith.constant 0 : i32
        %dma_start3A_176 = tpu.memref_slice %arg14[%dma_start3A_174, %dma_start3A_175] : memref<10240x128xf32, #tpu.memory_space<vmem_shared>> -> memref<10240x128xf32, #tpu.memory_space<vmem_shared>>
        %dma_start3A_177 = tpu.memref_slice %arg13[%dma_start3A_166] : memref<2x!tpu.dma_semaphore, #tpu.memory_space<semaphore_mem>> -> memref<1x!tpu.dma_semaphore, #tpu.memory_space<semaphore_mem>>
        %dma_start3A_178 = tpu.memref_squeeze %dma_start3A_177 : memref<1x!tpu.dma_semaphore, #tpu.memory_space<semaphore_mem>> -> memref<!tpu.dma_semaphore, #tpu.memory_space<semaphore_mem>>
        tpu.enqueue_indirect_dma source(%dma_start3A_170 : memref<128x128xf32, #tpu.memory_space<vmem>>) target(%dma_start3A_176 : memref<10240x128xf32, #tpu.memory_space<vmem_shared>>) offsets(%dma_start3A_173 : memref<128xi32, #tpu.memory_space<vmem>>) semaphore(%dma_start3A_178 : memref<!tpu.dma_semaphore, #tpu.memory_space<semaphore_mem>>) {add = true}
        %add3A_179 = arith.constant 2 : i32
        %add3A_180 = arith.addi %add3A_149, %add3A_179 : i32
        %lt3A = arith.constant 40 : i32
        %lt3A_181 = arith.cmpi slt, %add3A_180, %lt3A : i32
        %convert_element_type3A_182 = arith.extui %lt3A_181 : i1 to i32
        %cond3A_183 = arith.constant 0 : i32
        %cond3A_184 = arith.cmpi ne, %convert_element_type3A_182, %cond3A_183 : i32
        scf.if %cond3A_184 {
          %dma_wait3A_225 = arith.constant 0 : i32
          %dma_wait3A_226 = arith.constant 0 : i32
          %dma_wait3A_227 = arith.constant 0 : i32
          %dma_wait3A_228 = arith.constant 0 : i32
          %dma_wait3A_229 = tpu.memref_slice %arg11[%dma_wait3A_225, %dma_wait3A_227, %dma_wait3A_228] : memref<2x128x128xf32, #tpu.memory_space<vmem>> -> memref<1x128x128xf32, #tpu.memory_space<vmem>>
          %dma_wait3A_230 = tpu.memref_squeeze %dma_wait3A_229 : memref<1x128x128xf32, #tpu.memory_space<vmem>> -> memref<128x128xf32, #tpu.memory_space<vmem>>
          %dma_wait3A_231 = arith.constant 0 : i32
          %dma_wait3A_232 = tpu.memref_slice %arg10[%add3A_149, %dma_wait3A_231] : memref<40x128xi32, #tpu.memory_space<vmem>> -> memref<1x128xi32, #tpu.memory_space<vmem>>
          %dma_wait3A_233 = tpu.memref_squeeze %dma_wait3A_232 : memref<1x128xi32, #tpu.memory_space<vmem>> -> memref<128xi32, #tpu.memory_space<vmem>>
          %dma_wait3A_234 = arith.constant 0 : i32
          %dma_wait3A_235 = arith.constant 0 : i32
          %dma_wait3A_236 = tpu.memref_slice %arg14[%dma_wait3A_234, %dma_wait3A_235] : memref<10240x128xf32, #tpu.memory_space<vmem_shared>> -> memref<10240x128xf32, #tpu.memory_space<vmem_shared>>
          %dma_wait3A_237 = tpu.memref_slice %arg13[%dma_wait3A_226] : memref<2x!tpu.dma_semaphore, #tpu.memory_space<semaphore_mem>> -> memref<1x!tpu.dma_semaphore, #tpu.memory_space<semaphore_mem>>
          %dma_wait3A_238 = tpu.memref_squeeze %dma_wait3A_237 : memref<1x!tpu.dma_semaphore, #tpu.memory_space<semaphore_mem>> -> memref<!tpu.dma_semaphore, #tpu.memory_space<semaphore_mem>>
          tpu.wait_indirect_dma semaphore(%dma_wait3A_238 : memref<!tpu.dma_semaphore, #tpu.memory_space<semaphore_mem>>) src(%dma_wait3A_230 : memref<128x128xf32, #tpu.memory_space<vmem>>) dst(%dma_wait3A_236 : memref<10240x128xf32, #tpu.memory_space<vmem_shared>>)
          %dma_start3A_239 = arith.constant 0 : i32
          %dma_start3A_240 = arith.constant 0 : i32
          %dma_start3A_241 = arith.constant 0 : i32
          %dma_start3A_242 = arith.constant 0 : i32
          %dma_start3A_243 = tpu.memref_slice %arg11[%dma_start3A_239, %dma_start3A_241, %dma_start3A_242] : memref<2x128x128xf32, #tpu.memory_space<vmem>> -> memref<1x128x128xf32, #tpu.memory_space<vmem>>
          %dma_start3A_244 = tpu.memref_squeeze %dma_start3A_243 : memref<1x128x128xf32, #tpu.memory_space<vmem>> -> memref<128x128xf32, #tpu.memory_space<vmem>>
          %dma_start3A_245 = arith.constant 0 : i32
          %dma_start3A_246 = tpu.memref_slice %arg9[%add3A_180, %dma_start3A_245] : memref<40x128xi32, #tpu.memory_space<vmem>> -> memref<1x128xi32, #tpu.memory_space<vmem>>
          %dma_start3A_247 = tpu.memref_squeeze %dma_start3A_246 : memref<1x128xi32, #tpu.memory_space<vmem>> -> memref<128xi32, #tpu.memory_space<vmem>>
          %dma_start3A_248 = arith.constant 0 : i32
          %dma_start3A_249 = arith.constant 0 : i32
          %dma_start3A_250 = tpu.memref_slice %arg2[%dma_start3A_248, %dma_start3A_249] : memref<10240x128xf32, #tpu.memory_space<hbm>> -> memref<10240x128xf32, #tpu.memory_space<hbm>>
          %dma_start3A_251 = tpu.memref_slice %arg12[%dma_start3A_240] : memref<2x!tpu.dma_semaphore, #tpu.memory_space<semaphore_mem>> -> memref<1x!tpu.dma_semaphore, #tpu.memory_space<semaphore_mem>>
          %dma_start3A_252 = tpu.memref_squeeze %dma_start3A_251 : memref<1x!tpu.dma_semaphore, #tpu.memory_space<semaphore_mem>> -> memref<!tpu.dma_semaphore, #tpu.memory_space<semaphore_mem>>
          tpu.enqueue_indirect_dma source(%dma_start3A_250 : memref<10240x128xf32, #tpu.memory_space<hbm>>) target(%dma_start3A_244 : memref<128x128xf32, #tpu.memory_space<vmem>>) offsets(%dma_start3A_247 : memref<128xi32, #tpu.memory_space<vmem>>) semaphore(%dma_start3A_252 : memref<!tpu.dma_semaphore, #tpu.memory_space<semaphore_mem>>)
        } else {
        }
        %mul3A_185 = arith.constant 2 : i32
        %mul3A_186 = arith.muli %add3A_145, %mul3A_185 : i32
        %add3A_187 = arith.constant 1 : i32
        %add3A_188 = arith.addi %mul3A_186, %add3A_187 : i32
        %dma_wait3A_189 = arith.constant 1 : i32
        %dma_wait3A_190 = arith.constant 1 : i32
        %dma_wait3A_191 = arith.constant 1 : i32
        %dma_wait3A_192 = arith.constant 0 : i32
        %dma_wait3A_193 = arith.constant 0 : i32
        %dma_wait3A_194 = tpu.memref_slice %arg11[%dma_wait3A_190, %dma_wait3A_192, %dma_wait3A_193] : memref<2x128x128xf32, #tpu.memory_space<vmem>> -> memref<1x128x128xf32, #tpu.memory_space<vmem>>
        %dma_wait3A_195 = tpu.memref_squeeze %dma_wait3A_194 : memref<1x128x128xf32, #tpu.memory_space<vmem>> -> memref<128x128xf32, #tpu.memory_space<vmem>>
        %dma_wait3A_196 = arith.constant 0 : i32
        %dma_wait3A_197 = tpu.memref_slice %arg9[%dma_wait3A_189, %dma_wait3A_196] : memref<40x128xi32, #tpu.memory_space<vmem>> -> memref<1x128xi32, #tpu.memory_space<vmem>>
        %dma_wait3A_198 = tpu.memref_squeeze %dma_wait3A_197 : memref<1x128xi32, #tpu.memory_space<vmem>> -> memref<128xi32, #tpu.memory_space<vmem>>
        %dma_wait3A_199 = arith.constant 0 : i32
        %dma_wait3A_200 = arith.constant 0 : i32
        %dma_wait3A_201 = tpu.memref_slice %arg2[%dma_wait3A_199, %dma_wait3A_200] : memref<10240x128xf32, #tpu.memory_space<hbm>> -> memref<10240x128xf32, #tpu.memory_space<hbm>>
        %dma_wait3A_202 = tpu.memref_slice %arg12[%dma_wait3A_191] : memref<2x!tpu.dma_semaphore, #tpu.memory_space<semaphore_mem>> -> memref<1x!tpu.dma_semaphore, #tpu.memory_space<semaphore_mem>>
        %dma_wait3A_203 = tpu.memref_squeeze %dma_wait3A_202 : memref<1x!tpu.dma_semaphore, #tpu.memory_space<semaphore_mem>> -> memref<!tpu.dma_semaphore, #tpu.memory_space<semaphore_mem>>
        tpu.wait_indirect_dma semaphore(%dma_wait3A_203 : memref<!tpu.dma_semaphore, #tpu.memory_space<semaphore_mem>>) src(%dma_wait3A_201 : memref<10240x128xf32, #tpu.memory_space<hbm>>) dst(%dma_wait3A_195 : memref<128x128xf32, #tpu.memory_space<vmem>>)
        %dma_start3A_204 = arith.constant 1 : i32
        %dma_start3A_205 = arith.constant 1 : i32
        %dma_start3A_206 = arith.constant 0 : i32
        %dma_start3A_207 = arith.constant 0 : i32
        %dma_start3A_208 = tpu.memref_slice %arg11[%dma_start3A_204, %dma_start3A_206, %dma_start3A_207] : memref<2x128x128xf32, #tpu.memory_space<vmem>> -> memref<1x128x128xf32, #tpu.memory_space<vmem>>
        %dma_start3A_209 = tpu.memref_squeeze %dma_start3A_208 : memref<1x128x128xf32, #tpu.memory_space<vmem>> -> memref<128x128xf32, #tpu.memory_space<vmem>>
        %dma_start3A_210 = arith.constant 0 : i32
        %dma_start3A_211 = tpu.memref_slice %arg10[%add3A_188, %dma_start3A_210] : memref<40x128xi32, #tpu.memory_space<vmem>> -> memref<1x128xi32, #tpu.memory_space<vmem>>
        %dma_start3A_212 = tpu.memref_squeeze %dma_start3A_211 : memref<1x128xi32, #tpu.memory_space<vmem>> -> memref<128xi32, #tpu.memory_space<vmem>>
        %dma_start3A_213 = arith.constant 0 : i32
        %dma_start3A_214 = arith.constant 0 : i32
        %dma_start3A_215 = tpu.memref_slice %arg14[%dma_start3A_213, %dma_start3A_214] : memref<10240x128xf32, #tpu.memory_space<vmem_shared>> -> memref<10240x128xf32, #tpu.memory_space<vmem_shared>>
        %dma_start3A_216 = tpu.memref_slice %arg13[%dma_start3A_205] : memref<2x!tpu.dma_semaphore, #tpu.memory_space<semaphore_mem>> -> memref<1x!tpu.dma_semaphore, #tpu.memory_space<semaphore_mem>>
        %dma_start3A_217 = tpu.memref_squeeze %dma_start3A_216 : memref<1x!tpu.dma_semaphore, #tpu.memory_space<semaphore_mem>> -> memref<!tpu.dma_semaphore, #tpu.memory_space<semaphore_mem>>
        tpu.enqueue_indirect_dma source(%dma_start3A_209 : memref<128x128xf32, #tpu.memory_space<vmem>>) target(%dma_start3A_215 : memref<10240x128xf32, #tpu.memory_space<vmem_shared>>) offsets(%dma_start3A_212 : memref<128xi32, #tpu.memory_space<vmem>>) semaphore(%dma_start3A_217 : memref<!tpu.dma_semaphore, #tpu.memory_space<semaphore_mem>>) {add = true}
        %add3A_218 = arith.constant 2 : i32
        %add3A_219 = arith.addi %add3A_188, %add3A_218 : i32
        %lt3A_220 = arith.constant 40 : i32
        %lt3A_221 = arith.cmpi slt, %add3A_219, %lt3A_220 : i32
        %convert_element_type3A_222 = arith.extui %lt3A_221 : i1 to i32
        %cond3A_223 = arith.constant 0 : i32
        %cond3A_224 = arith.cmpi ne, %convert_element_type3A_222, %cond3A_223 : i32
        scf.if %cond3A_224 {
          %dma_wait3A_225 = arith.constant 1 : i32
          %dma_wait3A_226 = arith.constant 1 : i32
          %dma_wait3A_227 = arith.constant 0 : i32
          %dma_wait3A_228 = arith.constant 0 : i32
          %dma_wait3A_229 = tpu.memref_slice %arg11[%dma_wait3A_225, %dma_wait3A_227, %dma_wait3A_228] : memref<2x128x128xf32, #tpu.memory_space<vmem>> -> memref<1x128x128xf32, #tpu.memory_space<vmem>>
          %dma_wait3A_230 = tpu.memref_squeeze %dma_wait3A_229 : memref<1x128x128xf32, #tpu.memory_space<vmem>> -> memref<128x128xf32, #tpu.memory_space<vmem>>
          %dma_wait3A_231 = arith.constant 0 : i32
          %dma_wait3A_232 = tpu.memref_slice %arg10[%add3A_188, %dma_wait3A_231] : memref<40x128xi32, #tpu.memory_space<vmem>> -> memref<1x128xi32, #tpu.memory_space<vmem>>
          %dma_wait3A_233 = tpu.memref_squeeze %dma_wait3A_232 : memref<1x128xi32, #tpu.memory_space<vmem>> -> memref<128xi32, #tpu.memory_space<vmem>>
          %dma_wait3A_234 = arith.constant 0 : i32
          %dma_wait3A_235 = arith.constant 0 : i32
          %dma_wait3A_236 = tpu.memref_slice %arg14[%dma_wait3A_234, %dma_wait3A_235] : memref<10240x128xf32, #tpu.memory_space<vmem_shared>> -> memref<10240x128xf32, #tpu.memory_space<vmem_shared>>
          %dma_wait3A_237 = tpu.memref_slice %arg13[%dma_wait3A_226] : memref<2x!tpu.dma_semaphore, #tpu.memory_space<semaphore_mem>> -> memref<1x!tpu.dma_semaphore, #tpu.memory_space<semaphore_mem>>
          %dma_wait3A_238 = tpu.memref_squeeze %dma_wait3A_237 : memref<1x!tpu.dma_semaphore, #tpu.memory_space<semaphore_mem>> -> memref<!tpu.dma_semaphore, #tpu.memory_space<semaphore_mem>>
          tpu.wait_indirect_dma semaphore(%dma_wait3A_238 : memref<!tpu.dma_semaphore, #tpu.memory_space<semaphore_mem>>) src(%dma_wait3A_230 : memref<128x128xf32, #tpu.memory_space<vmem>>) dst(%dma_wait3A_236 : memref<10240x128xf32, #tpu.memory_space<vmem_shared>>)
          %dma_start3A_239 = arith.constant 1 : i32
          %dma_start3A_240 = arith.constant 1 : i32
          %dma_start3A_241 = arith.constant 0 : i32
          %dma_start3A_242 = arith.constant 0 : i32
          %dma_start3A_243 = tpu.memref_slice %arg11[%dma_start3A_239, %dma_start3A_241, %dma_start3A_242] : memref<2x128x128xf32, #tpu.memory_space<vmem>> -> memref<1x128x128xf32, #tpu.memory_space<vmem>>
          %dma_start3A_244 = tpu.memref_squeeze %dma_start3A_243 : memref<1x128x128xf32, #tpu.memory_space<vmem>> -> memref<128x128xf32, #tpu.memory_space<vmem>>
          %dma_start3A_245 = arith.constant 0 : i32
          %dma_start3A_246 = tpu.memref_slice %arg9[%add3A_219, %dma_start3A_245] : memref<40x128xi32, #tpu.memory_space<vmem>> -> memref<1x128xi32, #tpu.memory_space<vmem>>
          %dma_start3A_247 = tpu.memref_squeeze %dma_start3A_246 : memref<1x128xi32, #tpu.memory_space<vmem>> -> memref<128xi32, #tpu.memory_space<vmem>>
          %dma_start3A_248 = arith.constant 0 : i32
          %dma_start3A_249 = arith.constant 0 : i32
          %dma_start3A_250 = tpu.memref_slice %arg2[%dma_start3A_248, %dma_start3A_249] : memref<10240x128xf32, #tpu.memory_space<hbm>> -> memref<10240x128xf32, #tpu.memory_space<hbm>>
          %dma_start3A_251 = tpu.memref_slice %arg12[%dma_start3A_240] : memref<2x!tpu.dma_semaphore, #tpu.memory_space<semaphore_mem>> -> memref<1x!tpu.dma_semaphore, #tpu.memory_space<semaphore_mem>>
          %dma_start3A_252 = tpu.memref_squeeze %dma_start3A_251 : memref<1x!tpu.dma_semaphore, #tpu.memory_space<semaphore_mem>> -> memref<!tpu.dma_semaphore, #tpu.memory_space<semaphore_mem>>
          tpu.enqueue_indirect_dma source(%dma_start3A_250 : memref<10240x128xf32, #tpu.memory_space<hbm>>) target(%dma_start3A_244 : memref<128x128xf32, #tpu.memory_space<vmem>>) offsets(%dma_start3A_247 : memref<128xi32, #tpu.memory_space<vmem>>) semaphore(%dma_start3A_252 : memref<!tpu.dma_semaphore, #tpu.memory_space<semaphore_mem>>)
        } else {
        }
      }
      %scan3A_109 = arith.constant 20 : i32
      %dma_wait3A_110 = arith.constant 0 : i32
      %dma_wait3A_111 = arith.constant 0 : i32
      %dma_wait3A_112 = arith.constant 0 : i32
      %dma_wait3A_113 = arith.constant 0 : i32
      %dma_wait3A_114 = arith.constant 0 : i32
      %dma_wait3A_115 = tpu.memref_slice %arg11[%dma_wait3A_110, %dma_wait3A_113, %dma_wait3A_114] : memref<2x128x128xf32, #tpu.memory_space<vmem>> -> memref<1x128x128xf32, #tpu.memory_space<vmem>>
      %dma_wait3A_116 = tpu.memref_squeeze %dma_wait3A_115 : memref<1x128x128xf32, #tpu.memory_space<vmem>> -> memref<128x128xf32, #tpu.memory_space<vmem>>
      %dma_wait3A_117 = arith.constant 0 : i32
      %dma_wait3A_118 = tpu.memref_slice %arg10[%dma_wait3A_111, %dma_wait3A_117] : memref<40x128xi32, #tpu.memory_space<vmem>> -> memref<1x128xi32, #tpu.memory_space<vmem>>
      %dma_wait3A_119 = tpu.memref_squeeze %dma_wait3A_118 : memref<1x128xi32, #tpu.memory_space<vmem>> -> memref<128xi32, #tpu.memory_space<vmem>>
      %dma_wait3A_120 = arith.constant 0 : i32
      %dma_wait3A_121 = arith.constant 0 : i32
      %dma_wait3A_122 = tpu.memref_slice %arg14[%dma_wait3A_120, %dma_wait3A_121] : memref<10240x128xf32, #tpu.memory_space<vmem_shared>> -> memref<10240x128xf32, #tpu.memory_space<vmem_shared>>
      %dma_wait3A_123 = tpu.memref_slice %arg13[%dma_wait3A_112] : memref<2x!tpu.dma_semaphore, #tpu.memory_space<semaphore_mem>> -> memref<1x!tpu.dma_semaphore, #tpu.memory_space<semaphore_mem>>
      %dma_wait3A_124 = tpu.memref_squeeze %dma_wait3A_123 : memref<1x!tpu.dma_semaphore, #tpu.memory_space<semaphore_mem>> -> memref<!tpu.dma_semaphore, #tpu.memory_space<semaphore_mem>>
      tpu.wait_indirect_dma semaphore(%dma_wait3A_124 : memref<!tpu.dma_semaphore, #tpu.memory_space<semaphore_mem>>) src(%dma_wait3A_116 : memref<128x128xf32, #tpu.memory_space<vmem>>) dst(%dma_wait3A_122 : memref<10240x128xf32, #tpu.memory_space<vmem_shared>>)
      %dma_wait3A_125 = arith.constant 1 : i32
      %dma_wait3A_126 = arith.constant 1 : i32
      %dma_wait3A_127 = arith.constant 1 : i32
      %dma_wait3A_128 = arith.constant 0 : i32
      %dma_wait3A_129 = arith.constant 0 : i32
      %dma_wait3A_130 = tpu.memref_slice %arg11[%dma_wait3A_125, %dma_wait3A_128, %dma_wait3A_129] : memref<2x128x128xf32, #tpu.memory_space<vmem>> -> memref<1x128x128xf32, #tpu.memory_space<vmem>>
      %dma_wait3A_131 = tpu.memref_squeeze %dma_wait3A_130 : memref<1x128x128xf32, #tpu.memory_space<vmem>> -> memref<128x128xf32, #tpu.memory_space<vmem>>
      %dma_wait3A_132 = arith.constant 0 : i32
      %dma_wait3A_133 = tpu.memref_slice %arg10[%dma_wait3A_126, %dma_wait3A_132] : memref<40x128xi32, #tpu.memory_space<vmem>> -> memref<1x128xi32, #tpu.memory_space<vmem>>
      %dma_wait3A_134 = tpu.memref_squeeze %dma_wait3A_133 : memref<1x128xi32, #tpu.memory_space<vmem>> -> memref<128xi32, #tpu.memory_space<vmem>>
      %dma_wait3A_135 = arith.constant 0 : i32
      %dma_wait3A_136 = arith.constant 0 : i32
      %dma_wait3A_137 = tpu.memref_slice %arg14[%dma_wait3A_135, %dma_wait3A_136] : memref<10240x128xf32, #tpu.memory_space<vmem_shared>> -> memref<10240x128xf32, #tpu.memory_space<vmem_shared>>
      %dma_wait3A_138 = tpu.memref_slice %arg13[%dma_wait3A_127] : memref<2x!tpu.dma_semaphore, #tpu.memory_space<semaphore_mem>> -> memref<1x!tpu.dma_semaphore, #tpu.memory_space<semaphore_mem>>
      %dma_wait3A_139 = tpu.memref_squeeze %dma_wait3A_138 : memref<1x!tpu.dma_semaphore, #tpu.memory_space<semaphore_mem>> -> memref<!tpu.dma_semaphore, #tpu.memory_space<semaphore_mem>>
      tpu.wait_indirect_dma semaphore(%dma_wait3A_139 : memref<!tpu.dma_semaphore, #tpu.memory_space<semaphore_mem>>) src(%dma_wait3A_131 : memref<128x128xf32, #tpu.memory_space<vmem>>) dst(%dma_wait3A_137 : memref<10240x128xf32, #tpu.memory_space<vmem_shared>>)
      %barrier3A_140 = arith.constant 0 : index
      tpu.barrier barrier_id(%barrier3A_140)
      "tpu.region"() ({
        %run_scoped3A = tpu.sem_alloc : memref<!tpu.dma_semaphore, #tpu.memory_space<semaphore_mem>>
        %dma_start3A_141 = arith.constant 0 : i32
        %dma_start3A_142 = tpu.memref_slice %arg7[%mul3A_0, %dma_start3A_141] : memref<10240x128xf32, #tpu.memory_space<hbm>> -> memref<640x128xf32, #tpu.memory_space<hbm>>
        %dma_start3A_143 = arith.constant 0 : i32
        %dma_start3A_144 = tpu.memref_slice %arg14[%mul3A_0, %dma_start3A_143] : memref<10240x128xf32, #tpu.memory_space<vmem_shared>> -> memref<640x128xf32, #tpu.memory_space<vmem_shared>>
        tpu.enqueue_dma source(%dma_start3A_144 : memref<640x128xf32, #tpu.memory_space<vmem_shared>>) target(%dma_start3A_142 : memref<640x128xf32, #tpu.memory_space<hbm>>) target_semaphore(%run_scoped3A : memref<!tpu.dma_semaphore, #tpu.memory_space<semaphore_mem>>)
        %dma_wait3A_145 = arith.constant 0 : i32
        %dma_wait3A_146 = tpu.memref_slice %arg7[%mul3A_0, %dma_wait3A_145] : memref<10240x128xf32, #tpu.memory_space<hbm>> -> memref<640x128xf32, #tpu.memory_space<hbm>>
        %dma_wait3A_147 = arith.constant 0 : i32
        %dma_wait3A_148 = tpu.memref_slice %arg14[%mul3A_0, %dma_wait3A_147] : memref<10240x128xf32, #tpu.memory_space<vmem_shared>> -> memref<640x128xf32, #tpu.memory_space<vmem_shared>>
        tpu.wait_dma2 semaphore(%run_scoped3A : memref<!tpu.dma_semaphore, #tpu.memory_space<semaphore_mem>>) src(%dma_wait3A_148 : memref<640x128xf32, #tpu.memory_space<vmem_shared>>) dst(%dma_wait3A_146 : memref<640x128xf32, #tpu.memory_space<hbm>>)
        tpu.yield
      }) : () -> ()
    } else {
    }
    %eq3A_5 = arith.constant 1 : i32
    %eq3A_6 = arith.cmpi eq, %arg0, %eq3A_5 : i32
    %convert_element_type3A_7 = arith.extui %eq3A_6 : i1 to i32
    %cond3A_8 = arith.constant 0 : i32
    %cond3A_9 = arith.cmpi ne, %convert_element_type3A_7, %cond3A_8 : i32
    scf.if %cond3A_9 {
      "tpu.region"() ({
        %run_scoped3A = tpu.sem_alloc : memref<!tpu.dma_semaphore, #tpu.memory_space<semaphore_mem>>
        %dma_start3A_141 = arith.constant 0 : i32
        %dma_start3A_142 = tpu.memref_slice %arg4[%mul3A_2, %dma_start3A_141] : memref<1280x128xi32, #tpu.memory_space<hbm>> -> memref<40x128xi32, #tpu.memory_space<hbm>>
        %dma_start3A_143 = arith.constant 0 : i32
        %dma_start3A_144 = tpu.memref_slice %arg4[%mul3A_2, %dma_start3A_143] : memref<1280x128xi32, #tpu.memory_space<hbm>> -> memref<40x128xi32, #tpu.memory_space<hbm>>
        tpu.enqueue_dma source(%dma_start3A_144 : memref<40x128xi32, #tpu.memory_space<hbm>>) target(%arg9 : memref<40x128xi32, #tpu.memory_space<vmem>>) target_semaphore(%run_scoped3A : memref<!tpu.dma_semaphore, #tpu.memory_space<semaphore_mem>>)
        %dma_wait3A_145 = arith.constant 0 : i32
        %dma_wait3A_146 = tpu.memref_slice %arg4[%mul3A_2, %dma_wait3A_145] : memref<1280x128xi32, #tpu.memory_space<hbm>> -> memref<40x128xi32, #tpu.memory_space<hbm>>
        %dma_wait3A_147 = arith.constant 0 : i32
        %dma_wait3A_148 = tpu.memref_slice %arg4[%mul3A_2, %dma_wait3A_147] : memref<1280x128xi32, #tpu.memory_space<hbm>> -> memref<40x128xi32, #tpu.memory_space<hbm>>
        tpu.wait_dma2 semaphore(%run_scoped3A : memref<!tpu.dma_semaphore, #tpu.memory_space<semaphore_mem>>) src(%dma_wait3A_148 : memref<40x128xi32, #tpu.memory_space<hbm>>) dst(%arg9 : memref<40x128xi32, #tpu.memory_space<vmem>>)
        tpu.yield
      }) : () -> ()
      "tpu.region"() ({
        %run_scoped3A = tpu.sem_alloc : memref<!tpu.dma_semaphore, #tpu.memory_space<semaphore_mem>>
        %dma_start3A_141 = arith.constant 0 : i32
        %dma_start3A_142 = tpu.memref_slice %arg5[%mul3A_2, %dma_start3A_141] : memref<1280x128xi32, #tpu.memory_space<hbm>> -> memref<40x128xi32, #tpu.memory_space<hbm>>
        %dma_start3A_143 = arith.constant 0 : i32
        %dma_start3A_144 = tpu.memref_slice %arg5[%mul3A_2, %dma_start3A_143] : memref<1280x128xi32, #tpu.memory_space<hbm>> -> memref<40x128xi32, #tpu.memory_space<hbm>>
        tpu.enqueue_dma source(%dma_start3A_144 : memref<40x128xi32, #tpu.memory_space<hbm>>) target(%arg10 : memref<40x128xi32, #tpu.memory_space<vmem>>) target_semaphore(%run_scoped3A : memref<!tpu.dma_semaphore, #tpu.memory_space<semaphore_mem>>)
        %dma_wait3A_145 = arith.constant 0 : i32
        %dma_wait3A_146 = tpu.memref_slice %arg5[%mul3A_2, %dma_wait3A_145] : memref<1280x128xi32, #tpu.memory_space<hbm>> -> memref<40x128xi32, #tpu.memory_space<hbm>>
        %dma_wait3A_147 = arith.constant 0 : i32
        %dma_wait3A_148 = tpu.memref_slice %arg5[%mul3A_2, %dma_wait3A_147] : memref<1280x128xi32, #tpu.memory_space<hbm>> -> memref<40x128xi32, #tpu.memory_space<hbm>>
        tpu.wait_dma2 semaphore(%run_scoped3A : memref<!tpu.dma_semaphore, #tpu.memory_space<semaphore_mem>>) src(%dma_wait3A_148 : memref<40x128xi32, #tpu.memory_space<hbm>>) dst(%arg10 : memref<40x128xi32, #tpu.memory_space<vmem>>)
        tpu.yield
      }) : () -> ()
      %dma_start3A = arith.constant 0 : i32
      %dma_start3A_10 = arith.constant 0 : i32
      %dma_start3A_11 = arith.constant 0 : i32
      %dma_start3A_12 = arith.constant 0 : i32
      %dma_start3A_13 = arith.constant 0 : i32
      %dma_start3A_14 = tpu.memref_slice %arg11[%dma_start3A_10, %dma_start3A_12, %dma_start3A_13] : memref<2x128x128xf32, #tpu.memory_space<vmem>> -> memref<1x128x128xf32, #tpu.memory_space<vmem>>
      %dma_start3A_15 = tpu.memref_squeeze %dma_start3A_14 : memref<1x128x128xf32, #tpu.memory_space<vmem>> -> memref<128x128xf32, #tpu.memory_space<vmem>>
      %dma_start3A_16 = arith.constant 0 : i32
      %dma_start3A_17 = tpu.memref_slice %arg9[%dma_start3A, %dma_start3A_16] : memref<40x128xi32, #tpu.memory_space<vmem>> -> memref<1x128xi32, #tpu.memory_space<vmem>>
      %dma_start3A_18 = tpu.memref_squeeze %dma_start3A_17 : memref<1x128xi32, #tpu.memory_space<vmem>> -> memref<128xi32, #tpu.memory_space<vmem>>
      %dma_start3A_19 = arith.constant 0 : i32
      %dma_start3A_20 = arith.constant 0 : i32
      %dma_start3A_21 = tpu.memref_slice %arg3[%dma_start3A_19, %dma_start3A_20] : memref<10240x128xf32, #tpu.memory_space<hbm>> -> memref<10240x128xf32, #tpu.memory_space<hbm>>
      %dma_start3A_22 = tpu.memref_slice %arg12[%dma_start3A_11] : memref<2x!tpu.dma_semaphore, #tpu.memory_space<semaphore_mem>> -> memref<1x!tpu.dma_semaphore, #tpu.memory_space<semaphore_mem>>
      %dma_start3A_23 = tpu.memref_squeeze %dma_start3A_22 : memref<1x!tpu.dma_semaphore, #tpu.memory_space<semaphore_mem>> -> memref<!tpu.dma_semaphore, #tpu.memory_space<semaphore_mem>>
      tpu.enqueue_indirect_dma source(%dma_start3A_21 : memref<10240x128xf32, #tpu.memory_space<hbm>>) target(%dma_start3A_15 : memref<128x128xf32, #tpu.memory_space<vmem>>) offsets(%dma_start3A_18 : memref<128xi32, #tpu.memory_space<vmem>>) semaphore(%dma_start3A_23 : memref<!tpu.dma_semaphore, #tpu.memory_space<semaphore_mem>>)
      %dma_start3A_24 = arith.constant 1 : i32
      %dma_start3A_25 = arith.constant 1 : i32
      %dma_start3A_26 = arith.constant 1 : i32
      %dma_start3A_27 = arith.constant 0 : i32
      %dma_start3A_28 = arith.constant 0 : i32
      %dma_start3A_29 = tpu.memref_slice %arg11[%dma_start3A_25, %dma_start3A_27, %dma_start3A_28] : memref<2x128x128xf32, #tpu.memory_space<vmem>> -> memref<1x128x128xf32, #tpu.memory_space<vmem>>
      %dma_start3A_30 = tpu.memref_squeeze %dma_start3A_29 : memref<1x128x128xf32, #tpu.memory_space<vmem>> -> memref<128x128xf32, #tpu.memory_space<vmem>>
      %dma_start3A_31 = arith.constant 0 : i32
      %dma_start3A_32 = tpu.memref_slice %arg9[%dma_start3A_24, %dma_start3A_31] : memref<40x128xi32, #tpu.memory_space<vmem>> -> memref<1x128xi32, #tpu.memory_space<vmem>>
      %dma_start3A_33 = tpu.memref_squeeze %dma_start3A_32 : memref<1x128xi32, #tpu.memory_space<vmem>> -> memref<128xi32, #tpu.memory_space<vmem>>
      %dma_start3A_34 = arith.constant 0 : i32
      %dma_start3A_35 = arith.constant 0 : i32
      %dma_start3A_36 = tpu.memref_slice %arg3[%dma_start3A_34, %dma_start3A_35] : memref<10240x128xf32, #tpu.memory_space<hbm>> -> memref<10240x128xf32, #tpu.memory_space<hbm>>
      %dma_start3A_37 = tpu.memref_slice %arg12[%dma_start3A_26] : memref<2x!tpu.dma_semaphore, #tpu.memory_space<semaphore_mem>> -> memref<1x!tpu.dma_semaphore, #tpu.memory_space<semaphore_mem>>
      %dma_start3A_38 = tpu.memref_squeeze %dma_start3A_37 : memref<1x!tpu.dma_semaphore, #tpu.memory_space<semaphore_mem>> -> memref<!tpu.dma_semaphore, #tpu.memory_space<semaphore_mem>>
      tpu.enqueue_indirect_dma source(%dma_start3A_36 : memref<10240x128xf32, #tpu.memory_space<hbm>>) target(%dma_start3A_30 : memref<128x128xf32, #tpu.memory_space<vmem>>) offsets(%dma_start3A_33 : memref<128xi32, #tpu.memory_space<vmem>>) semaphore(%dma_start3A_38 : memref<!tpu.dma_semaphore, #tpu.memory_space<semaphore_mem>>)
      %barrier3A = arith.constant 0 : index
      tpu.barrier barrier_id(%barrier3A)
      %scan3A = arith.constant 0 : i32
      %scan3A_39 = arith.constant 20 : i32
      %scan3A_40 = arith.addi %scan3A, %scan3A_39 : i32
      %scan3A_41 = arith.constant 1 : i32
      scf.for %scan3A_141 = %scan3A to %scan3A_40 step %scan3A_41  : i32 {
        %mul3A_142 = arith.constant 1 : i32
        %mul3A_143 = arith.muli %scan3A_141, %mul3A_142 : i32
        %add3A_144 = arith.constant 0 : i32
        %add3A_145 = arith.addi %add3A_144, %mul3A_143 : i32
        %mul3A_146 = arith.constant 2 : i32
        %mul3A_147 = arith.muli %add3A_145, %mul3A_146 : i32
        %add3A_148 = arith.constant 0 : i32
        %add3A_149 = arith.addi %mul3A_147, %add3A_148 : i32
        %dma_wait3A_150 = arith.constant 0 : i32
        %dma_wait3A_151 = arith.constant 0 : i32
        %dma_wait3A_152 = arith.constant 0 : i32
        %dma_wait3A_153 = arith.constant 0 : i32
        %dma_wait3A_154 = arith.constant 0 : i32
        %dma_wait3A_155 = tpu.memref_slice %arg11[%dma_wait3A_151, %dma_wait3A_153, %dma_wait3A_154] : memref<2x128x128xf32, #tpu.memory_space<vmem>> -> memref<1x128x128xf32, #tpu.memory_space<vmem>>
        %dma_wait3A_156 = tpu.memref_squeeze %dma_wait3A_155 : memref<1x128x128xf32, #tpu.memory_space<vmem>> -> memref<128x128xf32, #tpu.memory_space<vmem>>
        %dma_wait3A_157 = arith.constant 0 : i32
        %dma_wait3A_158 = tpu.memref_slice %arg9[%dma_wait3A_150, %dma_wait3A_157] : memref<40x128xi32, #tpu.memory_space<vmem>> -> memref<1x128xi32, #tpu.memory_space<vmem>>
        %dma_wait3A_159 = tpu.memref_squeeze %dma_wait3A_158 : memref<1x128xi32, #tpu.memory_space<vmem>> -> memref<128xi32, #tpu.memory_space<vmem>>
        %dma_wait3A_160 = arith.constant 0 : i32
        %dma_wait3A_161 = arith.constant 0 : i32
        %dma_wait3A_162 = tpu.memref_slice %arg3[%dma_wait3A_160, %dma_wait3A_161] : memref<10240x128xf32, #tpu.memory_space<hbm>> -> memref<10240x128xf32, #tpu.memory_space<hbm>>
        %dma_wait3A_163 = tpu.memref_slice %arg12[%dma_wait3A_152] : memref<2x!tpu.dma_semaphore, #tpu.memory_space<semaphore_mem>> -> memref<1x!tpu.dma_semaphore, #tpu.memory_space<semaphore_mem>>
        %dma_wait3A_164 = tpu.memref_squeeze %dma_wait3A_163 : memref<1x!tpu.dma_semaphore, #tpu.memory_space<semaphore_mem>> -> memref<!tpu.dma_semaphore, #tpu.memory_space<semaphore_mem>>
        tpu.wait_indirect_dma semaphore(%dma_wait3A_164 : memref<!tpu.dma_semaphore, #tpu.memory_space<semaphore_mem>>) src(%dma_wait3A_162 : memref<10240x128xf32, #tpu.memory_space<hbm>>) dst(%dma_wait3A_156 : memref<128x128xf32, #tpu.memory_space<vmem>>)
        %dma_start3A_165 = arith.constant 0 : i32
        %dma_start3A_166 = arith.constant 0 : i32
        %dma_start3A_167 = arith.constant 0 : i32
        %dma_start3A_168 = arith.constant 0 : i32
        %dma_start3A_169 = tpu.memref_slice %arg11[%dma_start3A_165, %dma_start3A_167, %dma_start3A_168] : memref<2x128x128xf32, #tpu.memory_space<vmem>> -> memref<1x128x128xf32, #tpu.memory_space<vmem>>
        %dma_start3A_170 = tpu.memref_squeeze %dma_start3A_169 : memref<1x128x128xf32, #tpu.memory_space<vmem>> -> memref<128x128xf32, #tpu.memory_space<vmem>>
        %dma_start3A_171 = arith.constant 0 : i32
        %dma_start3A_172 = tpu.memref_slice %arg10[%add3A_149, %dma_start3A_171] : memref<40x128xi32, #tpu.memory_space<vmem>> -> memref<1x128xi32, #tpu.memory_space<vmem>>
        %dma_start3A_173 = tpu.memref_squeeze %dma_start3A_172 : memref<1x128xi32, #tpu.memory_space<vmem>> -> memref<128xi32, #tpu.memory_space<vmem>>
        %dma_start3A_174 = arith.constant 0 : i32
        %dma_start3A_175 = arith.constant 0 : i32
        %dma_start3A_176 = tpu.memref_slice %arg14[%dma_start3A_174, %dma_start3A_175] : memref<10240x128xf32, #tpu.memory_space<vmem_shared>> -> memref<10240x128xf32, #tpu.memory_space<vmem_shared>>
        %dma_start3A_177 = tpu.memref_slice %arg13[%dma_start3A_166] : memref<2x!tpu.dma_semaphore, #tpu.memory_space<semaphore_mem>> -> memref<1x!tpu.dma_semaphore, #tpu.memory_space<semaphore_mem>>
        %dma_start3A_178 = tpu.memref_squeeze %dma_start3A_177 : memref<1x!tpu.dma_semaphore, #tpu.memory_space<semaphore_mem>> -> memref<!tpu.dma_semaphore, #tpu.memory_space<semaphore_mem>>
        tpu.enqueue_indirect_dma source(%dma_start3A_170 : memref<128x128xf32, #tpu.memory_space<vmem>>) target(%dma_start3A_176 : memref<10240x128xf32, #tpu.memory_space<vmem_shared>>) offsets(%dma_start3A_173 : memref<128xi32, #tpu.memory_space<vmem>>) semaphore(%dma_start3A_178 : memref<!tpu.dma_semaphore, #tpu.memory_space<semaphore_mem>>) {add = true}
        %add3A_179 = arith.constant 2 : i32
        %add3A_180 = arith.addi %add3A_149, %add3A_179 : i32
        %lt3A = arith.constant 40 : i32
        %lt3A_181 = arith.cmpi slt, %add3A_180, %lt3A : i32
        %convert_element_type3A_182 = arith.extui %lt3A_181 : i1 to i32
        %cond3A_183 = arith.constant 0 : i32
        %cond3A_184 = arith.cmpi ne, %convert_element_type3A_182, %cond3A_183 : i32
        scf.if %cond3A_184 {
          %dma_wait3A_225 = arith.constant 0 : i32
          %dma_wait3A_226 = arith.constant 0 : i32
          %dma_wait3A_227 = arith.constant 0 : i32
          %dma_wait3A_228 = arith.constant 0 : i32
          %dma_wait3A_229 = tpu.memref_slice %arg11[%dma_wait3A_225, %dma_wait3A_227, %dma_wait3A_228] : memref<2x128x128xf32, #tpu.memory_space<vmem>> -> memref<1x128x128xf32, #tpu.memory_space<vmem>>
          %dma_wait3A_230 = tpu.memref_squeeze %dma_wait3A_229 : memref<1x128x128xf32, #tpu.memory_space<vmem>> -> memref<128x128xf32, #tpu.memory_space<vmem>>
          %dma_wait3A_231 = arith.constant 0 : i32
          %dma_wait3A_232 = tpu.memref_slice %arg10[%add3A_149, %dma_wait3A_231] : memref<40x128xi32, #tpu.memory_space<vmem>> -> memref<1x128xi32, #tpu.memory_space<vmem>>
          %dma_wait3A_233 = tpu.memref_squeeze %dma_wait3A_232 : memref<1x128xi32, #tpu.memory_space<vmem>> -> memref<128xi32, #tpu.memory_space<vmem>>
          %dma_wait3A_234 = arith.constant 0 : i32
          %dma_wait3A_235 = arith.constant 0 : i32
          %dma_wait3A_236 = tpu.memref_slice %arg14[%dma_wait3A_234, %dma_wait3A_235] : memref<10240x128xf32, #tpu.memory_space<vmem_shared>> -> memref<10240x128xf32, #tpu.memory_space<vmem_shared>>
          %dma_wait3A_237 = tpu.memref_slice %arg13[%dma_wait3A_226] : memref<2x!tpu.dma_semaphore, #tpu.memory_space<semaphore_mem>> -> memref<1x!tpu.dma_semaphore, #tpu.memory_space<semaphore_mem>>
          %dma_wait3A_238 = tpu.memref_squeeze %dma_wait3A_237 : memref<1x!tpu.dma_semaphore, #tpu.memory_space<semaphore_mem>> -> memref<!tpu.dma_semaphore, #tpu.memory_space<semaphore_mem>>
          tpu.wait_indirect_dma semaphore(%dma_wait3A_238 : memref<!tpu.dma_semaphore, #tpu.memory_space<semaphore_mem>>) src(%dma_wait3A_230 : memref<128x128xf32, #tpu.memory_space<vmem>>) dst(%dma_wait3A_236 : memref<10240x128xf32, #tpu.memory_space<vmem_shared>>)
          %dma_start3A_239 = arith.constant 0 : i32
          %dma_start3A_240 = arith.constant 0 : i32
          %dma_start3A_241 = arith.constant 0 : i32
          %dma_start3A_242 = arith.constant 0 : i32
          %dma_start3A_243 = tpu.memref_slice %arg11[%dma_start3A_239, %dma_start3A_241, %dma_start3A_242] : memref<2x128x128xf32, #tpu.memory_space<vmem>> -> memref<1x128x128xf32, #tpu.memory_space<vmem>>
          %dma_start3A_244 = tpu.memref_squeeze %dma_start3A_243 : memref<1x128x128xf32, #tpu.memory_space<vmem>> -> memref<128x128xf32, #tpu.memory_space<vmem>>
          %dma_start3A_245 = arith.constant 0 : i32
          %dma_start3A_246 = tpu.memref_slice %arg9[%add3A_180, %dma_start3A_245] : memref<40x128xi32, #tpu.memory_space<vmem>> -> memref<1x128xi32, #tpu.memory_space<vmem>>
          %dma_start3A_247 = tpu.memref_squeeze %dma_start3A_246 : memref<1x128xi32, #tpu.memory_space<vmem>> -> memref<128xi32, #tpu.memory_space<vmem>>
          %dma_start3A_248 = arith.constant 0 : i32
          %dma_start3A_249 = arith.constant 0 : i32
          %dma_start3A_250 = tpu.memref_slice %arg3[%dma_start3A_248, %dma_start3A_249] : memref<10240x128xf32, #tpu.memory_space<hbm>> -> memref<10240x128xf32, #tpu.memory_space<hbm>>
          %dma_start3A_251 = tpu.memref_slice %arg12[%dma_start3A_240] : memref<2x!tpu.dma_semaphore, #tpu.memory_space<semaphore_mem>> -> memref<1x!tpu.dma_semaphore, #tpu.memory_space<semaphore_mem>>
          %dma_start3A_252 = tpu.memref_squeeze %dma_start3A_251 : memref<1x!tpu.dma_semaphore, #tpu.memory_space<semaphore_mem>> -> memref<!tpu.dma_semaphore, #tpu.memory_space<semaphore_mem>>
          tpu.enqueue_indirect_dma source(%dma_start3A_250 : memref<10240x128xf32, #tpu.memory_space<hbm>>) target(%dma_start3A_244 : memref<128x128xf32, #tpu.memory_space<vmem>>) offsets(%dma_start3A_247 : memref<128xi32, #tpu.memory_space<vmem>>) semaphore(%dma_start3A_252 : memref<!tpu.dma_semaphore, #tpu.memory_space<semaphore_mem>>)
        } else {
        }
        %mul3A_185 = arith.constant 2 : i32
        %mul3A_186 = arith.muli %add3A_145, %mul3A_185 : i32
        %add3A_187 = arith.constant 1 : i32
        %add3A_188 = arith.addi %mul3A_186, %add3A_187 : i32
        %dma_wait3A_189 = arith.constant 1 : i32
        %dma_wait3A_190 = arith.constant 1 : i32
        %dma_wait3A_191 = arith.constant 1 : i32
        %dma_wait3A_192 = arith.constant 0 : i32
        %dma_wait3A_193 = arith.constant 0 : i32
        %dma_wait3A_194 = tpu.memref_slice %arg11[%dma_wait3A_190, %dma_wait3A_192, %dma_wait3A_193] : memref<2x128x128xf32, #tpu.memory_space<vmem>> -> memref<1x128x128xf32, #tpu.memory_space<vmem>>
        %dma_wait3A_195 = tpu.memref_squeeze %dma_wait3A_194 : memref<1x128x128xf32, #tpu.memory_space<vmem>> -> memref<128x128xf32, #tpu.memory_space<vmem>>
        %dma_wait3A_196 = arith.constant 0 : i32
        %dma_wait3A_197 = tpu.memref_slice %arg9[%dma_wait3A_189, %dma_wait3A_196] : memref<40x128xi32, #tpu.memory_space<vmem>> -> memref<1x128xi32, #tpu.memory_space<vmem>>
        %dma_wait3A_198 = tpu.memref_squeeze %dma_wait3A_197 : memref<1x128xi32, #tpu.memory_space<vmem>> -> memref<128xi32, #tpu.memory_space<vmem>>
        %dma_wait3A_199 = arith.constant 0 : i32
        %dma_wait3A_200 = arith.constant 0 : i32
        %dma_wait3A_201 = tpu.memref_slice %arg3[%dma_wait3A_199, %dma_wait3A_200] : memref<10240x128xf32, #tpu.memory_space<hbm>> -> memref<10240x128xf32, #tpu.memory_space<hbm>>
        %dma_wait3A_202 = tpu.memref_slice %arg12[%dma_wait3A_191] : memref<2x!tpu.dma_semaphore, #tpu.memory_space<semaphore_mem>> -> memref<1x!tpu.dma_semaphore, #tpu.memory_space<semaphore_mem>>
        %dma_wait3A_203 = tpu.memref_squeeze %dma_wait3A_202 : memref<1x!tpu.dma_semaphore, #tpu.memory_space<semaphore_mem>> -> memref<!tpu.dma_semaphore, #tpu.memory_space<semaphore_mem>>
        tpu.wait_indirect_dma semaphore(%dma_wait3A_203 : memref<!tpu.dma_semaphore, #tpu.memory_space<semaphore_mem>>) src(%dma_wait3A_201 : memref<10240x128xf32, #tpu.memory_space<hbm>>) dst(%dma_wait3A_195 : memref<128x128xf32, #tpu.memory_space<vmem>>)
        %dma_start3A_204 = arith.constant 1 : i32
        %dma_start3A_205 = arith.constant 1 : i32
        %dma_start3A_206 = arith.constant 0 : i32
        %dma_start3A_207 = arith.constant 0 : i32
        %dma_start3A_208 = tpu.memref_slice %arg11[%dma_start3A_204, %dma_start3A_206, %dma_start3A_207] : memref<2x128x128xf32, #tpu.memory_space<vmem>> -> memref<1x128x128xf32, #tpu.memory_space<vmem>>
        %dma_start3A_209 = tpu.memref_squeeze %dma_start3A_208 : memref<1x128x128xf32, #tpu.memory_space<vmem>> -> memref<128x128xf32, #tpu.memory_space<vmem>>
        %dma_start3A_210 = arith.constant 0 : i32
        %dma_start3A_211 = tpu.memref_slice %arg10[%add3A_188, %dma_start3A_210] : memref<40x128xi32, #tpu.memory_space<vmem>> -> memref<1x128xi32, #tpu.memory_space<vmem>>
        %dma_start3A_212 = tpu.memref_squeeze %dma_start3A_211 : memref<1x128xi32, #tpu.memory_space<vmem>> -> memref<128xi32, #tpu.memory_space<vmem>>
        %dma_start3A_213 = arith.constant 0 : i32
        %dma_start3A_214 = arith.constant 0 : i32
        %dma_start3A_215 = tpu.memref_slice %arg14[%dma_start3A_213, %dma_start3A_214] : memref<10240x128xf32, #tpu.memory_space<vmem_shared>> -> memref<10240x128xf32, #tpu.memory_space<vmem_shared>>
        %dma_start3A_216 = tpu.memref_slice %arg13[%dma_start3A_205] : memref<2x!tpu.dma_semaphore, #tpu.memory_space<semaphore_mem>> -> memref<1x!tpu.dma_semaphore, #tpu.memory_space<semaphore_mem>>
        %dma_start3A_217 = tpu.memref_squeeze %dma_start3A_216 : memref<1x!tpu.dma_semaphore, #tpu.memory_space<semaphore_mem>> -> memref<!tpu.dma_semaphore, #tpu.memory_space<semaphore_mem>>
        tpu.enqueue_indirect_dma source(%dma_start3A_209 : memref<128x128xf32, #tpu.memory_space<vmem>>) target(%dma_start3A_215 : memref<10240x128xf32, #tpu.memory_space<vmem_shared>>) offsets(%dma_start3A_212 : memref<128xi32, #tpu.memory_space<vmem>>) semaphore(%dma_start3A_217 : memref<!tpu.dma_semaphore, #tpu.memory_space<semaphore_mem>>) {add = true}
        %add3A_218 = arith.constant 2 : i32
        %add3A_219 = arith.addi %add3A_188, %add3A_218 : i32
        %lt3A_220 = arith.constant 40 : i32
        %lt3A_221 = arith.cmpi slt, %add3A_219, %lt3A_220 : i32
        %convert_element_type3A_222 = arith.extui %lt3A_221 : i1 to i32
        %cond3A_223 = arith.constant 0 : i32
        %cond3A_224 = arith.cmpi ne, %convert_element_type3A_222, %cond3A_223 : i32
        scf.if %cond3A_224 {
          %dma_wait3A_225 = arith.constant 1 : i32
          %dma_wait3A_226 = arith.constant 1 : i32
          %dma_wait3A_227 = arith.constant 0 : i32
          %dma_wait3A_228 = arith.constant 0 : i32
          %dma_wait3A_229 = tpu.memref_slice %arg11[%dma_wait3A_225, %dma_wait3A_227, %dma_wait3A_228] : memref<2x128x128xf32, #tpu.memory_space<vmem>> -> memref<1x128x128xf32, #tpu.memory_space<vmem>>
          %dma_wait3A_230 = tpu.memref_squeeze %dma_wait3A_229 : memref<1x128x128xf32, #tpu.memory_space<vmem>> -> memref<128x128xf32, #tpu.memory_space<vmem>>
          %dma_wait3A_231 = arith.constant 0 : i32
          %dma_wait3A_232 = tpu.memref_slice %arg10[%add3A_188, %dma_wait3A_231] : memref<40x128xi32, #tpu.memory_space<vmem>> -> memref<1x128xi32, #tpu.memory_space<vmem>>
          %dma_wait3A_233 = tpu.memref_squeeze %dma_wait3A_232 : memref<1x128xi32, #tpu.memory_space<vmem>> -> memref<128xi32, #tpu.memory_space<vmem>>
          %dma_wait3A_234 = arith.constant 0 : i32
          %dma_wait3A_235 = arith.constant 0 : i32
          %dma_wait3A_236 = tpu.memref_slice %arg14[%dma_wait3A_234, %dma_wait3A_235] : memref<10240x128xf32, #tpu.memory_space<vmem_shared>> -> memref<10240x128xf32, #tpu.memory_space<vmem_shared>>
          %dma_wait3A_237 = tpu.memref_slice %arg13[%dma_wait3A_226] : memref<2x!tpu.dma_semaphore, #tpu.memory_space<semaphore_mem>> -> memref<1x!tpu.dma_semaphore, #tpu.memory_space<semaphore_mem>>
          %dma_wait3A_238 = tpu.memref_squeeze %dma_wait3A_237 : memref<1x!tpu.dma_semaphore, #tpu.memory_space<semaphore_mem>> -> memref<!tpu.dma_semaphore, #tpu.memory_space<semaphore_mem>>
          tpu.wait_indirect_dma semaphore(%dma_wait3A_238 : memref<!tpu.dma_semaphore, #tpu.memory_space<semaphore_mem>>) src(%dma_wait3A_230 : memref<128x128xf32, #tpu.memory_space<vmem>>) dst(%dma_wait3A_236 : memref<10240x128xf32, #tpu.memory_space<vmem_shared>>)
          %dma_start3A_239 = arith.constant 1 : i32
          %dma_start3A_240 = arith.constant 1 : i32
          %dma_start3A_241 = arith.constant 0 : i32
          %dma_start3A_242 = arith.constant 0 : i32
          %dma_start3A_243 = tpu.memref_slice %arg11[%dma_start3A_239, %dma_start3A_241, %dma_start3A_242] : memref<2x128x128xf32, #tpu.memory_space<vmem>> -> memref<1x128x128xf32, #tpu.memory_space<vmem>>
          %dma_start3A_244 = tpu.memref_squeeze %dma_start3A_243 : memref<1x128x128xf32, #tpu.memory_space<vmem>> -> memref<128x128xf32, #tpu.memory_space<vmem>>
          %dma_start3A_245 = arith.constant 0 : i32
          %dma_start3A_246 = tpu.memref_slice %arg9[%add3A_219, %dma_start3A_245] : memref<40x128xi32, #tpu.memory_space<vmem>> -> memref<1x128xi32, #tpu.memory_space<vmem>>
          %dma_start3A_247 = tpu.memref_squeeze %dma_start3A_246 : memref<1x128xi32, #tpu.memory_space<vmem>> -> memref<128xi32, #tpu.memory_space<vmem>>
          %dma_start3A_248 = arith.constant 0 : i32
          %dma_start3A_249 = arith.constant 0 : i32
          %dma_start3A_250 = tpu.memref_slice %arg3[%dma_start3A_248, %dma_start3A_249] : memref<10240x128xf32, #tpu.memory_space<hbm>> -> memref<10240x128xf32, #tpu.memory_space<hbm>>
          %dma_start3A_251 = tpu.memref_slice %arg12[%dma_start3A_240] : memref<2x!tpu.dma_semaphore, #tpu.memory_space<semaphore_mem>> -> memref<1x!tpu.dma_semaphore, #tpu.memory_space<semaphore_mem>>
          %dma_start3A_252 = tpu.memref_squeeze %dma_start3A_251 : memref<1x!tpu.dma_semaphore, #tpu.memory_space<semaphore_mem>> -> memref<!tpu.dma_semaphore, #tpu.memory_space<semaphore_mem>>
          tpu.enqueue_indirect_dma source(%dma_start3A_250 : memref<10240x128xf32, #tpu.memory_space<hbm>>) target(%dma_start3A_244 : memref<128x128xf32, #tpu.memory_space<vmem>>) offsets(%dma_start3A_247 : memref<128xi32, #tpu.memory_space<vmem>>) semaphore(%dma_start3A_252 : memref<!tpu.dma_semaphore, #tpu.memory_space<semaphore_mem>>)
        } else {
        }
      }
      %scan3A_42 = arith.constant 20 : i32
      %dma_wait3A = arith.constant 0 : i32
      %dma_wait3A_43 = arith.constant 0 : i32
      %dma_wait3A_44 = arith.constant 0 : i32
      %dma_wait3A_45 = arith.constant 0 : i32
      %dma_wait3A_46 = arith.constant 0 : i32
      %dma_wait3A_47 = tpu.memref_slice %arg11[%dma_wait3A, %dma_wait3A_45, %dma_wait3A_46] : memref<2x128x128xf32, #tpu.memory_space<vmem>> -> memref<1x128x128xf32, #tpu.memory_space<vmem>>
      %dma_wait3A_48 = tpu.memref_squeeze %dma_wait3A_47 : memref<1x128x128xf32, #tpu.memory_space<vmem>> -> memref<128x128xf32, #tpu.memory_space<vmem>>
      %dma_wait3A_49 = arith.constant 0 : i32
      %dma_wait3A_50 = tpu.memref_slice %arg10[%dma_wait3A_43, %dma_wait3A_49] : memref<40x128xi32, #tpu.memory_space<vmem>> -> memref<1x128xi32, #tpu.memory_space<vmem>>
      %dma_wait3A_51 = tpu.memref_squeeze %dma_wait3A_50 : memref<1x128xi32, #tpu.memory_space<vmem>> -> memref<128xi32, #tpu.memory_space<vmem>>
      %dma_wait3A_52 = arith.constant 0 : i32
      %dma_wait3A_53 = arith.constant 0 : i32
      %dma_wait3A_54 = tpu.memref_slice %arg14[%dma_wait3A_52, %dma_wait3A_53] : memref<10240x128xf32, #tpu.memory_space<vmem_shared>> -> memref<10240x128xf32, #tpu.memory_space<vmem_shared>>
      %dma_wait3A_55 = tpu.memref_slice %arg13[%dma_wait3A_44] : memref<2x!tpu.dma_semaphore, #tpu.memory_space<semaphore_mem>> -> memref<1x!tpu.dma_semaphore, #tpu.memory_space<semaphore_mem>>
      %dma_wait3A_56 = tpu.memref_squeeze %dma_wait3A_55 : memref<1x!tpu.dma_semaphore, #tpu.memory_space<semaphore_mem>> -> memref<!tpu.dma_semaphore, #tpu.memory_space<semaphore_mem>>
      tpu.wait_indirect_dma semaphore(%dma_wait3A_56 : memref<!tpu.dma_semaphore, #tpu.memory_space<semaphore_mem>>) src(%dma_wait3A_48 : memref<128x128xf32, #tpu.memory_space<vmem>>) dst(%dma_wait3A_54 : memref<10240x128xf32, #tpu.memory_space<vmem_shared>>)
      %dma_wait3A_57 = arith.constant 1 : i32
      %dma_wait3A_58 = arith.constant 1 : i32
      %dma_wait3A_59 = arith.constant 1 : i32
      %dma_wait3A_60 = arith.constant 0 : i32
      %dma_wait3A_61 = arith.constant 0 : i32
      %dma_wait3A_62 = tpu.memref_slice %arg11[%dma_wait3A_57, %dma_wait3A_60, %dma_wait3A_61] : memref<2x128x128xf32, #tpu.memory_space<vmem>> -> memref<1x128x128xf32, #tpu.memory_space<vmem>>
      %dma_wait3A_63 = tpu.memref_squeeze %dma_wait3A_62 : memref<1x128x128xf32, #tpu.memory_space<vmem>> -> memref<128x128xf32, #tpu.memory_space<vmem>>
      %dma_wait3A_64 = arith.constant 0 : i32
      %dma_wait3A_65 = tpu.memref_slice %arg10[%dma_wait3A_58, %dma_wait3A_64] : memref<40x128xi32, #tpu.memory_space<vmem>> -> memref<1x128xi32, #tpu.memory_space<vmem>>
      %dma_wait3A_66 = tpu.memref_squeeze %dma_wait3A_65 : memref<1x128xi32, #tpu.memory_space<vmem>> -> memref<128xi32, #tpu.memory_space<vmem>>
      %dma_wait3A_67 = arith.constant 0 : i32
      %dma_wait3A_68 = arith.constant 0 : i32
      %dma_wait3A_69 = tpu.memref_slice %arg14[%dma_wait3A_67, %dma_wait3A_68] : memref<10240x128xf32, #tpu.memory_space<vmem_shared>> -> memref<10240x128xf32, #tpu.memory_space<vmem_shared>>
      %dma_wait3A_70 = tpu.memref_slice %arg13[%dma_wait3A_59] : memref<2x!tpu.dma_semaphore, #tpu.memory_space<semaphore_mem>> -> memref<1x!tpu.dma_semaphore, #tpu.memory_space<semaphore_mem>>
      %dma_wait3A_71 = tpu.memref_squeeze %dma_wait3A_70 : memref<1x!tpu.dma_semaphore, #tpu.memory_space<semaphore_mem>> -> memref<!tpu.dma_semaphore, #tpu.memory_space<semaphore_mem>>
      tpu.wait_indirect_dma semaphore(%dma_wait3A_71 : memref<!tpu.dma_semaphore, #tpu.memory_space<semaphore_mem>>) src(%dma_wait3A_63 : memref<128x128xf32, #tpu.memory_space<vmem>>) dst(%dma_wait3A_69 : memref<10240x128xf32, #tpu.memory_space<vmem_shared>>)
      %add3A = arith.constant 40 : i32
      %add3A_72 = arith.addi %mul3A_2, %add3A : i32
      "tpu.region"() ({
        %run_scoped3A = tpu.sem_alloc : memref<!tpu.dma_semaphore, #tpu.memory_space<semaphore_mem>>
        %dma_start3A_141 = arith.constant 0 : i32
        %dma_start3A_142 = tpu.memref_slice %arg4[%add3A_72, %dma_start3A_141] : memref<1280x128xi32, #tpu.memory_space<hbm>> -> memref<40x128xi32, #tpu.memory_space<hbm>>
        %dma_start3A_143 = arith.constant 0 : i32
        %dma_start3A_144 = tpu.memref_slice %arg4[%add3A_72, %dma_start3A_143] : memref<1280x128xi32, #tpu.memory_space<hbm>> -> memref<40x128xi32, #tpu.memory_space<hbm>>
        tpu.enqueue_dma source(%dma_start3A_144 : memref<40x128xi32, #tpu.memory_space<hbm>>) target(%arg9 : memref<40x128xi32, #tpu.memory_space<vmem>>) target_semaphore(%run_scoped3A : memref<!tpu.dma_semaphore, #tpu.memory_space<semaphore_mem>>)
        %dma_wait3A_145 = arith.constant 0 : i32
        %dma_wait3A_146 = tpu.memref_slice %arg4[%add3A_72, %dma_wait3A_145] : memref<1280x128xi32, #tpu.memory_space<hbm>> -> memref<40x128xi32, #tpu.memory_space<hbm>>
        %dma_wait3A_147 = arith.constant 0 : i32
        %dma_wait3A_148 = tpu.memref_slice %arg4[%add3A_72, %dma_wait3A_147] : memref<1280x128xi32, #tpu.memory_space<hbm>> -> memref<40x128xi32, #tpu.memory_space<hbm>>
        tpu.wait_dma2 semaphore(%run_scoped3A : memref<!tpu.dma_semaphore, #tpu.memory_space<semaphore_mem>>) src(%dma_wait3A_148 : memref<40x128xi32, #tpu.memory_space<hbm>>) dst(%arg9 : memref<40x128xi32, #tpu.memory_space<vmem>>)
        tpu.yield
      }) : () -> ()
      %add3A_73 = arith.constant 40 : i32
      %add3A_74 = arith.addi %mul3A_2, %add3A_73 : i32
      "tpu.region"() ({
        %run_scoped3A = tpu.sem_alloc : memref<!tpu.dma_semaphore, #tpu.memory_space<semaphore_mem>>
        %dma_start3A_141 = arith.constant 0 : i32
        %dma_start3A_142 = tpu.memref_slice %arg5[%add3A_74, %dma_start3A_141] : memref<1280x128xi32, #tpu.memory_space<hbm>> -> memref<40x128xi32, #tpu.memory_space<hbm>>
        %dma_start3A_143 = arith.constant 0 : i32
        %dma_start3A_144 = tpu.memref_slice %arg5[%add3A_74, %dma_start3A_143] : memref<1280x128xi32, #tpu.memory_space<hbm>> -> memref<40x128xi32, #tpu.memory_space<hbm>>
        tpu.enqueue_dma source(%dma_start3A_144 : memref<40x128xi32, #tpu.memory_space<hbm>>) target(%arg10 : memref<40x128xi32, #tpu.memory_space<vmem>>) target_semaphore(%run_scoped3A : memref<!tpu.dma_semaphore, #tpu.memory_space<semaphore_mem>>)
        %dma_wait3A_145 = arith.constant 0 : i32
        %dma_wait3A_146 = tpu.memref_slice %arg5[%add3A_74, %dma_wait3A_145] : memref<1280x128xi32, #tpu.memory_space<hbm>> -> memref<40x128xi32, #tpu.memory_space<hbm>>
        %dma_wait3A_147 = arith.constant 0 : i32
        %dma_wait3A_148 = tpu.memref_slice %arg5[%add3A_74, %dma_wait3A_147] : memref<1280x128xi32, #tpu.memory_space<hbm>> -> memref<40x128xi32, #tpu.memory_space<hbm>>
        tpu.wait_dma2 semaphore(%run_scoped3A : memref<!tpu.dma_semaphore, #tpu.memory_space<semaphore_mem>>) src(%dma_wait3A_148 : memref<40x128xi32, #tpu.memory_space<hbm>>) dst(%arg10 : memref<40x128xi32, #tpu.memory_space<vmem>>)
        tpu.yield
      }) : () -> ()
      %dma_start3A_75 = arith.constant 0 : i32
      %dma_start3A_76 = arith.constant 0 : i32
      %dma_start3A_77 = arith.constant 0 : i32
      %dma_start3A_78 = arith.constant 0 : i32
      %dma_start3A_79 = arith.constant 0 : i32
      %dma_start3A_80 = tpu.memref_slice %arg11[%dma_start3A_76, %dma_start3A_78, %dma_start3A_79] : memref<2x128x128xf32, #tpu.memory_space<vmem>> -> memref<1x128x128xf32, #tpu.memory_space<vmem>>
      %dma_start3A_81 = tpu.memref_squeeze %dma_start3A_80 : memref<1x128x128xf32, #tpu.memory_space<vmem>> -> memref<128x128xf32, #tpu.memory_space<vmem>>
      %dma_start3A_82 = arith.constant 0 : i32
      %dma_start3A_83 = tpu.memref_slice %arg9[%dma_start3A_75, %dma_start3A_82] : memref<40x128xi32, #tpu.memory_space<vmem>> -> memref<1x128xi32, #tpu.memory_space<vmem>>
      %dma_start3A_84 = tpu.memref_squeeze %dma_start3A_83 : memref<1x128xi32, #tpu.memory_space<vmem>> -> memref<128xi32, #tpu.memory_space<vmem>>
      %dma_start3A_85 = arith.constant 0 : i32
      %dma_start3A_86 = arith.constant 0 : i32
      %dma_start3A_87 = tpu.memref_slice %arg3[%dma_start3A_85, %dma_start3A_86] : memref<10240x128xf32, #tpu.memory_space<hbm>> -> memref<10240x128xf32, #tpu.memory_space<hbm>>
      %dma_start3A_88 = tpu.memref_slice %arg12[%dma_start3A_77] : memref<2x!tpu.dma_semaphore, #tpu.memory_space<semaphore_mem>> -> memref<1x!tpu.dma_semaphore, #tpu.memory_space<semaphore_mem>>
      %dma_start3A_89 = tpu.memref_squeeze %dma_start3A_88 : memref<1x!tpu.dma_semaphore, #tpu.memory_space<semaphore_mem>> -> memref<!tpu.dma_semaphore, #tpu.memory_space<semaphore_mem>>
      tpu.enqueue_indirect_dma source(%dma_start3A_87 : memref<10240x128xf32, #tpu.memory_space<hbm>>) target(%dma_start3A_81 : memref<128x128xf32, #tpu.memory_space<vmem>>) offsets(%dma_start3A_84 : memref<128xi32, #tpu.memory_space<vmem>>) semaphore(%dma_start3A_89 : memref<!tpu.dma_semaphore, #tpu.memory_space<semaphore_mem>>)
      %dma_start3A_90 = arith.constant 1 : i32
      %dma_start3A_91 = arith.constant 1 : i32
      %dma_start3A_92 = arith.constant 1 : i32
      %dma_start3A_93 = arith.constant 0 : i32
      %dma_start3A_94 = arith.constant 0 : i32
      %dma_start3A_95 = tpu.memref_slice %arg11[%dma_start3A_91, %dma_start3A_93, %dma_start3A_94] : memref<2x128x128xf32, #tpu.memory_space<vmem>> -> memref<1x128x128xf32, #tpu.memory_space<vmem>>
      %dma_start3A_96 = tpu.memref_squeeze %dma_start3A_95 : memref<1x128x128xf32, #tpu.memory_space<vmem>> -> memref<128x128xf32, #tpu.memory_space<vmem>>
      %dma_start3A_97 = arith.constant 0 : i32
      %dma_start3A_98 = tpu.memref_slice %arg9[%dma_start3A_90, %dma_start3A_97] : memref<40x128xi32, #tpu.memory_space<vmem>> -> memref<1x128xi32, #tpu.memory_space<vmem>>
      %dma_start3A_99 = tpu.memref_squeeze %dma_start3A_98 : memref<1x128xi32, #tpu.memory_space<vmem>> -> memref<128xi32, #tpu.memory_space<vmem>>
      %dma_start3A_100 = arith.constant 0 : i32
      %dma_start3A_101 = arith.constant 0 : i32
      %dma_start3A_102 = tpu.memref_slice %arg3[%dma_start3A_100, %dma_start3A_101] : memref<10240x128xf32, #tpu.memory_space<hbm>> -> memref<10240x128xf32, #tpu.memory_space<hbm>>
      %dma_start3A_103 = tpu.memref_slice %arg12[%dma_start3A_92] : memref<2x!tpu.dma_semaphore, #tpu.memory_space<semaphore_mem>> -> memref<1x!tpu.dma_semaphore, #tpu.memory_space<semaphore_mem>>
      %dma_start3A_104 = tpu.memref_squeeze %dma_start3A_103 : memref<1x!tpu.dma_semaphore, #tpu.memory_space<semaphore_mem>> -> memref<!tpu.dma_semaphore, #tpu.memory_space<semaphore_mem>>
      tpu.enqueue_indirect_dma source(%dma_start3A_102 : memref<10240x128xf32, #tpu.memory_space<hbm>>) target(%dma_start3A_96 : memref<128x128xf32, #tpu.memory_space<vmem>>) offsets(%dma_start3A_99 : memref<128xi32, #tpu.memory_space<vmem>>) semaphore(%dma_start3A_104 : memref<!tpu.dma_semaphore, #tpu.memory_space<semaphore_mem>>)
      %scan3A_105 = arith.constant 0 : i32
      %scan3A_106 = arith.constant 20 : i32
      %scan3A_107 = arith.addi %scan3A_105, %scan3A_106 : i32
      %scan3A_108 = arith.constant 1 : i32
      scf.for %scan3A_141 = %scan3A_105 to %scan3A_107 step %scan3A_108  : i32 {
        %mul3A_142 = arith.constant 1 : i32
        %mul3A_143 = arith.muli %scan3A_141, %mul3A_142 : i32
        %add3A_144 = arith.constant 0 : i32
        %add3A_145 = arith.addi %add3A_144, %mul3A_143 : i32
        %mul3A_146 = arith.constant 2 : i32
        %mul3A_147 = arith.muli %add3A_145, %mul3A_146 : i32
        %add3A_148 = arith.constant 0 : i32
        %add3A_149 = arith.addi %mul3A_147, %add3A_148 : i32
        %dma_wait3A_150 = arith.constant 0 : i32
        %dma_wait3A_151 = arith.constant 0 : i32
        %dma_wait3A_152 = arith.constant 0 : i32
        %dma_wait3A_153 = arith.constant 0 : i32
        %dma_wait3A_154 = arith.constant 0 : i32
        %dma_wait3A_155 = tpu.memref_slice %arg11[%dma_wait3A_151, %dma_wait3A_153, %dma_wait3A_154] : memref<2x128x128xf32, #tpu.memory_space<vmem>> -> memref<1x128x128xf32, #tpu.memory_space<vmem>>
        %dma_wait3A_156 = tpu.memref_squeeze %dma_wait3A_155 : memref<1x128x128xf32, #tpu.memory_space<vmem>> -> memref<128x128xf32, #tpu.memory_space<vmem>>
        %dma_wait3A_157 = arith.constant 0 : i32
        %dma_wait3A_158 = tpu.memref_slice %arg9[%dma_wait3A_150, %dma_wait3A_157] : memref<40x128xi32, #tpu.memory_space<vmem>> -> memref<1x128xi32, #tpu.memory_space<vmem>>
        %dma_wait3A_159 = tpu.memref_squeeze %dma_wait3A_158 : memref<1x128xi32, #tpu.memory_space<vmem>> -> memref<128xi32, #tpu.memory_space<vmem>>
        %dma_wait3A_160 = arith.constant 0 : i32
        %dma_wait3A_161 = arith.constant 0 : i32
        %dma_wait3A_162 = tpu.memref_slice %arg3[%dma_wait3A_160, %dma_wait3A_161] : memref<10240x128xf32, #tpu.memory_space<hbm>> -> memref<10240x128xf32, #tpu.memory_space<hbm>>
        %dma_wait3A_163 = tpu.memref_slice %arg12[%dma_wait3A_152] : memref<2x!tpu.dma_semaphore, #tpu.memory_space<semaphore_mem>> -> memref<1x!tpu.dma_semaphore, #tpu.memory_space<semaphore_mem>>
        %dma_wait3A_164 = tpu.memref_squeeze %dma_wait3A_163 : memref<1x!tpu.dma_semaphore, #tpu.memory_space<semaphore_mem>> -> memref<!tpu.dma_semaphore, #tpu.memory_space<semaphore_mem>>
        tpu.wait_indirect_dma semaphore(%dma_wait3A_164 : memref<!tpu.dma_semaphore, #tpu.memory_space<semaphore_mem>>) src(%dma_wait3A_162 : memref<10240x128xf32, #tpu.memory_space<hbm>>) dst(%dma_wait3A_156 : memref<128x128xf32, #tpu.memory_space<vmem>>)
        %dma_start3A_165 = arith.constant 0 : i32
        %dma_start3A_166 = arith.constant 0 : i32
        %dma_start3A_167 = arith.constant 0 : i32
        %dma_start3A_168 = arith.constant 0 : i32
        %dma_start3A_169 = tpu.memref_slice %arg11[%dma_start3A_165, %dma_start3A_167, %dma_start3A_168] : memref<2x128x128xf32, #tpu.memory_space<vmem>> -> memref<1x128x128xf32, #tpu.memory_space<vmem>>
        %dma_start3A_170 = tpu.memref_squeeze %dma_start3A_169 : memref<1x128x128xf32, #tpu.memory_space<vmem>> -> memref<128x128xf32, #tpu.memory_space<vmem>>
        %dma_start3A_171 = arith.constant 0 : i32
        %dma_start3A_172 = tpu.memref_slice %arg10[%add3A_149, %dma_start3A_171] : memref<40x128xi32, #tpu.memory_space<vmem>> -> memref<1x128xi32, #tpu.memory_space<vmem>>
        %dma_start3A_173 = tpu.memref_squeeze %dma_start3A_172 : memref<1x128xi32, #tpu.memory_space<vmem>> -> memref<128xi32, #tpu.memory_space<vmem>>
        %dma_start3A_174 = arith.constant 0 : i32
        %dma_start3A_175 = arith.constant 0 : i32
        %dma_start3A_176 = tpu.memref_slice %arg14[%dma_start3A_174, %dma_start3A_175] : memref<10240x128xf32, #tpu.memory_space<vmem_shared>> -> memref<10240x128xf32, #tpu.memory_space<vmem_shared>>
        %dma_start3A_177 = tpu.memref_slice %arg13[%dma_start3A_166] : memref<2x!tpu.dma_semaphore, #tpu.memory_space<semaphore_mem>> -> memref<1x!tpu.dma_semaphore, #tpu.memory_space<semaphore_mem>>
        %dma_start3A_178 = tpu.memref_squeeze %dma_start3A_177 : memref<1x!tpu.dma_semaphore, #tpu.memory_space<semaphore_mem>> -> memref<!tpu.dma_semaphore, #tpu.memory_space<semaphore_mem>>
        tpu.enqueue_indirect_dma source(%dma_start3A_170 : memref<128x128xf32, #tpu.memory_space<vmem>>) target(%dma_start3A_176 : memref<10240x128xf32, #tpu.memory_space<vmem_shared>>) offsets(%dma_start3A_173 : memref<128xi32, #tpu.memory_space<vmem>>) semaphore(%dma_start3A_178 : memref<!tpu.dma_semaphore, #tpu.memory_space<semaphore_mem>>) {add = true}
        %add3A_179 = arith.constant 2 : i32
        %add3A_180 = arith.addi %add3A_149, %add3A_179 : i32
        %lt3A = arith.constant 40 : i32
        %lt3A_181 = arith.cmpi slt, %add3A_180, %lt3A : i32
        %convert_element_type3A_182 = arith.extui %lt3A_181 : i1 to i32
        %cond3A_183 = arith.constant 0 : i32
        %cond3A_184 = arith.cmpi ne, %convert_element_type3A_182, %cond3A_183 : i32
        scf.if %cond3A_184 {
          %dma_wait3A_225 = arith.constant 0 : i32
          %dma_wait3A_226 = arith.constant 0 : i32
          %dma_wait3A_227 = arith.constant 0 : i32
          %dma_wait3A_228 = arith.constant 0 : i32
          %dma_wait3A_229 = tpu.memref_slice %arg11[%dma_wait3A_225, %dma_wait3A_227, %dma_wait3A_228] : memref<2x128x128xf32, #tpu.memory_space<vmem>> -> memref<1x128x128xf32, #tpu.memory_space<vmem>>
          %dma_wait3A_230 = tpu.memref_squeeze %dma_wait3A_229 : memref<1x128x128xf32, #tpu.memory_space<vmem>> -> memref<128x128xf32, #tpu.memory_space<vmem>>
          %dma_wait3A_231 = arith.constant 0 : i32
          %dma_wait3A_232 = tpu.memref_slice %arg10[%add3A_149, %dma_wait3A_231] : memref<40x128xi32, #tpu.memory_space<vmem>> -> memref<1x128xi32, #tpu.memory_space<vmem>>
          %dma_wait3A_233 = tpu.memref_squeeze %dma_wait3A_232 : memref<1x128xi32, #tpu.memory_space<vmem>> -> memref<128xi32, #tpu.memory_space<vmem>>
          %dma_wait3A_234 = arith.constant 0 : i32
          %dma_wait3A_235 = arith.constant 0 : i32
          %dma_wait3A_236 = tpu.memref_slice %arg14[%dma_wait3A_234, %dma_wait3A_235] : memref<10240x128xf32, #tpu.memory_space<vmem_shared>> -> memref<10240x128xf32, #tpu.memory_space<vmem_shared>>
          %dma_wait3A_237 = tpu.memref_slice %arg13[%dma_wait3A_226] : memref<2x!tpu.dma_semaphore, #tpu.memory_space<semaphore_mem>> -> memref<1x!tpu.dma_semaphore, #tpu.memory_space<semaphore_mem>>
          %dma_wait3A_238 = tpu.memref_squeeze %dma_wait3A_237 : memref<1x!tpu.dma_semaphore, #tpu.memory_space<semaphore_mem>> -> memref<!tpu.dma_semaphore, #tpu.memory_space<semaphore_mem>>
          tpu.wait_indirect_dma semaphore(%dma_wait3A_238 : memref<!tpu.dma_semaphore, #tpu.memory_space<semaphore_mem>>) src(%dma_wait3A_230 : memref<128x128xf32, #tpu.memory_space<vmem>>) dst(%dma_wait3A_236 : memref<10240x128xf32, #tpu.memory_space<vmem_shared>>)
          %dma_start3A_239 = arith.constant 0 : i32
          %dma_start3A_240 = arith.constant 0 : i32
          %dma_start3A_241 = arith.constant 0 : i32
          %dma_start3A_242 = arith.constant 0 : i32
          %dma_start3A_243 = tpu.memref_slice %arg11[%dma_start3A_239, %dma_start3A_241, %dma_start3A_242] : memref<2x128x128xf32, #tpu.memory_space<vmem>> -> memref<1x128x128xf32, #tpu.memory_space<vmem>>
          %dma_start3A_244 = tpu.memref_squeeze %dma_start3A_243 : memref<1x128x128xf32, #tpu.memory_space<vmem>> -> memref<128x128xf32, #tpu.memory_space<vmem>>
          %dma_start3A_245 = arith.constant 0 : i32
          %dma_start3A_246 = tpu.memref_slice %arg9[%add3A_180, %dma_start3A_245] : memref<40x128xi32, #tpu.memory_space<vmem>> -> memref<1x128xi32, #tpu.memory_space<vmem>>
          %dma_start3A_247 = tpu.memref_squeeze %dma_start3A_246 : memref<1x128xi32, #tpu.memory_space<vmem>> -> memref<128xi32, #tpu.memory_space<vmem>>
          %dma_start3A_248 = arith.constant 0 : i32
          %dma_start3A_249 = arith.constant 0 : i32
          %dma_start3A_250 = tpu.memref_slice %arg3[%dma_start3A_248, %dma_start3A_249] : memref<10240x128xf32, #tpu.memory_space<hbm>> -> memref<10240x128xf32, #tpu.memory_space<hbm>>
          %dma_start3A_251 = tpu.memref_slice %arg12[%dma_start3A_240] : memref<2x!tpu.dma_semaphore, #tpu.memory_space<semaphore_mem>> -> memref<1x!tpu.dma_semaphore, #tpu.memory_space<semaphore_mem>>
          %dma_start3A_252 = tpu.memref_squeeze %dma_start3A_251 : memref<1x!tpu.dma_semaphore, #tpu.memory_space<semaphore_mem>> -> memref<!tpu.dma_semaphore, #tpu.memory_space<semaphore_mem>>
          tpu.enqueue_indirect_dma source(%dma_start3A_250 : memref<10240x128xf32, #tpu.memory_space<hbm>>) target(%dma_start3A_244 : memref<128x128xf32, #tpu.memory_space<vmem>>) offsets(%dma_start3A_247 : memref<128xi32, #tpu.memory_space<vmem>>) semaphore(%dma_start3A_252 : memref<!tpu.dma_semaphore, #tpu.memory_space<semaphore_mem>>)
        } else {
        }
        %mul3A_185 = arith.constant 2 : i32
        %mul3A_186 = arith.muli %add3A_145, %mul3A_185 : i32
        %add3A_187 = arith.constant 1 : i32
        %add3A_188 = arith.addi %mul3A_186, %add3A_187 : i32
        %dma_wait3A_189 = arith.constant 1 : i32
        %dma_wait3A_190 = arith.constant 1 : i32
        %dma_wait3A_191 = arith.constant 1 : i32
        %dma_wait3A_192 = arith.constant 0 : i32
        %dma_wait3A_193 = arith.constant 0 : i32
        %dma_wait3A_194 = tpu.memref_slice %arg11[%dma_wait3A_190, %dma_wait3A_192, %dma_wait3A_193] : memref<2x128x128xf32, #tpu.memory_space<vmem>> -> memref<1x128x128xf32, #tpu.memory_space<vmem>>
        %dma_wait3A_195 = tpu.memref_squeeze %dma_wait3A_194 : memref<1x128x128xf32, #tpu.memory_space<vmem>> -> memref<128x128xf32, #tpu.memory_space<vmem>>
        %dma_wait3A_196 = arith.constant 0 : i32
        %dma_wait3A_197 = tpu.memref_slice %arg9[%dma_wait3A_189, %dma_wait3A_196] : memref<40x128xi32, #tpu.memory_space<vmem>> -> memref<1x128xi32, #tpu.memory_space<vmem>>
        %dma_wait3A_198 = tpu.memref_squeeze %dma_wait3A_197 : memref<1x128xi32, #tpu.memory_space<vmem>> -> memref<128xi32, #tpu.memory_space<vmem>>
        %dma_wait3A_199 = arith.constant 0 : i32
        %dma_wait3A_200 = arith.constant 0 : i32
        %dma_wait3A_201 = tpu.memref_slice %arg3[%dma_wait3A_199, %dma_wait3A_200] : memref<10240x128xf32, #tpu.memory_space<hbm>> -> memref<10240x128xf32, #tpu.memory_space<hbm>>
        %dma_wait3A_202 = tpu.memref_slice %arg12[%dma_wait3A_191] : memref<2x!tpu.dma_semaphore, #tpu.memory_space<semaphore_mem>> -> memref<1x!tpu.dma_semaphore, #tpu.memory_space<semaphore_mem>>
        %dma_wait3A_203 = tpu.memref_squeeze %dma_wait3A_202 : memref<1x!tpu.dma_semaphore, #tpu.memory_space<semaphore_mem>> -> memref<!tpu.dma_semaphore, #tpu.memory_space<semaphore_mem>>
        tpu.wait_indirect_dma semaphore(%dma_wait3A_203 : memref<!tpu.dma_semaphore, #tpu.memory_space<semaphore_mem>>) src(%dma_wait3A_201 : memref<10240x128xf32, #tpu.memory_space<hbm>>) dst(%dma_wait3A_195 : memref<128x128xf32, #tpu.memory_space<vmem>>)
        %dma_start3A_204 = arith.constant 1 : i32
        %dma_start3A_205 = arith.constant 1 : i32
        %dma_start3A_206 = arith.constant 0 : i32
        %dma_start3A_207 = arith.constant 0 : i32
        %dma_start3A_208 = tpu.memref_slice %arg11[%dma_start3A_204, %dma_start3A_206, %dma_start3A_207] : memref<2x128x128xf32, #tpu.memory_space<vmem>> -> memref<1x128x128xf32, #tpu.memory_space<vmem>>
        %dma_start3A_209 = tpu.memref_squeeze %dma_start3A_208 : memref<1x128x128xf32, #tpu.memory_space<vmem>> -> memref<128x128xf32, #tpu.memory_space<vmem>>
        %dma_start3A_210 = arith.constant 0 : i32
        %dma_start3A_211 = tpu.memref_slice %arg10[%add3A_188, %dma_start3A_210] : memref<40x128xi32, #tpu.memory_space<vmem>> -> memref<1x128xi32, #tpu.memory_space<vmem>>
        %dma_start3A_212 = tpu.memref_squeeze %dma_start3A_211 : memref<1x128xi32, #tpu.memory_space<vmem>> -> memref<128xi32, #tpu.memory_space<vmem>>
        %dma_start3A_213 = arith.constant 0 : i32
        %dma_start3A_214 = arith.constant 0 : i32
        %dma_start3A_215 = tpu.memref_slice %arg14[%dma_start3A_213, %dma_start3A_214] : memref<10240x128xf32, #tpu.memory_space<vmem_shared>> -> memref<10240x128xf32, #tpu.memory_space<vmem_shared>>
        %dma_start3A_216 = tpu.memref_slice %arg13[%dma_start3A_205] : memref<2x!tpu.dma_semaphore, #tpu.memory_space<semaphore_mem>> -> memref<1x!tpu.dma_semaphore, #tpu.memory_space<semaphore_mem>>
        %dma_start3A_217 = tpu.memref_squeeze %dma_start3A_216 : memref<1x!tpu.dma_semaphore, #tpu.memory_space<semaphore_mem>> -> memref<!tpu.dma_semaphore, #tpu.memory_space<semaphore_mem>>
        tpu.enqueue_indirect_dma source(%dma_start3A_209 : memref<128x128xf32, #tpu.memory_space<vmem>>) target(%dma_start3A_215 : memref<10240x128xf32, #tpu.memory_space<vmem_shared>>) offsets(%dma_start3A_212 : memref<128xi32, #tpu.memory_space<vmem>>) semaphore(%dma_start3A_217 : memref<!tpu.dma_semaphore, #tpu.memory_space<semaphore_mem>>) {add = true}
        %add3A_218 = arith.constant 2 : i32
        %add3A_219 = arith.addi %add3A_188, %add3A_218 : i32
        %lt3A_220 = arith.constant 40 : i32
        %lt3A_221 = arith.cmpi slt, %add3A_219, %lt3A_220 : i32
        %convert_element_type3A_222 = arith.extui %lt3A_221 : i1 to i32
        %cond3A_223 = arith.constant 0 : i32
        %cond3A_224 = arith.cmpi ne, %convert_element_type3A_222, %cond3A_223 : i32
        scf.if %cond3A_224 {
          %dma_wait3A_225 = arith.constant 1 : i32
          %dma_wait3A_226 = arith.constant 1 : i32
          %dma_wait3A_227 = arith.constant 0 : i32
          %dma_wait3A_228 = arith.constant 0 : i32
          %dma_wait3A_229 = tpu.memref_slice %arg11[%dma_wait3A_225, %dma_wait3A_227, %dma_wait3A_228] : memref<2x128x128xf32, #tpu.memory_space<vmem>> -> memref<1x128x128xf32, #tpu.memory_space<vmem>>
          %dma_wait3A_230 = tpu.memref_squeeze %dma_wait3A_229 : memref<1x128x128xf32, #tpu.memory_space<vmem>> -> memref<128x128xf32, #tpu.memory_space<vmem>>
          %dma_wait3A_231 = arith.constant 0 : i32
          %dma_wait3A_232 = tpu.memref_slice %arg10[%add3A_188, %dma_wait3A_231] : memref<40x128xi32, #tpu.memory_space<vmem>> -> memref<1x128xi32, #tpu.memory_space<vmem>>
          %dma_wait3A_233 = tpu.memref_squeeze %dma_wait3A_232 : memref<1x128xi32, #tpu.memory_space<vmem>> -> memref<128xi32, #tpu.memory_space<vmem>>
          %dma_wait3A_234 = arith.constant 0 : i32
          %dma_wait3A_235 = arith.constant 0 : i32
          %dma_wait3A_236 = tpu.memref_slice %arg14[%dma_wait3A_234, %dma_wait3A_235] : memref<10240x128xf32, #tpu.memory_space<vmem_shared>> -> memref<10240x128xf32, #tpu.memory_space<vmem_shared>>
          %dma_wait3A_237 = tpu.memref_slice %arg13[%dma_wait3A_226] : memref<2x!tpu.dma_semaphore, #tpu.memory_space<semaphore_mem>> -> memref<1x!tpu.dma_semaphore, #tpu.memory_space<semaphore_mem>>
          %dma_wait3A_238 = tpu.memref_squeeze %dma_wait3A_237 : memref<1x!tpu.dma_semaphore, #tpu.memory_space<semaphore_mem>> -> memref<!tpu.dma_semaphore, #tpu.memory_space<semaphore_mem>>
          tpu.wait_indirect_dma semaphore(%dma_wait3A_238 : memref<!tpu.dma_semaphore, #tpu.memory_space<semaphore_mem>>) src(%dma_wait3A_230 : memref<128x128xf32, #tpu.memory_space<vmem>>) dst(%dma_wait3A_236 : memref<10240x128xf32, #tpu.memory_space<vmem_shared>>)
          %dma_start3A_239 = arith.constant 1 : i32
          %dma_start3A_240 = arith.constant 1 : i32
          %dma_start3A_241 = arith.constant 0 : i32
          %dma_start3A_242 = arith.constant 0 : i32
          %dma_start3A_243 = tpu.memref_slice %arg11[%dma_start3A_239, %dma_start3A_241, %dma_start3A_242] : memref<2x128x128xf32, #tpu.memory_space<vmem>> -> memref<1x128x128xf32, #tpu.memory_space<vmem>>
          %dma_start3A_244 = tpu.memref_squeeze %dma_start3A_243 : memref<1x128x128xf32, #tpu.memory_space<vmem>> -> memref<128x128xf32, #tpu.memory_space<vmem>>
          %dma_start3A_245 = arith.constant 0 : i32
          %dma_start3A_246 = tpu.memref_slice %arg9[%add3A_219, %dma_start3A_245] : memref<40x128xi32, #tpu.memory_space<vmem>> -> memref<1x128xi32, #tpu.memory_space<vmem>>
          %dma_start3A_247 = tpu.memref_squeeze %dma_start3A_246 : memref<1x128xi32, #tpu.memory_space<vmem>> -> memref<128xi32, #tpu.memory_space<vmem>>
          %dma_start3A_248 = arith.constant 0 : i32
          %dma_start3A_249 = arith.constant 0 : i32
          %dma_start3A_250 = tpu.memref_slice %arg3[%dma_start3A_248, %dma_start3A_249] : memref<10240x128xf32, #tpu.memory_space<hbm>> -> memref<10240x128xf32, #tpu.memory_space<hbm>>
          %dma_start3A_251 = tpu.memref_slice %arg12[%dma_start3A_240] : memref<2x!tpu.dma_semaphore, #tpu.memory_space<semaphore_mem>> -> memref<1x!tpu.dma_semaphore, #tpu.memory_space<semaphore_mem>>
          %dma_start3A_252 = tpu.memref_squeeze %dma_start3A_251 : memref<1x!tpu.dma_semaphore, #tpu.memory_space<semaphore_mem>> -> memref<!tpu.dma_semaphore, #tpu.memory_space<semaphore_mem>>
          tpu.enqueue_indirect_dma source(%dma_start3A_250 : memref<10240x128xf32, #tpu.memory_space<hbm>>) target(%dma_start3A_244 : memref<128x128xf32, #tpu.memory_space<vmem>>) offsets(%dma_start3A_247 : memref<128xi32, #tpu.memory_space<vmem>>) semaphore(%dma_start3A_252 : memref<!tpu.dma_semaphore, #tpu.memory_space<semaphore_mem>>)
        } else {
        }
      }
      %scan3A_109 = arith.constant 20 : i32
      %dma_wait3A_110 = arith.constant 0 : i32
      %dma_wait3A_111 = arith.constant 0 : i32
      %dma_wait3A_112 = arith.constant 0 : i32
      %dma_wait3A_113 = arith.constant 0 : i32
      %dma_wait3A_114 = arith.constant 0 : i32
      %dma_wait3A_115 = tpu.memref_slice %arg11[%dma_wait3A_110, %dma_wait3A_113, %dma_wait3A_114] : memref<2x128x128xf32, #tpu.memory_space<vmem>> -> memref<1x128x128xf32, #tpu.memory_space<vmem>>
      %dma_wait3A_116 = tpu.memref_squeeze %dma_wait3A_115 : memref<1x128x128xf32, #tpu.memory_space<vmem>> -> memref<128x128xf32, #tpu.memory_space<vmem>>
      %dma_wait3A_117 = arith.constant 0 : i32
      %dma_wait3A_118 = tpu.memref_slice %arg10[%dma_wait3A_111, %dma_wait3A_117] : memref<40x128xi32, #tpu.memory_space<vmem>> -> memref<1x128xi32, #tpu.memory_space<vmem>>
      %dma_wait3A_119 = tpu.memref_squeeze %dma_wait3A_118 : memref<1x128xi32, #tpu.memory_space<vmem>> -> memref<128xi32, #tpu.memory_space<vmem>>
      %dma_wait3A_120 = arith.constant 0 : i32
      %dma_wait3A_121 = arith.constant 0 : i32
      %dma_wait3A_122 = tpu.memref_slice %arg14[%dma_wait3A_120, %dma_wait3A_121] : memref<10240x128xf32, #tpu.memory_space<vmem_shared>> -> memref<10240x128xf32, #tpu.memory_space<vmem_shared>>
      %dma_wait3A_123 = tpu.memref_slice %arg13[%dma_wait3A_112] : memref<2x!tpu.dma_semaphore, #tpu.memory_space<semaphore_mem>> -> memref<1x!tpu.dma_semaphore, #tpu.memory_space<semaphore_mem>>
      %dma_wait3A_124 = tpu.memref_squeeze %dma_wait3A_123 : memref<1x!tpu.dma_semaphore, #tpu.memory_space<semaphore_mem>> -> memref<!tpu.dma_semaphore, #tpu.memory_space<semaphore_mem>>
      tpu.wait_indirect_dma semaphore(%dma_wait3A_124 : memref<!tpu.dma_semaphore, #tpu.memory_space<semaphore_mem>>) src(%dma_wait3A_116 : memref<128x128xf32, #tpu.memory_space<vmem>>) dst(%dma_wait3A_122 : memref<10240x128xf32, #tpu.memory_space<vmem_shared>>)
      %dma_wait3A_125 = arith.constant 1 : i32
      %dma_wait3A_126 = arith.constant 1 : i32
      %dma_wait3A_127 = arith.constant 1 : i32
      %dma_wait3A_128 = arith.constant 0 : i32
      %dma_wait3A_129 = arith.constant 0 : i32
      %dma_wait3A_130 = tpu.memref_slice %arg11[%dma_wait3A_125, %dma_wait3A_128, %dma_wait3A_129] : memref<2x128x128xf32, #tpu.memory_space<vmem>> -> memref<1x128x128xf32, #tpu.memory_space<vmem>>
      %dma_wait3A_131 = tpu.memref_squeeze %dma_wait3A_130 : memref<1x128x128xf32, #tpu.memory_space<vmem>> -> memref<128x128xf32, #tpu.memory_space<vmem>>
      %dma_wait3A_132 = arith.constant 0 : i32
      %dma_wait3A_133 = tpu.memref_slice %arg10[%dma_wait3A_126, %dma_wait3A_132] : memref<40x128xi32, #tpu.memory_space<vmem>> -> memref<1x128xi32, #tpu.memory_space<vmem>>
      %dma_wait3A_134 = tpu.memref_squeeze %dma_wait3A_133 : memref<1x128xi32, #tpu.memory_space<vmem>> -> memref<128xi32, #tpu.memory_space<vmem>>
      %dma_wait3A_135 = arith.constant 0 : i32
      %dma_wait3A_136 = arith.constant 0 : i32
      %dma_wait3A_137 = tpu.memref_slice %arg14[%dma_wait3A_135, %dma_wait3A_136] : memref<10240x128xf32, #tpu.memory_space<vmem_shared>> -> memref<10240x128xf32, #tpu.memory_space<vmem_shared>>
      %dma_wait3A_138 = tpu.memref_slice %arg13[%dma_wait3A_127] : memref<2x!tpu.dma_semaphore, #tpu.memory_space<semaphore_mem>> -> memref<1x!tpu.dma_semaphore, #tpu.memory_space<semaphore_mem>>
      %dma_wait3A_139 = tpu.memref_squeeze %dma_wait3A_138 : memref<1x!tpu.dma_semaphore, #tpu.memory_space<semaphore_mem>> -> memref<!tpu.dma_semaphore, #tpu.memory_space<semaphore_mem>>
      tpu.wait_indirect_dma semaphore(%dma_wait3A_139 : memref<!tpu.dma_semaphore, #tpu.memory_space<semaphore_mem>>) src(%dma_wait3A_131 : memref<128x128xf32, #tpu.memory_space<vmem>>) dst(%dma_wait3A_137 : memref<10240x128xf32, #tpu.memory_space<vmem_shared>>)
      %barrier3A_140 = arith.constant 0 : index
      tpu.barrier barrier_id(%barrier3A_140)
      "tpu.region"() ({
        %run_scoped3A = tpu.sem_alloc : memref<!tpu.dma_semaphore, #tpu.memory_space<semaphore_mem>>
        %dma_start3A_141 = arith.constant 0 : i32
        %dma_start3A_142 = tpu.memref_slice %arg8[%mul3A_0, %dma_start3A_141] : memref<10240x128xf32, #tpu.memory_space<hbm>> -> memref<640x128xf32, #tpu.memory_space<hbm>>
        %dma_start3A_143 = arith.constant 0 : i32
        %dma_start3A_144 = tpu.memref_slice %arg14[%mul3A_0, %dma_start3A_143] : memref<10240x128xf32, #tpu.memory_space<vmem_shared>> -> memref<640x128xf32, #tpu.memory_space<vmem_shared>>
        tpu.enqueue_dma source(%dma_start3A_144 : memref<640x128xf32, #tpu.memory_space<vmem_shared>>) target(%dma_start3A_142 : memref<640x128xf32, #tpu.memory_space<hbm>>) target_semaphore(%run_scoped3A : memref<!tpu.dma_semaphore, #tpu.memory_space<semaphore_mem>>)
        %dma_wait3A_145 = arith.constant 0 : i32
        %dma_wait3A_146 = tpu.memref_slice %arg8[%mul3A_0, %dma_wait3A_145] : memref<10240x128xf32, #tpu.memory_space<hbm>> -> memref<640x128xf32, #tpu.memory_space<hbm>>
        %dma_wait3A_147 = arith.constant 0 : i32
        %dma_wait3A_148 = tpu.memref_slice %arg14[%mul3A_0, %dma_wait3A_147] : memref<10240x128xf32, #tpu.memory_space<vmem_shared>> -> memref<640x128xf32, #tpu.memory_space<vmem_shared>>
        tpu.wait_dma2 semaphore(%run_scoped3A : memref<!tpu.dma_semaphore, #tpu.memory_space<semaphore_mem>>) src(%dma_wait3A_148 : memref<640x128xf32, #tpu.memory_space<vmem_shared>>) dst(%dma_wait3A_146 : memref<640x128xf32, #tpu.memory_space<hbm>>)
        tpu.yield
      }) : () -> ()
    } else {
    }
    return
  }
}

module attributes {stable_mosaic.version = 14 : i64} {
  func.func @_k1_body(%arg0: i32, %arg1: memref<256x256xf32, #tpu.memory_space<vmem>>, %arg2: memref<256x128xf32, #tpu.memory_space<vmem>>, %arg3: memref<256x128xf32, #tpu.memory_space<vmem>>, %arg4: memref<256x128xf32, #tpu.memory_space<vmem>>, %arg5: memref<256x128xf32, #tpu.memory_space<vmem>>, %arg6: memref<256x16xf32, #tpu.memory_space<vmem>>) attributes {dimension_semantics = [#tpu.dimension_semantics<arbitrary>], iteration_bounds = array<i64: 40>, scalar_prefetch = 0 : i64, scratch_operands = 0 : i64, tpu.core_type = #tpu.core_type<tc>, window_params = [{transform_indices = @transform_0, window_bounds = array<i64: 256, 256>}, {transform_indices = @transform_1, window_bounds = array<i64: 256, 128>}, {transform_indices = @transform_2, window_bounds = array<i64: 256, 128>}, {transform_indices = @transform_3, window_bounds = array<i64: 256, 128>}, {transform_indices = @transform_4, window_bounds = array<i64: 256, 128>}, {transform_indices = @transform_5, window_bounds = array<i64: 256, 16>}]} {
    %get3A = arith.constant 0 : index
    %get3A_0 = arith.constant 0 : index
    %get3A_1 = vector.load %arg2[%get3A, %get3A_0] : memref<256x128xf32, #tpu.memory_space<vmem>>, vector<256x128xf32>
    %slice3A = vector.extract_strided_slice %get3A_1 {offsets = [0, 0], sizes = [256, 16], strides = [1, 1]} : vector<256x128xf32> to vector<256x16xf32>
    %get3A_2 = arith.constant 0 : index
    %get3A_3 = arith.constant 0 : index
    %get3A_4 = vector.load %arg3[%get3A_2, %get3A_3] : memref<256x128xf32, #tpu.memory_space<vmem>>, vector<256x128xf32>
    %slice3A_5 = vector.extract_strided_slice %get3A_4 {offsets = [0, 0], sizes = [256, 16], strides = [1, 1]} : vector<256x128xf32> to vector<256x16xf32>
    %add3A = arith.addf %slice3A, %slice3A_5 : vector<256x16xf32>
    %add3A_6 = arith.constant 1.000000e+00 : f32
    %add3A_7 = vector.broadcast %add3A_6 : f32 to vector<256x16xf32>
    %add3A_8 = arith.addf %add3A, %add3A_7 : vector<256x16xf32>
    %rsqrt3A = math.rsqrt %add3A_8 : vector<256x16xf32>
    %slice3A_9 = vector.extract_strided_slice %rsqrt3A {offsets = [0, 0], sizes = [256, 1], strides = [1, 1]} : vector<256x16xf32> to vector<256x1xf32>
    %get3A_10 = arith.constant 0 : index
    %get3A_11 = arith.constant 0 : index
    %get3A_12 = vector.load %arg1[%get3A_10, %get3A_11] : memref<256x256xf32, #tpu.memory_space<vmem>>, vector<256x256xf32>
    %mul3A = vector.broadcast %slice3A_9 : vector<256x1xf32> to vector<256x256xf32>
    %mul3A_13 = arith.mulf %get3A_12, %mul3A : vector<256x256xf32>
    %slice3A_14 = vector.extract_strided_slice %mul3A_13 {offsets = [0, 0], sizes = [256, 128], strides = [1, 1]} : vector<256x256xf32> to vector<256x128xf32>
    %swap3A = arith.constant 0 : index
    %swap3A_15 = arith.constant 0 : index
    %swap3A_16 = vector.load %arg4[%swap3A, %swap3A_15] : memref<256x128xf32, #tpu.memory_space<vmem>>, vector<256x128xf32>
    tpu.vector_store %arg4[%swap3A, %swap3A_15], %slice3A_14 {strides = array<i32>} : memref<256x128xf32, #tpu.memory_space<vmem>>, vector<256x128xf32>,
    %slice3A_17 = vector.extract_strided_slice %mul3A_13 {offsets = [0, 128], sizes = [256, 128], strides = [1, 1]} : vector<256x256xf32> to vector<256x128xf32>
    %swap3A_18 = arith.constant 0 : index
    %swap3A_19 = arith.constant 0 : index
    %swap3A_20 = vector.load %arg5[%swap3A_18, %swap3A_19] : memref<256x128xf32, #tpu.memory_space<vmem>>, vector<256x128xf32>
    tpu.vector_store %arg5[%swap3A_18, %swap3A_19], %slice3A_17 {strides = array<i32>} : memref<256x128xf32, #tpu.memory_space<vmem>>, vector<256x128xf32>,
    %swap3A_21 = arith.constant 0 : index
    %swap3A_22 = arith.constant 0 : index
    %swap3A_23 = vector.load %arg6[%swap3A_21, %swap3A_22] : memref<256x16xf32, #tpu.memory_space<vmem>>, vector<256x16xf32>
    tpu.vector_store %arg6[%swap3A_21, %swap3A_22], %rsqrt3A {strides = array<i32>} : memref<256x16xf32, #tpu.memory_space<vmem>>, vector<256x16xf32>,
    return
  }
  func.func @transform_0(%arg0: i32) -> (i32, i32) {
    %c0_i32 = arith.constant 0 : i32
    %c0_i32_0 = arith.constant 0 : i32
    return %arg0, %c0_i32 : i32, i32
  }
  func.func @transform_1(%arg0: i32) -> (i32, i32) {
    %c0_i32 = arith.constant 0 : i32
    %c0_i32_0 = arith.constant 0 : i32
    return %arg0, %c0_i32 : i32, i32
  }
  func.func @transform_2(%arg0: i32) -> (i32, i32) {
    %c0_i32 = arith.constant 0 : i32
    %c0_i32_0 = arith.constant 0 : i32
    return %arg0, %c0_i32 : i32, i32
  }
  func.func @transform_3(%arg0: i32) -> (i32, i32) {
    %c0_i32 = arith.constant 0 : i32
    %c0_i32_0 = arith.constant 0 : i32
    return %arg0, %c0_i32 : i32, i32
  }
  func.func @transform_4(%arg0: i32) -> (i32, i32) {
    %c0_i32 = arith.constant 0 : i32
    %c0_i32_0 = arith.constant 0 : i32
    return %arg0, %c0_i32 : i32, i32
  }
  func.func @transform_5(%arg0: i32) -> (i32, i32) {
    %c0_i32 = arith.constant 0 : i32
    %c0_i32_0 = arith.constant 0 : i32
    return %arg0, %c0_i32 : i32, i32
  }
}

module attributes {stable_mosaic.version = 14 : i64} {
  func.func @_k2_body(%arg0: i32, %arg1: memref<256x128xf32, #tpu.memory_space<vmem>>, %arg2: memref<256x128xf32, #tpu.memory_space<vmem>>, %arg3: memref<256x256xf32, #tpu.memory_space<vmem>>, %arg4: memref<256x16xf32, #tpu.memory_space<vmem>>, %arg5: memref<256x512xf32, #tpu.memory_space<vmem>>, %arg6: memref<1x512xf32, #tpu.memory_space<vmem>>, %arg7: memref<512x256xf32, #tpu.memory_space<vmem>>, %arg8: memref<256x256xf32, #tpu.memory_space<vmem>>, %arg9: memref<256x128xf32, #tpu.memory_space<vmem>>, %arg10: memref<256x128xf32, #tpu.memory_space<vmem>>) attributes {dimension_semantics = [#tpu.dimension_semantics<arbitrary>], iteration_bounds = array<i64: 40>, scalar_prefetch = 0 : i64, scratch_operands = 0 : i64, tpu.core_type = #tpu.core_type<tc>, window_params = [{transform_indices = @transform_0, window_bounds = array<i64: 256, 128>}, {transform_indices = @transform_1, window_bounds = array<i64: 256, 128>}, {transform_indices = @transform_2, window_bounds = array<i64: 256, 256>}, {transform_indices = @transform_3, window_bounds = array<i64: 256, 16>}, {pipeline_mode = #tpu.pipeline_mode<synchronous>, transform_indices = @transform_4, window_bounds = array<i64: 256, 512>}, {pipeline_mode = #tpu.pipeline_mode<synchronous>, transform_indices = @transform_5, window_bounds = array<i64: 1, 512>}, {pipeline_mode = #tpu.pipeline_mode<synchronous>, transform_indices = @transform_6, window_bounds = array<i64: 512, 256>}, {transform_indices = @transform_7, window_bounds = array<i64: 256, 256>}, {transform_indices = @transform_8, window_bounds = array<i64: 256, 128>}, {transform_indices = @transform_9, window_bounds = array<i64: 256, 128>}]} {
    %get3A = arith.constant 0 : index
    %get3A_0 = arith.constant 0 : index
    %get3A_1 = vector.load %arg4[%get3A, %get3A_0] : memref<256x16xf32, #tpu.memory_space<vmem>>, vector<256x16xf32>
    %slice3A = vector.extract_strided_slice %get3A_1 {offsets = [0, 0], sizes = [256, 1], strides = [1, 1]} : vector<256x16xf32> to vector<256x1xf32>
    %get3A_2 = arith.constant 0 : index
    %get3A_3 = arith.constant 0 : index
    %get3A_4 = vector.load %arg1[%get3A_2, %get3A_3] : memref<256x128xf32, #tpu.memory_space<vmem>>, vector<256x128xf32>
    %get3A_5 = arith.constant 0 : index
    %get3A_6 = arith.constant 0 : index
    %get3A_7 = vector.load %arg2[%get3A_5, %get3A_6] : memref<256x128xf32, #tpu.memory_space<vmem>>, vector<256x128xf32>
    %concatenate3A = tpu.concatenate %get3A_4, %get3A_7 in 1 : vector<256x128xf32>, vector<256x128xf32> -> vector<256x256xf32>
    %mul3A = vector.broadcast %slice3A : vector<256x1xf32> to vector<256x256xf32>
    %mul3A_8 = arith.mulf %mul3A, %concatenate3A : vector<256x256xf32>
    %mul3A_9 = arith.mulf %slice3A, %slice3A : vector<256x1xf32>
    %get3A_10 = arith.constant 0 : index
    %get3A_11 = arith.constant 0 : index
    %get3A_12 = vector.load %arg3[%get3A_10, %get3A_11] : memref<256x256xf32, #tpu.memory_space<vmem>>, vector<256x256xf32>
    %mul3A_13 = vector.broadcast %mul3A_9 : vector<256x1xf32> to vector<256x256xf32>
    %mul3A_14 = arith.mulf %mul3A_13, %get3A_12 : vector<256x256xf32>
    %add3A = arith.addf %mul3A_8, %mul3A_14 : vector<256x256xf32>
    %get3A_15 = arith.constant 0 : index
    %get3A_16 = arith.constant 0 : index
    %get3A_17 = vector.load %arg5[%get3A_15, %get3A_16] : memref<256x512xf32, #tpu.memory_space<vmem>>, vector<256x512xf32>
    %dot_general3A = arith.constant dense<0.000000e+00> : vector<256x512xf32>
    %dot_general3A_18 = tpu.matmul %add3A, %get3A_17, %dot_general3A {dimension_numbers = #tpu.dot_dimension_numbers<[1], [0], [0], [1], [0, 0, 1, 1], [], []>, transpose_lhs_hint = false} : vector<256x256xf32>, vector<256x512xf32>, vector<256x512xf32> -> vector<256x512xf32>
    %get3A_19 = arith.constant 0 : index
    %get3A_20 = arith.constant 0 : index
    %get3A_21 = vector.load %arg6[%get3A_19, %get3A_20] : memref<1x512xf32, #tpu.memory_space<vmem>>, vector<1x512xf32>
    %add3A_22 = vector.broadcast %get3A_21 : vector<1x512xf32> to vector<256x512xf32>
    %add3A_23 = arith.addf %dot_general3A_18, %add3A_22 : vector<256x512xf32>
    %max3A = arith.constant 0.000000e+00 : f32
    %max3A_24 = vector.broadcast %max3A : f32 to vector<256x512xf32>
    %max3A_25 = arith.maximumf %add3A_23, %max3A_24 : vector<256x512xf32>
    %get3A_26 = arith.constant 0 : index
    %get3A_27 = arith.constant 0 : index
    %get3A_28 = vector.load %arg7[%get3A_26, %get3A_27] : memref<512x256xf32, #tpu.memory_space<vmem>>, vector<512x256xf32>
    %dot_general3A_29 = arith.constant dense<0.000000e+00> : vector<256x256xf32>
    %dot_general3A_30 = tpu.matmul %max3A_25, %get3A_28, %dot_general3A_29 {dimension_numbers = #tpu.dot_dimension_numbers<[1], [0], [0], [1], [0, 0, 1, 1], [], []>, transpose_lhs_hint = false} : vector<256x512xf32>, vector<512x256xf32>, vector<256x256xf32> -> vector<256x256xf32>
    %swap3A = arith.constant 0 : index
    %swap3A_31 = arith.constant 0 : index
    %swap3A_32 = vector.load %arg8[%swap3A, %swap3A_31] : memref<256x256xf32, #tpu.memory_space<vmem>>, vector<256x256xf32>
    tpu.vector_store %arg8[%swap3A, %swap3A_31], %dot_general3A_30 {strides = array<i32>} : memref<256x256xf32, #tpu.memory_space<vmem>>, vector<256x256xf32>,
    %mul3A_33 = vector.broadcast %slice3A : vector<256x1xf32> to vector<256x256xf32>
    %mul3A_34 = arith.mulf %dot_general3A_30, %mul3A_33 : vector<256x256xf32>
    %slice3A_35 = vector.extract_strided_slice %mul3A_34 {offsets = [0, 0], sizes = [256, 128], strides = [1, 1]} : vector<256x256xf32> to vector<256x128xf32>
    %swap3A_36 = arith.constant 0 : index
    %swap3A_37 = arith.constant 0 : index
    %swap3A_38 = vector.load %arg9[%swap3A_36, %swap3A_37] : memref<256x128xf32, #tpu.memory_space<vmem>>, vector<256x128xf32>
    tpu.vector_store %arg9[%swap3A_36, %swap3A_37], %slice3A_35 {strides = array<i32>} : memref<256x128xf32, #tpu.memory_space<vmem>>, vector<256x128xf32>,
    %slice3A_39 = vector.extract_strided_slice %mul3A_34 {offsets = [0, 128], sizes = [256, 128], strides = [1, 1]} : vector<256x256xf32> to vector<256x128xf32>
    %swap3A_40 = arith.constant 0 : index
    %swap3A_41 = arith.constant 0 : index
    %swap3A_42 = vector.load %arg10[%swap3A_40, %swap3A_41] : memref<256x128xf32, #tpu.memory_space<vmem>>, vector<256x128xf32>
    tpu.vector_store %arg10[%swap3A_40, %swap3A_41], %slice3A_39 {strides = array<i32>} : memref<256x128xf32, #tpu.memory_space<vmem>>, vector<256x128xf32>,
    return
  }
  func.func @transform_0(%arg0: i32) -> (i32, i32) {
    %c0_i32 = arith.constant 0 : i32
    %c0_i32_0 = arith.constant 0 : i32
    return %arg0, %c0_i32 : i32, i32
  }
  func.func @transform_1(%arg0: i32) -> (i32, i32) {
    %c0_i32 = arith.constant 0 : i32
    %c0_i32_0 = arith.constant 0 : i32
    return %arg0, %c0_i32 : i32, i32
  }
  func.func @transform_2(%arg0: i32) -> (i32, i32) {
    %c0_i32 = arith.constant 0 : i32
    %c0_i32_0 = arith.constant 0 : i32
    return %arg0, %c0_i32 : i32, i32
  }
  func.func @transform_3(%arg0: i32) -> (i32, i32) {
    %c0_i32 = arith.constant 0 : i32
    %c0_i32_0 = arith.constant 0 : i32
    return %arg0, %c0_i32 : i32, i32
  }
  func.func @transform_4(%arg0: i32) -> (i32, i32) {
    %c0_i32 = arith.constant 0 : i32
    %c0_i32_0 = arith.constant 0 : i32
    %c0_i32_1 = arith.constant 0 : i32
    return %c0_i32, %c0_i32_0 : i32, i32
  }
  func.func @transform_5(%arg0: i32) -> (i32, i32) {
    %c0_i32 = arith.constant 0 : i32
    %c0_i32_0 = arith.constant 0 : i32
    %c0_i32_1 = arith.constant 0 : i32
    return %c0_i32, %c0_i32_0 : i32, i32
  }
  func.func @transform_6(%arg0: i32) -> (i32, i32) {
    %c0_i32 = arith.constant 0 : i32
    %c0_i32_0 = arith.constant 0 : i32
    %c0_i32_1 = arith.constant 0 : i32
    return %c0_i32, %c0_i32_0 : i32, i32
  }
  func.func @transform_7(%arg0: i32) -> (i32, i32) {
    %c0_i32 = arith.constant 0 : i32
    %c0_i32_0 = arith.constant 0 : i32
    return %arg0, %c0_i32 : i32, i32
  }
  func.func @transform_8(%arg0: i32) -> (i32, i32) {
    %c0_i32 = arith.constant 0 : i32
    %c0_i32_0 = arith.constant 0 : i32
    return %arg0, %c0_i32 : i32, i32
  }
  func.func @transform_9(%arg0: i32) -> (i32, i32) {
    %c0_i32 = arith.constant 0 : i32
    %c0_i32_0 = arith.constant 0 : i32
    return %arg0, %c0_i32 : i32, i32
  }
}

module attributes {stable_mosaic.version = 14 : i64} {
  func.func @_k3_body(%arg0: i32, %arg1: memref<400x128xf32, #tpu.memory_space<vmem>>, %arg2: memref<400x128xf32, #tpu.memory_space<vmem>>, %arg3: memref<400x256xf32, #tpu.memory_space<vmem>>, %arg4: memref<400x16xf32, #tpu.memory_space<vmem>>, %arg5: memref<1x256xf32, #tpu.memory_space<vmem>>, %arg6: memref<400x256xf32, #tpu.memory_space<vmem>>) attributes {dimension_semantics = [#tpu.dimension_semantics<arbitrary>], iteration_bounds = array<i64: 25>, scalar_prefetch = 0 : i64, scratch_operands = 0 : i64, tpu.core_type = #tpu.core_type<tc>, window_params = [{transform_indices = @transform_0, window_bounds = array<i64: 400, 128>}, {transform_indices = @transform_1, window_bounds = array<i64: 400, 128>}, {transform_indices = @transform_2, window_bounds = array<i64: 400, 256>}, {transform_indices = @transform_3, window_bounds = array<i64: 400, 16>}, {pipeline_mode = #tpu.pipeline_mode<synchronous>, transform_indices = @transform_4, window_bounds = array<i64: 1, 256>}, {transform_indices = @transform_5, window_bounds = array<i64: 400, 256>}]} {
    %get3A = arith.constant 0 : index
    %get3A_0 = arith.constant 0 : index
    %get3A_1 = vector.load %arg4[%get3A, %get3A_0] : memref<400x16xf32, #tpu.memory_space<vmem>>, vector<400x16xf32>
    %slice3A = vector.extract_strided_slice %get3A_1 {offsets = [0, 0], sizes = [400, 1], strides = [1, 1]} : vector<400x16xf32> to vector<400x1xf32>
    %get3A_2 = arith.constant 0 : index
    %get3A_3 = arith.constant 0 : index
    %get3A_4 = vector.load %arg1[%get3A_2, %get3A_3] : memref<400x128xf32, #tpu.memory_space<vmem>>, vector<400x128xf32>
    %get3A_5 = arith.constant 0 : index
    %get3A_6 = arith.constant 0 : index
    %get3A_7 = vector.load %arg2[%get3A_5, %get3A_6] : memref<400x128xf32, #tpu.memory_space<vmem>>, vector<400x128xf32>
    %concatenate3A = tpu.concatenate %get3A_4, %get3A_7 in 1 : vector<400x128xf32>, vector<400x128xf32> -> vector<400x256xf32>
    %mul3A = vector.broadcast %slice3A : vector<400x1xf32> to vector<400x256xf32>
    %mul3A_8 = arith.mulf %mul3A, %concatenate3A : vector<400x256xf32>
    %mul3A_9 = arith.mulf %slice3A, %slice3A : vector<400x1xf32>
    %get3A_10 = arith.constant 0 : index
    %get3A_11 = arith.constant 0 : index
    %get3A_12 = vector.load %arg3[%get3A_10, %get3A_11] : memref<400x256xf32, #tpu.memory_space<vmem>>, vector<400x256xf32>
    %mul3A_13 = vector.broadcast %mul3A_9 : vector<400x1xf32> to vector<400x256xf32>
    %mul3A_14 = arith.mulf %mul3A_13, %get3A_12 : vector<400x256xf32>
    %add3A = arith.addf %mul3A_8, %mul3A_14 : vector<400x256xf32>
    %get3A_15 = arith.constant 0 : index
    %get3A_16 = arith.constant 0 : index
    %get3A_17 = vector.load %arg5[%get3A_15, %get3A_16] : memref<1x256xf32, #tpu.memory_space<vmem>>, vector<1x256xf32>
    %add3A_18 = vector.broadcast %get3A_17 : vector<1x256xf32> to vector<400x256xf32>
    %add3A_19 = arith.addf %add3A, %add3A_18 : vector<400x256xf32>
    %swap3A = arith.constant 0 : index
    %swap3A_20 = arith.constant 0 : index
    %swap3A_21 = vector.load %arg6[%swap3A, %swap3A_20] : memref<400x256xf32, #tpu.memory_space<vmem>>, vector<400x256xf32>
    tpu.vector_store %arg6[%swap3A, %swap3A_20], %add3A_19 {strides = array<i32>} : memref<400x256xf32, #tpu.memory_space<vmem>>, vector<400x256xf32>,
    return
  }
  func.func @transform_0(%arg0: i32) -> (i32, i32) {
    %c0_i32 = arith.constant 0 : i32
    %c0_i32_0 = arith.constant 0 : i32
    return %arg0, %c0_i32 : i32, i32
  }
  func.func @transform_1(%arg0: i32) -> (i32, i32) {
    %c0_i32 = arith.constant 0 : i32
    %c0_i32_0 = arith.constant 0 : i32
    return %arg0, %c0_i32 : i32, i32
  }
  func.func @transform_2(%arg0: i32) -> (i32, i32) {
    %c0_i32 = arith.constant 0 : i32
    %c0_i32_0 = arith.constant 0 : i32
    return %arg0, %c0_i32 : i32, i32
  }
  func.func @transform_3(%arg0: i32) -> (i32, i32) {
    %c0_i32 = arith.constant 0 : i32
    %c0_i32_0 = arith.constant 0 : i32
    return %arg0, %c0_i32 : i32, i32
  }
  func.func @transform_4(%arg0: i32) -> (i32, i32) {
    %c0_i32 = arith.constant 0 : i32
    %c0_i32_0 = arith.constant 0 : i32
    %c0_i32_1 = arith.constant 0 : i32
    return %c0_i32, %c0_i32_0 : i32, i32
  }
  func.func @transform_5(%arg0: i32) -> (i32, i32) {
    %c0_i32 = arith.constant 0 : i32
    %c0_i32_0 = arith.constant 0 : i32
    return %arg0, %c0_i32 : i32, i32
  }
}

</mosaic_0001>

<sc_bundles>
// kernel: kernel.11.cloned.1.call-start
scs
__scs_entry_jumppad:
0x0: {  	(pc) =	sbr.rel $0x88, $3  }
0x1: {  	(tag) =	ssettag $0x0;
	lr =	simm.s32 $0x1  }
0x2: {  	[smem:$0x3F9B] =	sst lr;
	_ =	strace $0xD0000000  }
0x3: {  	_ = 	snop  }
0x4: {  	_ = 	snop  }
0x5: {  	_ = 	snop  }
0x6: {  	_ = 	snop  }
0x7: {  	_ = 	snop  }
__scs_overlays_trampoline_lowered:
0x8: {  	[smem:$0x3FAA] =	sst s0  }
0x9: {  	[smem:$0x3FAB] =	sst s1  }
0xa: {  	[smem:$0x3FAC] =	sst s2  }
0xb: {  	[smem:$0x3FAD] =	sst s3  }
0xc: {  	[smem:$0x3FAE] =	sst s4  }
0xd: {  	[smem:$0x3FAF] =	sst s5  }
0xe: {  	[smem:$0x3FB0] =	sst s6  }
0xf: {  	[smem:$0x3FB1] =	sst s7  }
0x10: {  	[smem:$0x3FB2] =	sst s8  }
0x11: {  	[smem:$0x3FB3] =	sst s9;
	s0 =	simm.s32 @!p0 $0x0  }
0x12: {  	s1 =	sld [smem:$0x3F99];
	s0 =	simm.s32 @p0 $0x1  }
0x13: {  	[smem:$0x3FB4] =	sst s0;
	s0 =	simm.s32 @!p1 $0x0  }
0x14: {  	s2 =	sld [smem:$0x3F98];
	s0 =	simm.s32 @p1 $0x1  }
0x15: {  	[smem:$0x3FB5] =	sst s0;
	s0 =	simm.s32 @!p2 $0x0  }
0x16: {  	s3 =	sld [smem:$0x3FDB];
	s0 =	simm.s32 @p2 $0x1  }
0x17: {  	s4 =	simm.s32 $0x1BF5;
	[smem:$0x3FB7] =	sst s0  }
0x18: {  	s0 =	sld [smem:$0x3F9A];
	_ =	swait.ge [sflag:s4], $0x0  }
0x19: {  	s7 =	sld [smem:$0x3F9B]  }
0x1a: {  	s8 =	sadd.s32 $0xFFFFE003, lr  }
0x1b: {  	s9 =	sadd.s32 $0xFFFFFEF7, lr;
	s5 =	simm.s32 $0xFFFFFFFF;
	p2 =	slt.u32 s8, $0xFFFFF086  }
0x1c: {  	p1 =	slt.u32 s9, $0xF7A;
	s5 =	simm.s32 @!p2 $0x0  }
0x1d: {  	s5 =	simm.s32 @p1 $0x1;
	p0 =	seq.s32 s7, s2  }
0x1e: {  	s7 =	smul.u32 @!p0 $0xF7A, s2;
	p2 =	seq.s32 @!p0 s5, $0x0  }
0x1f: {  	s9 =	smul.u32 $0xF7A, s1;
	s8 =	simm.s32 @!p0 $0x1BF5;
	p2 =	por !p2, p0  }
0x20: {  	[sflag:s8] =	ssyncset.s32 @!p0 $0xFFFFF086;
	s6 =	sadd.s32 @!p0 s3, s7;
	s7 =	simm.s32 @!p0 $0x108  }
0x21: {  	s3 =	sadd.s32 s3, s9;
	s6 =	sadd.s32 @!p0 $0x88, s6;
	s7 =	simm.s32 @p2 $0x1082  }
0x22: {  	[simem:s7], [sflag:s8] =	dma.local @!p0 [hbm:s6], $0xF7A  }
0x23: {  	s9 =	sor.u32 $0xD0000000, s2;
	s6 =	simm.s32 $0x108;
	_ =	swait.ge @!p0 [sflag:s8], $0x0  }
0x24: {  	s3 =	sadd.s32 $0x88, s3;
	s6 =	simm.s32 @!p1 $0x1082;
	[sflag:s4] =	ssyncset.s32 $0xFFFFF086  }
0x25: {  	[simem:s6], [sflag:s4] =	dma.local [hbm:s3], $0xF7A  }
0x26: {  	[smem:$0x3F9B] =	sst s1;
	(tag) =	ssettag s2;
	_ =	strace s9  }
0x27: {  	s1 =	sld [smem:$0x3FAB]  }
0x28: {  	s2 =	sld [smem:$0x3FAC]  }
0x29: {  	s4 =	sld [smem:$0x3FAE]  }
0x2a: {  	p0 =	seq.s32 s5, $0x0;
	s5 =	sld [smem:$0x3FAF]  }
0x2b: {  	s6 =	sld [smem:$0x3FB0]  }
0x2c: {  	s7 =	sld [smem:$0x3FB1]  }
0x2d: {  	s3 =	simm.s32 $0x108;
	s8 =	sld [smem:$0x3FB2]  }
0x2e: {  	s3 =	simm.s32 @!p0 $0x1082;
	s9 =	sld [smem:$0x3FB3]  }
0x2f: {  	lr =	sadd.s32 s0, s3;
	s0 =	sld [smem:$0x3FAA]  }
0x30: {  	s3 =	sld [smem:$0x3FAD]  }
0x31: {  	[smem:$0x3FB6] =	sst s10  }
0x32: {  	s10 =	sld [smem:$0x3FB4];
	_ =	sdelay $0x3  }
0x33: {  	p0 =	seq.s32 s10, $0x1;
	s10 =	sld [smem:$0x3FB6];
	_ =	sdelay $0x3  }
0x34: {  	[smem:$0x3FB6] =	sst s10  }
0x35: {  	s10 =	sld [smem:$0x3FB5];
	_ =	sdelay $0x3  }
0x36: {  	p1 =	seq.s32 s10, $0x1;
	s10 =	sld [smem:$0x3FB6];
	_ =	sdelay $0x3  }
0x37: {  	[smem:$0x3FB6] =	sst s10  }
0x38: {  	s10 =	sld [smem:$0x3FB7]  }
0x39: {  	_ = 	snop;
	(pc) =	sbr.ind lr, $3  }
0x3a: {  	_ = 	snop  }
0x3b: {  	_ = 	snop  }
0x3c: {  	p2 =	seq.s32 s10, $0x1;
	s10 =	sld [smem:$0x3FB6]  }
0x3d: {  	_ =	shalt  }
0x3e: {  	_ =	shalt  }
0x3f: {  	_ =	shalt  }
0x40: {  	_ =	shalt  }
0x41: {  	_ =	shalt  }
0x42: {  	_ =	shalt  }
0x43: {  	_ =	shalt  }
0x44: {  	_ =	shalt  }
0x45: {  	_ =	shalt  }
0x46: {  	_ =	shalt  }
0x47: {  	_ =	shalt  }
0x48: {  	_ =	shalt  }
0x49: {  	_ =	shalt  }
0x4a: {  	_ =	shalt  }
0x4b: {  	_ =	shalt  }
0x4c: {  	_ =	shalt  }
0x4d: {  	_ =	shalt  }
0x4e: {  	_ =	shalt  }
0x4f: {  	_ =	shalt  }
0x50: {  	_ =	shalt  }
0x51: {  	_ =	shalt  }
0x52: {  	_ =	shalt  }
0x53: {  	_ =	shalt  }
0x54: {  	_ =	shalt  }
0x55: {  	_ =	shalt  }
0x56: {  	_ =	shalt  }
0x57: {  	_ =	shalt  }
0x58: {  	_ =	shalt  }
0x59: {  	_ =	shalt  }
0x5a: {  	_ =	shalt  }
0x5b: {  	_ =	shalt  }
0x5c: {  	_ =	shalt  }
0x5d: {  	_ =	shalt  }
0x5e: {  	_ =	shalt  }
0x5f: {  	_ =	shalt  }
0x60: {  	_ =	shalt  }
0x61: {  	_ =	shalt  }
0x62: {  	_ =	shalt  }
0x63: {  	_ =	shalt  }
0x64: {  	_ =	shalt  }
0x65: {  	_ =	shalt  }
0x66: {  	_ =	shalt  }
0x67: {  	_ =	shalt  }
0x68: {  	_ =	shalt  }
0x69: {  	_ =	shalt  }
0x6a: {  	_ =	shalt  }
0x6b: {  	_ =	shalt  }
0x6c: {  	_ =	shalt  }
0x6d: {  	_ =	shalt  }
0x6e: {  	_ =	shalt  }
0x6f: {  	_ =	shalt  }
0x70: {  	_ =	shalt  }
0x71: {  	_ =	shalt  }
0x72: {  	_ =	shalt  }
0x73: {  	_ =	shalt  }
0x74: {  	_ =	shalt  }
0x75: {  	_ =	shalt  }
0x76: {  	_ =	shalt  }
0x77: {  	_ =	shalt  }
0x78: {  	_ =	shalt  }
0x79: {  	_ =	shalt  }
0x7a: {  	_ =	shalt  }
0x7b: {  	_ =	shalt  }
0x7c: {  	_ =	shalt  }
0x7d: {  	_ =	shalt  }
0x7e: {  	_ =	shalt  }
0x7f: {  	_ =	shalt  }
0x80: {  	_ =	shalt  }
0x81: {  	_ =	shalt  }
0x82: {  	_ =	shalt  }
0x83: {  	_ =	shalt  }
0x84: {  	_ =	shalt  }
0x85: {  	_ =	shalt  }
0x86: {  	_ =	shalt  }
0x87: {  	_ =	shalt  }
.Lfunc_end0:
.L_simem_size_0:
called_computation.1_lowered:
.L_overlay_start_0:
0x88: {  	s2 =	sld [smem:$0x3FD9]  }
0x89: {  	s3 =	sld [smem:$0x3FFE];
	_ =	sdelay $0x1  }
0x8a: {  	s1 =	srdreg.scid  }
0x8b: {  	s0 =	sand.u32 $0x1, s1  }
0x8c: {  	s17 =	sshll.u32 s0, $0xA;
	s2 =	sadd.s32 s3, s2  }
0x8d: {  	s2 =	sadd.s32 s2, s17  }
0x8e: {  	[smem:$0x3FC2] =	sst s2  }
0x8f: {  	_ = 	snop  }
0x90: {  	s2 =	sld [smem:$0x3FD0];
	(tm) =	ssettm $0x1  }
0x91: {  	s18 =	sld [smem:$0x3FFB];
	_ =	sdelay $0x3  }
0x92: {  	_ =	strace s18  }
0x93: {  	s3 =	sld [smem:$0x3FFC];
	_ =	sdelay $0x3  }
0x94: {  	_ =	strace s3  }
0x95: {  	s3 =	sld [smem:$0x3FFD];
	_ =	sdelay $0x3  }
0x96: {  	_ =	strace s3  }
0x97: {  	_ =	strace $0x8FFFFFFF  }
0x98: {  	s19 =	sld [smem:$0x3FDB];
	_ =	sdelay $0x1  }
0x99: {  	s4 =	simm.s32 $_scs_section_size  }
0x9a: {  	s5 =	simm.s32 $_size__tile_overlayer_lowered;
	s6 =	simm.s32 $_tile_overlayer_lowered  }
0x9b: {  	s22 =	simm.s32 $0x1BFF;
	s21 =	sshll.u32 s6, $0x1;
	s3 =	sadd.s32 s4, s19  }
0x9c: {  	s7 =	simm.s32 $0x0;
	s20 =	sshll.u32 s5, $0x1;
	s5 =	sadd.s32 s21, s3  }
0x9d: {  	[timem:s7], [sflag:s22] =	dma.local [hbm:s5], s20  }
0x9e: {  	_ =	swait.ge [sflag:s22], s20  }
0x9f: {  	s4 =	ssub.s32 $0x0, s20;
	[sflag:s22] =	ssyncset.done $0x0  }
0xa0: {  	[sflag:s22] =	ssyncadd.s32 s4;
	_ =	sdelay $0x1  }
0xa1: {  	s23 =	simm.s32 $0x1B8B  }
0xa2: {  	_ =	swait.ge [sflag:s23], $0x1  }
0xa3: {  	[sflag:s23] =	ssyncset.done $0x0  }
0xa4: {  	s25 =	simm.s32 $0x1B8E;
	s24 =	sld [smem:$0x3FFE];
	[sflag:s23] =	ssyncadd.s32 $0xFFFFFFFF  }
0xa5: {  	s26 =	simm.s32 $execute0_lowered;
	[smem:$0x3FD2] =	sst s25  }
0xa6: {  	s5 =	sshll.u32 s26, $0x1;
	_ =	strace $0x80000049;
	[dreg:$0x1] =	wrdreg $0xFFFFFFFF  }
0xa7: {  	s28 =	simm.s32 $_size_execute0_lowered;
	s3 =	sadd.s32 s3, s5;
	[dreg:$0x0] =	wrdreg $0x0  }
0xa8: {  	s5 =	sshll.u32 s28, $0x1;
	[dreg:$0x2] =	wrdreg s3  }
0xa9: {  	[dreg:$0x3] =	wrdreg s5  }
0xaa: {  	[dreg:$0x4] =	wrdreg $0xC0  }
0xab: {  	_ =	task [dreg:s7], $0x5FFFF  }
0xac: {  	[dreg:$0x1] =	wrdreg $0xFFFFFFFF  }
0xad: {  	[dreg:$0x0] =	wrdreg $0x60  }
0xae: {  	[dreg:$0x2] =	wrdreg s24  }
0xaf: {  	[dreg:$0x3] =	wrdreg s2  }
0xb0: {  	[dreg:$0x4] =	wrdreg $0xA8000  }
0xb1: {  	[dreg:$0x5] =	wrdreg $0x9  }
0xb2: {  	_ =	task.clear_ibuf [dreg:s7], $0x6FFFF;
	_ =	strace $0x90000049  }
0xb3: {  	s29 =	simm.s32 $0x9;
	_ =	strace $0x8000004B  }
0xb4: {  	_ =	swait.ge [sflag:s29], $0x1  }
0xb5: {  	[sflag:s29] =	ssyncadd.s32 $0xFFFFFFFF  }
0xb6: {  	_ =	strace $0x9000004B  }
0xb7: {  	_ =	sfence  }
0xb8: {  	s30 =	sld [smem:$0x0];
	_ =	sdelay $0x2  }
0xb9: {  	s31 =	sshll.u32 s1, $0xD;
	s1 =	sshrl.u32 s1, $0x2  }
0xba: {  	s3 =	sand.u32 $0x4000, s31;
	s1 =	sadd.s32 s1, s30  }
0xbb: {  	s0 =	sor.u32 s3, s0;
	s1 =	sshll.u32 s1, $0x11  }
0xbc: {  	s0 =	sor.u32 s1, s0  }
0xbd: {  	s0 =	sadd.s32 $0x8F2B, s0  }
0xbe: {  	[sflag:s0] =	ssyncadd.remote.s32 $0x1  }
0xbf: {  	_ =	sfence.sel $0xFFFF  }
0xc0: {  	[dreg:$0x0] =	wrdreg $0xFFFFFFFF;
	(pc) =	sbr.abs _section_cstart, $3  }
0xc1: {  	[dreg:$0x1] =	wrdreg $0xFFFFFFFF  }
0xc2: {  	_ =	task.clear_ibuf [dreg:s7], $0x2FFFF;
	_ =	strace $0x9FFFFFFF  }
0xc3: {  	(tm) =	ssettm $0x7FFFFFFF  }
tec
execute0_lowered:
.L_overlay_start_1:
0x0: {  	(tag) =	ssettag $0x1  }
0x1: {  	s8 =	rddreg [dreg:$0x0]  }
0x2: {  	s9 =	rddreg [dreg:$0x1]  }
0x3: {  	s1 =	rddreg [dreg:$0x2]  }
0x4: {  	s2 =	simm.s32 $0x0;
	s6 =	srdreg.scid;
	s3 =	stileid.u32  }
0x5: {  	s18 =	simm.s32 $0x1400;
	s19 =	simm.s32 $0x80;
	s20 =	simm.s32 $0x2800  }
0x6: {  	s21 =	simm.s32 $0x6800;
	s22 =	simm.s32 $0x1;
	s23 =	simm.s32 $0x3  }
0x7: {  	s24 =	simm.s32 $0x2;
	s25 =	simm.s32 $0x4;
	s26 =	simm.s32 $0x2700  }
0x8: {  	s28 =	simm.s32 $0x2780;
	s29 =	simm.s32 $0x0;
	[smem:$0x7FF] =	sst s2  }
0x9: {  	s4 =	sadd.s32 $0xE600, s8;
	s5 =	sadd.s32 $0x36600, s8;
	s13 =	sadd.s32 $0x4600, s8  }
0xa: {  	s14 =	sadd.s32 $0x9600, s8;
	s11 =	sand.u32 $0x1, s6;
	s10 =	smul.u32 $0x50000, s3  }
0xb: {  	s6 =	sadd.s32 $0xD6E00, s8;
	s7 =	smul.u32 $0x2800, s3;
	s8 =	sadd.s32 $0xFEE00, s8  }
0xc: {  	s30 =	sshll.u32 s3, $0x6;
	s31 =	smul.u32 $0x500, s3;
	s12 =	ssub.s32 $0x2, s11  }
0xd: {  	_ =	strace $0x8000004A;
	p0 =	seq.s32 s11, $0x1;
	s15 =	sshrl.u32 s12, $0x1  }
.Ltmp0:
0xe: {  	s10 =	sshrl.u32 s10, $0x2;
	s9 =	sadd.s32 s9, s7;
	(pc) =	sbr.rel .LBB2_1-.Ltmp0, $4  }
0xf: {  	s17 =	sshrl.u32 s7, $0x3;
	s11 =	sadd.s32 s13, s31;
	s15 =	ssub.s32 s12, s15  }
0x10: {  	s16 =	sadd.s32 s10, s1;
	s10 =	sor.u32 $0x1C05, s30;
	s17 =	sadd.s32 $0x280, s17  }
0x11: {  	s12 =	sadd.s32 s14, s31;
	s13 =	sadd.s32 s13, s17;
	s14 =	sadd.s32 s14, s17  }
0x12: {  	s15 =	smax.u32 s15, $0x1;
	s16 =	sshrl.u32 s16, $0x3;
	s17 =	simm.s32 $0x5  }
.LBB2_11:
0x13: {  	[tilespmem:s21], [sflag:$0x2] =	stream.indirect.gather [hbm4b:s5+s19], $0x80, s31, s19, $0xb8;
	[tilespmem:$0x1E800] =	vst v63  }
0x14: {  	s30 =	smov.u32 s8  }
.LBB2_12:
0x15: {  	_ =	swait.ge [sflag:s22], $0x4000  }
0x16: {  	[sflag:s22] =	ssyncset.done $0x0  }
0x17: {  	[sflag:s22] =	ssyncadd.s32 $0xFFFFC000  }
0x18: {  	[spmem:s1] =	stream.indirect.scatter.add.f32 [tilespmem:s20], [sflag:$0x3], $0x80, s26, s19, $0xb8;
	[tilespmem:$0x1E800] =	vst v63  }
0x19: {  	_ =	swait.ge [sflag:s24], $0x4000  }
0x1a: {  	[sflag:s24] =	ssyncset.done $0x0  }
0x1b: {  	[sflag:s24] =	ssyncadd.s32 $0xFFFFC000  }
0x1c: {  	[spmem:s1] =	stream.indirect.scatter.add.f32 [tilespmem:s21], [sflag:$0x4], $0x80, s28, s19, $0xb8;
	[tilespmem:$0x1E800] =	vst v63  }
0x1d: {  	_ =	swait.ge [sflag:s23], $0x4000  }
0x1e: {  	[sflag:s23] =	ssyncset.done $0x0  }
0x1f: {  	[sflag:s23] =	ssyncadd.s32 $0xFFFFC000  }
0x20: {  	_ =	swait.ge [sflag:s25], $0x4000  }
0x21: {  	s29 =	sadd.s32 $0x1, s29;
	[sflag:s25] =	ssyncset.done $0x0  }
0x22: {  	p1 =	sne.s32 s29, s15;
	[sflag:s25] =	ssyncadd.s32 $0xFFFFC000  }
.Ltmp1:
0x23: {  	s0 =	sadd.s32 s30, s7;
	[bflag:$0x0] =	sbarrier.arrive $0xFFFF;
	(pc) =	sbr.rel @!p1 .LBB2_13-.Ltmp1, $4  }
0x24: {  	[hbm:s0], [sflag:s10] =	dma.local [spmem:s16], $0x2800  }
0x25: {  	_ =	swait.ge [sflag:s17], $0x2800  }
0x26: {  	[sflag:s17] =	ssyncset.done $0x0  }
0x27: {  	[sflag:s17] =	ssyncadd.s32 $0xFFFFD800  }
.LBB2_1:
0x28: {  	[spmem:s16], [sflag:s10] =	dma.local [hbm:s9], $0x2800  }
0x29: {  	_ =	swait.ge [sflag:s17], $0x2800  }
0x2a: {  	[sflag:s17] =	ssyncset.done $0x0  }
0x2b: {  	[sflag:s17] =	ssyncadd.s32 $0xFFFFD800  }
0x2c: {  	[tilespmem:s2], [sflag:$0x5] =	stream.linear.gather [hbm4b:s11+s2], $0x1400, $0x38;
	[tilespmem:$0x1E800] =	vst v63  }
0x2d: {  	_ =	swait.ge [sflag:s17], $0x1400  }
0x2e: {  	[sflag:s17] =	ssyncset.done $0x0  }
.Ltmp2:
0x2f: {  	[sflag:s17] =	ssyncadd.s32 $0xFFFFEC00;
	(pc) =	sbr.rel @!p0 .LBB2_2-.Ltmp2, $4  }
0x30: {  	[tilespmem:s18], [sflag:$0x5] =	stream.linear.gather [hbm4b:s12+s2], $0x1400, $0x38;
	[tilespmem:$0x1E800] =	vst v63  }
0x31: {  	_ =	swait.ge [sflag:s17], $0x1400  }
0x32: {  	[sflag:s17] =	ssyncset.done $0x0  }
0x33: {  	[sflag:s17] =	ssyncadd.s32 $0xFFFFEC00  }
0x34: {  	s0 =	simm.s32 $0x0  }
0x35: {  	[tilespmem:s20], [sflag:$0x1] =	stream.indirect.gather [hbm4b:s5+s19], $0x80, s0, s19, $0xb8;
	[tilespmem:$0x1E800] =	vst v63  }
0x36: {  	_ = 	snop  }
0x37: {  	[tilespmem:s21], [sflag:$0x2] =	stream.indirect.gather [hbm4b:s5+s19], $0x80, s19, s19, $0xb8;
	[tilespmem:$0x1E800] =	vst v63  }
0x38: {  	[bflag:$0x0] =	sbarrier.arrive $0xFFFF  }
0x39: {  	_ =	swait.ge [sflag:s22], $0x4000  }
0x3a: {  	[sflag:s22] =	ssyncset.done $0x0  }
0x3b: {  	s0 =	simm.s32 $0x1400;
	[sflag:s22] =	ssyncadd.s32 $0xFFFFC000  }
0x3c: {  	[spmem:s1] =	stream.indirect.scatter.add.f32 [tilespmem:s20], [sflag:$0x3], $0x80, s0, s19, $0xb8;
	[tilespmem:$0x1E800] =	vst v63  }
0x3d: {  	_ =	swait.ge [sflag:s23], $0x4000  }
0x3e: {  	[sflag:s23] =	ssyncset.done $0x0  }
0x3f: {  	s0 =	simm.s32 $0x100;
	[sflag:s23] =	ssyncadd.s32 $0xFFFFC000  }
0x40: {  	[tilespmem:s20], [sflag:$0x1] =	stream.indirect.gather [hbm4b:s5+s19], $0x80, s0, s19, $0xb8;
	[tilespmem:$0x1E800] =	vst v63  }
0x41: {  	_ =	swait.ge [sflag:s24], $0x4000  }
0x42: {  	[sflag:s24] =	ssyncset.done $0x0  }
0x43: {  	s0 =	simm.s32 $0x1480;
	[sflag:s24] =	ssyncadd.s32 $0xFFFFC000  }
0x44: {  	[spmem:s1] =	stream.indirect.scatter.add.f32 [tilespmem:s21], [sflag:$0x4], $0x80, s0, s19, $0xb8;
	[tilespmem:$0x1E800] =	vst v63  }
0x45: {  	_ =	swait.ge [sflag:s25], $0x4000  }
0x46: {  	[sflag:s25] =	ssyncset.done $0x0  }
0x47: {  	s30 =	simm.s32 $0x400;
	s31 =	simm.s32 $0x180;
	[sflag:s25] =	ssyncadd.s32 $0xFFFFC000  }
.LBB2_8:
0x48: {  	[tilespmem:s21], [sflag:$0x2] =	stream.indirect.gather [hbm4b:s5+s19], $0x80, s31, s19, $0xb8;
	[tilespmem:$0x1E800] =	vst v63  }
0x49: {  	s0 =	smov.u32 s30  }
0x4a: {  	p1 =	sne.s32 s30, $0x4800;
	s30 =	sadd.s32 $0x400, s30;
	_ =	swait.ge [sflag:s22], $0x4000  }
0x4b: {  	s0 =	sshra.s32 s0, $0x2;
	[sflag:s22] =	ssyncset.done $0x0  }
0x4c: {  	s31 =	sadd.s32 $0x1400, s0;
	[sflag:s22] =	ssyncadd.s32 $0xFFFFC000  }
0x4d: {  	[spmem:s1] =	stream.indirect.scatter.add.f32 [tilespmem:s20], [sflag:$0x3], $0x80, s31, s19, $0xb8;
	[tilespmem:$0x1E800] =	vst v63  }
0x4e: {  	_ =	swait.ge [sflag:s23], $0x4000  }
0x4f: {  	[sflag:s23] =	ssyncset.done $0x0  }
0x50: {  	s31 =	sadd.s32 $0x100, s0;
	[sflag:s23] =	ssyncadd.s32 $0xFFFFC000  }
0x51: {  	[tilespmem:s20], [sflag:$0x1] =	stream.indirect.gather [hbm4b:s5+s19], $0x80, s31, s19, $0xb8;
	[tilespmem:$0x1E800] =	vst v63  }
0x52: {  	_ =	swait.ge [sflag:s24], $0x4000  }
0x53: {  	[sflag:s24] =	ssyncset.done $0x0  }
.Ltmp3:
0x54: {  	s31 =	sadd.s32 $0x1480, s0;
	[sflag:s24] =	ssyncadd.s32 $0xFFFFC000;
	(pc) =	sbr.rel @p1 .LBB2_8-.Ltmp3, $4  }
0x55: {  	[spmem:s1] =	stream.indirect.scatter.add.f32 [tilespmem:s21], [sflag:$0x4], $0x80, s31, s19, $0xb8;
	[tilespmem:$0x1E800] =	vst v63  }
0x56: {  	_ =	swait.ge [sflag:s25], $0x4000  }
0x57: {  	[sflag:s25] =	ssyncset.done $0x0  }
0x58: {  	s31 =	sadd.s32 $0x180, s0;
	[sflag:s25] =	ssyncadd.s32 $0xFFFFC000  }
0x59: {  	[tilespmem:s21], [sflag:$0x2] =	stream.indirect.gather [hbm4b:s5+s19], $0x80, s31, s19, $0xb8;
	[tilespmem:$0x1E800] =	vst v63  }
0x5a: {  	_ =	swait.ge [sflag:s22], $0x4000  }
0x5b: {  	[sflag:s22] =	ssyncset.done $0x0  }
0x5c: {  	[sflag:s22] =	ssyncadd.s32 $0xFFFFC000  }
0x5d: {  	[spmem:s1] =	stream.indirect.scatter.add.f32 [tilespmem:s20], [sflag:$0x3], $0x80, s26, s19, $0xb8;
	[tilespmem:$0x1E800] =	vst v63  }
0x5e: {  	_ =	swait.ge [sflag:s24], $0x4000  }
0x5f: {  	[sflag:s24] =	ssyncset.done $0x0  }
0x60: {  	[sflag:s24] =	ssyncadd.s32 $0xFFFFC000  }
0x61: {  	[spmem:s1] =	stream.indirect.scatter.add.f32 [tilespmem:s21], [sflag:$0x4], $0x80, s28, s19, $0xb8;
	[tilespmem:$0x1E800] =	vst v63  }
0x62: {  	_ =	swait.ge [sflag:s23], $0x4000  }
0x63: {  	[sflag:s23] =	ssyncset.done $0x0  }
0x64: {  	[sflag:s23] =	ssyncadd.s32 $0xFFFFC000  }
0x65: {  	_ =	swait.ge [sflag:s25], $0x4000  }
0x66: {  	[sflag:s25] =	ssyncset.done $0x0  }
0x67: {  	s0 =	simm.s32 $0x0;
	[sflag:s25] =	ssyncadd.s32 $0xFFFFC000  }
0x68: {  	[tilespmem:s0], [sflag:$0x5] =	stream.linear.gather [hbm4b:s13+s0], $0x1400, $0x38;
	[tilespmem:$0x1E800] =	vst v63  }
0x69: {  	_ =	swait.ge [sflag:s17], $0x1400  }
0x6a: {  	[sflag:s17] =	ssyncset.done $0x0  }
0x6b: {  	[sflag:s17] =	ssyncadd.s32 $0xFFFFEC00  }
0x6c: {  	[tilespmem:s18], [sflag:$0x5] =	stream.linear.gather [hbm4b:s14+s0], $0x1400, $0x38;
	[tilespmem:$0x1E800] =	vst v63  }
0x6d: {  	_ =	swait.ge [sflag:s17], $0x1400  }
0x6e: {  	[sflag:s17] =	ssyncset.done $0x0  }
0x6f: {  	[sflag:s17] =	ssyncadd.s32 $0xFFFFEC00  }
0x70: {  	[tilespmem:s20], [sflag:$0x1] =	stream.indirect.gather [hbm4b:s5+s19], $0x80, s0, s19, $0xb8;
	[tilespmem:$0x1E800] =	vst v63  }
0x71: {  	_ = 	snop  }
0x72: {  	[tilespmem:s21], [sflag:$0x2] =	stream.indirect.gather [hbm4b:s5+s19], $0x80, s19, s19, $0xb8;
	[tilespmem:$0x1E800] =	vst v63  }
0x73: {  	_ =	swait.ge [sflag:s22], $0x4000  }
0x74: {  	[sflag:s22] =	ssyncset.done $0x0  }
0x75: {  	s0 =	simm.s32 $0x1400;
	[sflag:s22] =	ssyncadd.s32 $0xFFFFC000  }
0x76: {  	[spmem:s1] =	stream.indirect.scatter.add.f32 [tilespmem:s20], [sflag:$0x3], $0x80, s0, s19, $0xb8;
	[tilespmem:$0x1E800] =	vst v63  }
0x77: {  	_ =	swait.ge [sflag:s23], $0x4000  }
0x78: {  	[sflag:s23] =	ssyncset.done $0x0  }
0x79: {  	s0 =	simm.s32 $0x100;
	[sflag:s23] =	ssyncadd.s32 $0xFFFFC000  }
0x7a: {  	[tilespmem:s20], [sflag:$0x1] =	stream.indirect.gather [hbm4b:s5+s19], $0x80, s0, s19, $0xb8;
	[tilespmem:$0x1E800] =	vst v63  }
0x7b: {  	_ =	swait.ge [sflag:s24], $0x4000  }
0x7c: {  	[sflag:s24] =	ssyncset.done $0x0  }
0x7d: {  	s0 =	simm.s32 $0x1480;
	[sflag:s24] =	ssyncadd.s32 $0xFFFFC000  }
0x7e: {  	[spmem:s1] =	stream.indirect.scatter.add.f32 [tilespmem:s21], [sflag:$0x4], $0x80, s0, s19, $0xb8;
	[tilespmem:$0x1E800] =	vst v63  }
0x7f: {  	_ =	swait.ge [sflag:s25], $0x4000  }
0x80: {  	[sflag:s25] =	ssyncset.done $0x0  }
0x81: {  	s30 =	simm.s32 $0x400;
	s31 =	simm.s32 $0x180;
	[sflag:s25] =	ssyncadd.s32 $0xFFFFC000  }
.LBB2_10:
0x82: {  	[tilespmem:s21], [sflag:$0x2] =	stream.indirect.gather [hbm4b:s5+s19], $0x80, s31, s19, $0xb8;
	[tilespmem:$0x1E800] =	vst v63  }
0x83: {  	s0 =	smov.u32 s30  }
0x84: {  	p1 =	sne.s32 s30, $0x4800;
	s30 =	sadd.s32 $0x400, s30;
	_ =	swait.ge [sflag:s22], $0x4000  }
0x85: {  	s0 =	sshra.s32 s0, $0x2;
	[sflag:s22] =	ssyncset.done $0x0  }
0x86: {  	s31 =	sadd.s32 $0x1400, s0;
	[sflag:s22] =	ssyncadd.s32 $0xFFFFC000  }
0x87: {  	[spmem:s1] =	stream.indirect.scatter.add.f32 [tilespmem:s20], [sflag:$0x3], $0x80, s31, s19, $0xb8;
	[tilespmem:$0x1E800] =	vst v63  }
0x88: {  	_ =	swait.ge [sflag:s23], $0x4000  }
0x89: {  	[sflag:s23] =	ssyncset.done $0x0  }
0x8a: {  	s31 =	sadd.s32 $0x100, s0;
	[sflag:s23] =	ssyncadd.s32 $0xFFFFC000  }
0x8b: {  	[tilespmem:s20], [sflag:$0x1] =	stream.indirect.gather [hbm4b:s5+s19], $0x80, s31, s19, $0xb8;
	[tilespmem:$0x1E800] =	vst v63  }
0x8c: {  	_ =	swait.ge [sflag:s24], $0x4000  }
0x8d: {  	[sflag:s24] =	ssyncset.done $0x0  }
.Ltmp4:
0x8e: {  	s31 =	sadd.s32 $0x1480, s0;
	[sflag:s24] =	ssyncadd.s32 $0xFFFFC000;
	(pc) =	sbr.rel @p1 .LBB2_10-.Ltmp4, $4  }
0x8f: {  	[spmem:s1] =	stream.indirect.scatter.add.f32 [tilespmem:s21], [sflag:$0x4], $0x80, s31, s19, $0xb8;
	[tilespmem:$0x1E800] =	vst v63  }
0x90: {  	_ =	swait.ge [sflag:s25], $0x4000  }
0x91: {  	[sflag:s25] =	ssyncset.done $0x0  }
0x92: {  	s31 =	sadd.s32 $0x180, s0;
	[sflag:s25] =	ssyncadd.s32 $0xFFFFC000  }
.Ltmp5:
0x93: {  	_ = 	snop;
	(pc) =	sbr.rel .LBB2_11-.Ltmp5, $1  }
0x94: {  	_ =	sdelay $0x3  }
.LBB2_2:
0x95: {  	s30 =	simm.s32 $0x0  }
0x96: {  	[tilespmem:s20], [sflag:$0x1] =	stream.indirect.gather [hbm4b:s4+s19], $0x80, s30, s19, $0xb8;
	[tilespmem:$0x1E800] =	vst v63  }
0x97: {  	_ = 	snop  }
0x98: {  	[tilespmem:s21], [sflag:$0x2] =	stream.indirect.gather [hbm4b:s4+s19], $0x80, s19, s19, $0xb8;
	[tilespmem:$0x1E800] =	vst v63  }
0x99: {  	[bflag:$0x0] =	sbarrier.arrive $0xFFFF  }
0x9a: {  	_ =	swait.ge [sflag:s22], $0x4000  }
0x9b: {  	[sflag:s22] =	ssyncset.done $0x0  }
0x9c: {  	s30 =	simm.s32 $0x1400;
	[sflag:s22] =	ssyncadd.s32 $0xFFFFC000  }
0x9d: {  	[spmem:s1] =	stream.indirect.scatter.add.f32 [tilespmem:s20], [sflag:$0x3], $0x80, s30, s19, $0xb8;
	[tilespmem:$0x1E800] =	vst v63  }
0x9e: {  	_ =	swait.ge [sflag:s23], $0x4000  }
0x9f: {  	[sflag:s23] =	ssyncset.done $0x0  }
0xa0: {  	s30 =	simm.s32 $0x100;
	[sflag:s23] =	ssyncadd.s32 $0xFFFFC000  }
0xa1: {  	[tilespmem:s20], [sflag:$0x1] =	stream.indirect.gather [hbm4b:s4+s19], $0x80, s30, s19, $0xb8;
	[tilespmem:$0x1E800] =	vst v63  }
0xa2: {  	_ =	swait.ge [sflag:s24], $0x4000  }
0xa3: {  	[sflag:s24] =	ssyncset.done $0x0  }
0xa4: {  	s30 =	simm.s32 $0x1480;
	[sflag:s24] =	ssyncadd.s32 $0xFFFFC000  }
0xa5: {  	[spmem:s1] =	stream.indirect.scatter.add.f32 [tilespmem:s21], [sflag:$0x4], $0x80, s30, s19, $0xb8;
	[tilespmem:$0x1E800] =	vst v63  }
0xa6: {  	_ =	swait.ge [sflag:s25], $0x4000  }
0xa7: {  	[sflag:s25] =	ssyncset.done $0x0  }
0xa8: {  	s31 =	simm.s32 $0x180;
	s30 =	simm.s32 $0x400;
	[sflag:s25] =	ssyncadd.s32 $0xFFFFC000  }
.LBB2_3:
0xa9: {  	[tilespmem:s21], [sflag:$0x2] =	stream.indirect.gather [hbm4b:s4+s19], $0x80, s31, s19, $0xb8;
	[tilespmem:$0x1E800] =	vst v63  }
0xaa: {  	s31 =	smov.u32 s30  }
0xab: {  	p1 =	sne.s32 s30, $0x4800;
	s30 =	sadd.s32 $0x400, s30;
	_ =	swait.ge [sflag:s22], $0x4000  }
0xac: {  	s31 =	sshra.s32 s31, $0x2;
	[sflag:s22] =	ssyncset.done $0x0  }
0xad: {  	s0 =	sadd.s32 $0x1400, s31;
	[sflag:s22] =	ssyncadd.s32 $0xFFFFC000  }
0xae: {  	[spmem:s1] =	stream.indirect.scatter.add.f32 [tilespmem:s20], [sflag:$0x3], $0x80, s0, s19, $0xb8;
	[tilespmem:$0x1E800] =	vst v63  }
0xaf: {  	_ =	swait.ge [sflag:s23], $0x4000  }
0xb0: {  	[sflag:s23] =	ssyncset.done $0x0  }
0xb1: {  	s0 =	sadd.s32 $0x100, s31;
	[sflag:s23] =	ssyncadd.s32 $0xFFFFC000  }
0xb2: {  	[tilespmem:s20], [sflag:$0x1] =	stream.indirect.gather [hbm4b:s4+s19], $0x80, s0, s19, $0xb8;
	[tilespmem:$0x1E800] =	vst v63  }
0xb3: {  	_ =	swait.ge [sflag:s24], $0x4000  }
0xb4: {  	[sflag:s24] =	ssyncset.done $0x0  }
.Ltmp6:
0xb5: {  	s0 =	sadd.s32 $0x1480, s31;
	[sflag:s24] =	ssyncadd.s32 $0xFFFFC000;
	(pc) =	sbr.rel @p1 .LBB2_3-.Ltmp6, $4  }
0xb6: {  	[spmem:s1] =	stream.indirect.scatter.add.f32 [tilespmem:s21], [sflag:$0x4], $0x80, s0, s19, $0xb8;
	[tilespmem:$0x1E800] =	vst v63  }
0xb7: {  	_ =	swait.ge [sflag:s25], $0x4000  }
0xb8: {  	[sflag:s25] =	ssyncset.done $0x0  }
0xb9: {  	s31 =	sadd.s32 $0x180, s31;
	[sflag:s25] =	ssyncadd.s32 $0xFFFFC000  }
0xba: {  	[tilespmem:s21], [sflag:$0x2] =	stream.indirect.gather [hbm4b:s4+s19], $0x80, s31, s19, $0xb8;
	[tilespmem:$0x1E800] =	vst v63  }
0xbb: {  	_ =	swait.ge [sflag:s22], $0x4000  }
0xbc: {  	[sflag:s22] =	ssyncset.done $0x0  }
0xbd: {  	[sflag:s22] =	ssyncadd.s32 $0xFFFFC000  }
0xbe: {  	[spmem:s1] =	stream.indirect.scatter.add.f32 [tilespmem:s20], [sflag:$0x3], $0x80, s26, s19, $0xb8;
	[tilespmem:$0x1E800] =	vst v63  }
0xbf: {  	_ =	swait.ge [sflag:s24], $0x4000  }
0xc0: {  	[sflag:s24] =	ssyncset.done $0x0  }
0xc1: {  	[sflag:s24] =	ssyncadd.s32 $0xFFFFC000  }
0xc2: {  	[spmem:s1] =	stream.indirect.scatter.add.f32 [tilespmem:s21], [sflag:$0x4], $0x80, s28, s19, $0xb8;
	[tilespmem:$0x1E800] =	vst v63  }
0xc3: {  	_ =	swait.ge [sflag:s23], $0x4000  }
0xc4: {  	[sflag:s23] =	ssyncset.done $0x0  }
0xc5: {  	[sflag:s23] =	ssyncadd.s32 $0xFFFFC000  }
0xc6: {  	_ =	swait.ge [sflag:s25], $0x4000  }
0xc7: {  	[sflag:s25] =	ssyncset.done $0x0  }
0xc8: {  	s0 =	simm.s32 $0x0;
	[sflag:s25] =	ssyncadd.s32 $0xFFFFC000  }
0xc9: {  	[tilespmem:s0], [sflag:$0x5] =	stream.linear.gather [hbm4b:s13+s0], $0x1400, $0x38;
	[tilespmem:$0x1E800] =	vst v63  }
0xca: {  	_ =	swait.ge [sflag:s17], $0x1400  }
0xcb: {  	[sflag:s17] =	ssyncset.done $0x0  }
0xcc: {  	[sflag:s17] =	ssyncadd.s32 $0xFFFFEC00  }
0xcd: {  	[tilespmem:s18], [sflag:$0x5] =	stream.linear.gather [hbm4b:s14+s0], $0x1400, $0x38;
	[tilespmem:$0x1E800] =	vst v63  }
0xce: {  	_ =	swait.ge [sflag:s17], $0x1400  }
0xcf: {  	[sflag:s17] =	ssyncset.done $0x0  }
0xd0: {  	[sflag:s17] =	ssyncadd.s32 $0xFFFFEC00  }
0xd1: {  	[tilespmem:s20], [sflag:$0x1] =	stream.indirect.gather [hbm4b:s4+s19], $0x80, s0, s19, $0xb8;
	[tilespmem:$0x1E800] =	vst v63  }
0xd2: {  	_ = 	snop  }
0xd3: {  	[tilespmem:s21], [sflag:$0x2] =	stream.indirect.gather [hbm4b:s4+s19], $0x80, s19, s19, $0xb8;
	[tilespmem:$0x1E800] =	vst v63  }
0xd4: {  	_ =	swait.ge [sflag:s22], $0x4000  }
0xd5: {  	[sflag:s22] =	ssyncset.done $0x0  }
0xd6: {  	s0 =	simm.s32 $0x1400;
	[sflag:s22] =	ssyncadd.s32 $0xFFFFC000  }
0xd7: {  	[spmem:s1] =	stream.indirect.scatter.add.f32 [tilespmem:s20], [sflag:$0x3], $0x80, s0, s19, $0xb8;
	[tilespmem:$0x1E800] =	vst v63  }
0xd8: {  	_ =	swait.ge [sflag:s23], $0x4000  }
0xd9: {  	[sflag:s23] =	ssyncset.done $0x0  }
0xda: {  	s0 =	simm.s32 $0x100;
	[sflag:s23] =	ssyncadd.s32 $0xFFFFC000  }
0xdb: {  	[tilespmem:s20], [sflag:$0x1] =	stream.indirect.gather [hbm4b:s4+s19], $0x80, s0, s19, $0xb8;
	[tilespmem:$0x1E800] =	vst v63  }
0xdc: {  	_ =	swait.ge [sflag:s24], $0x4000  }
0xdd: {  	[sflag:s24] =	ssyncset.done $0x0  }
0xde: {  	s0 =	simm.s32 $0x1480;
	[sflag:s24] =	ssyncadd.s32 $0xFFFFC000  }
0xdf: {  	[spmem:s1] =	stream.indirect.scatter.add.f32 [tilespmem:s21], [sflag:$0x4], $0x80, s0, s19, $0xb8;
	[tilespmem:$0x1E800] =	vst v63  }
0xe0: {  	_ =	swait.ge [sflag:s25], $0x4000  }
0xe1: {  	[sflag:s25] =	ssyncset.done $0x0  }
0xe2: {  	s30 =	simm.s32 $0x400;
	s31 =	simm.s32 $0x180;
	[sflag:s25] =	ssyncadd.s32 $0xFFFFC000  }
.LBB2_5:
0xe3: {  	[tilespmem:s21], [sflag:$0x2] =	stream.indirect.gather [hbm4b:s4+s19], $0x80, s31, s19, $0xb8;
	[tilespmem:$0x1E800] =	vst v63  }
0xe4: {  	s0 =	smov.u32 s30  }
0xe5: {  	p1 =	seq.s32 s30, $0x4800;
	s30 =	sadd.s32 $0x400, s30;
	_ =	swait.ge [sflag:s22], $0x4000  }
0xe6: {  	s0 =	sshra.s32 s0, $0x2;
	[sflag:s22] =	ssyncset.done $0x0  }
0xe7: {  	s31 =	sadd.s32 $0x1400, s0;
	[sflag:s22] =	ssyncadd.s32 $0xFFFFC000  }
0xe8: {  	[spmem:s1] =	stream.indirect.scatter.add.f32 [tilespmem:s20], [sflag:$0x3], $0x80, s31, s19, $0xb8;
	[tilespmem:$0x1E800] =	vst v63  }
0xe9: {  	_ =	swait.ge [sflag:s23], $0x4000  }
0xea: {  	[sflag:s23] =	ssyncset.done $0x0  }
0xeb: {  	s31 =	sadd.s32 $0x100, s0;
	[sflag:s23] =	ssyncadd.s32 $0xFFFFC000  }
0xec: {  	[tilespmem:s20], [sflag:$0x1] =	stream.indirect.gather [hbm4b:s4+s19], $0x80, s31, s19, $0xb8;
	[tilespmem:$0x1E800] =	vst v63  }
0xed: {  	_ =	swait.ge [sflag:s24], $0x4000  }
0xee: {  	[sflag:s24] =	ssyncset.done $0x0  }
.Ltmp7:
0xef: {  	s31 =	sadd.s32 $0x1480, s0;
	[sflag:s24] =	ssyncadd.s32 $0xFFFFC000;
	(pc) =	sbr.rel @!p1 .LBB2_5-.Ltmp7, $4  }
0xf0: {  	[spmem:s1] =	stream.indirect.scatter.add.f32 [tilespmem:s21], [sflag:$0x4], $0x80, s31, s19, $0xb8;
	[tilespmem:$0x1E800] =	vst v63  }
0xf1: {  	_ =	swait.ge [sflag:s25], $0x4000  }
0xf2: {  	[sflag:s25] =	ssyncset.done $0x0  }
0xf3: {  	s31 =	sadd.s32 $0x180, s0;
	[sflag:s25] =	ssyncadd.s32 $0xFFFFC000  }
.Ltmp8:
0xf4: {  	(pc) =	sbr.rel .LBB2_12-.Ltmp8, $3  }
0xf5: {  	_ =	sdelay $0x1  }
0xf6: {  	[tilespmem:s21], [sflag:$0x2] =	stream.indirect.gather [hbm4b:s4+s19], $0x80, s31, s19, $0xb8;
	[tilespmem:$0x1E800] =	vst v63  }
0xf7: {  	s30 =	smov.u32 s6  }
.LBB2_13:
0xf8: {  	_ =	sfence.sel $0x180000  }
0xf9: {  	[bflag:$0x0] =	sbarrier.arrive $0xFFFF  }
0xfa: {  	_ =	strace $0x9000004A  }
0xfb: {  	[bflag:$0x2] =	sbarrier.arrive $0xFFFF  }
0xfc: {  	p0 =	sne.s32 s3, $0x0;
	s0 =	rddreg [dreg:$0x3]  }
0xfd: {  	s0 =	sadd.s32 @!p0 $0x100000, s0  }
0xfe: {  	[sflag:s0] =	ssyncadd.tile.s32 @!p0 $0x1;
	_ =	shalt  }
.Lfunc_end2:
_tile_overlayer_lowered:
.L_overlay_start_2:
0xff: {  	(tag) =	ssettag $0x2  }
0x100: {  	s0 =	rddreg [dreg:$0x0];
	s2 =	stileid.u32  }
0x101: {  	s1 =	rddreg [dreg:$0x1];
	p0 =	sne.s32 s2, $0x0  }
0x102: {  	s3 =	rddreg [dreg:$0x2];
	[bflag:$0x3] =	sbarrier.arrive $0xFFFF;
	s2 =	simm.s32 @!p0 $0x1C05  }
0x103: {  	[timem:s3], [sflag:s2] =	dma.local @!p0 [hbm:s0], s1  }
0x104: {  	s0 =	simm.s32 @!p0 $0x5  }
0x105: {  	_ =	swait.ge @!p0 [sflag:s0], s1  }
0x106: {  	s1 =	ssub.s32 @!p0 $0x0, s1;
	[sflag:s0] =	ssyncset.done @!p0 $0x0  }
0x107: {  	[sflag:s0] =	ssyncadd.s32 @!p0 s1  }
0x108: {  	[bflag:$0x3] =	sbarrier.arrive $0xFFFF  }
0x109: {  	_ =	shalt  }

// kernel: kernel.14.cloned.1.call-start
scs
__scs_entry_jumppad:
0x0: {  	(pc) =	sbr.rel $0x88, $3  }
0x1: {  	(tag) =	ssettag $0x0;
	lr =	simm.s32 $0x1  }
0x2: {  	[smem:$0x3F9B] =	sst lr;
	_ =	strace $0xD0000000  }
0x3: {  	_ = 	snop  }
0x4: {  	_ = 	snop  }
0x5: {  	_ = 	snop  }
0x6: {  	_ = 	snop  }
0x7: {  	_ = 	snop  }
__scs_overlays_trampoline_lowered:
0x8: {  	[smem:$0x3FAA] =	sst s0  }
0x9: {  	[smem:$0x3FAB] =	sst s1  }
0xa: {  	[smem:$0x3FAC] =	sst s2  }
0xb: {  	[smem:$0x3FAD] =	sst s3  }
0xc: {  	[smem:$0x3FAE] =	sst s4  }
0xd: {  	[smem:$0x3FAF] =	sst s5  }
0xe: {  	[smem:$0x3FB0] =	sst s6  }
0xf: {  	[smem:$0x3FB1] =	sst s7  }
0x10: {  	[smem:$0x3FB2] =	sst s8  }
0x11: {  	[smem:$0x3FB3] =	sst s9;
	s0 =	simm.s32 @!p0 $0x0  }
0x12: {  	s1 =	sld [smem:$0x3F99];
	s0 =	simm.s32 @p0 $0x1  }
0x13: {  	[smem:$0x3FB4] =	sst s0;
	s0 =	simm.s32 @!p1 $0x0  }
0x14: {  	s2 =	sld [smem:$0x3F98];
	s0 =	simm.s32 @p1 $0x1  }
0x15: {  	[smem:$0x3FB5] =	sst s0;
	s0 =	simm.s32 @!p2 $0x0  }
0x16: {  	s3 =	sld [smem:$0x3FDB];
	s0 =	simm.s32 @p2 $0x1  }
0x17: {  	s4 =	simm.s32 $0x1BF5;
	[smem:$0x3FB7] =	sst s0  }
0x18: {  	s0 =	sld [smem:$0x3F9A];
	_ =	swait.ge [sflag:s4], $0x0  }
0x19: {  	s7 =	sld [smem:$0x3F9B]  }
0x1a: {  	s8 =	sadd.s32 $0xFFFFE003, lr  }
0x1b: {  	s9 =	sadd.s32 $0xFFFFFEF7, lr;
	s5 =	simm.s32 $0xFFFFFFFF;
	p2 =	slt.u32 s8, $0xFFFFF086  }
0x1c: {  	p1 =	slt.u32 s9, $0xF7A;
	s5 =	simm.s32 @!p2 $0x0  }
0x1d: {  	s5 =	simm.s32 @p1 $0x1;
	p0 =	seq.s32 s7, s2  }
0x1e: {  	s7 =	smul.u32 @!p0 $0xF7A, s2;
	p2 =	seq.s32 @!p0 s5, $0x0  }
0x1f: {  	s9 =	smul.u32 $0xF7A, s1;
	s8 =	simm.s32 @!p0 $0x1BF5;
	p2 =	por !p2, p0  }
0x20: {  	[sflag:s8] =	ssyncset.s32 @!p0 $0xFFFFF086;
	s6 =	sadd.s32 @!p0 s3, s7;
	s7 =	simm.s32 @!p0 $0x108  }
0x21: {  	s3 =	sadd.s32 s3, s9;
	s6 =	sadd.s32 @!p0 $0x88, s6;
	s7 =	simm.s32 @p2 $0x1082  }
0x22: {  	[simem:s7], [sflag:s8] =	dma.local @!p0 [hbm:s6], $0xF7A  }
0x23: {  	s9 =	sor.u32 $0xD0000000, s2;
	s6 =	simm.s32 $0x108;
	_ =	swait.ge @!p0 [sflag:s8], $0x0  }
0x24: {  	s3 =	sadd.s32 $0x88, s3;
	s6 =	simm.s32 @!p1 $0x1082;
	[sflag:s4] =	ssyncset.s32 $0xFFFFF086  }
0x25: {  	[simem:s6], [sflag:s4] =	dma.local [hbm:s3], $0xF7A  }
0x26: {  	[smem:$0x3F9B] =	sst s1;
	(tag) =	ssettag s2;
	_ =	strace s9  }
0x27: {  	s1 =	sld [smem:$0x3FAB]  }
0x28: {  	s2 =	sld [smem:$0x3FAC]  }
0x29: {  	s4 =	sld [smem:$0x3FAE]  }
0x2a: {  	p0 =	seq.s32 s5, $0x0;
	s5 =	sld [smem:$0x3FAF]  }
0x2b: {  	s6 =	sld [smem:$0x3FB0]  }
0x2c: {  	s7 =	sld [smem:$0x3FB1]  }
0x2d: {  	s3 =	simm.s32 $0x108;
	s8 =	sld [smem:$0x3FB2]  }
0x2e: {  	s3 =	simm.s32 @!p0 $0x1082;
	s9 =	sld [smem:$0x3FB3]  }
0x2f: {  	lr =	sadd.s32 s0, s3;
	s0 =	sld [smem:$0x3FAA]  }
0x30: {  	s3 =	sld [smem:$0x3FAD]  }
0x31: {  	[smem:$0x3FB6] =	sst s10  }
0x32: {  	s10 =	sld [smem:$0x3FB4];
	_ =	sdelay $0x3  }
0x33: {  	p0 =	seq.s32 s10, $0x1;
	s10 =	sld [smem:$0x3FB6];
	_ =	sdelay $0x3  }
0x34: {  	[smem:$0x3FB6] =	sst s10  }
0x35: {  	s10 =	sld [smem:$0x3FB5];
	_ =	sdelay $0x3  }
0x36: {  	p1 =	seq.s32 s10, $0x1;
	s10 =	sld [smem:$0x3FB6];
	_ =	sdelay $0x3  }
0x37: {  	[smem:$0x3FB6] =	sst s10  }
0x38: {  	s10 =	sld [smem:$0x3FB7]  }
0x39: {  	_ = 	snop;
	(pc) =	sbr.ind lr, $3  }
0x3a: {  	_ = 	snop  }
0x3b: {  	_ = 	snop  }
0x3c: {  	p2 =	seq.s32 s10, $0x1;
	s10 =	sld [smem:$0x3FB6]  }
0x3d: {  	_ =	shalt  }
0x3e: {  	_ =	shalt  }
0x3f: {  	_ =	shalt  }
0x40: {  	_ =	shalt  }
0x41: {  	_ =	shalt  }
0x42: {  	_ =	shalt  }
0x43: {  	_ =	shalt  }
0x44: {  	_ =	shalt  }
0x45: {  	_ =	shalt  }
0x46: {  	_ =	shalt  }
0x47: {  	_ =	shalt  }
0x48: {  	_ =	shalt  }
0x49: {  	_ =	shalt  }
0x4a: {  	_ =	shalt  }
0x4b: {  	_ =	shalt  }
0x4c: {  	_ =	shalt  }
0x4d: {  	_ =	shalt  }
0x4e: {  	_ =	shalt  }
0x4f: {  	_ =	shalt  }
0x50: {  	_ =	shalt  }
0x51: {  	_ =	shalt  }
0x52: {  	_ =	shalt  }
0x53: {  	_ =	shalt  }
0x54: {  	_ =	shalt  }
0x55: {  	_ =	shalt  }
0x56: {  	_ =	shalt  }
0x57: {  	_ =	shalt  }
0x58: {  	_ =	shalt  }
0x59: {  	_ =	shalt  }
0x5a: {  	_ =	shalt  }
0x5b: {  	_ =	shalt  }
0x5c: {  	_ =	shalt  }
0x5d: {  	_ =	shalt  }
0x5e: {  	_ =	shalt  }
0x5f: {  	_ =	shalt  }
0x60: {  	_ =	shalt  }
0x61: {  	_ =	shalt  }
0x62: {  	_ =	shalt  }
0x63: {  	_ =	shalt  }
0x64: {  	_ =	shalt  }
0x65: {  	_ =	shalt  }
0x66: {  	_ =	shalt  }
0x67: {  	_ =	shalt  }
0x68: {  	_ =	shalt  }
0x69: {  	_ =	shalt  }
0x6a: {  	_ =	shalt  }
0x6b: {  	_ =	shalt  }
0x6c: {  	_ =	shalt  }
0x6d: {  	_ =	shalt  }
0x6e: {  	_ =	shalt  }
0x6f: {  	_ =	shalt  }
0x70: {  	_ =	shalt  }
0x71: {  	_ =	shalt  }
0x72: {  	_ =	shalt  }
0x73: {  	_ =	shalt  }
0x74: {  	_ =	shalt  }
0x75: {  	_ =	shalt  }
0x76: {  	_ =	shalt  }
0x77: {  	_ =	shalt  }
0x78: {  	_ =	shalt  }
0x79: {  	_ =	shalt  }
0x7a: {  	_ =	shalt  }
0x7b: {  	_ =	shalt  }
0x7c: {  	_ =	shalt  }
0x7d: {  	_ =	shalt  }
0x7e: {  	_ =	shalt  }
0x7f: {  	_ =	shalt  }
0x80: {  	_ =	shalt  }
0x81: {  	_ =	shalt  }
0x82: {  	_ =	shalt  }
0x83: {  	_ =	shalt  }
0x84: {  	_ =	shalt  }
0x85: {  	_ =	shalt  }
0x86: {  	_ =	shalt  }
0x87: {  	_ =	shalt  }
.Lfunc_end0:
.L_simem_size_0:
called_computation.2_lowered:
.L_overlay_start_0:
0x88: {  	s2 =	sld [smem:$0x3FD9]  }
0x89: {  	s3 =	sld [smem:$0x3FFE];
	_ =	sdelay $0x1  }
0x8a: {  	s1 =	srdreg.scid  }
0x8b: {  	s0 =	sand.u32 $0x1, s1  }
0x8c: {  	s17 =	sshll.u32 s0, $0xA;
	s2 =	sadd.s32 s3, s2  }
0x8d: {  	s2 =	sadd.s32 s2, s17  }
0x8e: {  	[smem:$0x3FC2] =	sst s2  }
0x8f: {  	_ = 	snop  }
0x90: {  	s2 =	sld [smem:$0x3FD0];
	(tm) =	ssettm $0x1  }
0x91: {  	s18 =	sld [smem:$0x3FFB];
	_ =	sdelay $0x3  }
0x92: {  	_ =	strace s18  }
0x93: {  	s3 =	sld [smem:$0x3FFC];
	_ =	sdelay $0x3  }
0x94: {  	_ =	strace s3  }
0x95: {  	s3 =	sld [smem:$0x3FFD];
	_ =	sdelay $0x3  }
0x96: {  	_ =	strace s3  }
0x97: {  	_ =	strace $0x8FFFFFFF  }
0x98: {  	s19 =	sld [smem:$0x3FDB];
	_ =	sdelay $0x1  }
0x99: {  	s4 =	simm.s32 $_scs_section_size  }
0x9a: {  	s5 =	simm.s32 $_size__tile_overlayer_lowered;
	s6 =	simm.s32 $_tile_overlayer_lowered  }
0x9b: {  	s22 =	simm.s32 $0x1BFF;
	s21 =	sshll.u32 s6, $0x1;
	s3 =	sadd.s32 s4, s19  }
0x9c: {  	s7 =	simm.s32 $0x0;
	s20 =	sshll.u32 s5, $0x1;
	s5 =	sadd.s32 s21, s3  }
0x9d: {  	[timem:s7], [sflag:s22] =	dma.local [hbm:s5], s20  }
0x9e: {  	_ =	swait.ge [sflag:s22], s20  }
0x9f: {  	s4 =	ssub.s32 $0x0, s20;
	[sflag:s22] =	ssyncset.done $0x0  }
0xa0: {  	[sflag:s22] =	ssyncadd.s32 s4;
	_ =	sdelay $0x1  }
0xa1: {  	s23 =	simm.s32 $0x1B8B  }
0xa2: {  	_ =	swait.ge [sflag:s23], $0x1  }
0xa3: {  	[sflag:s23] =	ssyncset.done $0x0  }
0xa4: {  	s25 =	simm.s32 $0x1B8E;
	s24 =	sld [smem:$0x3FFE];
	[sflag:s23] =	ssyncadd.s32 $0xFFFFFFFF  }
0xa5: {  	s26 =	simm.s32 $execute0_lowered;
	[smem:$0x3FD2] =	sst s25  }
0xa6: {  	s5 =	sshll.u32 s26, $0x1;
	_ =	strace $0x8000004C;
	[dreg:$0x1] =	wrdreg $0xFFFFFFFF  }
0xa7: {  	s28 =	simm.s32 $_size_execute0_lowered;
	s3 =	sadd.s32 s3, s5;
	[dreg:$0x0] =	wrdreg $0x0  }
0xa8: {  	s5 =	sshll.u32 s28, $0x1;
	[dreg:$0x2] =	wrdreg s3  }
0xa9: {  	[dreg:$0x3] =	wrdreg s5  }
0xaa: {  	[dreg:$0x4] =	wrdreg $0xC0  }
0xab: {  	_ =	task [dreg:s7], $0x5FFFF  }
0xac: {  	[dreg:$0x1] =	wrdreg $0xFFFFFFFF  }
0xad: {  	[dreg:$0x0] =	wrdreg $0x60  }
0xae: {  	[dreg:$0x2] =	wrdreg s24  }
0xaf: {  	[dreg:$0x3] =	wrdreg s2  }
0xb0: {  	[dreg:$0x4] =	wrdreg $0xA8000  }
0xb1: {  	[dreg:$0x5] =	wrdreg $0x9  }
0xb2: {  	_ =	task.clear_ibuf [dreg:s7], $0x6FFFF;
	_ =	strace $0x9000004C  }
0xb3: {  	s29 =	simm.s32 $0x9;
	_ =	strace $0x8000004E  }
0xb4: {  	_ =	swait.ge [sflag:s29], $0x1  }
0xb5: {  	[sflag:s29] =	ssyncadd.s32 $0xFFFFFFFF  }
0xb6: {  	_ =	strace $0x9000004E  }
0xb7: {  	_ =	sfence  }
0xb8: {  	s30 =	sld [smem:$0x0];
	_ =	sdelay $0x2  }
0xb9: {  	s31 =	sshll.u32 s1, $0xD;
	s1 =	sshrl.u32 s1, $0x2  }
0xba: {  	s3 =	sand.u32 $0x4000, s31;
	s1 =	sadd.s32 s1, s30  }
0xbb: {  	s0 =	sor.u32 s3, s0;
	s1 =	sshll.u32 s1, $0x11  }
0xbc: {  	s0 =	sor.u32 s1, s0  }
0xbd: {  	s0 =	sadd.s32 $0x8F2B, s0  }
0xbe: {  	[sflag:s0] =	ssyncadd.remote.s32 $0x1  }
0xbf: {  	_ =	sfence.sel $0xFFFF  }
0xc0: {  	[dreg:$0x0] =	wrdreg $0xFFFFFFFF;
	(pc) =	sbr.abs _section_cstart, $3  }
0xc1: {  	[dreg:$0x1] =	wrdreg $0xFFFFFFFF  }
0xc2: {  	_ =	task.clear_ibuf [dreg:s7], $0x2FFFF;
	_ =	strace $0x9FFFFFFF  }
0xc3: {  	(tm) =	ssettm $0x7FFFFFFF  }
tec
execute0_lowered:
.L_overlay_start_1:
0x0: {  	(tag) =	ssettag $0x1  }
0x1: {  	s8 =	rddreg [dreg:$0x0]  }
0x2: {  	s9 =	rddreg [dreg:$0x1]  }
0x3: {  	s1 =	rddreg [dreg:$0x2]  }
0x4: {  	s2 =	simm.s32 $0x0;
	s6 =	srdreg.scid;
	s3 =	stileid.u32  }
0x5: {  	s18 =	simm.s32 $0x1400;
	s19 =	simm.s32 $0x80;
	s20 =	simm.s32 $0x2800  }
0x6: {  	s21 =	simm.s32 $0x6800;
	s22 =	simm.s32 $0x1;
	s23 =	simm.s32 $0x3  }
0x7: {  	s24 =	simm.s32 $0x2;
	s25 =	simm.s32 $0x4;
	s26 =	simm.s32 $0x2700  }
0x8: {  	s28 =	simm.s32 $0x2780;
	s29 =	simm.s32 $0x0;
	[smem:$0x7FF] =	sst s2  }
0x9: {  	s4 =	sadd.s32 $0x5E600, s8;
	s5 =	sadd.s32 $0x86600, s8;
	s13 =	sadd.s32 $0x4600, s8  }
0xa: {  	s14 =	sadd.s32 $0x9600, s8;
	s11 =	sand.u32 $0x1, s6;
	s10 =	smul.u32 $0x50000, s3  }
0xb: {  	s6 =	sadd.s32 $0xD6E00, s8;
	s7 =	smul.u32 $0x2800, s3;
	s8 =	sadd.s32 $0xFEE00, s8  }
0xc: {  	s30 =	sshll.u32 s3, $0x6;
	s31 =	smul.u32 $0x500, s3;
	s12 =	ssub.s32 $0x2, s11  }
0xd: {  	_ =	strace $0x8000004D;
	p0 =	seq.s32 s11, $0x1;
	s15 =	sshrl.u32 s12, $0x1  }
.Ltmp0:
0xe: {  	s10 =	sshrl.u32 s10, $0x2;
	s9 =	sadd.s32 s9, s7;
	(pc) =	sbr.rel .LBB2_1-.Ltmp0, $4  }
0xf: {  	s17 =	sshrl.u32 s7, $0x3;
	s11 =	sadd.s32 s13, s31;
	s15 =	ssub.s32 s12, s15  }
0x10: {  	s16 =	sadd.s32 s10, s1;
	s10 =	sor.u32 $0x1C05, s30;
	s17 =	sadd.s32 $0x280, s17  }
0x11: {  	s12 =	sadd.s32 s14, s31;
	s13 =	sadd.s32 s13, s17;
	s14 =	sadd.s32 s14, s17  }
0x12: {  	s15 =	smax.u32 s15, $0x1;
	s16 =	sshrl.u32 s16, $0x3;
	s17 =	simm.s32 $0x5  }
.LBB2_11:
0x13: {  	[tilespmem:s21], [sflag:$0x2] =	stream.indirect.gather [hbm4b:s5+s19], $0x80, s31, s19, $0xb8;
	[tilespmem:$0x1E800] =	vst v63  }
0x14: {  	s30 =	smov.u32 s8  }
.LBB2_12:
0x15: {  	_ =	swait.ge [sflag:s22], $0x4000  }
0x16: {  	[sflag:s22] =	ssyncset.done $0x0  }
0x17: {  	[sflag:s22] =	ssyncadd.s32 $0xFFFFC000  }
0x18: {  	[spmem:s1] =	stream.indirect.scatter.add.f32 [tilespmem:s20], [sflag:$0x3], $0x80, s26, s19, $0xb8;
	[tilespmem:$0x1E800] =	vst v63  }
0x19: {  	_ =	swait.ge [sflag:s24], $0x4000  }
0x1a: {  	[sflag:s24] =	ssyncset.done $0x0  }
0x1b: {  	[sflag:s24] =	ssyncadd.s32 $0xFFFFC000  }
0x1c: {  	[spmem:s1] =	stream.indirect.scatter.add.f32 [tilespmem:s21], [sflag:$0x4], $0x80, s28, s19, $0xb8;
	[tilespmem:$0x1E800] =	vst v63  }
0x1d: {  	_ =	swait.ge [sflag:s23], $0x4000  }
0x1e: {  	[sflag:s23] =	ssyncset.done $0x0  }
0x1f: {  	[sflag:s23] =	ssyncadd.s32 $0xFFFFC000  }
0x20: {  	_ =	swait.ge [sflag:s25], $0x4000  }
0x21: {  	s29 =	sadd.s32 $0x1, s29;
	[sflag:s25] =	ssyncset.done $0x0  }
0x22: {  	p1 =	sne.s32 s29, s15;
	[sflag:s25] =	ssyncadd.s32 $0xFFFFC000  }
.Ltmp1:
0x23: {  	s0 =	sadd.s32 s30, s7;
	[bflag:$0x0] =	sbarrier.arrive $0xFFFF;
	(pc) =	sbr.rel @!p1 .LBB2_13-.Ltmp1, $4  }
0x24: {  	[hbm:s0], [sflag:s10] =	dma.local [spmem:s16], $0x2800  }
0x25: {  	_ =	swait.ge [sflag:s17], $0x2800  }
0x26: {  	[sflag:s17] =	ssyncset.done $0x0  }
0x27: {  	[sflag:s17] =	ssyncadd.s32 $0xFFFFD800  }
.LBB2_1:
0x28: {  	[spmem:s16], [sflag:s10] =	dma.local [hbm:s9], $0x2800  }
0x29: {  	_ =	swait.ge [sflag:s17], $0x2800  }
0x2a: {  	[sflag:s17] =	ssyncset.done $0x0  }
0x2b: {  	[sflag:s17] =	ssyncadd.s32 $0xFFFFD800  }
0x2c: {  	[tilespmem:s2], [sflag:$0x5] =	stream.linear.gather [hbm4b:s11+s2], $0x1400, $0x38;
	[tilespmem:$0x1E800] =	vst v63  }
0x2d: {  	_ =	swait.ge [sflag:s17], $0x1400  }
0x2e: {  	[sflag:s17] =	ssyncset.done $0x0  }
.Ltmp2:
0x2f: {  	[sflag:s17] =	ssyncadd.s32 $0xFFFFEC00;
	(pc) =	sbr.rel @!p0 .LBB2_2-.Ltmp2, $4  }
0x30: {  	[tilespmem:s18], [sflag:$0x5] =	stream.linear.gather [hbm4b:s12+s2], $0x1400, $0x38;
	[tilespmem:$0x1E800] =	vst v63  }
0x31: {  	_ =	swait.ge [sflag:s17], $0x1400  }
0x32: {  	[sflag:s17] =	ssyncset.done $0x0  }
0x33: {  	[sflag:s17] =	ssyncadd.s32 $0xFFFFEC00  }
0x34: {  	s0 =	simm.s32 $0x0  }
0x35: {  	[tilespmem:s20], [sflag:$0x1] =	stream.indirect.gather [hbm4b:s5+s19], $0x80, s0, s19, $0xb8;
	[tilespmem:$0x1E800] =	vst v63  }
0x36: {  	_ = 	snop  }
0x37: {  	[tilespmem:s21], [sflag:$0x2] =	stream.indirect.gather [hbm4b:s5+s19], $0x80, s19, s19, $0xb8;
	[tilespmem:$0x1E800] =	vst v63  }
0x38: {  	[bflag:$0x0] =	sbarrier.arrive $0xFFFF  }
0x39: {  	_ =	swait.ge [sflag:s22], $0x4000  }
0x3a: {  	[sflag:s22] =	ssyncset.done $0x0  }
0x3b: {  	s0 =	simm.s32 $0x1400;
	[sflag:s22] =	ssyncadd.s32 $0xFFFFC000  }
0x3c: {  	[spmem:s1] =	stream.indirect.scatter.add.f32 [tilespmem:s20], [sflag:$0x3], $0x80, s0, s19, $0xb8;
	[tilespmem:$0x1E800] =	vst v63  }
0x3d: {  	_ =	swait.ge [sflag:s23], $0x4000  }
0x3e: {  	[sflag:s23] =	ssyncset.done $0x0  }
0x3f: {  	s0 =	simm.s32 $0x100;
	[sflag:s23] =	ssyncadd.s32 $0xFFFFC000  }
0x40: {  	[tilespmem:s20], [sflag:$0x1] =	stream.indirect.gather [hbm4b:s5+s19], $0x80, s0, s19, $0xb8;
	[tilespmem:$0x1E800] =	vst v63  }
0x41: {  	_ =	swait.ge [sflag:s24], $0x4000  }
0x42: {  	[sflag:s24] =	ssyncset.done $0x0  }
0x43: {  	s0 =	simm.s32 $0x1480;
	[sflag:s24] =	ssyncadd.s32 $0xFFFFC000  }
0x44: {  	[spmem:s1] =	stream.indirect.scatter.add.f32 [tilespmem:s21], [sflag:$0x4], $0x80, s0, s19, $0xb8;
	[tilespmem:$0x1E800] =	vst v63  }
0x45: {  	_ =	swait.ge [sflag:s25], $0x4000  }
0x46: {  	[sflag:s25] =	ssyncset.done $0x0  }
0x47: {  	s30 =	simm.s32 $0x400;
	s31 =	simm.s32 $0x180;
	[sflag:s25] =	ssyncadd.s32 $0xFFFFC000  }
.LBB2_8:
0x48: {  	[tilespmem:s21], [sflag:$0x2] =	stream.indirect.gather [hbm4b:s5+s19], $0x80, s31, s19, $0xb8;
	[tilespmem:$0x1E800] =	vst v63  }
0x49: {  	s0 =	smov.u32 s30  }
0x4a: {  	p1 =	sne.s32 s30, $0x4800;
	s30 =	sadd.s32 $0x400, s30;
	_ =	swait.ge [sflag:s22], $0x4000  }
0x4b: {  	s0 =	sshra.s32 s0, $0x2;
	[sflag:s22] =	ssyncset.done $0x0  }
0x4c: {  	s31 =	sadd.s32 $0x1400, s0;
	[sflag:s22] =	ssyncadd.s32 $0xFFFFC000  }
0x4d: {  	[spmem:s1] =	stream.indirect.scatter.add.f32 [tilespmem:s20], [sflag:$0x3], $0x80, s31, s19, $0xb8;
	[tilespmem:$0x1E800] =	vst v63  }
0x4e: {  	_ =	swait.ge [sflag:s23], $0x4000  }
0x4f: {  	[sflag:s23] =	ssyncset.done $0x0  }
0x50: {  	s31 =	sadd.s32 $0x100, s0;
	[sflag:s23] =	ssyncadd.s32 $0xFFFFC000  }
0x51: {  	[tilespmem:s20], [sflag:$0x1] =	stream.indirect.gather [hbm4b:s5+s19], $0x80, s31, s19, $0xb8;
	[tilespmem:$0x1E800] =	vst v63  }
0x52: {  	_ =	swait.ge [sflag:s24], $0x4000  }
0x53: {  	[sflag:s24] =	ssyncset.done $0x0  }
.Ltmp3:
0x54: {  	s31 =	sadd.s32 $0x1480, s0;
	[sflag:s24] =	ssyncadd.s32 $0xFFFFC000;
	(pc) =	sbr.rel @p1 .LBB2_8-.Ltmp3, $4  }
0x55: {  	[spmem:s1] =	stream.indirect.scatter.add.f32 [tilespmem:s21], [sflag:$0x4], $0x80, s31, s19, $0xb8;
	[tilespmem:$0x1E800] =	vst v63  }
0x56: {  	_ =	swait.ge [sflag:s25], $0x4000  }
0x57: {  	[sflag:s25] =	ssyncset.done $0x0  }
0x58: {  	s31 =	sadd.s32 $0x180, s0;
	[sflag:s25] =	ssyncadd.s32 $0xFFFFC000  }
0x59: {  	[tilespmem:s21], [sflag:$0x2] =	stream.indirect.gather [hbm4b:s5+s19], $0x80, s31, s19, $0xb8;
	[tilespmem:$0x1E800] =	vst v63  }
0x5a: {  	_ =	swait.ge [sflag:s22], $0x4000  }
0x5b: {  	[sflag:s22] =	ssyncset.done $0x0  }
0x5c: {  	[sflag:s22] =	ssyncadd.s32 $0xFFFFC000  }
0x5d: {  	[spmem:s1] =	stream.indirect.scatter.add.f32 [tilespmem:s20], [sflag:$0x3], $0x80, s26, s19, $0xb8;
	[tilespmem:$0x1E800] =	vst v63  }
0x5e: {  	_ =	swait.ge [sflag:s24], $0x4000  }
0x5f: {  	[sflag:s24] =	ssyncset.done $0x0  }
0x60: {  	[sflag:s24] =	ssyncadd.s32 $0xFFFFC000  }
0x61: {  	[spmem:s1] =	stream.indirect.scatter.add.f32 [tilespmem:s21], [sflag:$0x4], $0x80, s28, s19, $0xb8;
	[tilespmem:$0x1E800] =	vst v63  }
0x62: {  	_ =	swait.ge [sflag:s23], $0x4000  }
0x63: {  	[sflag:s23] =	ssyncset.done $0x0  }
0x64: {  	[sflag:s23] =	ssyncadd.s32 $0xFFFFC000  }
0x65: {  	_ =	swait.ge [sflag:s25], $0x4000  }
0x66: {  	[sflag:s25] =	ssyncset.done $0x0  }
0x67: {  	s0 =	simm.s32 $0x0;
	[sflag:s25] =	ssyncadd.s32 $0xFFFFC000  }
0x68: {  	[tilespmem:s0], [sflag:$0x5] =	stream.linear.gather [hbm4b:s13+s0], $0x1400, $0x38;
	[tilespmem:$0x1E800] =	vst v63  }
0x69: {  	_ =	swait.ge [sflag:s17], $0x1400  }
0x6a: {  	[sflag:s17] =	ssyncset.done $0x0  }
0x6b: {  	[sflag:s17] =	ssyncadd.s32 $0xFFFFEC00  }
0x6c: {  	[tilespmem:s18], [sflag:$0x5] =	stream.linear.gather [hbm4b:s14+s0], $0x1400, $0x38;
	[tilespmem:$0x1E800] =	vst v63  }
0x6d: {  	_ =	swait.ge [sflag:s17], $0x1400  }
0x6e: {  	[sflag:s17] =	ssyncset.done $0x0  }
0x6f: {  	[sflag:s17] =	ssyncadd.s32 $0xFFFFEC00  }
0x70: {  	[tilespmem:s20], [sflag:$0x1] =	stream.indirect.gather [hbm4b:s5+s19], $0x80, s0, s19, $0xb8;
	[tilespmem:$0x1E800] =	vst v63  }
0x71: {  	_ = 	snop  }
0x72: {  	[tilespmem:s21], [sflag:$0x2] =	stream.indirect.gather [hbm4b:s5+s19], $0x80, s19, s19, $0xb8;
	[tilespmem:$0x1E800] =	vst v63  }
0x73: {  	_ =	swait.ge [sflag:s22], $0x4000  }
0x74: {  	[sflag:s22] =	ssyncset.done $0x0  }
0x75: {  	s0 =	simm.s32 $0x1400;
	[sflag:s22] =	ssyncadd.s32 $0xFFFFC000  }
0x76: {  	[spmem:s1] =	stream.indirect.scatter.add.f32 [tilespmem:s20], [sflag:$0x3], $0x80, s0, s19, $0xb8;
	[tilespmem:$0x1E800] =	vst v63  }
0x77: {  	_ =	swait.ge [sflag:s23], $0x4000  }
0x78: {  	[sflag:s23] =	ssyncset.done $0x0  }
0x79: {  	s0 =	simm.s32 $0x100;
	[sflag:s23] =	ssyncadd.s32 $0xFFFFC000  }
0x7a: {  	[tilespmem:s20], [sflag:$0x1] =	stream.indirect.gather [hbm4b:s5+s19], $0x80, s0, s19, $0xb8;
	[tilespmem:$0x1E800] =	vst v63  }
0x7b: {  	_ =	swait.ge [sflag:s24], $0x4000  }
0x7c: {  	[sflag:s24] =	ssyncset.done $0x0  }
0x7d: {  	s0 =	simm.s32 $0x1480;
	[sflag:s24] =	ssyncadd.s32 $0xFFFFC000  }
0x7e: {  	[spmem:s1] =	stream.indirect.scatter.add.f32 [tilespmem:s21], [sflag:$0x4], $0x80, s0, s19, $0xb8;
	[tilespmem:$0x1E800] =	vst v63  }
0x7f: {  	_ =	swait.ge [sflag:s25], $0x4000  }
0x80: {  	[sflag:s25] =	ssyncset.done $0x0  }
0x81: {  	s30 =	simm.s32 $0x400;
	s31 =	simm.s32 $0x180;
	[sflag:s25] =	ssyncadd.s32 $0xFFFFC000  }
.LBB2_10:
0x82: {  	[tilespmem:s21], [sflag:$0x2] =	stream.indirect.gather [hbm4b:s5+s19], $0x80, s31, s19, $0xb8;
	[tilespmem:$0x1E800] =	vst v63  }
0x83: {  	s0 =	smov.u32 s30  }
0x84: {  	p1 =	sne.s32 s30, $0x4800;
	s30 =	sadd.s32 $0x400, s30;
	_ =	swait.ge [sflag:s22], $0x4000  }
0x85: {  	s0 =	sshra.s32 s0, $0x2;
	[sflag:s22] =	ssyncset.done $0x0  }
0x86: {  	s31 =	sadd.s32 $0x1400, s0;
	[sflag:s22] =	ssyncadd.s32 $0xFFFFC000  }
0x87: {  	[spmem:s1] =	stream.indirect.scatter.add.f32 [tilespmem:s20], [sflag:$0x3], $0x80, s31, s19, $0xb8;
	[tilespmem:$0x1E800] =	vst v63  }
0x88: {  	_ =	swait.ge [sflag:s23], $0x4000  }
0x89: {  	[sflag:s23] =	ssyncset.done $0x0  }
0x8a: {  	s31 =	sadd.s32 $0x100, s0;
	[sflag:s23] =	ssyncadd.s32 $0xFFFFC000  }
0x8b: {  	[tilespmem:s20], [sflag:$0x1] =	stream.indirect.gather [hbm4b:s5+s19], $0x80, s31, s19, $0xb8;
	[tilespmem:$0x1E800] =	vst v63  }
0x8c: {  	_ =	swait.ge [sflag:s24], $0x4000  }
0x8d: {  	[sflag:s24] =	ssyncset.done $0x0  }
.Ltmp4:
0x8e: {  	s31 =	sadd.s32 $0x1480, s0;
	[sflag:s24] =	ssyncadd.s32 $0xFFFFC000;
	(pc) =	sbr.rel @p1 .LBB2_10-.Ltmp4, $4  }
0x8f: {  	[spmem:s1] =	stream.indirect.scatter.add.f32 [tilespmem:s21], [sflag:$0x4], $0x80, s31, s19, $0xb8;
	[tilespmem:$0x1E800] =	vst v63  }
0x90: {  	_ =	swait.ge [sflag:s25], $0x4000  }
0x91: {  	[sflag:s25] =	ssyncset.done $0x0  }
0x92: {  	s31 =	sadd.s32 $0x180, s0;
	[sflag:s25] =	ssyncadd.s32 $0xFFFFC000  }
.Ltmp5:
0x93: {  	_ = 	snop;
	(pc) =	sbr.rel .LBB2_11-.Ltmp5, $1  }
0x94: {  	_ =	sdelay $0x3  }
.LBB2_2:
0x95: {  	s30 =	simm.s32 $0x0  }
0x96: {  	[tilespmem:s20], [sflag:$0x1] =	stream.indirect.gather [hbm4b:s4+s19], $0x80, s30, s19, $0xb8;
	[tilespmem:$0x1E800] =	vst v63  }
0x97: {  	_ = 	snop  }
0x98: {  	[tilespmem:s21], [sflag:$0x2] =	stream.indirect.gather [hbm4b:s4+s19], $0x80, s19, s19, $0xb8;
	[tilespmem:$0x1E800] =	vst v63  }
0x99: {  	[bflag:$0x0] =	sbarrier.arrive $0xFFFF  }
0x9a: {  	_ =	swait.ge [sflag:s22], $0x4000  }
0x9b: {  	[sflag:s22] =	ssyncset.done $0x0  }
0x9c: {  	s30 =	simm.s32 $0x1400;
	[sflag:s22] =	ssyncadd.s32 $0xFFFFC000  }
0x9d: {  	[spmem:s1] =	stream.indirect.scatter.add.f32 [tilespmem:s20], [sflag:$0x3], $0x80, s30, s19, $0xb8;
	[tilespmem:$0x1E800] =	vst v63  }
0x9e: {  	_ =	swait.ge [sflag:s23], $0x4000  }
0x9f: {  	[sflag:s23] =	ssyncset.done $0x0  }
0xa0: {  	s30 =	simm.s32 $0x100;
	[sflag:s23] =	ssyncadd.s32 $0xFFFFC000  }
0xa1: {  	[tilespmem:s20], [sflag:$0x1] =	stream.indirect.gather [hbm4b:s4+s19], $0x80, s30, s19, $0xb8;
	[tilespmem:$0x1E800] =	vst v63  }
0xa2: {  	_ =	swait.ge [sflag:s24], $0x4000  }
0xa3: {  	[sflag:s24] =	ssyncset.done $0x0  }
0xa4: {  	s30 =	simm.s32 $0x1480;
	[sflag:s24] =	ssyncadd.s32 $0xFFFFC000  }
0xa5: {  	[spmem:s1] =	stream.indirect.scatter.add.f32 [tilespmem:s21], [sflag:$0x4], $0x80, s30, s19, $0xb8;
	[tilespmem:$0x1E800] =	vst v63  }
0xa6: {  	_ =	swait.ge [sflag:s25], $0x4000  }
0xa7: {  	[sflag:s25] =	ssyncset.done $0x0  }
0xa8: {  	s31 =	simm.s32 $0x180;
	s30 =	simm.s32 $0x400;
	[sflag:s25] =	ssyncadd.s32 $0xFFFFC000  }
.LBB2_3:
0xa9: {  	[tilespmem:s21], [sflag:$0x2] =	stream.indirect.gather [hbm4b:s4+s19], $0x80, s31, s19, $0xb8;
	[tilespmem:$0x1E800] =	vst v63  }
0xaa: {  	s31 =	smov.u32 s30  }
0xab: {  	p1 =	sne.s32 s30, $0x4800;
	s30 =	sadd.s32 $0x400, s30;
	_ =	swait.ge [sflag:s22], $0x4000  }
0xac: {  	s31 =	sshra.s32 s31, $0x2;
	[sflag:s22] =	ssyncset.done $0x0  }
0xad: {  	s0 =	sadd.s32 $0x1400, s31;
	[sflag:s22] =	ssyncadd.s32 $0xFFFFC000  }
0xae: {  	[spmem:s1] =	stream.indirect.scatter.add.f32 [tilespmem:s20], [sflag:$0x3], $0x80, s0, s19, $0xb8;
	[tilespmem:$0x1E800] =	vst v63  }
0xaf: {  	_ =	swait.ge [sflag:s23], $0x4000  }
0xb0: {  	[sflag:s23] =	ssyncset.done $0x0  }
0xb1: {  	s0 =	sadd.s32 $0x100, s31;
	[sflag:s23] =	ssyncadd.s32 $0xFFFFC000  }
0xb2: {  	[tilespmem:s20], [sflag:$0x1] =	stream.indirect.gather [hbm4b:s4+s19], $0x80, s0, s19, $0xb8;
	[tilespmem:$0x1E800] =	vst v63  }
0xb3: {  	_ =	swait.ge [sflag:s24], $0x4000  }
0xb4: {  	[sflag:s24] =	ssyncset.done $0x0  }
.Ltmp6:
0xb5: {  	s0 =	sadd.s32 $0x1480, s31;
	[sflag:s24] =	ssyncadd.s32 $0xFFFFC000;
	(pc) =	sbr.rel @p1 .LBB2_3-.Ltmp6, $4  }
0xb6: {  	[spmem:s1] =	stream.indirect.scatter.add.f32 [tilespmem:s21], [sflag:$0x4], $0x80, s0, s19, $0xb8;
	[tilespmem:$0x1E800] =	vst v63  }
0xb7: {  	_ =	swait.ge [sflag:s25], $0x4000  }
0xb8: {  	[sflag:s25] =	ssyncset.done $0x0  }
0xb9: {  	s31 =	sadd.s32 $0x180, s31;
	[sflag:s25] =	ssyncadd.s32 $0xFFFFC000  }
0xba: {  	[tilespmem:s21], [sflag:$0x2] =	stream.indirect.gather [hbm4b:s4+s19], $0x80, s31, s19, $0xb8;
	[tilespmem:$0x1E800] =	vst v63  }
0xbb: {  	_ =	swait.ge [sflag:s22], $0x4000  }
0xbc: {  	[sflag:s22] =	ssyncset.done $0x0  }
0xbd: {  	[sflag:s22] =	ssyncadd.s32 $0xFFFFC000  }
0xbe: {  	[spmem:s1] =	stream.indirect.scatter.add.f32 [tilespmem:s20], [sflag:$0x3], $0x80, s26, s19, $0xb8;
	[tilespmem:$0x1E800] =	vst v63  }
0xbf: {  	_ =	swait.ge [sflag:s24], $0x4000  }
0xc0: {  	[sflag:s24] =	ssyncset.done $0x0  }
0xc1: {  	[sflag:s24] =	ssyncadd.s32 $0xFFFFC000  }
0xc2: {  	[spmem:s1] =	stream.indirect.scatter.add.f32 [tilespmem:s21], [sflag:$0x4], $0x80, s28, s19, $0xb8;
	[tilespmem:$0x1E800] =	vst v63  }
0xc3: {  	_ =	swait.ge [sflag:s23], $0x4000  }
0xc4: {  	[sflag:s23] =	ssyncset.done $0x0  }
0xc5: {  	[sflag:s23] =	ssyncadd.s32 $0xFFFFC000  }
0xc6: {  	_ =	swait.ge [sflag:s25], $0x4000  }
0xc7: {  	[sflag:s25] =	ssyncset.done $0x0  }
0xc8: {  	s0 =	simm.s32 $0x0;
	[sflag:s25] =	ssyncadd.s32 $0xFFFFC000  }
0xc9: {  	[tilespmem:s0], [sflag:$0x5] =	stream.linear.gather [hbm4b:s13+s0], $0x1400, $0x38;
	[tilespmem:$0x1E800] =	vst v63  }
0xca: {  	_ =	swait.ge [sflag:s17], $0x1400  }
0xcb: {  	[sflag:s17] =	ssyncset.done $0x0  }
0xcc: {  	[sflag:s17] =	ssyncadd.s32 $0xFFFFEC00  }
0xcd: {  	[tilespmem:s18], [sflag:$0x5] =	stream.linear.gather [hbm4b:s14+s0], $0x1400, $0x38;
	[tilespmem:$0x1E800] =	vst v63  }
0xce: {  	_ =	swait.ge [sflag:s17], $0x1400  }
0xcf: {  	[sflag:s17] =	ssyncset.done $0x0  }
0xd0: {  	[sflag:s17] =	ssyncadd.s32 $0xFFFFEC00  }
0xd1: {  	[tilespmem:s20], [sflag:$0x1] =	stream.indirect.gather [hbm4b:s4+s19], $0x80, s0, s19, $0xb8;
	[tilespmem:$0x1E800] =	vst v63  }
0xd2: {  	_ = 	snop  }
0xd3: {  	[tilespmem:s21], [sflag:$0x2] =	stream.indirect.gather [hbm4b:s4+s19], $0x80, s19, s19, $0xb8;
	[tilespmem:$0x1E800] =	vst v63  }
0xd4: {  	_ =	swait.ge [sflag:s22], $0x4000  }
0xd5: {  	[sflag:s22] =	ssyncset.done $0x0  }
0xd6: {  	s0 =	simm.s32 $0x1400;
	[sflag:s22] =	ssyncadd.s32 $0xFFFFC000  }
0xd7: {  	[spmem:s1] =	stream.indirect.scatter.add.f32 [tilespmem:s20], [sflag:$0x3], $0x80, s0, s19, $0xb8;
	[tilespmem:$0x1E800] =	vst v63  }
0xd8: {  	_ =	swait.ge [sflag:s23], $0x4000  }
0xd9: {  	[sflag:s23] =	ssyncset.done $0x0  }
0xda: {  	s0 =	simm.s32 $0x100;
	[sflag:s23] =	ssyncadd.s32 $0xFFFFC000  }
0xdb: {  	[tilespmem:s20], [sflag:$0x1] =	stream.indirect.gather [hbm4b:s4+s19], $0x80, s0, s19, $0xb8;
	[tilespmem:$0x1E800] =	vst v63  }
0xdc: {  	_ =	swait.ge [sflag:s24], $0x4000  }
0xdd: {  	[sflag:s24] =	ssyncset.done $0x0  }
0xde: {  	s0 =	simm.s32 $0x1480;
	[sflag:s24] =	ssyncadd.s32 $0xFFFFC000  }
0xdf: {  	[spmem:s1] =	stream.indirect.scatter.add.f32 [tilespmem:s21], [sflag:$0x4], $0x80, s0, s19, $0xb8;
	[tilespmem:$0x1E800] =	vst v63  }
0xe0: {  	_ =	swait.ge [sflag:s25], $0x4000  }
0xe1: {  	[sflag:s25] =	ssyncset.done $0x0  }
0xe2: {  	s30 =	simm.s32 $0x400;
	s31 =	simm.s32 $0x180;
	[sflag:s25] =	ssyncadd.s32 $0xFFFFC000  }
.LBB2_5:
0xe3: {  	[tilespmem:s21], [sflag:$0x2] =	stream.indirect.gather [hbm4b:s4+s19], $0x80, s31, s19, $0xb8;
	[tilespmem:$0x1E800] =	vst v63  }
0xe4: {  	s0 =	smov.u32 s30  }
0xe5: {  	p1 =	seq.s32 s30, $0x4800;
	s30 =	sadd.s32 $0x400, s30;
	_ =	swait.ge [sflag:s22], $0x4000  }
0xe6: {  	s0 =	sshra.s32 s0, $0x2;
	[sflag:s22] =	ssyncset.done $0x0  }
0xe7: {  	s31 =	sadd.s32 $0x1400, s0;
	[sflag:s22] =	ssyncadd.s32 $0xFFFFC000  }
0xe8: {  	[spmem:s1] =	stream.indirect.scatter.add.f32 [tilespmem:s20], [sflag:$0x3], $0x80, s31, s19, $0xb8;
	[tilespmem:$0x1E800] =	vst v63  }
0xe9: {  	_ =	swait.ge [sflag:s23], $0x4000  }
0xea: {  	[sflag:s23] =	ssyncset.done $0x0  }
0xeb: {  	s31 =	sadd.s32 $0x100, s0;
	[sflag:s23] =	ssyncadd.s32 $0xFFFFC000  }
0xec: {  	[tilespmem:s20], [sflag:$0x1] =	stream.indirect.gather [hbm4b:s4+s19], $0x80, s31, s19, $0xb8;
	[tilespmem:$0x1E800] =	vst v63  }
0xed: {  	_ =	swait.ge [sflag:s24], $0x4000  }
0xee: {  	[sflag:s24] =	ssyncset.done $0x0  }
.Ltmp7:
0xef: {  	s31 =	sadd.s32 $0x1480, s0;
	[sflag:s24] =	ssyncadd.s32 $0xFFFFC000;
	(pc) =	sbr.rel @!p1 .LBB2_5-.Ltmp7, $4  }
0xf0: {  	[spmem:s1] =	stream.indirect.scatter.add.f32 [tilespmem:s21], [sflag:$0x4], $0x80, s31, s19, $0xb8;
	[tilespmem:$0x1E800] =	vst v63  }
0xf1: {  	_ =	swait.ge [sflag:s25], $0x4000  }
0xf2: {  	[sflag:s25] =	ssyncset.done $0x0  }
0xf3: {  	s31 =	sadd.s32 $0x180, s0;
	[sflag:s25] =	ssyncadd.s32 $0xFFFFC000  }
.Ltmp8:
0xf4: {  	(pc) =	sbr.rel .LBB2_12-.Ltmp8, $3  }
0xf5: {  	_ =	sdelay $0x1  }
0xf6: {  	[tilespmem:s21], [sflag:$0x2] =	stream.indirect.gather [hbm4b:s4+s19], $0x80, s31, s19, $0xb8;
	[tilespmem:$0x1E800] =	vst v63  }
0xf7: {  	s30 =	smov.u32 s6  }
.LBB2_13:
0xf8: {  	_ =	sfence.sel $0x180000  }
0xf9: {  	[bflag:$0x0] =	sbarrier.arrive $0xFFFF  }
0xfa: {  	_ =	strace $0x9000004D  }
0xfb: {  	[bflag:$0x2] =	sbarrier.arrive $0xFFFF  }
0xfc: {  	p0 =	sne.s32 s3, $0x0;
	s0 =	rddreg [dreg:$0x3]  }
0xfd: {  	s0 =	sadd.s32 @!p0 $0x100000, s0  }
0xfe: {  	[sflag:s0] =	ssyncadd.tile.s32 @!p0 $0x1;
	_ =	shalt  }
.Lfunc_end2:
_tile_overlayer_lowered:
.L_overlay_start_2:
0xff: {  	(tag) =	ssettag $0x2  }
0x100: {  	s0 =	rddreg [dreg:$0x0];
	s2 =	stileid.u32  }
0x101: {  	s1 =	rddreg [dreg:$0x1];
	p0 =	sne.s32 s2, $0x0  }
0x102: {  	s3 =	rddreg [dreg:$0x2];
	[bflag:$0x3] =	sbarrier.arrive $0xFFFF;
	s2 =	simm.s32 @!p0 $0x1C05  }
0x103: {  	[timem:s3], [sflag:s2] =	dma.local @!p0 [hbm:s0], s1  }
0x104: {  	s0 =	simm.s32 @!p0 $0x5  }
0x105: {  	_ =	swait.ge @!p0 [sflag:s0], s1  }
0x106: {  	s1 =	ssub.s32 @!p0 $0x0, s1;
	[sflag:s0] =	ssyncset.done @!p0 $0x0  }
0x107: {  	[sflag:s0] =	ssyncadd.s32 @!p0 s1  }
0x108: {  	[bflag:$0x3] =	sbarrier.arrive $0xFFFF  }
0x109: {  	_ =	shalt  }

// kernel: kernel.8.cloned.1.call-start
scs
__scs_entry_jumppad:
0x0: {  	(pc) =	sbr.rel $0x88, $3  }
0x1: {  	(tag) =	ssettag $0x0;
	lr =	simm.s32 $0x1  }
0x2: {  	[smem:$0x3F9B] =	sst lr;
	_ =	strace $0xD0000000  }
0x3: {  	_ = 	snop  }
0x4: {  	_ = 	snop  }
0x5: {  	_ = 	snop  }
0x6: {  	_ = 	snop  }
0x7: {  	_ = 	snop  }
__scs_overlays_trampoline_lowered:
0x8: {  	[smem:$0x3FAA] =	sst s0  }
0x9: {  	[smem:$0x3FAB] =	sst s1  }
0xa: {  	[smem:$0x3FAC] =	sst s2  }
0xb: {  	[smem:$0x3FAD] =	sst s3  }
0xc: {  	[smem:$0x3FAE] =	sst s4  }
0xd: {  	[smem:$0x3FAF] =	sst s5  }
0xe: {  	[smem:$0x3FB0] =	sst s6  }
0xf: {  	[smem:$0x3FB1] =	sst s7  }
0x10: {  	[smem:$0x3FB2] =	sst s8  }
0x11: {  	[smem:$0x3FB3] =	sst s9;
	s0 =	simm.s32 @!p0 $0x0  }
0x12: {  	s1 =	sld [smem:$0x3F99];
	s0 =	simm.s32 @p0 $0x1  }
0x13: {  	[smem:$0x3FB4] =	sst s0;
	s0 =	simm.s32 @!p1 $0x0  }
0x14: {  	s2 =	sld [smem:$0x3F98];
	s0 =	simm.s32 @p1 $0x1  }
0x15: {  	[smem:$0x3FB5] =	sst s0;
	s0 =	simm.s32 @!p2 $0x0  }
0x16: {  	s3 =	sld [smem:$0x3FDB];
	s0 =	simm.s32 @p2 $0x1  }
0x17: {  	s4 =	simm.s32 $0x1BF5;
	[smem:$0x3FB7] =	sst s0  }
0x18: {  	s0 =	sld [smem:$0x3F9A];
	_ =	swait.ge [sflag:s4], $0x0  }
0x19: {  	s7 =	sld [smem:$0x3F9B]  }
0x1a: {  	s8 =	sadd.s32 $0xFFFFE003, lr  }
0x1b: {  	s9 =	sadd.s32 $0xFFFFFEF7, lr;
	s5 =	simm.s32 $0xFFFFFFFF;
	p2 =	slt.u32 s8, $0xFFFFF086  }
0x1c: {  	p1 =	slt.u32 s9, $0xF7A;
	s5 =	simm.s32 @!p2 $0x0  }
0x1d: {  	s5 =	simm.s32 @p1 $0x1;
	p0 =	seq.s32 s7, s2  }
0x1e: {  	s7 =	smul.u32 @!p0 $0xF7A, s2;
	p2 =	seq.s32 @!p0 s5, $0x0  }
0x1f: {  	s9 =	smul.u32 $0xF7A, s1;
	s8 =	simm.s32 @!p0 $0x1BF5;
	p2 =	por !p2, p0  }
0x20: {  	[sflag:s8] =	ssyncset.s32 @!p0 $0xFFFFF086;
	s6 =	sadd.s32 @!p0 s3, s7;
	s7 =	simm.s32 @!p0 $0x108  }
0x21: {  	s3 =	sadd.s32 s3, s9;
	s6 =	sadd.s32 @!p0 $0x88, s6;
	s7 =	simm.s32 @p2 $0x1082  }
0x22: {  	[simem:s7], [sflag:s8] =	dma.local @!p0 [hbm:s6], $0xF7A  }
0x23: {  	s9 =	sor.u32 $0xD0000000, s2;
	s6 =	simm.s32 $0x108;
	_ =	swait.ge @!p0 [sflag:s8], $0x0  }
0x24: {  	s3 =	sadd.s32 $0x88, s3;
	s6 =	simm.s32 @!p1 $0x1082;
	[sflag:s4] =	ssyncset.s32 $0xFFFFF086  }
0x25: {  	[simem:s6], [sflag:s4] =	dma.local [hbm:s3], $0xF7A  }
0x26: {  	[smem:$0x3F9B] =	sst s1;
	(tag) =	ssettag s2;
	_ =	strace s9  }
0x27: {  	s1 =	sld [smem:$0x3FAB]  }
0x28: {  	s2 =	sld [smem:$0x3FAC]  }
0x29: {  	s4 =	sld [smem:$0x3FAE]  }
0x2a: {  	p0 =	seq.s32 s5, $0x0;
	s5 =	sld [smem:$0x3FAF]  }
0x2b: {  	s6 =	sld [smem:$0x3FB0]  }
0x2c: {  	s7 =	sld [smem:$0x3FB1]  }
0x2d: {  	s3 =	simm.s32 $0x108;
	s8 =	sld [smem:$0x3FB2]  }
0x2e: {  	s3 =	simm.s32 @!p0 $0x1082;
	s9 =	sld [smem:$0x3FB3]  }
0x2f: {  	lr =	sadd.s32 s0, s3;
	s0 =	sld [smem:$0x3FAA]  }
0x30: {  	s3 =	sld [smem:$0x3FAD]  }
0x31: {  	[smem:$0x3FB6] =	sst s10  }
0x32: {  	s10 =	sld [smem:$0x3FB4];
	_ =	sdelay $0x3  }
0x33: {  	p0 =	seq.s32 s10, $0x1;
	s10 =	sld [smem:$0x3FB6];
	_ =	sdelay $0x3  }
0x34: {  	[smem:$0x3FB6] =	sst s10  }
0x35: {  	s10 =	sld [smem:$0x3FB5];
	_ =	sdelay $0x3  }
0x36: {  	p1 =	seq.s32 s10, $0x1;
	s10 =	sld [smem:$0x3FB6];
	_ =	sdelay $0x3  }
0x37: {  	[smem:$0x3FB6] =	sst s10  }
0x38: {  	s10 =	sld [smem:$0x3FB7]  }
0x39: {  	_ = 	snop;
	(pc) =	sbr.ind lr, $3  }
0x3a: {  	_ = 	snop  }
0x3b: {  	_ = 	snop  }
0x3c: {  	p2 =	seq.s32 s10, $0x1;
	s10 =	sld [smem:$0x3FB6]  }
0x3d: {  	_ =	shalt  }
0x3e: {  	_ =	shalt  }
0x3f: {  	_ =	shalt  }
0x40: {  	_ =	shalt  }
0x41: {  	_ =	shalt  }
0x42: {  	_ =	shalt  }
0x43: {  	_ =	shalt  }
0x44: {  	_ =	shalt  }
0x45: {  	_ =	shalt  }
0x46: {  	_ =	shalt  }
0x47: {  	_ =	shalt  }
0x48: {  	_ =	shalt  }
0x49: {  	_ =	shalt  }
0x4a: {  	_ =	shalt  }
0x4b: {  	_ =	shalt  }
0x4c: {  	_ =	shalt  }
0x4d: {  	_ =	shalt  }
0x4e: {  	_ =	shalt  }
0x4f: {  	_ =	shalt  }
0x50: {  	_ =	shalt  }
0x51: {  	_ =	shalt  }
0x52: {  	_ =	shalt  }
0x53: {  	_ =	shalt  }
0x54: {  	_ =	shalt  }
0x55: {  	_ =	shalt  }
0x56: {  	_ =	shalt  }
0x57: {  	_ =	shalt  }
0x58: {  	_ =	shalt  }
0x59: {  	_ =	shalt  }
0x5a: {  	_ =	shalt  }
0x5b: {  	_ =	shalt  }
0x5c: {  	_ =	shalt  }
0x5d: {  	_ =	shalt  }
0x5e: {  	_ =	shalt  }
0x5f: {  	_ =	shalt  }
0x60: {  	_ =	shalt  }
0x61: {  	_ =	shalt  }
0x62: {  	_ =	shalt  }
0x63: {  	_ =	shalt  }
0x64: {  	_ =	shalt  }
0x65: {  	_ =	shalt  }
0x66: {  	_ =	shalt  }
0x67: {  	_ =	shalt  }
0x68: {  	_ =	shalt  }
0x69: {  	_ =	shalt  }
0x6a: {  	_ =	shalt  }
0x6b: {  	_ =	shalt  }
0x6c: {  	_ =	shalt  }
0x6d: {  	_ =	shalt  }
0x6e: {  	_ =	shalt  }
0x6f: {  	_ =	shalt  }
0x70: {  	_ =	shalt  }
0x71: {  	_ =	shalt  }
0x72: {  	_ =	shalt  }
0x73: {  	_ =	shalt  }
0x74: {  	_ =	shalt  }
0x75: {  	_ =	shalt  }
0x76: {  	_ =	shalt  }
0x77: {  	_ =	shalt  }
0x78: {  	_ =	shalt  }
0x79: {  	_ =	shalt  }
0x7a: {  	_ =	shalt  }
0x7b: {  	_ =	shalt  }
0x7c: {  	_ =	shalt  }
0x7d: {  	_ =	shalt  }
0x7e: {  	_ =	shalt  }
0x7f: {  	_ =	shalt  }
0x80: {  	_ =	shalt  }
0x81: {  	_ =	shalt  }
0x82: {  	_ =	shalt  }
0x83: {  	_ =	shalt  }
0x84: {  	_ =	shalt  }
0x85: {  	_ =	shalt  }
0x86: {  	_ =	shalt  }
0x87: {  	_ =	shalt  }
.Lfunc_end0:
.L_simem_size_0:
called_computation_lowered:
.L_overlay_start_0:
0x88: {  	s2 =	sld [smem:$0x3FD9]  }
0x89: {  	s3 =	sld [smem:$0x3FFE];
	_ =	sdelay $0x1  }
0x8a: {  	s1 =	srdreg.scid  }
0x8b: {  	s0 =	sand.u32 $0x1, s1  }
0x8c: {  	s17 =	sshll.u32 s0, $0xA;
	s2 =	sadd.s32 s3, s2  }
0x8d: {  	s2 =	sadd.s32 s2, s17  }
0x8e: {  	[smem:$0x3FC2] =	sst s2  }
0x8f: {  	_ = 	snop  }
0x90: {  	s2 =	sld [smem:$0x3FD0];
	(tm) =	ssettm $0x1  }
0x91: {  	s18 =	sld [smem:$0x3FFB];
	_ =	sdelay $0x3  }
0x92: {  	_ =	strace s18  }
0x93: {  	s3 =	sld [smem:$0x3FFC];
	_ =	sdelay $0x3  }
0x94: {  	_ =	strace s3  }
0x95: {  	s3 =	sld [smem:$0x3FFD];
	_ =	sdelay $0x3  }
0x96: {  	_ =	strace s3  }
0x97: {  	_ =	strace $0x8FFFFFFF  }
0x98: {  	s19 =	sld [smem:$0x3FDB];
	_ =	sdelay $0x1  }
0x99: {  	s4 =	simm.s32 $_scs_section_size  }
0x9a: {  	s5 =	simm.s32 $_size__tile_overlayer_lowered;
	s6 =	simm.s32 $_tile_overlayer_lowered  }
0x9b: {  	s22 =	simm.s32 $0x1BFF;
	s21 =	sshll.u32 s6, $0x1;
	s3 =	sadd.s32 s4, s19  }
0x9c: {  	s7 =	simm.s32 $0x0;
	s20 =	sshll.u32 s5, $0x1;
	s5 =	sadd.s32 s21, s3  }
0x9d: {  	[timem:s7], [sflag:s22] =	dma.local [hbm:s5], s20  }
0x9e: {  	_ =	swait.ge [sflag:s22], s20  }
0x9f: {  	s4 =	ssub.s32 $0x0, s20;
	[sflag:s22] =	ssyncset.done $0x0  }
0xa0: {  	[sflag:s22] =	ssyncadd.s32 s4;
	_ =	sdelay $0x1  }
0xa1: {  	s23 =	simm.s32 $0x1B8B  }
0xa2: {  	_ =	swait.ge [sflag:s23], $0x1  }
0xa3: {  	[sflag:s23] =	ssyncset.done $0x0  }
0xa4: {  	s25 =	simm.s32 $0x1B8E;
	s24 =	sld [smem:$0x3FFE];
	[sflag:s23] =	ssyncadd.s32 $0xFFFFFFFF  }
0xa5: {  	s26 =	simm.s32 $execute0_lowered;
	[smem:$0x3FD2] =	sst s25  }
0xa6: {  	s5 =	sshll.u32 s26, $0x1;
	_ =	strace $0x80000046;
	[dreg:$0x1] =	wrdreg $0xFFFFFFFF  }
0xa7: {  	s28 =	simm.s32 $_size_execute0_lowered;
	s3 =	sadd.s32 s3, s5;
	[dreg:$0x0] =	wrdreg $0x0  }
0xa8: {  	s5 =	sshll.u32 s28, $0x1;
	[dreg:$0x2] =	wrdreg s3  }
0xa9: {  	[dreg:$0x3] =	wrdreg s5  }
0xaa: {  	[dreg:$0x4] =	wrdreg $0xC0  }
0xab: {  	_ =	task [dreg:s7], $0x5FFFF  }
0xac: {  	[dreg:$0x1] =	wrdreg $0xFFFFFFFF  }
0xad: {  	[dreg:$0x0] =	wrdreg $0x60  }
0xae: {  	[dreg:$0x2] =	wrdreg s24  }
0xaf: {  	[dreg:$0x3] =	wrdreg s2  }
0xb0: {  	[dreg:$0x4] =	wrdreg $0x54000  }
0xb1: {  	[dreg:$0x5] =	wrdreg $0x9  }
0xb2: {  	_ =	task.clear_ibuf [dreg:s7], $0x6FFFF;
	_ =	strace $0x90000046  }
0xb3: {  	s29 =	simm.s32 $0x9;
	_ =	strace $0x80000048  }
0xb4: {  	_ =	swait.ge [sflag:s29], $0x1  }
0xb5: {  	[sflag:s29] =	ssyncadd.s32 $0xFFFFFFFF  }
0xb6: {  	_ =	strace $0x90000048  }
0xb7: {  	_ =	sfence  }
0xb8: {  	s30 =	sld [smem:$0x0];
	_ =	sdelay $0x2  }
0xb9: {  	s31 =	sshll.u32 s1, $0xD;
	s1 =	sshrl.u32 s1, $0x2  }
0xba: {  	s3 =	sand.u32 $0x4000, s31;
	s1 =	sadd.s32 s1, s30  }
0xbb: {  	s0 =	sor.u32 s3, s0;
	s1 =	sshll.u32 s1, $0x11  }
0xbc: {  	s0 =	sor.u32 s1, s0  }
0xbd: {  	s0 =	sadd.s32 $0x8F2B, s0  }
0xbe: {  	[sflag:s0] =	ssyncadd.remote.s32 $0x1  }
0xbf: {  	_ =	sfence.sel $0xFFFF  }
0xc0: {  	[dreg:$0x0] =	wrdreg $0xFFFFFFFF;
	(pc) =	sbr.abs _section_cstart, $3  }
0xc1: {  	[dreg:$0x1] =	wrdreg $0xFFFFFFFF  }
0xc2: {  	_ =	task.clear_ibuf [dreg:s7], $0x2FFFF;
	_ =	strace $0x9FFFFFFF  }
0xc3: {  	(tm) =	ssettm $0x7FFFFFFF  }
tec
execute0_lowered:
.L_overlay_start_1:
0x0: {  	(tag) =	ssettag $0x1  }
0x1: {  	s9 =	rddreg [dreg:$0x0]  }
0x2: {  	s5 =	rddreg [dreg:$0x1]  }
0x3: {  	s0 =	srdreg.scid;
	s2 =	rddreg [dreg:$0x2]  }
0x4: {  	s1 =	rddreg [dreg:$0x3];
	s3 =	simm.s32 $0x0;
	s6 =	sand.u32 $0x1, s0  }
0x5: {  	s13 =	simm.s32 $0x36E00;
	s0 =	stileid.u32;
	s4 =	smul.u32 $0x2800, s6  }
0x6: {  	s14 =	simm.s32 $0x0;
	[smem:$0x7FF] =	sst s3;
	s7 =	smul.u32 $0x280, s0  }
0x7: {  	s29 =	smul.u32 $0x50000, s0;
	_ =	strace $0x80000047;
	s10 =	ssub.s32 $0x2, s6  }
0x8: {  	s12 =	smul.u32 $0x2800, s0;
	s31 =	sshll.u32 s0, $0x6;
	p0 =	seq.s32 s6, $0x1  }
0x9: {  	s11 =	sshrl.u32 s10, $0x1;
	s6 =	sor.u32 $0x1C01, s31;
	s13 =	simm.s32 @!p0 $0xEE00  }
0xa: {  	s4 =	sadd.s32 s7, s4;
	s7 =	sshrl.u32 s29, $0x2;
	s10 =	ssub.s32 s10, s11  }
0xb: {  	s5 =	sadd.s32 s5, s12;
	s11 =	simm.s32 $0x1;
	s8 =	sadd.s32 s4, s9  }
0xc: {  	s4 =	sadd.s32 $0xE600, s9;
	s30 =	sadd.s32 s7, s2;
	s9 =	sadd.s32 s13, s9  }
0xd: {  	s13 =	simm.s32 $0x80;
	s7 =	sadd.s32 $0x9600, s8;
	s8 =	smax.u32 s10, $0x1  }
0xe: {  	s9 =	sadd.s32 s9, s12;
	s10 =	sshrl.u32 s30, $0x3;
	s12 =	simm.s32 $0x1400  }
.LBB2_1:
0xf: {  	[spmem:s10], [sflag:s6] =	dma.local [hbm:s5], $0x2800  }
0x10: {  	_ =	swait.ge [sflag:s11], $0x2800  }
0x11: {  	[sflag:s11] =	ssyncset.done $0x0  }
0x12: {  	[sflag:s11] =	ssyncadd.s32 $0xFFFFD800  }
0x13: {  	[tilespmem:s12], [sflag:$0x1] =	stream.linear.gather [hbm4b:s4+s3], $0x4000, $0x38;
	[tilespmem:$0x19400] =	vst v63  }
0x14: {  	_ =	swait.ge [sflag:s11], $0x4000  }
0x15: {  	[sflag:s11] =	ssyncset.done $0x0  }
0x16: {  	[sflag:s11] =	ssyncadd.s32 $0xFFFFC000  }
0x17: {  	[tilespmem:s3], [sflag:$0x1] =	stream.linear.gather [hbm4b:s7+s3], $0x1400, $0x38;
	[tilespmem:$0x19400] =	vst v63  }
0x18: {  	_ =	swait.ge [sflag:s11], $0x1400  }
0x19: {  	[sflag:s11] =	ssyncset.done $0x0  }
0x1a: {  	[sflag:s11] =	ssyncadd.s32 $0xFFFFEC00  }
0x1b: {  	s15 =	simm.s32 $0x0;
	[bflag:$0x0] =	sbarrier.arrive $0xFFFF  }
0x1c: {  	[spmem:s2] =	stream.indirect.scatter.add.f32 [tilespmem:s12], [sflag:$0x1], $0x80, s15, s13, $0xb8;
	[tilespmem:$0x19400] =	vst v63  }
0x1d: {  	_ =	swait.ge [sflag:s11], $0x4000  }
0x1e: {  	s15 =	simm.s32 $0x200;
	[sflag:s11] =	ssyncset.done $0x0  }
.LBB2_2:
0x1f: {  	s16 =	sshra.s32 s15, $0x2;
	[sflag:s11] =	ssyncadd.s32 $0xFFFFC000;
	p0 =	sne.s32 s15, $0x4E00  }
0x20: {  	[spmem:s2] =	stream.indirect.scatter.add.f32 [tilespmem:s12], [sflag:$0x1], $0x80, s16, s13, $0xb8;
	[tilespmem:$0x19400] =	vst v63  }
.Ltmp0:
0x21: {  	_ = 	snop;
	(pc) =	sbr.rel @p0 .LBB2_2-.Ltmp0, $4  }
0x22: {  	_ = 	snop  }
0x23: {  	s15 =	sadd.s32 $0x200, s15  }
0x24: {  	_ =	swait.ge [sflag:s11], $0x4000  }
0x25: {  	[sflag:s11] =	ssyncset.done $0x0  }
0x26: {  	s14 =	sadd.s32 $0x1, s14  }
0x27: {  	[sflag:s11] =	ssyncadd.s32 $0xFFFFC000;
	p0 =	sne.s32 s14, s8  }
.Ltmp1:
0x28: {  	[bflag:$0x0] =	sbarrier.arrive $0xFFFF;
	(pc) =	sbr.rel @p0 .LBB2_1-.Ltmp1, $4  }
0x29: {  	[hbm:s9], [sflag:s6] =	dma.local [spmem:s10], $0x2800  }
0x2a: {  	_ =	swait.ge [sflag:s11], $0x2800  }
0x2b: {  	[sflag:s11] =	ssyncset.done $0x0  }
0x2c: {  	[sflag:s11] =	ssyncadd.s32 $0xFFFFD800  }
0x2d: {  	_ =	sfence.sel $0x180000  }
0x2e: {  	[bflag:$0x0] =	sbarrier.arrive $0xFFFF  }
0x2f: {  	p0 =	sne.s32 s0, $0x0;
	_ =	strace $0x90000047  }
0x30: {  	s0 =	sadd.s32 @!p0 $0x100000, s1;
	[bflag:$0x2] =	sbarrier.arrive $0xFFFF  }
0x31: {  	[sflag:s0] =	ssyncadd.tile.s32 @!p0 $0x1;
	_ =	shalt  }
.Lfunc_end2:
_tile_overlayer_lowered:
.L_overlay_start_2:
0x32: {  	(tag) =	ssettag $0x2  }
0x33: {  	s0 =	rddreg [dreg:$0x0];
	s2 =	stileid.u32  }
0x34: {  	s1 =	rddreg [dreg:$0x1];
	p0 =	sne.s32 s2, $0x0  }
0x35: {  	s3 =	rddreg [dreg:$0x2];
	[bflag:$0x3] =	sbarrier.arrive $0xFFFF;
	s2 =	simm.s32 @!p0 $0x1C01  }
0x36: {  	[timem:s3], [sflag:s2] =	dma.local @!p0 [hbm:s0], s1  }
0x37: {  	s0 =	simm.s32 @!p0 $0x1  }
0x38: {  	_ =	swait.ge @!p0 [sflag:s0], s1  }
0x39: {  	s1 =	ssub.s32 @!p0 $0x0, s1;
	[sflag:s0] =	ssyncset.done @!p0 $0x0  }
0x3a: {  	[sflag:s0] =	ssyncadd.s32 @!p0 s1  }
0x3b: {  	[bflag:$0x3] =	sbarrier.arrive $0xFFFF  }
0x3c: {  	_ =	shalt  }

</sc_bundles>
